<compile_context>
chip_gen: v7x
topology: tpu7x:2x2x1
jax: 0.10.2.dev20260603
libtpu: 0.0.44.dev20260713+nightly
codegen_flags: <defaults>
</compile_context>

<pallas_src>
import jax
import jax.numpy as jnp
import numpy as np
from jax import lax
from jax.experimental import pallas as pl
from jax.experimental.pallas import tpu as pltpu
from jax.experimental.pallas import tpu_sc as plsc

N = 10000
D = 256
H = 128
E = 320000
Q = 65536
NC = 2
NS = 16
BNS = 1.0 / (1.0 + 1e-5) ** 0.5

RPT = 624

KD = 125
NCHD = E // (NC * NS) // KD
DW = 128
KA = 125
NCHA = E // NS // KA
PCH = 40
KQ = 128
NCHQ = Q // NS // KQ


def _per_tile_rows(s, fn):
    fn(s * RPT, RPT)

    @pl.when(s == 0)
    def _():
        fn(NS * RPT, N - NS * RPT)


def _vmesh():
    return plsc.VectorSubcoreMesh(
        core_axis_name="c", subcore_axis_name="s", num_cores=NC, num_subcores=NS)


def _deg_body(dstr_hbm, ones_hbm, zeros_hbm, deg_out, dacc, idx_v, ones_v):
    c = lax.axis_index("c")
    s = lax.axis_index("s")
    wid = c * NS + s
    _per_tile_rows(s, lambda o, n: pltpu.sync_copy(
        zeros_hbm.at[pl.ds(o, n)], dacc.at[pl.ds(o, n)]))
    pltpu.sync_copy(dstr_hbm.at[wid], idx_v)
    pltpu.sync_copy(ones_hbm, ones_v)
    plsc.subcore_barrier()

    def chunk(j, carry):
        pltpu.sync_copy(ones_v, dacc.at[idx_v.at[j]], add=True)
        return carry

    lax.fori_loop(0, NCHD, chunk, 0)
    plsc.subcore_barrier()
    _per_tile_rows(s, lambda o, n: pltpu.sync_copy(
        dacc.at[pl.ds(o, n)], deg_out.at[c, pl.ds(o, n)]))


def _sc_degree(dstr):
    f = pl.kernel(
        _deg_body,
        out_type=jax.ShapeDtypeStruct((NC, N, DW), jnp.float32),
        mesh=_vmesh(),
        scratch_types=[
            pltpu.VMEM_SHARED((N, DW), jnp.float32),
            pltpu.VMEM((NCHD, KD), jnp.int32),
            pltpu.VMEM((KD, DW), jnp.float32),
        ],
    )
    return f(dstr, jnp.ones((KD, DW), jnp.float32), jnp.zeros((N, DW), jnp.float32))


def _agg_body(hs_lo, hs_hi, srcr, dstr, agg_out, acc, idx_s, idx_d, rows,
              sem0, sem1):
    c = lax.axis_index("c")
    s = lax.axis_index("s")
    coff = c * N

    def run(hs_hbm):
        _per_tile_rows(s, lambda o, n: pltpu.sync_copy(
            hs_hbm.at[pl.ds(o, n)], acc.at[pl.ds(o, n)]))
        plsc.subcore_barrier()

        def start(j, b, sem):
            pltpu.async_copy(hs_hbm.at[idx_s.at[j]], rows.at[b], sem)

        def wait(j, b, sem):
            pltpu.make_async_copy(hs_hbm.at[idx_s.at[j]], rows.at[b], sem).wait()

        def scat(j, b):
            pltpu.sync_copy(rows.at[b], acc.at[idx_d.at[j]], add=True)

        def phase(p, carry):
            pltpu.sync_copy(srcr.at[s, pl.ds(p * PCH, PCH)], idx_s)
            pltpu.sync_copy(dstr.at[s, pl.ds(p * PCH, PCH)], idx_d)
            start(0, 0, sem0)

            def pair(m, carry2):
                j0 = m * 2
                start(j0 + 1, 1, sem1)
                wait(j0, 0, sem0)
                scat(j0, 0)

                @pl.when(j0 + 2 < PCH)
                def _():
                    start(j0 + 2, 0, sem0)

                wait(j0 + 1, 1, sem1)
                scat(j0 + 1, 1)
                return carry2

            lax.fori_loop(0, PCH // 2, pair, 0)
            return carry

        lax.fori_loop(0, NCHA // PCH, phase, 0)
        plsc.subcore_barrier()
        _per_tile_rows(s, lambda o, n: pltpu.sync_copy(
            acc.at[pl.ds(o, n)], agg_out.at[pl.ds(coff + o, n)]))

    @pl.when(c == 0)
    def _():
        run(hs_lo)

    @pl.when(c == 1)
    def _():
        run(hs_hi)


def _sc_agg(hs, srcr, dstr):
    f = pl.kernel(
        _agg_body,
        out_type=jax.ShapeDtypeStruct((NC * N, H), jnp.float32),
        mesh=_vmesh(),
        scratch_types=[
            pltpu.VMEM_SHARED((N, H), jnp.float32),
            pltpu.VMEM((PCH, KA), jnp.int32),
            pltpu.VMEM((PCH, KA), jnp.int32),
            pltpu.VMEM((2, KA, H), jnp.float32),
            pltpu.SemaphoreType.DMA,
            pltpu.SemaphoreType.DMA,
        ],
    )
    return f(hs[0], hs[1], srcr, dstr)


def _qp_body(h2_lo, h2_hi, qsr, qtr, p_out, idx_a, idx_b, ra, rb,
             sa0, sb0, sa1, sb1):
    c = lax.axis_index("c")
    s = lax.axis_index("s")
    pltpu.sync_copy(qsr.at[s], idx_a)
    pltpu.sync_copy(qtr.at[s], idx_b)
    obase = c * Q + s * (Q // NS)

    def run(h2):
        sems = ((sa0, sb0), (sa1, sb1))

        def start(j, b):
            pltpu.async_copy(h2.at[idx_a.at[j]], ra.at[b], sems[b][0])
            pltpu.async_copy(h2.at[idx_b.at[j]], rb.at[b], sems[b][1])

        def wait(j, b):
            pltpu.make_async_copy(h2.at[idx_a.at[j]], ra.at[b], sems[b][0]).wait()
            pltpu.make_async_copy(h2.at[idx_b.at[j]], rb.at[b], sems[b][1]).wait()

        def mulstore(j, b):
            def mulrow(i, carry2):
                for k in range(H // 16):
                    sl = pl.ds(k * 16, 16)
                    ra[b, i, sl] = ra[b, i, sl] * rb[b, i, sl]
                return carry2

            lax.fori_loop(0, KQ, mulrow, 0)
            pltpu.sync_copy(ra.at[b], p_out.at[pl.ds(obase + j * KQ, KQ)])

        start(0, 0)

        def pair(m, carry):
            j0 = m * 2
            start(j0 + 1, 1)
            wait(j0, 0)
            mulstore(j0, 0)

            @pl.when(j0 + 2 < NCHQ)
            def _():
                start(j0 + 2, 0)

            wait(j0 + 1, 1)
            mulstore(j0 + 1, 1)
            return carry

        lax.fori_loop(0, NCHQ // 2, pair, 0)

    @pl.when(c == 0)
    def _():
        run(h2_lo)

    @pl.when(c == 1)
    def _():
        run(h2_hi)


def _sc_queryprod(h2, qsr, qtr):
    f = pl.kernel(
        _qp_body,
        out_type=jax.ShapeDtypeStruct((NC * Q, H), jnp.float32),
        mesh=_vmesh(),
        scratch_types=[
            pltpu.VMEM((NCHQ, KQ), jnp.int32),
            pltpu.VMEM((NCHQ, KQ), jnp.int32),
            pltpu.VMEM((2, KQ, H), jnp.float32),
            pltpu.VMEM((2, KQ, H), jnp.float32),
            pltpu.SemaphoreType.DMA,
            pltpu.SemaphoreType.DMA,
            pltpu.SemaphoreType.DMA,
            pltpu.SemaphoreType.DMA,
        ],
    )
    return f(h2[0], h2[1], qsr, qtr)


RB = 1000
QB = 512


def _mm1_body(h_ref, w_ref, o_ref):
    m = jnp.dot(h_ref[:], w_ref[:], preferred_element_type=jnp.float32)
    o_ref[0] = m[:, :H]
    o_ref[1] = m[:, H:]


def _tc_mm1(h0, W1):
    return pl.pallas_call(
        _mm1_body,
        grid=(N // RB,),
        in_specs=[
            pl.BlockSpec((RB, D), lambda i: (i, 0)),
            pl.BlockSpec((D, D), lambda i: (0, 0)),
        ],
        out_specs=pl.BlockSpec((2, RB, H), lambda i: (0, i, 0)),
        out_shape=jax.ShapeDtypeStruct((2, N, H), jnp.float32),
    )(h0, W1)


def _scale_body(m_ref, d0_ref, d1_ref, o_ref):
    dinv = lax.rsqrt(1.0 + d0_ref[:, :1] + d1_ref[:, :1])
    o_ref[0] = m_ref[0] * dinv
    o_ref[1] = m_ref[1] * dinv


def _tc_scale(m, d0, d1):
    return pl.pallas_call(
        _scale_body,
        grid=(N // RB,),
        in_specs=[
            pl.BlockSpec((2, RB, H), lambda i: (0, i, 0)),
            pl.BlockSpec((RB, DW), lambda i: (i, 0)),
            pl.BlockSpec((RB, DW), lambda i: (i, 0)),
        ],
        out_specs=pl.BlockSpec((2, RB, H), lambda i: (0, i, 0)),
        out_shape=jax.ShapeDtypeStruct((2, N, H), jnp.float32),
    )(m, d0, d1)


def _pmm2_body(a_ref, hs_ref, d0_ref, d1_ref, b1_ref, g_ref, be_ref, w2_ref, o_ref):
    dinv = lax.rsqrt(1.0 + d0_ref[:, :1] + d1_ref[:, :1])
    lo = (a_ref[0] + hs_ref[0]) * dinv + b1_ref[:, :H]
    hi = (a_ref[1] + hs_ref[1]) * dinv + b1_ref[:, H:]
    lo = jnp.maximum(lo * BNS * g_ref[:, :H] + be_ref[:, :H], 0.0)
    hi = jnp.maximum(hi * BNS * g_ref[:, H:] + be_ref[:, H:], 0.0)
    m = (jnp.dot(lo, w2_ref[:H, :], preferred_element_type=jnp.float32)
         + jnp.dot(hi, w2_ref[H:, :], preferred_element_type=jnp.float32)) * dinv
    o_ref[0] = m[:, :H]
    o_ref[1] = m[:, H:]


def _tc_pmm2(agg, hs, d0, d1, b1r, gr, ber, W2):
    return pl.pallas_call(
        _pmm2_body,
        grid=(N // RB,),
        in_specs=[
            pl.BlockSpec((2, RB, H), lambda i: (0, i, 0)),
            pl.BlockSpec((2, RB, H), lambda i: (0, i, 0)),
            pl.BlockSpec((RB, DW), lambda i: (i, 0)),
            pl.BlockSpec((RB, DW), lambda i: (i, 0)),
            pl.BlockSpec((1, D), lambda i: (0, 0)),
            pl.BlockSpec((1, D), lambda i: (0, 0)),
            pl.BlockSpec((1, D), lambda i: (0, 0)),
            pl.BlockSpec((D, D), lambda i: (0, 0)),
        ],
        out_specs=pl.BlockSpec((2, RB, H), lambda i: (0, i, 0)),
        out_shape=jax.ShapeDtypeStruct((2, N, H), jnp.float32),
    )(agg, hs, d0, d1, b1r, gr, ber, W2)


def _post2_body(a_ref, hs_ref, d0_ref, d1_ref, b2_ref, o_ref):
    dinv = lax.rsqrt(1.0 + d0_ref[:, :1] + d1_ref[:, :1])
    o_ref[0] = (a_ref[0] + hs_ref[0]) * dinv + b2_ref[:, :H]
    o_ref[1] = (a_ref[1] + hs_ref[1]) * dinv + b2_ref[:, H:]


def _tc_post2(agg, hs, d0, d1, b2r):
    return pl.pallas_call(
        _post2_body,
        grid=(N // RB,),
        in_specs=[
            pl.BlockSpec((2, RB, H), lambda i: (0, i, 0)),
            pl.BlockSpec((2, RB, H), lambda i: (0, i, 0)),
            pl.BlockSpec((RB, DW), lambda i: (i, 0)),
            pl.BlockSpec((RB, DW), lambda i: (i, 0)),
            pl.BlockSpec((1, D), lambda i: (0, 0)),
        ],
        out_specs=pl.BlockSpec((2, RB, H), lambda i: (0, i, 0)),
        out_shape=jax.ShapeDtypeStruct((2, N, H), jnp.float32),
    )(agg, hs, d0, d1, b2r)


def _pred_body(p_ref, w1_ref, b1_ref, w2r_ref, b2_ref, o_ref):
    w1b = w1_ref[:].astype(jnp.bfloat16)
    z = (jnp.dot(p_ref[0].astype(jnp.bfloat16), w1b[:H, :],
                 preferred_element_type=jnp.float32)
         + jnp.dot(p_ref[1].astype(jnp.bfloat16), w1b[H:, :],
                   preferred_element_type=jnp.float32)
         + b1_ref[:])
    z = jnp.maximum(z, 0.0)
    t = jnp.sum(z * w2r_ref[:], axis=1, keepdims=True) + b2_ref[:]
    o_ref[:] = jax.nn.sigmoid(t)


def _tc_pred(p, pw1, pb1r, pw2r, pb2r):
    return pl.pallas_call(
        _pred_body,
        grid=(Q // QB,),
        in_specs=[
            pl.BlockSpec((2, QB, H), lambda i: (0, i, 0)),
            pl.BlockSpec((D, D), lambda i: (0, 0)),
            pl.BlockSpec((1, D), lambda i: (0, 0)),
            pl.BlockSpec((1, D), lambda i: (0, 0)),
            pl.BlockSpec((1, 1), lambda i: (0, 0)),
        ],
        out_specs=pl.BlockSpec((QB, 1), lambda i: (i, 0)),
        out_shape=jax.ShapeDtypeStruct((Q, 1), jnp.float32),
    )(p, pw1, pb1r, pw2r, pb2r)


def kernel(x, edge_index, edges, emb, W1, b1, W2, b2, bn_gamma, bn_beta, pw1, pb1, pw2, pb2):
    h0 = jnp.concatenate([emb, x], axis=1)
    src = edge_index[0]
    dst = edge_index[1]
    srcr = src.reshape(NS, NCHA, KA)
    dstr = dst.reshape(NS, NCHA, KA)
    dstr_deg = dst.reshape(NC * NS, NCHD, KD)
    qsr = edges[0].reshape(NS, NCHQ, KQ)
    qtr = edges[1].reshape(NS, NCHQ, KQ)

    deg = _sc_degree(dstr_deg)
    d0, d1 = deg[0], deg[1]

    m1 = _tc_mm1(h0, W1)
    hs1 = _tc_scale(m1, d0, d1)
    agg1 = _sc_agg(hs1, srcr, dstr).reshape(NC, N, H)

    hs2 = _tc_pmm2(agg1, hs1, d0, d1,
                   b1.reshape(1, D), bn_gamma.reshape(1, D), bn_beta.reshape(1, D), W2)
    agg2 = _sc_agg(hs2, srcr, dstr).reshape(NC, N, H)

    h2 = _tc_post2(agg2, hs2, d0, d1, b2.reshape(1, D))
    p = _sc_queryprod(h2, qsr, qtr).reshape(NC, Q, H)

    out = _tc_pred(p, pw1, pb1.reshape(1, D), pw2.reshape(1, D), pb2.reshape(1, 1))
    return out.reshape(-1)

# --- scband reference (transcript-rebuilt; emitter-appended) ---
"""Pipeline reference for scband-gcn-53635551592510 (READ-ONLY COPY).

The authoritative reference and input builder live on the scoring server;
editing this copy changes nothing except your own understanding.
"""

import jax, jax.numpy as jnp
import numpy as np

N = 10000
E = 320000
Q = 65536
DIN = 128
D = 256


def setup_inputs(seed: int = 0) -> dict:
    key = jax.random.key(seed)
    ks = jax.random.split(key, 16)
    inp = {}
    inp["x"] = jax.random.normal(ks[0], (N, DIN), dtype=jnp.float32)
    inp["edge_index"] = jax.random.randint(ks[1], (2, E), 0, N, dtype=jnp.int32)
    inp["edges"] = jax.random.randint(ks[2], (2, Q), 0, N, dtype=jnp.int32)
    # learned params
    inp["emb"] = jax.random.normal(ks[3], (N, D - DIN), dtype=jnp.float32) * 0.02
    inp["W1"] = jax.random.normal(ks[4], (D, D), dtype=jnp.float32) * 0.05
    inp["b1"] = jnp.zeros((D,), dtype=jnp.float32)
    inp["W2"] = jax.random.normal(ks[5], (D, D), dtype=jnp.float32) * 0.05
    inp["b2"] = jnp.zeros((D,), dtype=jnp.float32)
    inp["bn_gamma"] = jnp.ones((D,), dtype=jnp.float32)
    inp["bn_beta"] = jnp.zeros((D,), dtype=jnp.float32)
    inp["pw1"] = jax.random.normal(ks[6], (D, D), dtype=jnp.float32) * 0.05
    inp["pb1"] = jnp.zeros((D,), dtype=jnp.float32)
    inp["pw2"] = jax.random.normal(ks[7], (D, 1), dtype=jnp.float32) * 0.05
    inp["pb2"] = jnp.zeros((1,), dtype=jnp.float32)
    return inp


def _gcn_conv(h, W, b, src, dst, n):
    # GCNConv: linear, then symmetric-normalized aggregation with self-loops, then bias
    h = h @ W
    loop = jnp.arange(n, dtype=src.dtype)
    src2 = jnp.concatenate([src, loop])
    dst2 = jnp.concatenate([dst, loop])
    deg = jnp.zeros((n,), h.dtype).at[dst2].add(1.0)
    dinv = jax.lax.rsqrt(deg)
    norm = dinv[src2] * dinv[dst2]
    msg = h[src2] * norm[:, None]
    out = jax.ops.segment_sum(msg, dst2, num_segments=n)
    return out + b


def reference(x, edge_index, edges, emb, W1, b1, W2, b2, bn_gamma, bn_beta, pw1, pb1, pw2, pb2):
    n = x.shape[0]
    src = edge_index[0]
    dst = edge_index[1]
    # concat learned embedding with input features
    h = jnp.concatenate([emb, x], axis=1)
    # conv 1
    h = _gcn_conv(h, W1, b1, src, dst, n)
    # BatchNorm1d in eval mode (running_mean=0, running_var=1)
    h = h / jnp.sqrt(1.0 + 1e-5) * bn_gamma + bn_beta
    h = jax.nn.relu(h)
    # dropout is identity in eval mode
    # conv 2 (last, no bn/relu)
    h = _gcn_conv(h, W2, b2, src, dst, n)
    # link predictor on query edges
    x_s = h[edges[0]]
    x_t = h[edges[1]]
    p = x_s * x_t
    p = jax.nn.relu(p @ pw1 + pb1)
    out = jax.nn.sigmoid(p @ pw2 + pb2)
    return out.reshape(-1)

if __name__ == "__main__":
    import jax
    _d = setup_inputs()
    print(jax.jit(kernel)(*tuple(_d.values())))

</pallas_src>

<mosaic_0001>
#map = affine_map<(d0, d1) -> (0, 0, 0)>
#map1 = affine_map<(d0, d1) -> (0, 0)>
module attributes {stable_mosaic.version = 14 : i64} {
  func.func @_deg_body(%arg0: i32, %arg1: i32, %arg2: memref<32x80x125xi32, #tpu.memory_space<hbm>>, %arg3: memref<125x128xf32, #tpu.memory_space<hbm>>, %arg4: memref<10000x128xf32, #tpu.memory_space<hbm>>, %arg5: memref<2x10000x128xf32, #tpu.memory_space<hbm>>, %arg6: memref<10000x128xf32, #tpu.memory_space<vmem_shared>>, %arg7: memref<80x125xi32, #tpu.memory_space<vmem>>, %arg8: memref<125x128xf32, #tpu.memory_space<vmem>>) attributes {dimension_semantics = [#tpu.dimension_semantics<core_parallel>, #tpu.dimension_semantics<subcore_parallel>], iteration_bounds = array<i64: 2, 16>, scalar_prefetch = 0 : i64, scratch_operands = 3 : i64, tpu.core_type = #tpu.core_type<sc_vector_subcore>, window_params = [{transform_indices = #map}, {transform_indices = #map1}, {transform_indices = #map1}, {transform_indices = #map}]} {
    %mul3A = arith.constant 16 : i32
    %mul3A_0 = arith.muli %arg0, %mul3A : i32
    %add3A = arith.addi %mul3A_0, %arg1 : i32
    %mul3A_1 = arith.constant 624 : i32
    %mul3A_2 = arith.muli %arg1, %mul3A_1 : i32
    "tpu.region"() ({
      %run_scoped3A = tpu.sem_alloc : memref<!tpu.dma_semaphore, #tpu.memory_space<semaphore_mem>>
      %dma_start3A = arith.constant 0 : i32
      %dma_start3A_18 = tpu.memref_slice %arg6[%mul3A_2, %dma_start3A] : memref<10000x128xf32, #tpu.memory_space<vmem_shared>> -> memref<624x128xf32, #tpu.memory_space<vmem_shared>>
      %dma_start3A_19 = arith.constant 0 : i32
      %dma_start3A_20 = tpu.memref_slice %arg4[%mul3A_2, %dma_start3A_19] : memref<10000x128xf32, #tpu.memory_space<hbm>> -> memref<624x128xf32, #tpu.memory_space<hbm>>
      tpu.enqueue_dma source(%dma_start3A_20 : memref<624x128xf32, #tpu.memory_space<hbm>>) target(%dma_start3A_18 : memref<624x128xf32, #tpu.memory_space<vmem_shared>>) target_semaphore(%run_scoped3A : memref<!tpu.dma_semaphore, #tpu.memory_space<semaphore_mem>>)
      %dma_wait3A = arith.constant 0 : i32
      %dma_wait3A_21 = tpu.memref_slice %arg6[%mul3A_2, %dma_wait3A] : memref<10000x128xf32, #tpu.memory_space<vmem_shared>> -> memref<624x128xf32, #tpu.memory_space<vmem_shared>>
      %dma_wait3A_22 = arith.constant 0 : i32
      %dma_wait3A_23 = tpu.memref_slice %arg4[%mul3A_2, %dma_wait3A_22] : memref<10000x128xf32, #tpu.memory_space<hbm>> -> memref<624x128xf32, #tpu.memory_space<hbm>>
      tpu.wait_dma2 semaphore(%run_scoped3A : memref<!tpu.dma_semaphore, #tpu.memory_space<semaphore_mem>>) src(%dma_wait3A_23 : memref<624x128xf32, #tpu.memory_space<hbm>>) dst(%dma_wait3A_21 : memref<624x128xf32, #tpu.memory_space<vmem_shared>>)
      tpu.yield
    }) : () -> ()
    %eq3A = arith.constant 0 : i32
    %eq3A_3 = arith.cmpi eq, %arg1, %eq3A : i32
    %convert_element_type3A = arith.extui %eq3A_3 : i1 to i32
    %cond3A = arith.constant 0 : i32
    %cond3A_4 = arith.cmpi ne, %convert_element_type3A, %cond3A : i32
    scf.if %cond3A_4 {
      "tpu.region"() ({
        %run_scoped3A = tpu.sem_alloc : memref<!tpu.dma_semaphore, #tpu.memory_space<semaphore_mem>>
        %dma_start3A = arith.constant 9984 : i32
        %dma_start3A_18 = arith.constant 0 : i32
        %dma_start3A_19 = tpu.memref_slice %arg6[%dma_start3A, %dma_start3A_18] : memref<10000x128xf32, #tpu.memory_space<vmem_shared>> -> memref<16x128xf32, #tpu.memory_space<vmem_shared>>
        %dma_start3A_20 = arith.constant 9984 : i32
        %dma_start3A_21 = arith.constant 0 : i32
        %dma_start3A_22 = tpu.memref_slice %arg4[%dma_start3A_20, %dma_start3A_21] : memref<10000x128xf32, #tpu.memory_space<hbm>> -> memref<16x128xf32, #tpu.memory_space<hbm>>
        tpu.enqueue_dma source(%dma_start3A_22 : memref<16x128xf32, #tpu.memory_space<hbm>>) target(%dma_start3A_19 : memref<16x128xf32, #tpu.memory_space<vmem_shared>>) target_semaphore(%run_scoped3A : memref<!tpu.dma_semaphore, #tpu.memory_space<semaphore_mem>>)
        %dma_wait3A = arith.constant 9984 : i32
        %dma_wait3A_23 = arith.constant 0 : i32
        %dma_wait3A_24 = tpu.memref_slice %arg6[%dma_wait3A, %dma_wait3A_23] : memref<10000x128xf32, #tpu.memory_space<vmem_shared>> -> memref<16x128xf32, #tpu.memory_space<vmem_shared>>
        %dma_wait3A_25 = arith.constant 9984 : i32
        %dma_wait3A_26 = arith.constant 0 : i32
        %dma_wait3A_27 = tpu.memref_slice %arg4[%dma_wait3A_25, %dma_wait3A_26] : memref<10000x128xf32, #tpu.memory_space<hbm>> -> memref<16x128xf32, #tpu.memory_space<hbm>>
        tpu.wait_dma2 semaphore(%run_scoped3A : memref<!tpu.dma_semaphore, #tpu.memory_space<semaphore_mem>>) src(%dma_wait3A_27 : memref<16x128xf32, #tpu.memory_space<hbm>>) dst(%dma_wait3A_24 : memref<16x128xf32, #tpu.memory_space<vmem_shared>>)
        tpu.yield
      }) : () -> ()
    } else {
    }
    "tpu.region"() ({
      %run_scoped3A = tpu.sem_alloc : memref<!tpu.dma_semaphore, #tpu.memory_space<semaphore_mem>>
      %dma_start3A = arith.constant 0 : i32
      %dma_start3A_18 = arith.constant 0 : i32
      %dma_start3A_19 = tpu.memref_slice %arg2[%add3A, %dma_start3A, %dma_start3A_18] : memref<32x80x125xi32, #tpu.memory_space<hbm>> -> memref<1x80x125xi32, #tpu.memory_space<hbm>>
      %dma_start3A_20 = tpu.memref_squeeze %dma_start3A_19 : memref<1x80x125xi32, #tpu.memory_space<hbm>> -> memref<80x125xi32, #tpu.memory_space<hbm>>
      %dma_start3A_21 = arith.constant 0 : i32
      %dma_start3A_22 = arith.constant 0 : i32
      %dma_start3A_23 = tpu.memref_slice %arg2[%add3A, %dma_start3A_21, %dma_start3A_22] : memref<32x80x125xi32, #tpu.memory_space<hbm>> -> memref<1x80x125xi32, #tpu.memory_space<hbm>>
      %dma_start3A_24 = tpu.memref_squeeze %dma_start3A_23 : memref<1x80x125xi32, #tpu.memory_space<hbm>> -> memref<80x125xi32, #tpu.memory_space<hbm>>
      tpu.enqueue_dma source(%dma_start3A_24 : memref<80x125xi32, #tpu.memory_space<hbm>>) target(%arg7 : memref<80x125xi32, #tpu.memory_space<vmem>>) target_semaphore(%run_scoped3A : memref<!tpu.dma_semaphore, #tpu.memory_space<semaphore_mem>>)
      %dma_wait3A = arith.constant 0 : i32
      %dma_wait3A_25 = arith.constant 0 : i32
      %dma_wait3A_26 = tpu.memref_slice %arg2[%add3A, %dma_wait3A, %dma_wait3A_25] : memref<32x80x125xi32, #tpu.memory_space<hbm>> -> memref<1x80x125xi32, #tpu.memory_space<hbm>>
      %dma_wait3A_27 = tpu.memref_squeeze %dma_wait3A_26 : memref<1x80x125xi32, #tpu.memory_space<hbm>> -> memref<80x125xi32, #tpu.memory_space<hbm>>
      %dma_wait3A_28 = arith.constant 0 : i32
      %dma_wait3A_29 = arith.constant 0 : i32
      %dma_wait3A_30 = tpu.memref_slice %arg2[%add3A, %dma_wait3A_28, %dma_wait3A_29] : memref<32x80x125xi32, #tpu.memory_space<hbm>> -> memref<1x80x125xi32, #tpu.memory_space<hbm>>
      %dma_wait3A_31 = tpu.memref_squeeze %dma_wait3A_30 : memref<1x80x125xi32, #tpu.memory_space<hbm>> -> memref<80x125xi32, #tpu.memory_space<hbm>>
      tpu.wait_dma2 semaphore(%run_scoped3A : memref<!tpu.dma_semaphore, #tpu.memory_space<semaphore_mem>>) src(%dma_wait3A_31 : memref<80x125xi32, #tpu.memory_space<hbm>>) dst(%arg7 : memref<80x125xi32, #tpu.memory_space<vmem>>)
      tpu.yield
    }) : () -> ()
    "tpu.region"() ({
      %run_scoped3A = tpu.sem_alloc : memref<!tpu.dma_semaphore, #tpu.memory_space<semaphore_mem>>
      tpu.enqueue_dma source(%arg3 : memref<125x128xf32, #tpu.memory_space<hbm>>) target(%arg8 : memref<125x128xf32, #tpu.memory_space<vmem>>) target_semaphore(%run_scoped3A : memref<!tpu.dma_semaphore, #tpu.memory_space<semaphore_mem>>)
      tpu.wait_dma2 semaphore(%run_scoped3A : memref<!tpu.dma_semaphore, #tpu.memory_space<semaphore_mem>>) src(%arg3 : memref<125x128xf32, #tpu.memory_space<hbm>>) dst(%arg8 : memref<125x128xf32, #tpu.memory_space<vmem>>)
      tpu.yield
    }) : () -> ()
    %barrier3A = arith.constant 0 : index
    tpu.barrier barrier_id(%barrier3A)
    %scan3A = arith.constant 0 : i32
    %scan3A_5 = arith.constant 0 : i32
    %scan3A_6 = arith.constant 80 : i32
    %scan3A_7 = arith.addi %scan3A_5, %scan3A_6 : i32
    %scan3A_8 = arith.constant 1 : i32
    scf.for %scan3A_18 = %scan3A_5 to %scan3A_7 step %scan3A_8  : i32 {
      "tpu.region"() ({
        %run_scoped3A = tpu.sem_alloc : memref<!tpu.dma_semaphore, #tpu.memory_space<semaphore_mem>>
        %dma_start3A = arith.constant 0 : i32
        %dma_start3A_19 = tpu.memref_slice %arg7[%scan3A_18, %dma_start3A] : memref<80x125xi32, #tpu.memory_space<vmem>> -> memref<1x125xi32, #tpu.memory_space<vmem>>
        %dma_start3A_20 = tpu.memref_squeeze %dma_start3A_19 : memref<1x125xi32, #tpu.memory_space<vmem>> -> memref<125xi32, #tpu.memory_space<vmem>>
        %dma_start3A_21 = arith.constant 0 : i32
        %dma_start3A_22 = arith.constant 0 : i32
        %dma_start3A_23 = tpu.memref_slice %arg6[%dma_start3A_21, %dma_start3A_22] : memref<10000x128xf32, #tpu.memory_space<vmem_shared>> -> memref<10000x128xf32, #tpu.memory_space<vmem_shared>>
        tpu.enqueue_indirect_dma source(%arg8 : memref<125x128xf32, #tpu.memory_space<vmem>>) target(%dma_start3A_23 : memref<10000x128xf32, #tpu.memory_space<vmem_shared>>) offsets(%dma_start3A_20 : memref<125xi32, #tpu.memory_space<vmem>>) semaphore(%run_scoped3A : memref<!tpu.dma_semaphore, #tpu.memory_space<semaphore_mem>>) {add = true}
        %dma_wait3A = arith.constant 0 : i32
        %dma_wait3A_24 = tpu.memref_slice %arg7[%scan3A_18, %dma_wait3A] : memref<80x125xi32, #tpu.memory_space<vmem>> -> memref<1x125xi32, #tpu.memory_space<vmem>>
        %dma_wait3A_25 = tpu.memref_squeeze %dma_wait3A_24 : memref<1x125xi32, #tpu.memory_space<vmem>> -> memref<125xi32, #tpu.memory_space<vmem>>
        %dma_wait3A_26 = arith.constant 0 : i32
        %dma_wait3A_27 = arith.constant 0 : i32
        %dma_wait3A_28 = tpu.memref_slice %arg6[%dma_wait3A_26, %dma_wait3A_27] : memref<10000x128xf32, #tpu.memory_space<vmem_shared>> -> memref<10000x128xf32, #tpu.memory_space<vmem_shared>>
        tpu.wait_indirect_dma semaphore(%run_scoped3A : memref<!tpu.dma_semaphore, #tpu.memory_space<semaphore_mem>>) src(%arg8 : memref<125x128xf32, #tpu.memory_space<vmem>>) dst(%dma_wait3A_28 : memref<10000x128xf32, #tpu.memory_space<vmem_shared>>)
        tpu.yield
      }) : () -> ()
    }
    %scan3A_9 = arith.constant 80 : i32
    %barrier3A_10 = arith.constant 0 : index
    tpu.barrier barrier_id(%barrier3A_10)
    %mul3A_11 = arith.constant 624 : i32
    %mul3A_12 = arith.muli %arg1, %mul3A_11 : i32
    "tpu.region"() ({
      %run_scoped3A = tpu.sem_alloc : memref<!tpu.dma_semaphore, #tpu.memory_space<semaphore_mem>>
      %dma_start3A = arith.constant 0 : i32
      %dma_start3A_18 = tpu.memref_slice %arg5[%arg0, %mul3A_12, %dma_start3A] : memref<2x10000x128xf32, #tpu.memory_space<hbm>> -> memref<1x624x128xf32, #tpu.memory_space<hbm>>
      %dma_start3A_19 = tpu.memref_squeeze %dma_start3A_18 : memref<1x624x128xf32, #tpu.memory_space<hbm>> -> memref<624x128xf32, #tpu.memory_space<hbm>>
      %dma_start3A_20 = arith.constant 0 : i32
      %dma_start3A_21 = tpu.memref_slice %arg6[%mul3A_12, %dma_start3A_20] : memref<10000x128xf32, #tpu.memory_space<vmem_shared>> -> memref<624x128xf32, #tpu.memory_space<vmem_shared>>
      tpu.enqueue_dma source(%dma_start3A_21 : memref<624x128xf32, #tpu.memory_space<vmem_shared>>) target(%dma_start3A_19 : memref<624x128xf32, #tpu.memory_space<hbm>>) target_semaphore(%run_scoped3A : memref<!tpu.dma_semaphore, #tpu.memory_space<semaphore_mem>>)
      %dma_wait3A = arith.constant 0 : i32
      %dma_wait3A_22 = tpu.memref_slice %arg5[%arg0, %mul3A_12, %dma_wait3A] : memref<2x10000x128xf32, #tpu.memory_space<hbm>> -> memref<1x624x128xf32, #tpu.memory_space<hbm>>
      %dma_wait3A_23 = tpu.memref_squeeze %dma_wait3A_22 : memref<1x624x128xf32, #tpu.memory_space<hbm>> -> memref<624x128xf32, #tpu.memory_space<hbm>>
      %dma_wait3A_24 = arith.constant 0 : i32
      %dma_wait3A_25 = tpu.memref_slice %arg6[%mul3A_12, %dma_wait3A_24] : memref<10000x128xf32, #tpu.memory_space<vmem_shared>> -> memref<624x128xf32, #tpu.memory_space<vmem_shared>>
      tpu.wait_dma2 semaphore(%run_scoped3A : memref<!tpu.dma_semaphore, #tpu.memory_space<semaphore_mem>>) src(%dma_wait3A_25 : memref<624x128xf32, #tpu.memory_space<vmem_shared>>) dst(%dma_wait3A_23 : memref<624x128xf32, #tpu.memory_space<hbm>>)
      tpu.yield
    }) : () -> ()
    %eq3A_13 = arith.constant 0 : i32
    %eq3A_14 = arith.cmpi eq, %arg1, %eq3A_13 : i32
    %convert_element_type3A_15 = arith.extui %eq3A_14 : i1 to i32
    %cond3A_16 = arith.constant 0 : i32
    %cond3A_17 = arith.cmpi ne, %convert_element_type3A_15, %cond3A_16 : i32
    scf.if %cond3A_17 {
      "tpu.region"() ({
        %run_scoped3A = tpu.sem_alloc : memref<!tpu.dma_semaphore, #tpu.memory_space<semaphore_mem>>
        %dma_start3A = arith.constant 9984 : i32
        %dma_start3A_18 = arith.constant 0 : i32
        %dma_start3A_19 = tpu.memref_slice %arg5[%arg0, %dma_start3A, %dma_start3A_18] : memref<2x10000x128xf32, #tpu.memory_space<hbm>> -> memref<1x16x128xf32, #tpu.memory_space<hbm>>
        %dma_start3A_20 = tpu.memref_squeeze %dma_start3A_19 : memref<1x16x128xf32, #tpu.memory_space<hbm>> -> memref<16x128xf32, #tpu.memory_space<hbm>>
        %dma_start3A_21 = arith.constant 9984 : i32
        %dma_start3A_22 = arith.constant 0 : i32
        %dma_start3A_23 = tpu.memref_slice %arg6[%dma_start3A_21, %dma_start3A_22] : memref<10000x128xf32, #tpu.memory_space<vmem_shared>> -> memref<16x128xf32, #tpu.memory_space<vmem_shared>>
        tpu.enqueue_dma source(%dma_start3A_23 : memref<16x128xf32, #tpu.memory_space<vmem_shared>>) target(%dma_start3A_20 : memref<16x128xf32, #tpu.memory_space<hbm>>) target_semaphore(%run_scoped3A : memref<!tpu.dma_semaphore, #tpu.memory_space<semaphore_mem>>)
        %dma_wait3A = arith.constant 9984 : i32
        %dma_wait3A_24 = arith.constant 0 : i32
        %dma_wait3A_25 = tpu.memref_slice %arg5[%arg0, %dma_wait3A, %dma_wait3A_24] : memref<2x10000x128xf32, #tpu.memory_space<hbm>> -> memref<1x16x128xf32, #tpu.memory_space<hbm>>
        %dma_wait3A_26 = tpu.memref_squeeze %dma_wait3A_25 : memref<1x16x128xf32, #tpu.memory_space<hbm>> -> memref<16x128xf32, #tpu.memory_space<hbm>>
        %dma_wait3A_27 = arith.constant 9984 : i32
        %dma_wait3A_28 = arith.constant 0 : i32
        %dma_wait3A_29 = tpu.memref_slice %arg6[%dma_wait3A_27, %dma_wait3A_28] : memref<10000x128xf32, #tpu.memory_space<vmem_shared>> -> memref<16x128xf32, #tpu.memory_space<vmem_shared>>
        tpu.wait_dma2 semaphore(%run_scoped3A : memref<!tpu.dma_semaphore, #tpu.memory_space<semaphore_mem>>) src(%dma_wait3A_29 : memref<16x128xf32, #tpu.memory_space<vmem_shared>>) dst(%dma_wait3A_26 : memref<16x128xf32, #tpu.memory_space<hbm>>)
        tpu.yield
      }) : () -> ()
    } else {
    }
    return
  }
}

#map = affine_map<(d0, d1) -> (0, 0)>
#map1 = affine_map<(d0, d1) -> (0, 0, 0)>
module attributes {stable_mosaic.version = 14 : i64} {
  func.func @_agg_body(%arg0: i32, %arg1: i32, %arg2: memref<10000x128xf32, #tpu.memory_space<hbm>>, %arg3: memref<10000x128xf32, #tpu.memory_space<hbm>>, %arg4: memref<16x160x125xi32, #tpu.memory_space<hbm>>, %arg5: memref<16x160x125xi32, #tpu.memory_space<hbm>>, %arg6: memref<20000x128xf32, #tpu.memory_space<hbm>>, %arg7: memref<10000x128xf32, #tpu.memory_space<vmem_shared>>, %arg8: memref<40x125xi32, #tpu.memory_space<vmem>>, %arg9: memref<40x125xi32, #tpu.memory_space<vmem>>, %arg10: memref<2x125x128xf32, #tpu.memory_space<vmem>>, %arg11: memref<!tpu.dma_semaphore, #tpu.memory_space<semaphore_mem>>, %arg12: memref<!tpu.dma_semaphore, #tpu.memory_space<semaphore_mem>>) attributes {dimension_semantics = [#tpu.dimension_semantics<core_parallel>, #tpu.dimension_semantics<subcore_parallel>], iteration_bounds = array<i64: 2, 16>, scalar_prefetch = 0 : i64, scratch_operands = 6 : i64, tpu.core_type = #tpu.core_type<sc_vector_subcore>, window_params = [{transform_indices = #map}, {transform_indices = #map}, {transform_indices = #map1}, {transform_indices = #map1}, {transform_indices = #map}]} {
    %mul3A = arith.constant 10000 : i32
    %mul3A_0 = arith.muli %arg0, %mul3A : i32
    %eq3A = arith.constant 0 : i32
    %eq3A_1 = arith.cmpi eq, %arg0, %eq3A : i32
    %convert_element_type3A = arith.extui %eq3A_1 : i1 to i32
    %cond3A = arith.constant 0 : i32
    %cond3A_2 = arith.cmpi ne, %convert_element_type3A, %cond3A : i32
    scf.if %cond3A_2 {
      %mul3A_8 = arith.constant 624 : i32
      %mul3A_9 = arith.muli %arg1, %mul3A_8 : i32
      "tpu.region"() ({
        %run_scoped3A = tpu.sem_alloc : memref<!tpu.dma_semaphore, #tpu.memory_space<semaphore_mem>>
        %dma_start3A = arith.constant 0 : i32
        %dma_start3A_28 = tpu.memref_slice %arg7[%mul3A_9, %dma_start3A] : memref<10000x128xf32, #tpu.memory_space<vmem_shared>> -> memref<624x128xf32, #tpu.memory_space<vmem_shared>>
        %dma_start3A_29 = arith.constant 0 : i32
        %dma_start3A_30 = tpu.memref_slice %arg2[%mul3A_9, %dma_start3A_29] : memref<10000x128xf32, #tpu.memory_space<hbm>> -> memref<624x128xf32, #tpu.memory_space<hbm>>
        tpu.enqueue_dma source(%dma_start3A_30 : memref<624x128xf32, #tpu.memory_space<hbm>>) target(%dma_start3A_28 : memref<624x128xf32, #tpu.memory_space<vmem_shared>>) target_semaphore(%run_scoped3A : memref<!tpu.dma_semaphore, #tpu.memory_space<semaphore_mem>>)
        %dma_wait3A = arith.constant 0 : i32
        %dma_wait3A_31 = tpu.memref_slice %arg7[%mul3A_9, %dma_wait3A] : memref<10000x128xf32, #tpu.memory_space<vmem_shared>> -> memref<624x128xf32, #tpu.memory_space<vmem_shared>>
        %dma_wait3A_32 = arith.constant 0 : i32
        %dma_wait3A_33 = tpu.memref_slice %arg2[%mul3A_9, %dma_wait3A_32] : memref<10000x128xf32, #tpu.memory_space<hbm>> -> memref<624x128xf32, #tpu.memory_space<hbm>>
        tpu.wait_dma2 semaphore(%run_scoped3A : memref<!tpu.dma_semaphore, #tpu.memory_space<semaphore_mem>>) src(%dma_wait3A_33 : memref<624x128xf32, #tpu.memory_space<hbm>>) dst(%dma_wait3A_31 : memref<624x128xf32, #tpu.memory_space<vmem_shared>>)
        tpu.yield
      }) : () -> ()
      %eq3A_10 = arith.constant 0 : i32
      %eq3A_11 = arith.cmpi eq, %arg1, %eq3A_10 : i32
      %convert_element_type3A_12 = arith.extui %eq3A_11 : i1 to i32
      %cond3A_13 = arith.constant 0 : i32
      %cond3A_14 = arith.cmpi ne, %convert_element_type3A_12, %cond3A_13 : i32
      scf.if %cond3A_14 {
        "tpu.region"() ({
          %run_scoped3A = tpu.sem_alloc : memref<!tpu.dma_semaphore, #tpu.memory_space<semaphore_mem>>
          %dma_start3A = arith.constant 9984 : i32
          %dma_start3A_28 = arith.constant 0 : i32
          %dma_start3A_29 = tpu.memref_slice %arg7[%dma_start3A, %dma_start3A_28] : memref<10000x128xf32, #tpu.memory_space<vmem_shared>> -> memref<16x128xf32, #tpu.memory_space<vmem_shared>>
          %dma_start3A_30 = arith.constant 9984 : i32
          %dma_start3A_31 = arith.constant 0 : i32
          %dma_start3A_32 = tpu.memref_slice %arg2[%dma_start3A_30, %dma_start3A_31] : memref<10000x128xf32, #tpu.memory_space<hbm>> -> memref<16x128xf32, #tpu.memory_space<hbm>>
          tpu.enqueue_dma source(%dma_start3A_32 : memref<16x128xf32, #tpu.memory_space<hbm>>) target(%dma_start3A_29 : memref<16x128xf32, #tpu.memory_space<vmem_shared>>) target_semaphore(%run_scoped3A : memref<!tpu.dma_semaphore, #tpu.memory_space<semaphore_mem>>)
          %dma_wait3A = arith.constant 9984 : i32
          %dma_wait3A_33 = arith.constant 0 : i32
          %dma_wait3A_34 = tpu.memref_slice %arg7[%dma_wait3A, %dma_wait3A_33] : memref<10000x128xf32, #tpu.memory_space<vmem_shared>> -> memref<16x128xf32, #tpu.memory_space<vmem_shared>>
          %dma_wait3A_35 = arith.constant 9984 : i32
          %dma_wait3A_36 = arith.constant 0 : i32
          %dma_wait3A_37 = tpu.memref_slice %arg2[%dma_wait3A_35, %dma_wait3A_36] : memref<10000x128xf32, #tpu.memory_space<hbm>> -> memref<16x128xf32, #tpu.memory_space<hbm>>
          tpu.wait_dma2 semaphore(%run_scoped3A : memref<!tpu.dma_semaphore, #tpu.memory_space<semaphore_mem>>) src(%dma_wait3A_37 : memref<16x128xf32, #tpu.memory_space<hbm>>) dst(%dma_wait3A_34 : memref<16x128xf32, #tpu.memory_space<vmem_shared>>)
          tpu.yield
        }) : () -> ()
      } else {
      }
      %barrier3A = arith.constant 0 : index
      tpu.barrier barrier_id(%barrier3A)
      %scan3A = arith.constant 0 : i32
      %scan3A_15 = arith.constant 0 : i32
      %scan3A_16 = arith.constant 4 : i32
      %scan3A_17 = arith.addi %scan3A_15, %scan3A_16 : i32
      %scan3A_18 = arith.constant 1 : i32
      scf.for %scan3A_28 = %scan3A_15 to %scan3A_17 step %scan3A_18  : i32 {
        %mul3A_29 = arith.constant 40 : i32
        %mul3A_30 = arith.muli %scan3A_28, %mul3A_29 : i32
        "tpu.region"() ({
          %run_scoped3A = tpu.sem_alloc : memref<!tpu.dma_semaphore, #tpu.memory_space<semaphore_mem>>
          %dma_start3A_50 = arith.constant 0 : i32
          %dma_start3A_51 = tpu.memref_slice %arg4[%arg1, %mul3A_30, %dma_start3A_50] : memref<16x160x125xi32, #tpu.memory_space<hbm>> -> memref<1x40x125xi32, #tpu.memory_space<hbm>>
          %dma_start3A_52 = tpu.memref_squeeze %dma_start3A_51 : memref<1x40x125xi32, #tpu.memory_space<hbm>> -> memref<40x125xi32, #tpu.memory_space<hbm>>
          %dma_start3A_53 = arith.constant 0 : i32
          %dma_start3A_54 = tpu.memref_slice %arg4[%arg1, %mul3A_30, %dma_start3A_53] : memref<16x160x125xi32, #tpu.memory_space<hbm>> -> memref<1x40x125xi32, #tpu.memory_space<hbm>>
          %dma_start3A_55 = tpu.memref_squeeze %dma_start3A_54 : memref<1x40x125xi32, #tpu.memory_space<hbm>> -> memref<40x125xi32, #tpu.memory_space<hbm>>
          tpu.enqueue_dma source(%dma_start3A_55 : memref<40x125xi32, #tpu.memory_space<hbm>>) target(%arg8 : memref<40x125xi32, #tpu.memory_space<vmem>>) target_semaphore(%run_scoped3A : memref<!tpu.dma_semaphore, #tpu.memory_space<semaphore_mem>>)
          %dma_wait3A = arith.constant 0 : i32
          %dma_wait3A_56 = tpu.memref_slice %arg4[%arg1, %mul3A_30, %dma_wait3A] : memref<16x160x125xi32, #tpu.memory_space<hbm>> -> memref<1x40x125xi32, #tpu.memory_space<hbm>>
          %dma_wait3A_57 = tpu.memref_squeeze %dma_wait3A_56 : memref<1x40x125xi32, #tpu.memory_space<hbm>> -> memref<40x125xi32, #tpu.memory_space<hbm>>
          %dma_wait3A_58 = arith.constant 0 : i32
          %dma_wait3A_59 = tpu.memref_slice %arg4[%arg1, %mul3A_30, %dma_wait3A_58] : memref<16x160x125xi32, #tpu.memory_space<hbm>> -> memref<1x40x125xi32, #tpu.memory_space<hbm>>
          %dma_wait3A_60 = tpu.memref_squeeze %dma_wait3A_59 : memref<1x40x125xi32, #tpu.memory_space<hbm>> -> memref<40x125xi32, #tpu.memory_space<hbm>>
          tpu.wait_dma2 semaphore(%run_scoped3A : memref<!tpu.dma_semaphore, #tpu.memory_space<semaphore_mem>>) src(%dma_wait3A_60 : memref<40x125xi32, #tpu.memory_space<hbm>>) dst(%arg8 : memref<40x125xi32, #tpu.memory_space<vmem>>)
          tpu.yield
        }) : () -> ()
        %mul3A_31 = arith.constant 40 : i32
        %mul3A_32 = arith.muli %scan3A_28, %mul3A_31 : i32
        "tpu.region"() ({
          %run_scoped3A = tpu.sem_alloc : memref<!tpu.dma_semaphore, #tpu.memory_space<semaphore_mem>>
          %dma_start3A_50 = arith.constant 0 : i32
          %dma_start3A_51 = tpu.memref_slice %arg5[%arg1, %mul3A_32, %dma_start3A_50] : memref<16x160x125xi32, #tpu.memory_space<hbm>> -> memref<1x40x125xi32, #tpu.memory_space<hbm>>
          %dma_start3A_52 = tpu.memref_squeeze %dma_start3A_51 : memref<1x40x125xi32, #tpu.memory_space<hbm>> -> memref<40x125xi32, #tpu.memory_space<hbm>>
          %dma_start3A_53 = arith.constant 0 : i32
          %dma_start3A_54 = tpu.memref_slice %arg5[%arg1, %mul3A_32, %dma_start3A_53] : memref<16x160x125xi32, #tpu.memory_space<hbm>> -> memref<1x40x125xi32, #tpu.memory_space<hbm>>
          %dma_start3A_55 = tpu.memref_squeeze %dma_start3A_54 : memref<1x40x125xi32, #tpu.memory_space<hbm>> -> memref<40x125xi32, #tpu.memory_space<hbm>>
          tpu.enqueue_dma source(%dma_start3A_55 : memref<40x125xi32, #tpu.memory_space<hbm>>) target(%arg9 : memref<40x125xi32, #tpu.memory_space<vmem>>) target_semaphore(%run_scoped3A : memref<!tpu.dma_semaphore, #tpu.memory_space<semaphore_mem>>)
          %dma_wait3A = arith.constant 0 : i32
          %dma_wait3A_56 = tpu.memref_slice %arg5[%arg1, %mul3A_32, %dma_wait3A] : memref<16x160x125xi32, #tpu.memory_space<hbm>> -> memref<1x40x125xi32, #tpu.memory_space<hbm>>
          %dma_wait3A_57 = tpu.memref_squeeze %dma_wait3A_56 : memref<1x40x125xi32, #tpu.memory_space<hbm>> -> memref<40x125xi32, #tpu.memory_space<hbm>>
          %dma_wait3A_58 = arith.constant 0 : i32
          %dma_wait3A_59 = tpu.memref_slice %arg5[%arg1, %mul3A_32, %dma_wait3A_58] : memref<16x160x125xi32, #tpu.memory_space<hbm>> -> memref<1x40x125xi32, #tpu.memory_space<hbm>>
          %dma_wait3A_60 = tpu.memref_squeeze %dma_wait3A_59 : memref<1x40x125xi32, #tpu.memory_space<hbm>> -> memref<40x125xi32, #tpu.memory_space<hbm>>
          tpu.wait_dma2 semaphore(%run_scoped3A : memref<!tpu.dma_semaphore, #tpu.memory_space<semaphore_mem>>) src(%dma_wait3A_60 : memref<40x125xi32, #tpu.memory_space<hbm>>) dst(%arg9 : memref<40x125xi32, #tpu.memory_space<vmem>>)
          tpu.yield
        }) : () -> ()
        %dma_start3A = arith.constant 0 : i32
        %dma_start3A_33 = arith.constant 0 : i32
        %dma_start3A_34 = arith.constant 0 : i32
        %dma_start3A_35 = arith.constant 0 : i32
        %dma_start3A_36 = tpu.memref_slice %arg10[%dma_start3A_33, %dma_start3A_34, %dma_start3A_35] : memref<2x125x128xf32, #tpu.memory_space<vmem>> -> memref<1x125x128xf32, #tpu.memory_space<vmem>>
        %dma_start3A_37 = tpu.memref_squeeze %dma_start3A_36 : memref<1x125x128xf32, #tpu.memory_space<vmem>> -> memref<125x128xf32, #tpu.memory_space<vmem>>
        %dma_start3A_38 = arith.constant 0 : i32
        %dma_start3A_39 = tpu.memref_slice %arg8[%dma_start3A, %dma_start3A_38] : memref<40x125xi32, #tpu.memory_space<vmem>> -> memref<1x125xi32, #tpu.memory_space<vmem>>
        %dma_start3A_40 = tpu.memref_squeeze %dma_start3A_39 : memref<1x125xi32, #tpu.memory_space<vmem>> -> memref<125xi32, #tpu.memory_space<vmem>>
        %dma_start3A_41 = arith.constant 0 : i32
        %dma_start3A_42 = arith.constant 0 : i32
        %dma_start3A_43 = tpu.memref_slice %arg2[%dma_start3A_41, %dma_start3A_42] : memref<10000x128xf32, #tpu.memory_space<hbm>> -> memref<10000x128xf32, #tpu.memory_space<hbm>>
        tpu.enqueue_indirect_dma source(%dma_start3A_43 : memref<10000x128xf32, #tpu.memory_space<hbm>>) target(%dma_start3A_37 : memref<125x128xf32, #tpu.memory_space<vmem>>) offsets(%dma_start3A_40 : memref<125xi32, #tpu.memory_space<vmem>>) semaphore(%arg11 : memref<!tpu.dma_semaphore, #tpu.memory_space<semaphore_mem>>)
        %scan3A_44 = arith.constant 0 : i32
        %scan3A_45 = arith.constant 0 : i32
        %scan3A_46 = arith.constant 20 : i32
        %scan3A_47 = arith.addi %scan3A_45, %scan3A_46 : i32
        %scan3A_48 = arith.constant 1 : i32
        scf.for %scan3A_50 = %scan3A_45 to %scan3A_47 step %scan3A_48  : i32 {
          %mul3A_51 = arith.constant 2 : i32
          %mul3A_52 = arith.muli %scan3A_50, %mul3A_51 : i32
          %add3A_53 = arith.constant 1 : i32
          %add3A_54 = arith.addi %mul3A_52, %add3A_53 : i32
          %dma_start3A_55 = arith.constant 1 : i32
          %dma_start3A_56 = arith.constant 0 : i32
          %dma_start3A_57 = arith.constant 0 : i32
          %dma_start3A_58 = tpu.memref_slice %arg10[%dma_start3A_55, %dma_start3A_56, %dma_start3A_57] : memref<2x125x128xf32, #tpu.memory_space<vmem>> -> memref<1x125x128xf32, #tpu.memory_space<vmem>>
          %dma_start3A_59 = tpu.memref_squeeze %dma_start3A_58 : memref<1x125x128xf32, #tpu.memory_space<vmem>> -> memref<125x128xf32, #tpu.memory_space<vmem>>
          %dma_start3A_60 = arith.constant 0 : i32
          %dma_start3A_61 = tpu.memref_slice %arg8[%add3A_54, %dma_start3A_60] : memref<40x125xi32, #tpu.memory_space<vmem>> -> memref<1x125xi32, #tpu.memory_space<vmem>>
          %dma_start3A_62 = tpu.memref_squeeze %dma_start3A_61 : memref<1x125xi32, #tpu.memory_space<vmem>> -> memref<125xi32, #tpu.memory_space<vmem>>
          %dma_start3A_63 = arith.constant 0 : i32
          %dma_start3A_64 = arith.constant 0 : i32
          %dma_start3A_65 = tpu.memref_slice %arg2[%dma_start3A_63, %dma_start3A_64] : memref<10000x128xf32, #tpu.memory_space<hbm>> -> memref<10000x128xf32, #tpu.memory_space<hbm>>
          tpu.enqueue_indirect_dma source(%dma_start3A_65 : memref<10000x128xf32, #tpu.memory_space<hbm>>) target(%dma_start3A_59 : memref<125x128xf32, #tpu.memory_space<vmem>>) offsets(%dma_start3A_62 : memref<125xi32, #tpu.memory_space<vmem>>) semaphore(%arg12 : memref<!tpu.dma_semaphore, #tpu.memory_space<semaphore_mem>>)
          %dma_wait3A = arith.constant 0 : i32
          %dma_wait3A_66 = arith.constant 0 : i32
          %dma_wait3A_67 = arith.constant 0 : i32
          %dma_wait3A_68 = tpu.memref_slice %arg10[%dma_wait3A, %dma_wait3A_66, %dma_wait3A_67] : memref<2x125x128xf32, #tpu.memory_space<vmem>> -> memref<1x125x128xf32, #tpu.memory_space<vmem>>
          %dma_wait3A_69 = tpu.memref_squeeze %dma_wait3A_68 : memref<1x125x128xf32, #tpu.memory_space<vmem>> -> memref<125x128xf32, #tpu.memory_space<vmem>>
          %dma_wait3A_70 = arith.constant 0 : i32
          %dma_wait3A_71 = tpu.memref_slice %arg8[%mul3A_52, %dma_wait3A_70] : memref<40x125xi32, #tpu.memory_space<vmem>> -> memref<1x125xi32, #tpu.memory_space<vmem>>
          %dma_wait3A_72 = tpu.memref_squeeze %dma_wait3A_71 : memref<1x125xi32, #tpu.memory_space<vmem>> -> memref<125xi32, #tpu.memory_space<vmem>>
          %dma_wait3A_73 = arith.constant 0 : i32
          %dma_wait3A_74 = arith.constant 0 : i32
          %dma_wait3A_75 = tpu.memref_slice %arg2[%dma_wait3A_73, %dma_wait3A_74] : memref<10000x128xf32, #tpu.memory_space<hbm>> -> memref<10000x128xf32, #tpu.memory_space<hbm>>
          tpu.wait_indirect_dma semaphore(%arg11 : memref<!tpu.dma_semaphore, #tpu.memory_space<semaphore_mem>>) src(%dma_wait3A_75 : memref<10000x128xf32, #tpu.memory_space<hbm>>) dst(%dma_wait3A_69 : memref<125x128xf32, #tpu.memory_space<vmem>>)
          %run_scoped3A = arith.constant 0 : i32
          "tpu.region"() ({
            %run_scoped3A_98 = tpu.sem_alloc : memref<!tpu.dma_semaphore, #tpu.memory_space<semaphore_mem>>
            %dma_start3A_99 = arith.constant 0 : i32
            %dma_start3A_100 = arith.constant 0 : i32
            %dma_start3A_101 = tpu.memref_slice %arg10[%run_scoped3A, %dma_start3A_99, %dma_start3A_100] : memref<2x125x128xf32, #tpu.memory_space<vmem>> -> memref<1x125x128xf32, #tpu.memory_space<vmem>>
            %dma_start3A_102 = tpu.memref_squeeze %dma_start3A_101 : memref<1x125x128xf32, #tpu.memory_space<vmem>> -> memref<125x128xf32, #tpu.memory_space<vmem>>
            %dma_start3A_103 = arith.constant 0 : i32
            %dma_start3A_104 = tpu.memref_slice %arg9[%mul3A_52, %dma_start3A_103] : memref<40x125xi32, #tpu.memory_space<vmem>> -> memref<1x125xi32, #tpu.memory_space<vmem>>
            %dma_start3A_105 = tpu.memref_squeeze %dma_start3A_104 : memref<1x125xi32, #tpu.memory_space<vmem>> -> memref<125xi32, #tpu.memory_space<vmem>>
            %dma_start3A_106 = arith.constant 0 : i32
            %dma_start3A_107 = arith.constant 0 : i32
            %dma_start3A_108 = tpu.memref_slice %arg7[%dma_start3A_106, %dma_start3A_107] : memref<10000x128xf32, #tpu.memory_space<vmem_shared>> -> memref<10000x128xf32, #tpu.memory_space<vmem_shared>>
            tpu.enqueue_indirect_dma source(%dma_start3A_102 : memref<125x128xf32, #tpu.memory_space<vmem>>) target(%dma_start3A_108 : memref<10000x128xf32, #tpu.memory_space<vmem_shared>>) offsets(%dma_start3A_105 : memref<125xi32, #tpu.memory_space<vmem>>) semaphore(%run_scoped3A_98 : memref<!tpu.dma_semaphore, #tpu.memory_space<semaphore_mem>>) {add = true}
            %dma_wait3A_109 = arith.constant 0 : i32
            %dma_wait3A_110 = arith.constant 0 : i32
            %dma_wait3A_111 = tpu.memref_slice %arg10[%run_scoped3A, %dma_wait3A_109, %dma_wait3A_110] : memref<2x125x128xf32, #tpu.memory_space<vmem>> -> memref<1x125x128xf32, #tpu.memory_space<vmem>>
            %dma_wait3A_112 = tpu.memref_squeeze %dma_wait3A_111 : memref<1x125x128xf32, #tpu.memory_space<vmem>> -> memref<125x128xf32, #tpu.memory_space<vmem>>
            %dma_wait3A_113 = arith.constant 0 : i32
            %dma_wait3A_114 = tpu.memref_slice %arg9[%mul3A_52, %dma_wait3A_113] : memref<40x125xi32, #tpu.memory_space<vmem>> -> memref<1x125xi32, #tpu.memory_space<vmem>>
            %dma_wait3A_115 = tpu.memref_squeeze %dma_wait3A_114 : memref<1x125xi32, #tpu.memory_space<vmem>> -> memref<125xi32, #tpu.memory_space<vmem>>
            %dma_wait3A_116 = arith.constant 0 : i32
            %dma_wait3A_117 = arith.constant 0 : i32
            %dma_wait3A_118 = tpu.memref_slice %arg7[%dma_wait3A_116, %dma_wait3A_117] : memref<10000x128xf32, #tpu.memory_space<vmem_shared>> -> memref<10000x128xf32, #tpu.memory_space<vmem_shared>>
            tpu.wait_indirect_dma semaphore(%run_scoped3A_98 : memref<!tpu.dma_semaphore, #tpu.memory_space<semaphore_mem>>) src(%dma_wait3A_112 : memref<125x128xf32, #tpu.memory_space<vmem>>) dst(%dma_wait3A_118 : memref<10000x128xf32, #tpu.memory_space<vmem_shared>>)
            tpu.yield
          }) : () -> ()
          %add3A_76 = arith.constant 2 : i32
          %add3A_77 = arith.addi %mul3A_52, %add3A_76 : i32
          %lt3A = arith.constant 40 : i32
          %lt3A_78 = arith.cmpi slt, %add3A_77, %lt3A : i32
          %convert_element_type3A_79 = arith.extui %lt3A_78 : i1 to i32
          %cond3A_80 = arith.constant 0 : i32
          %cond3A_81 = arith.cmpi ne, %convert_element_type3A_79, %cond3A_80 : i32
          scf.if %cond3A_81 {
            %add3A_98 = arith.constant 2 : i32
            %add3A_99 = arith.addi %mul3A_52, %add3A_98 : i32
            %dma_start3A_100 = arith.constant 0 : i32
            %dma_start3A_101 = arith.constant 0 : i32
            %dma_start3A_102 = arith.constant 0 : i32
            %dma_start3A_103 = tpu.memref_slice %arg10[%dma_start3A_100, %dma_start3A_101, %dma_start3A_102] : memref<2x125x128xf32, #tpu.memory_space<vmem>> -> memref<1x125x128xf32, #tpu.memory_space<vmem>>
            %dma_start3A_104 = tpu.memref_squeeze %dma_start3A_103 : memref<1x125x128xf32, #tpu.memory_space<vmem>> -> memref<125x128xf32, #tpu.memory_space<vmem>>
            %dma_start3A_105 = arith.constant 0 : i32
            %dma_start3A_106 = tpu.memref_slice %arg8[%add3A_99, %dma_start3A_105] : memref<40x125xi32, #tpu.memory_space<vmem>> -> memref<1x125xi32, #tpu.memory_space<vmem>>
            %dma_start3A_107 = tpu.memref_squeeze %dma_start3A_106 : memref<1x125xi32, #tpu.memory_space<vmem>> -> memref<125xi32, #tpu.memory_space<vmem>>
            %dma_start3A_108 = arith.constant 0 : i32
            %dma_start3A_109 = arith.constant 0 : i32
            %dma_start3A_110 = tpu.memref_slice %arg2[%dma_start3A_108, %dma_start3A_109] : memref<10000x128xf32, #tpu.memory_space<hbm>> -> memref<10000x128xf32, #tpu.memory_space<hbm>>
            tpu.enqueue_indirect_dma source(%dma_start3A_110 : memref<10000x128xf32, #tpu.memory_space<hbm>>) target(%dma_start3A_104 : memref<125x128xf32, #tpu.memory_space<vmem>>) offsets(%dma_start3A_107 : memref<125xi32, #tpu.memory_space<vmem>>) semaphore(%arg11 : memref<!tpu.dma_semaphore, #tpu.memory_space<semaphore_mem>>)
          } else {
          }
          %add3A_82 = arith.constant 1 : i32
          %add3A_83 = arith.addi %mul3A_52, %add3A_82 : i32
          %dma_wait3A_84 = arith.constant 1 : i32
          %dma_wait3A_85 = arith.constant 0 : i32
          %dma_wait3A_86 = arith.constant 0 : i32
          %dma_wait3A_87 = tpu.memref_slice %arg10[%dma_wait3A_84, %dma_wait3A_85, %dma_wait3A_86] : memref<2x125x128xf32, #tpu.memory_space<vmem>> -> memref<1x125x128xf32, #tpu.memory_space<vmem>>
          %dma_wait3A_88 = tpu.memref_squeeze %dma_wait3A_87 : memref<1x125x128xf32, #tpu.memory_space<vmem>> -> memref<125x128xf32, #tpu.memory_space<vmem>>
          %dma_wait3A_89 = arith.constant 0 : i32
          %dma_wait3A_90 = tpu.memref_slice %arg8[%add3A_83, %dma_wait3A_89] : memref<40x125xi32, #tpu.memory_space<vmem>> -> memref<1x125xi32, #tpu.memory_space<vmem>>
          %dma_wait3A_91 = tpu.memref_squeeze %dma_wait3A_90 : memref<1x125xi32, #tpu.memory_space<vmem>> -> memref<125xi32, #tpu.memory_space<vmem>>
          %dma_wait3A_92 = arith.constant 0 : i32
          %dma_wait3A_93 = arith.constant 0 : i32
          %dma_wait3A_94 = tpu.memref_slice %arg2[%dma_wait3A_92, %dma_wait3A_93] : memref<10000x128xf32, #tpu.memory_space<hbm>> -> memref<10000x128xf32, #tpu.memory_space<hbm>>
          tpu.wait_indirect_dma semaphore(%arg12 : memref<!tpu.dma_semaphore, #tpu.memory_space<semaphore_mem>>) src(%dma_wait3A_94 : memref<10000x128xf32, #tpu.memory_space<hbm>>) dst(%dma_wait3A_88 : memref<125x128xf32, #tpu.memory_space<vmem>>)
          %add3A_95 = arith.constant 1 : i32
          %add3A_96 = arith.addi %mul3A_52, %add3A_95 : i32
          %run_scoped3A_97 = arith.constant 1 : i32
          "tpu.region"() ({
            %run_scoped3A_98 = tpu.sem_alloc : memref<!tpu.dma_semaphore, #tpu.memory_space<semaphore_mem>>
            %dma_start3A_99 = arith.constant 0 : i32
            %dma_start3A_100 = arith.constant 0 : i32
            %dma_start3A_101 = tpu.memref_slice %arg10[%run_scoped3A_97, %dma_start3A_99, %dma_start3A_100] : memref<2x125x128xf32, #tpu.memory_space<vmem>> -> memref<1x125x128xf32, #tpu.memory_space<vmem>>
            %dma_start3A_102 = tpu.memref_squeeze %dma_start3A_101 : memref<1x125x128xf32, #tpu.memory_space<vmem>> -> memref<125x128xf32, #tpu.memory_space<vmem>>
            %dma_start3A_103 = arith.constant 0 : i32
            %dma_start3A_104 = tpu.memref_slice %arg9[%add3A_96, %dma_start3A_103] : memref<40x125xi32, #tpu.memory_space<vmem>> -> memref<1x125xi32, #tpu.memory_space<vmem>>
            %dma_start3A_105 = tpu.memref_squeeze %dma_start3A_104 : memref<1x125xi32, #tpu.memory_space<vmem>> -> memref<125xi32, #tpu.memory_space<vmem>>
            %dma_start3A_106 = arith.constant 0 : i32
            %dma_start3A_107 = arith.constant 0 : i32
            %dma_start3A_108 = tpu.memref_slice %arg7[%dma_start3A_106, %dma_start3A_107] : memref<10000x128xf32, #tpu.memory_space<vmem_shared>> -> memref<10000x128xf32, #tpu.memory_space<vmem_shared>>
            tpu.enqueue_indirect_dma source(%dma_start3A_102 : memref<125x128xf32, #tpu.memory_space<vmem>>) target(%dma_start3A_108 : memref<10000x128xf32, #tpu.memory_space<vmem_shared>>) offsets(%dma_start3A_105 : memref<125xi32, #tpu.memory_space<vmem>>) semaphore(%run_scoped3A_98 : memref<!tpu.dma_semaphore, #tpu.memory_space<semaphore_mem>>) {add = true}
            %dma_wait3A_109 = arith.constant 0 : i32
            %dma_wait3A_110 = arith.constant 0 : i32
            %dma_wait3A_111 = tpu.memref_slice %arg10[%run_scoped3A_97, %dma_wait3A_109, %dma_wait3A_110] : memref<2x125x128xf32, #tpu.memory_space<vmem>> -> memref<1x125x128xf32, #tpu.memory_space<vmem>>
            %dma_wait3A_112 = tpu.memref_squeeze %dma_wait3A_111 : memref<1x125x128xf32, #tpu.memory_space<vmem>> -> memref<125x128xf32, #tpu.memory_space<vmem>>
            %dma_wait3A_113 = arith.constant 0 : i32
            %dma_wait3A_114 = tpu.memref_slice %arg9[%add3A_96, %dma_wait3A_113] : memref<40x125xi32, #tpu.memory_space<vmem>> -> memref<1x125xi32, #tpu.memory_space<vmem>>
            %dma_wait3A_115 = tpu.memref_squeeze %dma_wait3A_114 : memref<1x125xi32, #tpu.memory_space<vmem>> -> memref<125xi32, #tpu.memory_space<vmem>>
            %dma_wait3A_116 = arith.constant 0 : i32
            %dma_wait3A_117 = arith.constant 0 : i32
            %dma_wait3A_118 = tpu.memref_slice %arg7[%dma_wait3A_116, %dma_wait3A_117] : memref<10000x128xf32, #tpu.memory_space<vmem_shared>> -> memref<10000x128xf32, #tpu.memory_space<vmem_shared>>
            tpu.wait_indirect_dma semaphore(%run_scoped3A_98 : memref<!tpu.dma_semaphore, #tpu.memory_space<semaphore_mem>>) src(%dma_wait3A_112 : memref<125x128xf32, #tpu.memory_space<vmem>>) dst(%dma_wait3A_118 : memref<10000x128xf32, #tpu.memory_space<vmem_shared>>)
            tpu.yield
          }) : () -> ()
        }
        %scan3A_49 = arith.constant 20 : i32
      }
      %scan3A_19 = arith.constant 4 : i32
      %barrier3A_20 = arith.constant 0 : index
      tpu.barrier barrier_id(%barrier3A_20)
      %mul3A_21 = arith.constant 624 : i32
      %mul3A_22 = arith.muli %arg1, %mul3A_21 : i32
      %add3A = arith.addi %mul3A_0, %mul3A_22 : i32
      "tpu.region"() ({
        %run_scoped3A = tpu.sem_alloc : memref<!tpu.dma_semaphore, #tpu.memory_space<semaphore_mem>>
        %dma_start3A = arith.constant 0 : i32
        %dma_start3A_28 = tpu.memref_slice %arg6[%add3A, %dma_start3A] : memref<20000x128xf32, #tpu.memory_space<hbm>> -> memref<624x128xf32, #tpu.memory_space<hbm>>
        %dma_start3A_29 = arith.constant 0 : i32
        %dma_start3A_30 = tpu.memref_slice %arg7[%mul3A_22, %dma_start3A_29] : memref<10000x128xf32, #tpu.memory_space<vmem_shared>> -> memref<624x128xf32, #tpu.memory_space<vmem_shared>>
        tpu.enqueue_dma source(%dma_start3A_30 : memref<624x128xf32, #tpu.memory_space<vmem_shared>>) target(%dma_start3A_28 : memref<624x128xf32, #tpu.memory_space<hbm>>) target_semaphore(%run_scoped3A : memref<!tpu.dma_semaphore, #tpu.memory_space<semaphore_mem>>)
        %dma_wait3A = arith.constant 0 : i32
        %dma_wait3A_31 = tpu.memref_slice %arg6[%add3A, %dma_wait3A] : memref<20000x128xf32, #tpu.memory_space<hbm>> -> memref<624x128xf32, #tpu.memory_space<hbm>>
        %dma_wait3A_32 = arith.constant 0 : i32
        %dma_wait3A_33 = tpu.memref_slice %arg7[%mul3A_22, %dma_wait3A_32] : memref<10000x128xf32, #tpu.memory_space<vmem_shared>> -> memref<624x128xf32, #tpu.memory_space<vmem_shared>>
        tpu.wait_dma2 semaphore(%run_scoped3A : memref<!tpu.dma_semaphore, #tpu.memory_space<semaphore_mem>>) src(%dma_wait3A_33 : memref<624x128xf32, #tpu.memory_space<vmem_shared>>) dst(%dma_wait3A_31 : memref<624x128xf32, #tpu.memory_space<hbm>>)
        tpu.yield
      }) : () -> ()
      %eq3A_23 = arith.constant 0 : i32
      %eq3A_24 = arith.cmpi eq, %arg1, %eq3A_23 : i32
      %convert_element_type3A_25 = arith.extui %eq3A_24 : i1 to i32
      %cond3A_26 = arith.constant 0 : i32
      %cond3A_27 = arith.cmpi ne, %convert_element_type3A_25, %cond3A_26 : i32
      scf.if %cond3A_27 {
        %add3A_28 = arith.constant 9984 : i32
        %add3A_29 = arith.addi %mul3A_0, %add3A_28 : i32
        "tpu.region"() ({
          %run_scoped3A = tpu.sem_alloc : memref<!tpu.dma_semaphore, #tpu.memory_space<semaphore_mem>>
          %dma_start3A = arith.constant 0 : i32
          %dma_start3A_30 = tpu.memref_slice %arg6[%add3A_29, %dma_start3A] : memref<20000x128xf32, #tpu.memory_space<hbm>> -> memref<16x128xf32, #tpu.memory_space<hbm>>
          %dma_start3A_31 = arith.constant 9984 : i32
          %dma_start3A_32 = arith.constant 0 : i32
          %dma_start3A_33 = tpu.memref_slice %arg7[%dma_start3A_31, %dma_start3A_32] : memref<10000x128xf32, #tpu.memory_space<vmem_shared>> -> memref<16x128xf32, #tpu.memory_space<vmem_shared>>
          tpu.enqueue_dma source(%dma_start3A_33 : memref<16x128xf32, #tpu.memory_space<vmem_shared>>) target(%dma_start3A_30 : memref<16x128xf32, #tpu.memory_space<hbm>>) target_semaphore(%run_scoped3A : memref<!tpu.dma_semaphore, #tpu.memory_space<semaphore_mem>>)
          %dma_wait3A = arith.constant 0 : i32
          %dma_wait3A_34 = tpu.memref_slice %arg6[%add3A_29, %dma_wait3A] : memref<20000x128xf32, #tpu.memory_space<hbm>> -> memref<16x128xf32, #tpu.memory_space<hbm>>
          %dma_wait3A_35 = arith.constant 9984 : i32
          %dma_wait3A_36 = arith.constant 0 : i32
          %dma_wait3A_37 = tpu.memref_slice %arg7[%dma_wait3A_35, %dma_wait3A_36] : memref<10000x128xf32, #tpu.memory_space<vmem_shared>> -> memref<16x128xf32, #tpu.memory_space<vmem_shared>>
          tpu.wait_dma2 semaphore(%run_scoped3A : memref<!tpu.dma_semaphore, #tpu.memory_space<semaphore_mem>>) src(%dma_wait3A_37 : memref<16x128xf32, #tpu.memory_space<vmem_shared>>) dst(%dma_wait3A_34 : memref<16x128xf32, #tpu.memory_space<hbm>>)
          tpu.yield
        }) : () -> ()
      } else {
      }
    } else {
    }
    %eq3A_3 = arith.constant 1 : i32
    %eq3A_4 = arith.cmpi eq, %arg0, %eq3A_3 : i32
    %convert_element_type3A_5 = arith.extui %eq3A_4 : i1 to i32
    %cond3A_6 = arith.constant 0 : i32
    %cond3A_7 = arith.cmpi ne, %convert_element_type3A_5, %cond3A_6 : i32
    scf.if %cond3A_7 {
      %mul3A_8 = arith.constant 624 : i32
      %mul3A_9 = arith.muli %arg1, %mul3A_8 : i32
      "tpu.region"() ({
        %run_scoped3A = tpu.sem_alloc : memref<!tpu.dma_semaphore, #tpu.memory_space<semaphore_mem>>
        %dma_start3A = arith.constant 0 : i32
        %dma_start3A_28 = tpu.memref_slice %arg7[%mul3A_9, %dma_start3A] : memref<10000x128xf32, #tpu.memory_space<vmem_shared>> -> memref<624x128xf32, #tpu.memory_space<vmem_shared>>
        %dma_start3A_29 = arith.constant 0 : i32
        %dma_start3A_30 = tpu.memref_slice %arg3[%mul3A_9, %dma_start3A_29] : memref<10000x128xf32, #tpu.memory_space<hbm>> -> memref<624x128xf32, #tpu.memory_space<hbm>>
        tpu.enqueue_dma source(%dma_start3A_30 : memref<624x128xf32, #tpu.memory_space<hbm>>) target(%dma_start3A_28 : memref<624x128xf32, #tpu.memory_space<vmem_shared>>) target_semaphore(%run_scoped3A : memref<!tpu.dma_semaphore, #tpu.memory_space<semaphore_mem>>)
        %dma_wait3A = arith.constant 0 : i32
        %dma_wait3A_31 = tpu.memref_slice %arg7[%mul3A_9, %dma_wait3A] : memref<10000x128xf32, #tpu.memory_space<vmem_shared>> -> memref<624x128xf32, #tpu.memory_space<vmem_shared>>
        %dma_wait3A_32 = arith.constant 0 : i32
        %dma_wait3A_33 = tpu.memref_slice %arg3[%mul3A_9, %dma_wait3A_32] : memref<10000x128xf32, #tpu.memory_space<hbm>> -> memref<624x128xf32, #tpu.memory_space<hbm>>
        tpu.wait_dma2 semaphore(%run_scoped3A : memref<!tpu.dma_semaphore, #tpu.memory_space<semaphore_mem>>) src(%dma_wait3A_33 : memref<624x128xf32, #tpu.memory_space<hbm>>) dst(%dma_wait3A_31 : memref<624x128xf32, #tpu.memory_space<vmem_shared>>)
        tpu.yield
      }) : () -> ()
      %eq3A_10 = arith.constant 0 : i32
      %eq3A_11 = arith.cmpi eq, %arg1, %eq3A_10 : i32
      %convert_element_type3A_12 = arith.extui %eq3A_11 : i1 to i32
      %cond3A_13 = arith.constant 0 : i32
      %cond3A_14 = arith.cmpi ne, %convert_element_type3A_12, %cond3A_13 : i32
      scf.if %cond3A_14 {
        "tpu.region"() ({
          %run_scoped3A = tpu.sem_alloc : memref<!tpu.dma_semaphore, #tpu.memory_space<semaphore_mem>>
          %dma_start3A = arith.constant 9984 : i32
          %dma_start3A_28 = arith.constant 0 : i32
          %dma_start3A_29 = tpu.memref_slice %arg7[%dma_start3A, %dma_start3A_28] : memref<10000x128xf32, #tpu.memory_space<vmem_shared>> -> memref<16x128xf32, #tpu.memory_space<vmem_shared>>
          %dma_start3A_30 = arith.constant 9984 : i32
          %dma_start3A_31 = arith.constant 0 : i32
          %dma_start3A_32 = tpu.memref_slice %arg3[%dma_start3A_30, %dma_start3A_31] : memref<10000x128xf32, #tpu.memory_space<hbm>> -> memref<16x128xf32, #tpu.memory_space<hbm>>
          tpu.enqueue_dma source(%dma_start3A_32 : memref<16x128xf32, #tpu.memory_space<hbm>>) target(%dma_start3A_29 : memref<16x128xf32, #tpu.memory_space<vmem_shared>>) target_semaphore(%run_scoped3A : memref<!tpu.dma_semaphore, #tpu.memory_space<semaphore_mem>>)
          %dma_wait3A = arith.constant 9984 : i32
          %dma_wait3A_33 = arith.constant 0 : i32
          %dma_wait3A_34 = tpu.memref_slice %arg7[%dma_wait3A, %dma_wait3A_33] : memref<10000x128xf32, #tpu.memory_space<vmem_shared>> -> memref<16x128xf32, #tpu.memory_space<vmem_shared>>
          %dma_wait3A_35 = arith.constant 9984 : i32
          %dma_wait3A_36 = arith.constant 0 : i32
          %dma_wait3A_37 = tpu.memref_slice %arg3[%dma_wait3A_35, %dma_wait3A_36] : memref<10000x128xf32, #tpu.memory_space<hbm>> -> memref<16x128xf32, #tpu.memory_space<hbm>>
          tpu.wait_dma2 semaphore(%run_scoped3A : memref<!tpu.dma_semaphore, #tpu.memory_space<semaphore_mem>>) src(%dma_wait3A_37 : memref<16x128xf32, #tpu.memory_space<hbm>>) dst(%dma_wait3A_34 : memref<16x128xf32, #tpu.memory_space<vmem_shared>>)
          tpu.yield
        }) : () -> ()
      } else {
      }
      %barrier3A = arith.constant 0 : index
      tpu.barrier barrier_id(%barrier3A)
      %scan3A = arith.constant 0 : i32
      %scan3A_15 = arith.constant 0 : i32
      %scan3A_16 = arith.constant 4 : i32
      %scan3A_17 = arith.addi %scan3A_15, %scan3A_16 : i32
      %scan3A_18 = arith.constant 1 : i32
      scf.for %scan3A_28 = %scan3A_15 to %scan3A_17 step %scan3A_18  : i32 {
        %mul3A_29 = arith.constant 40 : i32
        %mul3A_30 = arith.muli %scan3A_28, %mul3A_29 : i32
        "tpu.region"() ({
          %run_scoped3A = tpu.sem_alloc : memref<!tpu.dma_semaphore, #tpu.memory_space<semaphore_mem>>
          %dma_start3A_50 = arith.constant 0 : i32
          %dma_start3A_51 = tpu.memref_slice %arg4[%arg1, %mul3A_30, %dma_start3A_50] : memref<16x160x125xi32, #tpu.memory_space<hbm>> -> memref<1x40x125xi32, #tpu.memory_space<hbm>>
          %dma_start3A_52 = tpu.memref_squeeze %dma_start3A_51 : memref<1x40x125xi32, #tpu.memory_space<hbm>> -> memref<40x125xi32, #tpu.memory_space<hbm>>
          %dma_start3A_53 = arith.constant 0 : i32
          %dma_start3A_54 = tpu.memref_slice %arg4[%arg1, %mul3A_30, %dma_start3A_53] : memref<16x160x125xi32, #tpu.memory_space<hbm>> -> memref<1x40x125xi32, #tpu.memory_space<hbm>>
          %dma_start3A_55 = tpu.memref_squeeze %dma_start3A_54 : memref<1x40x125xi32, #tpu.memory_space<hbm>> -> memref<40x125xi32, #tpu.memory_space<hbm>>
          tpu.enqueue_dma source(%dma_start3A_55 : memref<40x125xi32, #tpu.memory_space<hbm>>) target(%arg8 : memref<40x125xi32, #tpu.memory_space<vmem>>) target_semaphore(%run_scoped3A : memref<!tpu.dma_semaphore, #tpu.memory_space<semaphore_mem>>)
          %dma_wait3A = arith.constant 0 : i32
          %dma_wait3A_56 = tpu.memref_slice %arg4[%arg1, %mul3A_30, %dma_wait3A] : memref<16x160x125xi32, #tpu.memory_space<hbm>> -> memref<1x40x125xi32, #tpu.memory_space<hbm>>
          %dma_wait3A_57 = tpu.memref_squeeze %dma_wait3A_56 : memref<1x40x125xi32, #tpu.memory_space<hbm>> -> memref<40x125xi32, #tpu.memory_space<hbm>>
          %dma_wait3A_58 = arith.constant 0 : i32
          %dma_wait3A_59 = tpu.memref_slice %arg4[%arg1, %mul3A_30, %dma_wait3A_58] : memref<16x160x125xi32, #tpu.memory_space<hbm>> -> memref<1x40x125xi32, #tpu.memory_space<hbm>>
          %dma_wait3A_60 = tpu.memref_squeeze %dma_wait3A_59 : memref<1x40x125xi32, #tpu.memory_space<hbm>> -> memref<40x125xi32, #tpu.memory_space<hbm>>
          tpu.wait_dma2 semaphore(%run_scoped3A : memref<!tpu.dma_semaphore, #tpu.memory_space<semaphore_mem>>) src(%dma_wait3A_60 : memref<40x125xi32, #tpu.memory_space<hbm>>) dst(%arg8 : memref<40x125xi32, #tpu.memory_space<vmem>>)
          tpu.yield
        }) : () -> ()
        %mul3A_31 = arith.constant 40 : i32
        %mul3A_32 = arith.muli %scan3A_28, %mul3A_31 : i32
        "tpu.region"() ({
          %run_scoped3A = tpu.sem_alloc : memref<!tpu.dma_semaphore, #tpu.memory_space<semaphore_mem>>
          %dma_start3A_50 = arith.constant 0 : i32
          %dma_start3A_51 = tpu.memref_slice %arg5[%arg1, %mul3A_32, %dma_start3A_50] : memref<16x160x125xi32, #tpu.memory_space<hbm>> -> memref<1x40x125xi32, #tpu.memory_space<hbm>>
          %dma_start3A_52 = tpu.memref_squeeze %dma_start3A_51 : memref<1x40x125xi32, #tpu.memory_space<hbm>> -> memref<40x125xi32, #tpu.memory_space<hbm>>
          %dma_start3A_53 = arith.constant 0 : i32
          %dma_start3A_54 = tpu.memref_slice %arg5[%arg1, %mul3A_32, %dma_start3A_53] : memref<16x160x125xi32, #tpu.memory_space<hbm>> -> memref<1x40x125xi32, #tpu.memory_space<hbm>>
          %dma_start3A_55 = tpu.memref_squeeze %dma_start3A_54 : memref<1x40x125xi32, #tpu.memory_space<hbm>> -> memref<40x125xi32, #tpu.memory_space<hbm>>
          tpu.enqueue_dma source(%dma_start3A_55 : memref<40x125xi32, #tpu.memory_space<hbm>>) target(%arg9 : memref<40x125xi32, #tpu.memory_space<vmem>>) target_semaphore(%run_scoped3A : memref<!tpu.dma_semaphore, #tpu.memory_space<semaphore_mem>>)
          %dma_wait3A = arith.constant 0 : i32
          %dma_wait3A_56 = tpu.memref_slice %arg5[%arg1, %mul3A_32, %dma_wait3A] : memref<16x160x125xi32, #tpu.memory_space<hbm>> -> memref<1x40x125xi32, #tpu.memory_space<hbm>>
          %dma_wait3A_57 = tpu.memref_squeeze %dma_wait3A_56 : memref<1x40x125xi32, #tpu.memory_space<hbm>> -> memref<40x125xi32, #tpu.memory_space<hbm>>
          %dma_wait3A_58 = arith.constant 0 : i32
          %dma_wait3A_59 = tpu.memref_slice %arg5[%arg1, %mul3A_32, %dma_wait3A_58] : memref<16x160x125xi32, #tpu.memory_space<hbm>> -> memref<1x40x125xi32, #tpu.memory_space<hbm>>
          %dma_wait3A_60 = tpu.memref_squeeze %dma_wait3A_59 : memref<1x40x125xi32, #tpu.memory_space<hbm>> -> memref<40x125xi32, #tpu.memory_space<hbm>>
          tpu.wait_dma2 semaphore(%run_scoped3A : memref<!tpu.dma_semaphore, #tpu.memory_space<semaphore_mem>>) src(%dma_wait3A_60 : memref<40x125xi32, #tpu.memory_space<hbm>>) dst(%arg9 : memref<40x125xi32, #tpu.memory_space<vmem>>)
          tpu.yield
        }) : () -> ()
        %dma_start3A = arith.constant 0 : i32
        %dma_start3A_33 = arith.constant 0 : i32
        %dma_start3A_34 = arith.constant 0 : i32
        %dma_start3A_35 = arith.constant 0 : i32
        %dma_start3A_36 = tpu.memref_slice %arg10[%dma_start3A_33, %dma_start3A_34, %dma_start3A_35] : memref<2x125x128xf32, #tpu.memory_space<vmem>> -> memref<1x125x128xf32, #tpu.memory_space<vmem>>
        %dma_start3A_37 = tpu.memref_squeeze %dma_start3A_36 : memref<1x125x128xf32, #tpu.memory_space<vmem>> -> memref<125x128xf32, #tpu.memory_space<vmem>>
        %dma_start3A_38 = arith.constant 0 : i32
        %dma_start3A_39 = tpu.memref_slice %arg8[%dma_start3A, %dma_start3A_38] : memref<40x125xi32, #tpu.memory_space<vmem>> -> memref<1x125xi32, #tpu.memory_space<vmem>>
        %dma_start3A_40 = tpu.memref_squeeze %dma_start3A_39 : memref<1x125xi32, #tpu.memory_space<vmem>> -> memref<125xi32, #tpu.memory_space<vmem>>
        %dma_start3A_41 = arith.constant 0 : i32
        %dma_start3A_42 = arith.constant 0 : i32
        %dma_start3A_43 = tpu.memref_slice %arg3[%dma_start3A_41, %dma_start3A_42] : memref<10000x128xf32, #tpu.memory_space<hbm>> -> memref<10000x128xf32, #tpu.memory_space<hbm>>
        tpu.enqueue_indirect_dma source(%dma_start3A_43 : memref<10000x128xf32, #tpu.memory_space<hbm>>) target(%dma_start3A_37 : memref<125x128xf32, #tpu.memory_space<vmem>>) offsets(%dma_start3A_40 : memref<125xi32, #tpu.memory_space<vmem>>) semaphore(%arg11 : memref<!tpu.dma_semaphore, #tpu.memory_space<semaphore_mem>>)
        %scan3A_44 = arith.constant 0 : i32
        %scan3A_45 = arith.constant 0 : i32
        %scan3A_46 = arith.constant 20 : i32
        %scan3A_47 = arith.addi %scan3A_45, %scan3A_46 : i32
        %scan3A_48 = arith.constant 1 : i32
        scf.for %scan3A_50 = %scan3A_45 to %scan3A_47 step %scan3A_48  : i32 {
          %mul3A_51 = arith.constant 2 : i32
          %mul3A_52 = arith.muli %scan3A_50, %mul3A_51 : i32
          %add3A_53 = arith.constant 1 : i32
          %add3A_54 = arith.addi %mul3A_52, %add3A_53 : i32
          %dma_start3A_55 = arith.constant 1 : i32
          %dma_start3A_56 = arith.constant 0 : i32
          %dma_start3A_57 = arith.constant 0 : i32
          %dma_start3A_58 = tpu.memref_slice %arg10[%dma_start3A_55, %dma_start3A_56, %dma_start3A_57] : memref<2x125x128xf32, #tpu.memory_space<vmem>> -> memref<1x125x128xf32, #tpu.memory_space<vmem>>
          %dma_start3A_59 = tpu.memref_squeeze %dma_start3A_58 : memref<1x125x128xf32, #tpu.memory_space<vmem>> -> memref<125x128xf32, #tpu.memory_space<vmem>>
          %dma_start3A_60 = arith.constant 0 : i32
          %dma_start3A_61 = tpu.memref_slice %arg8[%add3A_54, %dma_start3A_60] : memref<40x125xi32, #tpu.memory_space<vmem>> -> memref<1x125xi32, #tpu.memory_space<vmem>>
          %dma_start3A_62 = tpu.memref_squeeze %dma_start3A_61 : memref<1x125xi32, #tpu.memory_space<vmem>> -> memref<125xi32, #tpu.memory_space<vmem>>
          %dma_start3A_63 = arith.constant 0 : i32
          %dma_start3A_64 = arith.constant 0 : i32
          %dma_start3A_65 = tpu.memref_slice %arg3[%dma_start3A_63, %dma_start3A_64] : memref<10000x128xf32, #tpu.memory_space<hbm>> -> memref<10000x128xf32, #tpu.memory_space<hbm>>
          tpu.enqueue_indirect_dma source(%dma_start3A_65 : memref<10000x128xf32, #tpu.memory_space<hbm>>) target(%dma_start3A_59 : memref<125x128xf32, #tpu.memory_space<vmem>>) offsets(%dma_start3A_62 : memref<125xi32, #tpu.memory_space<vmem>>) semaphore(%arg12 : memref<!tpu.dma_semaphore, #tpu.memory_space<semaphore_mem>>)
          %dma_wait3A = arith.constant 0 : i32
          %dma_wait3A_66 = arith.constant 0 : i32
          %dma_wait3A_67 = arith.constant 0 : i32
          %dma_wait3A_68 = tpu.memref_slice %arg10[%dma_wait3A, %dma_wait3A_66, %dma_wait3A_67] : memref<2x125x128xf32, #tpu.memory_space<vmem>> -> memref<1x125x128xf32, #tpu.memory_space<vmem>>
          %dma_wait3A_69 = tpu.memref_squeeze %dma_wait3A_68 : memref<1x125x128xf32, #tpu.memory_space<vmem>> -> memref<125x128xf32, #tpu.memory_space<vmem>>
          %dma_wait3A_70 = arith.constant 0 : i32
          %dma_wait3A_71 = tpu.memref_slice %arg8[%mul3A_52, %dma_wait3A_70] : memref<40x125xi32, #tpu.memory_space<vmem>> -> memref<1x125xi32, #tpu.memory_space<vmem>>
          %dma_wait3A_72 = tpu.memref_squeeze %dma_wait3A_71 : memref<1x125xi32, #tpu.memory_space<vmem>> -> memref<125xi32, #tpu.memory_space<vmem>>
          %dma_wait3A_73 = arith.constant 0 : i32
          %dma_wait3A_74 = arith.constant 0 : i32
          %dma_wait3A_75 = tpu.memref_slice %arg3[%dma_wait3A_73, %dma_wait3A_74] : memref<10000x128xf32, #tpu.memory_space<hbm>> -> memref<10000x128xf32, #tpu.memory_space<hbm>>
          tpu.wait_indirect_dma semaphore(%arg11 : memref<!tpu.dma_semaphore, #tpu.memory_space<semaphore_mem>>) src(%dma_wait3A_75 : memref<10000x128xf32, #tpu.memory_space<hbm>>) dst(%dma_wait3A_69 : memref<125x128xf32, #tpu.memory_space<vmem>>)
          %run_scoped3A = arith.constant 0 : i32
          "tpu.region"() ({
            %run_scoped3A_98 = tpu.sem_alloc : memref<!tpu.dma_semaphore, #tpu.memory_space<semaphore_mem>>
            %dma_start3A_99 = arith.constant 0 : i32
            %dma_start3A_100 = arith.constant 0 : i32
            %dma_start3A_101 = tpu.memref_slice %arg10[%run_scoped3A, %dma_start3A_99, %dma_start3A_100] : memref<2x125x128xf32, #tpu.memory_space<vmem>> -> memref<1x125x128xf32, #tpu.memory_space<vmem>>
            %dma_start3A_102 = tpu.memref_squeeze %dma_start3A_101 : memref<1x125x128xf32, #tpu.memory_space<vmem>> -> memref<125x128xf32, #tpu.memory_space<vmem>>
            %dma_start3A_103 = arith.constant 0 : i32
            %dma_start3A_104 = tpu.memref_slice %arg9[%mul3A_52, %dma_start3A_103] : memref<40x125xi32, #tpu.memory_space<vmem>> -> memref<1x125xi32, #tpu.memory_space<vmem>>
            %dma_start3A_105 = tpu.memref_squeeze %dma_start3A_104 : memref<1x125xi32, #tpu.memory_space<vmem>> -> memref<125xi32, #tpu.memory_space<vmem>>
            %dma_start3A_106 = arith.constant 0 : i32
            %dma_start3A_107 = arith.constant 0 : i32
            %dma_start3A_108 = tpu.memref_slice %arg7[%dma_start3A_106, %dma_start3A_107] : memref<10000x128xf32, #tpu.memory_space<vmem_shared>> -> memref<10000x128xf32, #tpu.memory_space<vmem_shared>>
            tpu.enqueue_indirect_dma source(%dma_start3A_102 : memref<125x128xf32, #tpu.memory_space<vmem>>) target(%dma_start3A_108 : memref<10000x128xf32, #tpu.memory_space<vmem_shared>>) offsets(%dma_start3A_105 : memref<125xi32, #tpu.memory_space<vmem>>) semaphore(%run_scoped3A_98 : memref<!tpu.dma_semaphore, #tpu.memory_space<semaphore_mem>>) {add = true}
            %dma_wait3A_109 = arith.constant 0 : i32
            %dma_wait3A_110 = arith.constant 0 : i32
            %dma_wait3A_111 = tpu.memref_slice %arg10[%run_scoped3A, %dma_wait3A_109, %dma_wait3A_110] : memref<2x125x128xf32, #tpu.memory_space<vmem>> -> memref<1x125x128xf32, #tpu.memory_space<vmem>>
            %dma_wait3A_112 = tpu.memref_squeeze %dma_wait3A_111 : memref<1x125x128xf32, #tpu.memory_space<vmem>> -> memref<125x128xf32, #tpu.memory_space<vmem>>
            %dma_wait3A_113 = arith.constant 0 : i32
            %dma_wait3A_114 = tpu.memref_slice %arg9[%mul3A_52, %dma_wait3A_113] : memref<40x125xi32, #tpu.memory_space<vmem>> -> memref<1x125xi32, #tpu.memory_space<vmem>>
            %dma_wait3A_115 = tpu.memref_squeeze %dma_wait3A_114 : memref<1x125xi32, #tpu.memory_space<vmem>> -> memref<125xi32, #tpu.memory_space<vmem>>
            %dma_wait3A_116 = arith.constant 0 : i32
            %dma_wait3A_117 = arith.constant 0 : i32
            %dma_wait3A_118 = tpu.memref_slice %arg7[%dma_wait3A_116, %dma_wait3A_117] : memref<10000x128xf32, #tpu.memory_space<vmem_shared>> -> memref<10000x128xf32, #tpu.memory_space<vmem_shared>>
            tpu.wait_indirect_dma semaphore(%run_scoped3A_98 : memref<!tpu.dma_semaphore, #tpu.memory_space<semaphore_mem>>) src(%dma_wait3A_112 : memref<125x128xf32, #tpu.memory_space<vmem>>) dst(%dma_wait3A_118 : memref<10000x128xf32, #tpu.memory_space<vmem_shared>>)
            tpu.yield
          }) : () -> ()
          %add3A_76 = arith.constant 2 : i32
          %add3A_77 = arith.addi %mul3A_52, %add3A_76 : i32
          %lt3A = arith.constant 40 : i32
          %lt3A_78 = arith.cmpi slt, %add3A_77, %lt3A : i32
          %convert_element_type3A_79 = arith.extui %lt3A_78 : i1 to i32
          %cond3A_80 = arith.constant 0 : i32
          %cond3A_81 = arith.cmpi ne, %convert_element_type3A_79, %cond3A_80 : i32
          scf.if %cond3A_81 {
            %add3A_98 = arith.constant 2 : i32
            %add3A_99 = arith.addi %mul3A_52, %add3A_98 : i32
            %dma_start3A_100 = arith.constant 0 : i32
            %dma_start3A_101 = arith.constant 0 : i32
            %dma_start3A_102 = arith.constant 0 : i32
            %dma_start3A_103 = tpu.memref_slice %arg10[%dma_start3A_100, %dma_start3A_101, %dma_start3A_102] : memref<2x125x128xf32, #tpu.memory_space<vmem>> -> memref<1x125x128xf32, #tpu.memory_space<vmem>>
            %dma_start3A_104 = tpu.memref_squeeze %dma_start3A_103 : memref<1x125x128xf32, #tpu.memory_space<vmem>> -> memref<125x128xf32, #tpu.memory_space<vmem>>
            %dma_start3A_105 = arith.constant 0 : i32
            %dma_start3A_106 = tpu.memref_slice %arg8[%add3A_99, %dma_start3A_105] : memref<40x125xi32, #tpu.memory_space<vmem>> -> memref<1x125xi32, #tpu.memory_space<vmem>>
            %dma_start3A_107 = tpu.memref_squeeze %dma_start3A_106 : memref<1x125xi32, #tpu.memory_space<vmem>> -> memref<125xi32, #tpu.memory_space<vmem>>
            %dma_start3A_108 = arith.constant 0 : i32
            %dma_start3A_109 = arith.constant 0 : i32
            %dma_start3A_110 = tpu.memref_slice %arg3[%dma_start3A_108, %dma_start3A_109] : memref<10000x128xf32, #tpu.memory_space<hbm>> -> memref<10000x128xf32, #tpu.memory_space<hbm>>
            tpu.enqueue_indirect_dma source(%dma_start3A_110 : memref<10000x128xf32, #tpu.memory_space<hbm>>) target(%dma_start3A_104 : memref<125x128xf32, #tpu.memory_space<vmem>>) offsets(%dma_start3A_107 : memref<125xi32, #tpu.memory_space<vmem>>) semaphore(%arg11 : memref<!tpu.dma_semaphore, #tpu.memory_space<semaphore_mem>>)
          } else {
          }
          %add3A_82 = arith.constant 1 : i32
          %add3A_83 = arith.addi %mul3A_52, %add3A_82 : i32
          %dma_wait3A_84 = arith.constant 1 : i32
          %dma_wait3A_85 = arith.constant 0 : i32
          %dma_wait3A_86 = arith.constant 0 : i32
          %dma_wait3A_87 = tpu.memref_slice %arg10[%dma_wait3A_84, %dma_wait3A_85, %dma_wait3A_86] : memref<2x125x128xf32, #tpu.memory_space<vmem>> -> memref<1x125x128xf32, #tpu.memory_space<vmem>>
          %dma_wait3A_88 = tpu.memref_squeeze %dma_wait3A_87 : memref<1x125x128xf32, #tpu.memory_space<vmem>> -> memref<125x128xf32, #tpu.memory_space<vmem>>
          %dma_wait3A_89 = arith.constant 0 : i32
          %dma_wait3A_90 = tpu.memref_slice %arg8[%add3A_83, %dma_wait3A_89] : memref<40x125xi32, #tpu.memory_space<vmem>> -> memref<1x125xi32, #tpu.memory_space<vmem>>
          %dma_wait3A_91 = tpu.memref_squeeze %dma_wait3A_90 : memref<1x125xi32, #tpu.memory_space<vmem>> -> memref<125xi32, #tpu.memory_space<vmem>>
          %dma_wait3A_92 = arith.constant 0 : i32
          %dma_wait3A_93 = arith.constant 0 : i32
          %dma_wait3A_94 = tpu.memref_slice %arg3[%dma_wait3A_92, %dma_wait3A_93] : memref<10000x128xf32, #tpu.memory_space<hbm>> -> memref<10000x128xf32, #tpu.memory_space<hbm>>
          tpu.wait_indirect_dma semaphore(%arg12 : memref<!tpu.dma_semaphore, #tpu.memory_space<semaphore_mem>>) src(%dma_wait3A_94 : memref<10000x128xf32, #tpu.memory_space<hbm>>) dst(%dma_wait3A_88 : memref<125x128xf32, #tpu.memory_space<vmem>>)
          %add3A_95 = arith.constant 1 : i32
          %add3A_96 = arith.addi %mul3A_52, %add3A_95 : i32
          %run_scoped3A_97 = arith.constant 1 : i32
          "tpu.region"() ({
            %run_scoped3A_98 = tpu.sem_alloc : memref<!tpu.dma_semaphore, #tpu.memory_space<semaphore_mem>>
            %dma_start3A_99 = arith.constant 0 : i32
            %dma_start3A_100 = arith.constant 0 : i32
            %dma_start3A_101 = tpu.memref_slice %arg10[%run_scoped3A_97, %dma_start3A_99, %dma_start3A_100] : memref<2x125x128xf32, #tpu.memory_space<vmem>> -> memref<1x125x128xf32, #tpu.memory_space<vmem>>
            %dma_start3A_102 = tpu.memref_squeeze %dma_start3A_101 : memref<1x125x128xf32, #tpu.memory_space<vmem>> -> memref<125x128xf32, #tpu.memory_space<vmem>>
            %dma_start3A_103 = arith.constant 0 : i32
            %dma_start3A_104 = tpu.memref_slice %arg9[%add3A_96, %dma_start3A_103] : memref<40x125xi32, #tpu.memory_space<vmem>> -> memref<1x125xi32, #tpu.memory_space<vmem>>
            %dma_start3A_105 = tpu.memref_squeeze %dma_start3A_104 : memref<1x125xi32, #tpu.memory_space<vmem>> -> memref<125xi32, #tpu.memory_space<vmem>>
            %dma_start3A_106 = arith.constant 0 : i32
            %dma_start3A_107 = arith.constant 0 : i32
            %dma_start3A_108 = tpu.memref_slice %arg7[%dma_start3A_106, %dma_start3A_107] : memref<10000x128xf32, #tpu.memory_space<vmem_shared>> -> memref<10000x128xf32, #tpu.memory_space<vmem_shared>>
            tpu.enqueue_indirect_dma source(%dma_start3A_102 : memref<125x128xf32, #tpu.memory_space<vmem>>) target(%dma_start3A_108 : memref<10000x128xf32, #tpu.memory_space<vmem_shared>>) offsets(%dma_start3A_105 : memref<125xi32, #tpu.memory_space<vmem>>) semaphore(%run_scoped3A_98 : memref<!tpu.dma_semaphore, #tpu.memory_space<semaphore_mem>>) {add = true}
            %dma_wait3A_109 = arith.constant 0 : i32
            %dma_wait3A_110 = arith.constant 0 : i32
            %dma_wait3A_111 = tpu.memref_slice %arg10[%run_scoped3A_97, %dma_wait3A_109, %dma_wait3A_110] : memref<2x125x128xf32, #tpu.memory_space<vmem>> -> memref<1x125x128xf32, #tpu.memory_space<vmem>>
            %dma_wait3A_112 = tpu.memref_squeeze %dma_wait3A_111 : memref<1x125x128xf32, #tpu.memory_space<vmem>> -> memref<125x128xf32, #tpu.memory_space<vmem>>
            %dma_wait3A_113 = arith.constant 0 : i32
            %dma_wait3A_114 = tpu.memref_slice %arg9[%add3A_96, %dma_wait3A_113] : memref<40x125xi32, #tpu.memory_space<vmem>> -> memref<1x125xi32, #tpu.memory_space<vmem>>
            %dma_wait3A_115 = tpu.memref_squeeze %dma_wait3A_114 : memref<1x125xi32, #tpu.memory_space<vmem>> -> memref<125xi32, #tpu.memory_space<vmem>>
            %dma_wait3A_116 = arith.constant 0 : i32
            %dma_wait3A_117 = arith.constant 0 : i32
            %dma_wait3A_118 = tpu.memref_slice %arg7[%dma_wait3A_116, %dma_wait3A_117] : memref<10000x128xf32, #tpu.memory_space<vmem_shared>> -> memref<10000x128xf32, #tpu.memory_space<vmem_shared>>
            tpu.wait_indirect_dma semaphore(%run_scoped3A_98 : memref<!tpu.dma_semaphore, #tpu.memory_space<semaphore_mem>>) src(%dma_wait3A_112 : memref<125x128xf32, #tpu.memory_space<vmem>>) dst(%dma_wait3A_118 : memref<10000x128xf32, #tpu.memory_space<vmem_shared>>)
            tpu.yield
          }) : () -> ()
        }
        %scan3A_49 = arith.constant 20 : i32
      }
      %scan3A_19 = arith.constant 4 : i32
      %barrier3A_20 = arith.constant 0 : index
      tpu.barrier barrier_id(%barrier3A_20)
      %mul3A_21 = arith.constant 624 : i32
      %mul3A_22 = arith.muli %arg1, %mul3A_21 : i32
      %add3A = arith.addi %mul3A_0, %mul3A_22 : i32
      "tpu.region"() ({
        %run_scoped3A = tpu.sem_alloc : memref<!tpu.dma_semaphore, #tpu.memory_space<semaphore_mem>>
        %dma_start3A = arith.constant 0 : i32
        %dma_start3A_28 = tpu.memref_slice %arg6[%add3A, %dma_start3A] : memref<20000x128xf32, #tpu.memory_space<hbm>> -> memref<624x128xf32, #tpu.memory_space<hbm>>
        %dma_start3A_29 = arith.constant 0 : i32
        %dma_start3A_30 = tpu.memref_slice %arg7[%mul3A_22, %dma_start3A_29] : memref<10000x128xf32, #tpu.memory_space<vmem_shared>> -> memref<624x128xf32, #tpu.memory_space<vmem_shared>>
        tpu.enqueue_dma source(%dma_start3A_30 : memref<624x128xf32, #tpu.memory_space<vmem_shared>>) target(%dma_start3A_28 : memref<624x128xf32, #tpu.memory_space<hbm>>) target_semaphore(%run_scoped3A : memref<!tpu.dma_semaphore, #tpu.memory_space<semaphore_mem>>)
        %dma_wait3A = arith.constant 0 : i32
        %dma_wait3A_31 = tpu.memref_slice %arg6[%add3A, %dma_wait3A] : memref<20000x128xf32, #tpu.memory_space<hbm>> -> memref<624x128xf32, #tpu.memory_space<hbm>>
        %dma_wait3A_32 = arith.constant 0 : i32
        %dma_wait3A_33 = tpu.memref_slice %arg7[%mul3A_22, %dma_wait3A_32] : memref<10000x128xf32, #tpu.memory_space<vmem_shared>> -> memref<624x128xf32, #tpu.memory_space<vmem_shared>>
        tpu.wait_dma2 semaphore(%run_scoped3A : memref<!tpu.dma_semaphore, #tpu.memory_space<semaphore_mem>>) src(%dma_wait3A_33 : memref<624x128xf32, #tpu.memory_space<vmem_shared>>) dst(%dma_wait3A_31 : memref<624x128xf32, #tpu.memory_space<hbm>>)
        tpu.yield
      }) : () -> ()
      %eq3A_23 = arith.constant 0 : i32
      %eq3A_24 = arith.cmpi eq, %arg1, %eq3A_23 : i32
      %convert_element_type3A_25 = arith.extui %eq3A_24 : i1 to i32
      %cond3A_26 = arith.constant 0 : i32
      %cond3A_27 = arith.cmpi ne, %convert_element_type3A_25, %cond3A_26 : i32
      scf.if %cond3A_27 {
        %add3A_28 = arith.constant 9984 : i32
        %add3A_29 = arith.addi %mul3A_0, %add3A_28 : i32
        "tpu.region"() ({
          %run_scoped3A = tpu.sem_alloc : memref<!tpu.dma_semaphore, #tpu.memory_space<semaphore_mem>>
          %dma_start3A = arith.constant 0 : i32
          %dma_start3A_30 = tpu.memref_slice %arg6[%add3A_29, %dma_start3A] : memref<20000x128xf32, #tpu.memory_space<hbm>> -> memref<16x128xf32, #tpu.memory_space<hbm>>
          %dma_start3A_31 = arith.constant 9984 : i32
          %dma_start3A_32 = arith.constant 0 : i32
          %dma_start3A_33 = tpu.memref_slice %arg7[%dma_start3A_31, %dma_start3A_32] : memref<10000x128xf32, #tpu.memory_space<vmem_shared>> -> memref<16x128xf32, #tpu.memory_space<vmem_shared>>
          tpu.enqueue_dma source(%dma_start3A_33 : memref<16x128xf32, #tpu.memory_space<vmem_shared>>) target(%dma_start3A_30 : memref<16x128xf32, #tpu.memory_space<hbm>>) target_semaphore(%run_scoped3A : memref<!tpu.dma_semaphore, #tpu.memory_space<semaphore_mem>>)
          %dma_wait3A = arith.constant 0 : i32
          %dma_wait3A_34 = tpu.memref_slice %arg6[%add3A_29, %dma_wait3A] : memref<20000x128xf32, #tpu.memory_space<hbm>> -> memref<16x128xf32, #tpu.memory_space<hbm>>
          %dma_wait3A_35 = arith.constant 9984 : i32
          %dma_wait3A_36 = arith.constant 0 : i32
          %dma_wait3A_37 = tpu.memref_slice %arg7[%dma_wait3A_35, %dma_wait3A_36] : memref<10000x128xf32, #tpu.memory_space<vmem_shared>> -> memref<16x128xf32, #tpu.memory_space<vmem_shared>>
          tpu.wait_dma2 semaphore(%run_scoped3A : memref<!tpu.dma_semaphore, #tpu.memory_space<semaphore_mem>>) src(%dma_wait3A_37 : memref<16x128xf32, #tpu.memory_space<vmem_shared>>) dst(%dma_wait3A_34 : memref<16x128xf32, #tpu.memory_space<hbm>>)
          tpu.yield
        }) : () -> ()
      } else {
      }
    } else {
    }
    return
  }
}

#map = affine_map<(d0, d1) -> (0, 0)>
#map1 = affine_map<(d0, d1) -> (0, 0, 0)>
module attributes {stable_mosaic.version = 14 : i64} {
  func.func @_qp_body(%arg0: i32, %arg1: i32, %arg2: memref<10000x128xf32, #tpu.memory_space<hbm>>, %arg3: memref<10000x128xf32, #tpu.memory_space<hbm>>, %arg4: memref<16x32x128xi32, #tpu.memory_space<hbm>>, %arg5: memref<16x32x128xi32, #tpu.memory_space<hbm>>, %arg6: memref<131072x128xf32, #tpu.memory_space<hbm>>, %arg7: memref<32x128xi32, #tpu.memory_space<vmem>>, %arg8: memref<32x128xi32, #tpu.memory_space<vmem>>, %arg9: memref<2x128x128xf32, #tpu.memory_space<vmem>>, %arg10: memref<2x128x128xf32, #tpu.memory_space<vmem>>, %arg11: memref<!tpu.dma_semaphore, #tpu.memory_space<semaphore_mem>>, %arg12: memref<!tpu.dma_semaphore, #tpu.memory_space<semaphore_mem>>, %arg13: memref<!tpu.dma_semaphore, #tpu.memory_space<semaphore_mem>>, %arg14: memref<!tpu.dma_semaphore, #tpu.memory_space<semaphore_mem>>) attributes {dimension_semantics = [#tpu.dimension_semantics<core_parallel>, #tpu.dimension_semantics<subcore_parallel>], iteration_bounds = array<i64: 2, 16>, scalar_prefetch = 0 : i64, scratch_operands = 8 : i64, tpu.core_type = #tpu.core_type<sc_vector_subcore>, window_params = [{transform_indices = #map}, {transform_indices = #map}, {transform_indices = #map1}, {transform_indices = #map1}, {transform_indices = #map}]} {
    "tpu.region"() ({
      %run_scoped3A = tpu.sem_alloc : memref<!tpu.dma_semaphore, #tpu.memory_space<semaphore_mem>>
      %dma_start3A = arith.constant 0 : i32
      %dma_start3A_10 = arith.constant 0 : i32
      %dma_start3A_11 = tpu.memref_slice %arg4[%arg1, %dma_start3A, %dma_start3A_10] : memref<16x32x128xi32, #tpu.memory_space<hbm>> -> memref<1x32x128xi32, #tpu.memory_space<hbm>>
      %dma_start3A_12 = tpu.memref_squeeze %dma_start3A_11 : memref<1x32x128xi32, #tpu.memory_space<hbm>> -> memref<32x128xi32, #tpu.memory_space<hbm>>
      %dma_start3A_13 = arith.constant 0 : i32
      %dma_start3A_14 = arith.constant 0 : i32
      %dma_start3A_15 = tpu.memref_slice %arg4[%arg1, %dma_start3A_13, %dma_start3A_14] : memref<16x32x128xi32, #tpu.memory_space<hbm>> -> memref<1x32x128xi32, #tpu.memory_space<hbm>>
      %dma_start3A_16 = tpu.memref_squeeze %dma_start3A_15 : memref<1x32x128xi32, #tpu.memory_space<hbm>> -> memref<32x128xi32, #tpu.memory_space<hbm>>
      tpu.enqueue_dma source(%dma_start3A_16 : memref<32x128xi32, #tpu.memory_space<hbm>>) target(%arg7 : memref<32x128xi32, #tpu.memory_space<vmem>>) target_semaphore(%run_scoped3A : memref<!tpu.dma_semaphore, #tpu.memory_space<semaphore_mem>>)
      %dma_wait3A = arith.constant 0 : i32
      %dma_wait3A_17 = arith.constant 0 : i32
      %dma_wait3A_18 = tpu.memref_slice %arg4[%arg1, %dma_wait3A, %dma_wait3A_17] : memref<16x32x128xi32, #tpu.memory_space<hbm>> -> memref<1x32x128xi32, #tpu.memory_space<hbm>>
      %dma_wait3A_19 = tpu.memref_squeeze %dma_wait3A_18 : memref<1x32x128xi32, #tpu.memory_space<hbm>> -> memref<32x128xi32, #tpu.memory_space<hbm>>
      %dma_wait3A_20 = arith.constant 0 : i32
      %dma_wait3A_21 = arith.constant 0 : i32
      %dma_wait3A_22 = tpu.memref_slice %arg4[%arg1, %dma_wait3A_20, %dma_wait3A_21] : memref<16x32x128xi32, #tpu.memory_space<hbm>> -> memref<1x32x128xi32, #tpu.memory_space<hbm>>
      %dma_wait3A_23 = tpu.memref_squeeze %dma_wait3A_22 : memref<1x32x128xi32, #tpu.memory_space<hbm>> -> memref<32x128xi32, #tpu.memory_space<hbm>>
      tpu.wait_dma2 semaphore(%run_scoped3A : memref<!tpu.dma_semaphore, #tpu.memory_space<semaphore_mem>>) src(%dma_wait3A_23 : memref<32x128xi32, #tpu.memory_space<hbm>>) dst(%arg7 : memref<32x128xi32, #tpu.memory_space<vmem>>)
      tpu.yield
    }) : () -> ()
    "tpu.region"() ({
      %run_scoped3A = tpu.sem_alloc : memref<!tpu.dma_semaphore, #tpu.memory_space<semaphore_mem>>
      %dma_start3A = arith.constant 0 : i32
      %dma_start3A_10 = arith.constant 0 : i32
      %dma_start3A_11 = tpu.memref_slice %arg5[%arg1, %dma_start3A, %dma_start3A_10] : memref<16x32x128xi32, #tpu.memory_space<hbm>> -> memref<1x32x128xi32, #tpu.memory_space<hbm>>
      %dma_start3A_12 = tpu.memref_squeeze %dma_start3A_11 : memref<1x32x128xi32, #tpu.memory_space<hbm>> -> memref<32x128xi32, #tpu.memory_space<hbm>>
      %dma_start3A_13 = arith.constant 0 : i32
      %dma_start3A_14 = arith.constant 0 : i32
      %dma_start3A_15 = tpu.memref_slice %arg5[%arg1, %dma_start3A_13, %dma_start3A_14] : memref<16x32x128xi32, #tpu.memory_space<hbm>> -> memref<1x32x128xi32, #tpu.memory_space<hbm>>
      %dma_start3A_16 = tpu.memref_squeeze %dma_start3A_15 : memref<1x32x128xi32, #tpu.memory_space<hbm>> -> memref<32x128xi32, #tpu.memory_space<hbm>>
      tpu.enqueue_dma source(%dma_start3A_16 : memref<32x128xi32, #tpu.memory_space<hbm>>) target(%arg8 : memref<32x128xi32, #tpu.memory_space<vmem>>) target_semaphore(%run_scoped3A : memref<!tpu.dma_semaphore, #tpu.memory_space<semaphore_mem>>)
      %dma_wait3A = arith.constant 0 : i32
      %dma_wait3A_17 = arith.constant 0 : i32
      %dma_wait3A_18 = tpu.memref_slice %arg5[%arg1, %dma_wait3A, %dma_wait3A_17] : memref<16x32x128xi32, #tpu.memory_space<hbm>> -> memref<1x32x128xi32, #tpu.memory_space<hbm>>
      %dma_wait3A_19 = tpu.memref_squeeze %dma_wait3A_18 : memref<1x32x128xi32, #tpu.memory_space<hbm>> -> memref<32x128xi32, #tpu.memory_space<hbm>>
      %dma_wait3A_20 = arith.constant 0 : i32
      %dma_wait3A_21 = arith.constant 0 : i32
      %dma_wait3A_22 = tpu.memref_slice %arg5[%arg1, %dma_wait3A_20, %dma_wait3A_21] : memref<16x32x128xi32, #tpu.memory_space<hbm>> -> memref<1x32x128xi32, #tpu.memory_space<hbm>>
      %dma_wait3A_23 = tpu.memref_squeeze %dma_wait3A_22 : memref<1x32x128xi32, #tpu.memory_space<hbm>> -> memref<32x128xi32, #tpu.memory_space<hbm>>
      tpu.wait_dma2 semaphore(%run_scoped3A : memref<!tpu.dma_semaphore, #tpu.memory_space<semaphore_mem>>) src(%dma_wait3A_23 : memref<32x128xi32, #tpu.memory_space<hbm>>) dst(%arg8 : memref<32x128xi32, #tpu.memory_space<vmem>>)
      tpu.yield
    }) : () -> ()
    %mul3A = arith.constant 65536 : i32
    %mul3A_0 = arith.muli %arg0, %mul3A : i32
    %mul3A_1 = arith.constant 4096 : i32
    %mul3A_2 = arith.muli %arg1, %mul3A_1 : i32
    %add3A = arith.addi %mul3A_0, %mul3A_2 : i32
    %eq3A = arith.constant 0 : i32
    %eq3A_3 = arith.cmpi eq, %arg0, %eq3A : i32
    %convert_element_type3A = arith.extui %eq3A_3 : i1 to i32
    %cond3A = arith.constant 0 : i32
    %cond3A_4 = arith.cmpi ne, %convert_element_type3A, %cond3A : i32
    scf.if %cond3A_4 {
      %dma_start3A = arith.constant 0 : i32
      %dma_start3A_10 = arith.constant 0 : i32
      %dma_start3A_11 = arith.constant 0 : i32
      %dma_start3A_12 = arith.constant 0 : i32
      %dma_start3A_13 = tpu.memref_slice %arg9[%dma_start3A_10, %dma_start3A_11, %dma_start3A_12] : memref<2x128x128xf32, #tpu.memory_space<vmem>> -> memref<1x128x128xf32, #tpu.memory_space<vmem>>
      %dma_start3A_14 = tpu.memref_squeeze %dma_start3A_13 : memref<1x128x128xf32, #tpu.memory_space<vmem>> -> memref<128x128xf32, #tpu.memory_space<vmem>>
      %dma_start3A_15 = arith.constant 0 : i32
      %dma_start3A_16 = tpu.memref_slice %arg7[%dma_start3A, %dma_start3A_15] : memref<32x128xi32, #tpu.memory_space<vmem>> -> memref<1x128xi32, #tpu.memory_space<vmem>>
      %dma_start3A_17 = tpu.memref_squeeze %dma_start3A_16 : memref<1x128xi32, #tpu.memory_space<vmem>> -> memref<128xi32, #tpu.memory_space<vmem>>
      %dma_start3A_18 = arith.constant 0 : i32
      %dma_start3A_19 = arith.constant 0 : i32
      %dma_start3A_20 = tpu.memref_slice %arg2[%dma_start3A_18, %dma_start3A_19] : memref<10000x128xf32, #tpu.memory_space<hbm>> -> memref<10000x128xf32, #tpu.memory_space<hbm>>
      tpu.enqueue_indirect_dma source(%dma_start3A_20 : memref<10000x128xf32, #tpu.memory_space<hbm>>) target(%dma_start3A_14 : memref<128x128xf32, #tpu.memory_space<vmem>>) offsets(%dma_start3A_17 : memref<128xi32, #tpu.memory_space<vmem>>) semaphore(%arg11 : memref<!tpu.dma_semaphore, #tpu.memory_space<semaphore_mem>>)
      %dma_start3A_21 = arith.constant 0 : i32
      %dma_start3A_22 = arith.constant 0 : i32
      %dma_start3A_23 = arith.constant 0 : i32
      %dma_start3A_24 = arith.constant 0 : i32
      %dma_start3A_25 = tpu.memref_slice %arg10[%dma_start3A_22, %dma_start3A_23, %dma_start3A_24] : memref<2x128x128xf32, #tpu.memory_space<vmem>> -> memref<1x128x128xf32, #tpu.memory_space<vmem>>
      %dma_start3A_26 = tpu.memref_squeeze %dma_start3A_25 : memref<1x128x128xf32, #tpu.memory_space<vmem>> -> memref<128x128xf32, #tpu.memory_space<vmem>>
      %dma_start3A_27 = arith.constant 0 : i32
      %dma_start3A_28 = tpu.memref_slice %arg8[%dma_start3A_21, %dma_start3A_27] : memref<32x128xi32, #tpu.memory_space<vmem>> -> memref<1x128xi32, #tpu.memory_space<vmem>>
      %dma_start3A_29 = tpu.memref_squeeze %dma_start3A_28 : memref<1x128xi32, #tpu.memory_space<vmem>> -> memref<128xi32, #tpu.memory_space<vmem>>
      %dma_start3A_30 = arith.constant 0 : i32
      %dma_start3A_31 = arith.constant 0 : i32
      %dma_start3A_32 = tpu.memref_slice %arg2[%dma_start3A_30, %dma_start3A_31] : memref<10000x128xf32, #tpu.memory_space<hbm>> -> memref<10000x128xf32, #tpu.memory_space<hbm>>
      tpu.enqueue_indirect_dma source(%dma_start3A_32 : memref<10000x128xf32, #tpu.memory_space<hbm>>) target(%dma_start3A_26 : memref<128x128xf32, #tpu.memory_space<vmem>>) offsets(%dma_start3A_29 : memref<128xi32, #tpu.memory_space<vmem>>) semaphore(%arg12 : memref<!tpu.dma_semaphore, #tpu.memory_space<semaphore_mem>>)
      %scan3A = arith.constant 0 : i32
      %scan3A_33 = arith.constant 0 : i32
      %scan3A_34 = arith.constant 16 : i32
      %scan3A_35 = arith.addi %scan3A_33, %scan3A_34 : i32
      %scan3A_36 = arith.constant 1 : i32
      scf.for %scan3A_38 = %scan3A_33 to %scan3A_35 step %scan3A_36  : i32 {
        %mul3A_39 = arith.constant 2 : i32
        %mul3A_40 = arith.muli %scan3A_38, %mul3A_39 : i32
        %add3A_41 = arith.constant 1 : i32
        %add3A_42 = arith.addi %mul3A_40, %add3A_41 : i32
        %dma_start3A_43 = arith.constant 1 : i32
        %dma_start3A_44 = arith.constant 0 : i32
        %dma_start3A_45 = arith.constant 0 : i32
        %dma_start3A_46 = tpu.memref_slice %arg9[%dma_start3A_43, %dma_start3A_44, %dma_start3A_45] : memref<2x128x128xf32, #tpu.memory_space<vmem>> -> memref<1x128x128xf32, #tpu.memory_space<vmem>>
        %dma_start3A_47 = tpu.memref_squeeze %dma_start3A_46 : memref<1x128x128xf32, #tpu.memory_space<vmem>> -> memref<128x128xf32, #tpu.memory_space<vmem>>
        %dma_start3A_48 = arith.constant 0 : i32
        %dma_start3A_49 = tpu.memref_slice %arg7[%add3A_42, %dma_start3A_48] : memref<32x128xi32, #tpu.memory_space<vmem>> -> memref<1x128xi32, #tpu.memory_space<vmem>>
        %dma_start3A_50 = tpu.memref_squeeze %dma_start3A_49 : memref<1x128xi32, #tpu.memory_space<vmem>> -> memref<128xi32, #tpu.memory_space<vmem>>
        %dma_start3A_51 = arith.constant 0 : i32
        %dma_start3A_52 = arith.constant 0 : i32
        %dma_start3A_53 = tpu.memref_slice %arg2[%dma_start3A_51, %dma_start3A_52] : memref<10000x128xf32, #tpu.memory_space<hbm>> -> memref<10000x128xf32, #tpu.memory_space<hbm>>
        tpu.enqueue_indirect_dma source(%dma_start3A_53 : memref<10000x128xf32, #tpu.memory_space<hbm>>) target(%dma_start3A_47 : memref<128x128xf32, #tpu.memory_space<vmem>>) offsets(%dma_start3A_50 : memref<128xi32, #tpu.memory_space<vmem>>) semaphore(%arg13 : memref<!tpu.dma_semaphore, #tpu.memory_space<semaphore_mem>>)
        %dma_start3A_54 = arith.constant 1 : i32
        %dma_start3A_55 = arith.constant 0 : i32
        %dma_start3A_56 = arith.constant 0 : i32
        %dma_start3A_57 = tpu.memref_slice %arg10[%dma_start3A_54, %dma_start3A_55, %dma_start3A_56] : memref<2x128x128xf32, #tpu.memory_space<vmem>> -> memref<1x128x128xf32, #tpu.memory_space<vmem>>
        %dma_start3A_58 = tpu.memref_squeeze %dma_start3A_57 : memref<1x128x128xf32, #tpu.memory_space<vmem>> -> memref<128x128xf32, #tpu.memory_space<vmem>>
        %dma_start3A_59 = arith.constant 0 : i32
        %dma_start3A_60 = tpu.memref_slice %arg8[%add3A_42, %dma_start3A_59] : memref<32x128xi32, #tpu.memory_space<vmem>> -> memref<1x128xi32, #tpu.memory_space<vmem>>
        %dma_start3A_61 = tpu.memref_squeeze %dma_start3A_60 : memref<1x128xi32, #tpu.memory_space<vmem>> -> memref<128xi32, #tpu.memory_space<vmem>>
        %dma_start3A_62 = arith.constant 0 : i32
        %dma_start3A_63 = arith.constant 0 : i32
        %dma_start3A_64 = tpu.memref_slice %arg2[%dma_start3A_62, %dma_start3A_63] : memref<10000x128xf32, #tpu.memory_space<hbm>> -> memref<10000x128xf32, #tpu.memory_space<hbm>>
        tpu.enqueue_indirect_dma source(%dma_start3A_64 : memref<10000x128xf32, #tpu.memory_space<hbm>>) target(%dma_start3A_58 : memref<128x128xf32, #tpu.memory_space<vmem>>) offsets(%dma_start3A_61 : memref<128xi32, #tpu.memory_space<vmem>>) semaphore(%arg14 : memref<!tpu.dma_semaphore, #tpu.memory_space<semaphore_mem>>)
        %dma_wait3A = arith.constant 0 : i32
        %dma_wait3A_65 = arith.constant 0 : i32
        %dma_wait3A_66 = arith.constant 0 : i32
        %dma_wait3A_67 = tpu.memref_slice %arg9[%dma_wait3A, %dma_wait3A_65, %dma_wait3A_66] : memref<2x128x128xf32, #tpu.memory_space<vmem>> -> memref<1x128x128xf32, #tpu.memory_space<vmem>>
        %dma_wait3A_68 = tpu.memref_squeeze %dma_wait3A_67 : memref<1x128x128xf32, #tpu.memory_space<vmem>> -> memref<128x128xf32, #tpu.memory_space<vmem>>
        %dma_wait3A_69 = arith.constant 0 : i32
        %dma_wait3A_70 = tpu.memref_slice %arg7[%mul3A_40, %dma_wait3A_69] : memref<32x128xi32, #tpu.memory_space<vmem>> -> memref<1x128xi32, #tpu.memory_space<vmem>>
        %dma_wait3A_71 = tpu.memref_squeeze %dma_wait3A_70 : memref<1x128xi32, #tpu.memory_space<vmem>> -> memref<128xi32, #tpu.memory_space<vmem>>
        %dma_wait3A_72 = arith.constant 0 : i32
        %dma_wait3A_73 = arith.constant 0 : i32
        %dma_wait3A_74 = tpu.memref_slice %arg2[%dma_wait3A_72, %dma_wait3A_73] : memref<10000x128xf32, #tpu.memory_space<hbm>> -> memref<10000x128xf32, #tpu.memory_space<hbm>>
        tpu.wait_indirect_dma semaphore(%arg11 : memref<!tpu.dma_semaphore, #tpu.memory_space<semaphore_mem>>) src(%dma_wait3A_74 : memref<10000x128xf32, #tpu.memory_space<hbm>>) dst(%dma_wait3A_68 : memref<128x128xf32, #tpu.memory_space<vmem>>)
        %dma_wait3A_75 = arith.constant 0 : i32
        %dma_wait3A_76 = arith.constant 0 : i32
        %dma_wait3A_77 = arith.constant 0 : i32
        %dma_wait3A_78 = tpu.memref_slice %arg10[%dma_wait3A_75, %dma_wait3A_76, %dma_wait3A_77] : memref<2x128x128xf32, #tpu.memory_space<vmem>> -> memref<1x128x128xf32, #tpu.memory_space<vmem>>
        %dma_wait3A_79 = tpu.memref_squeeze %dma_wait3A_78 : memref<1x128x128xf32, #tpu.memory_space<vmem>> -> memref<128x128xf32, #tpu.memory_space<vmem>>
        %dma_wait3A_80 = arith.constant 0 : i32
        %dma_wait3A_81 = tpu.memref_slice %arg8[%mul3A_40, %dma_wait3A_80] : memref<32x128xi32, #tpu.memory_space<vmem>> -> memref<1x128xi32, #tpu.memory_space<vmem>>
        %dma_wait3A_82 = tpu.memref_squeeze %dma_wait3A_81 : memref<1x128xi32, #tpu.memory_space<vmem>> -> memref<128xi32, #tpu.memory_space<vmem>>
        %dma_wait3A_83 = arith.constant 0 : i32
        %dma_wait3A_84 = arith.constant 0 : i32
        %dma_wait3A_85 = tpu.memref_slice %arg2[%dma_wait3A_83, %dma_wait3A_84] : memref<10000x128xf32, #tpu.memory_space<hbm>> -> memref<10000x128xf32, #tpu.memory_space<hbm>>
        tpu.wait_indirect_dma semaphore(%arg12 : memref<!tpu.dma_semaphore, #tpu.memory_space<semaphore_mem>>) src(%dma_wait3A_85 : memref<10000x128xf32, #tpu.memory_space<hbm>>) dst(%dma_wait3A_79 : memref<128x128xf32, #tpu.memory_space<vmem>>)
        %scan3A_86 = arith.constant 0 : i32
        %scan3A_87 = arith.constant 0 : i32
        %scan3A_88 = arith.constant 128 : i32
        %scan3A_89 = arith.addi %scan3A_87, %scan3A_88 : i32
        %scan3A_90 = arith.constant 1 : i32
        scf.for %scan3A_137 = %scan3A_87 to %scan3A_89 step %scan3A_90  : i32 {
          %get3A = arith.constant 0 : i32
          %get3A_138 = arith.index_cast %get3A : i32 to index
          %get3A_139 = arith.index_cast %scan3A_137 : i32 to index
          %get3A_140 = arith.constant 0 : index
          %get3A_141 = tpu.vector_load %arg9[%get3A_138, %get3A_139, %get3A_140] {strides = array<i32>} : memref<2x128x128xf32, #tpu.memory_space<vmem>>, vector<1x1x16xf32>,
          %get3A_142 = vector.shape_cast %get3A_141 : vector<1x1x16xf32> to vector<16xf32>
          %get3A_143 = arith.constant 0 : i32
          %get3A_144 = arith.index_cast %get3A_143 : i32 to index
          %get3A_145 = arith.index_cast %scan3A_137 : i32 to index
          %get3A_146 = arith.constant 0 : index
          %get3A_147 = tpu.vector_load %arg10[%get3A_144, %get3A_145, %get3A_146] {strides = array<i32>} : memref<2x128x128xf32, #tpu.memory_space<vmem>>, vector<1x1x16xf32>,
          %get3A_148 = vector.shape_cast %get3A_147 : vector<1x1x16xf32> to vector<16xf32>
          %mul3A_149 = arith.mulf %get3A_142, %get3A_148 : vector<16xf32>
          %swap3A = arith.constant 0 : i32
          %swap3A_150 = arith.index_cast %swap3A : i32 to index
          %swap3A_151 = arith.index_cast %scan3A_137 : i32 to index
          %swap3A_152 = arith.constant 0 : index
          %swap3A_153 = tpu.vector_load %arg9[%swap3A_150, %swap3A_151, %swap3A_152] {strides = array<i32>} : memref<2x128x128xf32, #tpu.memory_space<vmem>>, vector<1x1x16xf32>,
          %swap3A_154 = vector.shape_cast %swap3A_153 : vector<1x1x16xf32> to vector<16xf32>
          %swap3A_155 = vector.shape_cast %mul3A_149 : vector<16xf32> to vector<1x1x16xf32>
          tpu.vector_store %arg9[%swap3A_150, %swap3A_151, %swap3A_152], %swap3A_155 {strides = array<i32>} : memref<2x128x128xf32, #tpu.memory_space<vmem>>, vector<1x1x16xf32>,
          %get3A_156 = arith.constant 0 : i32
          %get3A_157 = arith.index_cast %get3A_156 : i32 to index
          %get3A_158 = arith.index_cast %scan3A_137 : i32 to index
          %get3A_159 = arith.constant 16 : index
          %get3A_160 = tpu.vector_load %arg9[%get3A_157, %get3A_158, %get3A_159] {strides = array<i32>} : memref<2x128x128xf32, #tpu.memory_space<vmem>>, vector<1x1x16xf32>,
          %get3A_161 = vector.shape_cast %get3A_160 : vector<1x1x16xf32> to vector<16xf32>
          %get3A_162 = arith.constant 0 : i32
          %get3A_163 = arith.index_cast %get3A_162 : i32 to index
          %get3A_164 = arith.index_cast %scan3A_137 : i32 to index
          %get3A_165 = arith.constant 16 : index
          %get3A_166 = tpu.vector_load %arg10[%get3A_163, %get3A_164, %get3A_165] {strides = array<i32>} : memref<2x128x128xf32, #tpu.memory_space<vmem>>, vector<1x1x16xf32>,
          %get3A_167 = vector.shape_cast %get3A_166 : vector<1x1x16xf32> to vector<16xf32>
          %mul3A_168 = arith.mulf %get3A_161, %get3A_167 : vector<16xf32>
          %swap3A_169 = arith.constant 0 : i32
          %swap3A_170 = arith.index_cast %swap3A_169 : i32 to index
          %swap3A_171 = arith.index_cast %scan3A_137 : i32 to index
          %swap3A_172 = arith.constant 16 : index
          %swap3A_173 = tpu.vector_load %arg9[%swap3A_170, %swap3A_171, %swap3A_172] {strides = array<i32>} : memref<2x128x128xf32, #tpu.memory_space<vmem>>, vector<1x1x16xf32>,
          %swap3A_174 = vector.shape_cast %swap3A_173 : vector<1x1x16xf32> to vector<16xf32>
          %swap3A_175 = vector.shape_cast %mul3A_168 : vector<16xf32> to vector<1x1x16xf32>
          tpu.vector_store %arg9[%swap3A_170, %swap3A_171, %swap3A_172], %swap3A_175 {strides = array<i32>} : memref<2x128x128xf32, #tpu.memory_space<vmem>>, vector<1x1x16xf32>,
          %get3A_176 = arith.constant 0 : i32
          %get3A_177 = arith.index_cast %get3A_176 : i32 to index
          %get3A_178 = arith.index_cast %scan3A_137 : i32 to index
          %get3A_179 = arith.constant 32 : index
          %get3A_180 = tpu.vector_load %arg9[%get3A_177, %get3A_178, %get3A_179] {strides = array<i32>} : memref<2x128x128xf32, #tpu.memory_space<vmem>>, vector<1x1x16xf32>,
          %get3A_181 = vector.shape_cast %get3A_180 : vector<1x1x16xf32> to vector<16xf32>
          %get3A_182 = arith.constant 0 : i32
          %get3A_183 = arith.index_cast %get3A_182 : i32 to index
          %get3A_184 = arith.index_cast %scan3A_137 : i32 to index
          %get3A_185 = arith.constant 32 : index
          %get3A_186 = tpu.vector_load %arg10[%get3A_183, %get3A_184, %get3A_185] {strides = array<i32>} : memref<2x128x128xf32, #tpu.memory_space<vmem>>, vector<1x1x16xf32>,
          %get3A_187 = vector.shape_cast %get3A_186 : vector<1x1x16xf32> to vector<16xf32>
          %mul3A_188 = arith.mulf %get3A_181, %get3A_187 : vector<16xf32>
          %swap3A_189 = arith.constant 0 : i32
          %swap3A_190 = arith.index_cast %swap3A_189 : i32 to index
          %swap3A_191 = arith.index_cast %scan3A_137 : i32 to index
          %swap3A_192 = arith.constant 32 : index
          %swap3A_193 = tpu.vector_load %arg9[%swap3A_190, %swap3A_191, %swap3A_192] {strides = array<i32>} : memref<2x128x128xf32, #tpu.memory_space<vmem>>, vector<1x1x16xf32>,
          %swap3A_194 = vector.shape_cast %swap3A_193 : vector<1x1x16xf32> to vector<16xf32>
          %swap3A_195 = vector.shape_cast %mul3A_188 : vector<16xf32> to vector<1x1x16xf32>
          tpu.vector_store %arg9[%swap3A_190, %swap3A_191, %swap3A_192], %swap3A_195 {strides = array<i32>} : memref<2x128x128xf32, #tpu.memory_space<vmem>>, vector<1x1x16xf32>,
          %get3A_196 = arith.constant 0 : i32
          %get3A_197 = arith.index_cast %get3A_196 : i32 to index
          %get3A_198 = arith.index_cast %scan3A_137 : i32 to index
          %get3A_199 = arith.constant 48 : index
          %get3A_200 = tpu.vector_load %arg9[%get3A_197, %get3A_198, %get3A_199] {strides = array<i32>} : memref<2x128x128xf32, #tpu.memory_space<vmem>>, vector<1x1x16xf32>,
          %get3A_201 = vector.shape_cast %get3A_200 : vector<1x1x16xf32> to vector<16xf32>
          %get3A_202 = arith.constant 0 : i32
          %get3A_203 = arith.index_cast %get3A_202 : i32 to index
          %get3A_204 = arith.index_cast %scan3A_137 : i32 to index
          %get3A_205 = arith.constant 48 : index
          %get3A_206 = tpu.vector_load %arg10[%get3A_203, %get3A_204, %get3A_205] {strides = array<i32>} : memref<2x128x128xf32, #tpu.memory_space<vmem>>, vector<1x1x16xf32>,
          %get3A_207 = vector.shape_cast %get3A_206 : vector<1x1x16xf32> to vector<16xf32>
          %mul3A_208 = arith.mulf %get3A_201, %get3A_207 : vector<16xf32>
          %swap3A_209 = arith.constant 0 : i32
          %swap3A_210 = arith.index_cast %swap3A_209 : i32 to index
          %swap3A_211 = arith.index_cast %scan3A_137 : i32 to index
          %swap3A_212 = arith.constant 48 : index
          %swap3A_213 = tpu.vector_load %arg9[%swap3A_210, %swap3A_211, %swap3A_212] {strides = array<i32>} : memref<2x128x128xf32, #tpu.memory_space<vmem>>, vector<1x1x16xf32>,
          %swap3A_214 = vector.shape_cast %swap3A_213 : vector<1x1x16xf32> to vector<16xf32>
          %swap3A_215 = vector.shape_cast %mul3A_208 : vector<16xf32> to vector<1x1x16xf32>
          tpu.vector_store %arg9[%swap3A_210, %swap3A_211, %swap3A_212], %swap3A_215 {strides = array<i32>} : memref<2x128x128xf32, #tpu.memory_space<vmem>>, vector<1x1x16xf32>,
          %get3A_216 = arith.constant 0 : i32
          %get3A_217 = arith.index_cast %get3A_216 : i32 to index
          %get3A_218 = arith.index_cast %scan3A_137 : i32 to index
          %get3A_219 = arith.constant 64 : index
          %get3A_220 = tpu.vector_load %arg9[%get3A_217, %get3A_218, %get3A_219] {strides = array<i32>} : memref<2x128x128xf32, #tpu.memory_space<vmem>>, vector<1x1x16xf32>,
          %get3A_221 = vector.shape_cast %get3A_220 : vector<1x1x16xf32> to vector<16xf32>
          %get3A_222 = arith.constant 0 : i32
          %get3A_223 = arith.index_cast %get3A_222 : i32 to index
          %get3A_224 = arith.index_cast %scan3A_137 : i32 to index
          %get3A_225 = arith.constant 64 : index
          %get3A_226 = tpu.vector_load %arg10[%get3A_223, %get3A_224, %get3A_225] {strides = array<i32>} : memref<2x128x128xf32, #tpu.memory_space<vmem>>, vector<1x1x16xf32>,
          %get3A_227 = vector.shape_cast %get3A_226 : vector<1x1x16xf32> to vector<16xf32>
          %mul3A_228 = arith.mulf %get3A_221, %get3A_227 : vector<16xf32>
          %swap3A_229 = arith.constant 0 : i32
          %swap3A_230 = arith.index_cast %swap3A_229 : i32 to index
          %swap3A_231 = arith.index_cast %scan3A_137 : i32 to index
          %swap3A_232 = arith.constant 64 : index
          %swap3A_233 = tpu.vector_load %arg9[%swap3A_230, %swap3A_231, %swap3A_232] {strides = array<i32>} : memref<2x128x128xf32, #tpu.memory_space<vmem>>, vector<1x1x16xf32>,
          %swap3A_234 = vector.shape_cast %swap3A_233 : vector<1x1x16xf32> to vector<16xf32>
          %swap3A_235 = vector.shape_cast %mul3A_228 : vector<16xf32> to vector<1x1x16xf32>
          tpu.vector_store %arg9[%swap3A_230, %swap3A_231, %swap3A_232], %swap3A_235 {strides = array<i32>} : memref<2x128x128xf32, #tpu.memory_space<vmem>>, vector<1x1x16xf32>,
          %get3A_236 = arith.constant 0 : i32
          %get3A_237 = arith.index_cast %get3A_236 : i32 to index
          %get3A_238 = arith.index_cast %scan3A_137 : i32 to index
          %get3A_239 = arith.constant 80 : index
          %get3A_240 = tpu.vector_load %arg9[%get3A_237, %get3A_238, %get3A_239] {strides = array<i32>} : memref<2x128x128xf32, #tpu.memory_space<vmem>>, vector<1x1x16xf32>,
          %get3A_241 = vector.shape_cast %get3A_240 : vector<1x1x16xf32> to vector<16xf32>
          %get3A_242 = arith.constant 0 : i32
          %get3A_243 = arith.index_cast %get3A_242 : i32 to index
          %get3A_244 = arith.index_cast %scan3A_137 : i32 to index
          %get3A_245 = arith.constant 80 : index
          %get3A_246 = tpu.vector_load %arg10[%get3A_243, %get3A_244, %get3A_245] {strides = array<i32>} : memref<2x128x128xf32, #tpu.memory_space<vmem>>, vector<1x1x16xf32>,
          %get3A_247 = vector.shape_cast %get3A_246 : vector<1x1x16xf32> to vector<16xf32>
          %mul3A_248 = arith.mulf %get3A_241, %get3A_247 : vector<16xf32>
          %swap3A_249 = arith.constant 0 : i32
          %swap3A_250 = arith.index_cast %swap3A_249 : i32 to index
          %swap3A_251 = arith.index_cast %scan3A_137 : i32 to index
          %swap3A_252 = arith.constant 80 : index
          %swap3A_253 = tpu.vector_load %arg9[%swap3A_250, %swap3A_251, %swap3A_252] {strides = array<i32>} : memref<2x128x128xf32, #tpu.memory_space<vmem>>, vector<1x1x16xf32>,
          %swap3A_254 = vector.shape_cast %swap3A_253 : vector<1x1x16xf32> to vector<16xf32>
          %swap3A_255 = vector.shape_cast %mul3A_248 : vector<16xf32> to vector<1x1x16xf32>
          tpu.vector_store %arg9[%swap3A_250, %swap3A_251, %swap3A_252], %swap3A_255 {strides = array<i32>} : memref<2x128x128xf32, #tpu.memory_space<vmem>>, vector<1x1x16xf32>,
          %get3A_256 = arith.constant 0 : i32
          %get3A_257 = arith.index_cast %get3A_256 : i32 to index
          %get3A_258 = arith.index_cast %scan3A_137 : i32 to index
          %get3A_259 = arith.constant 96 : index
          %get3A_260 = tpu.vector_load %arg9[%get3A_257, %get3A_258, %get3A_259] {strides = array<i32>} : memref<2x128x128xf32, #tpu.memory_space<vmem>>, vector<1x1x16xf32>,
          %get3A_261 = vector.shape_cast %get3A_260 : vector<1x1x16xf32> to vector<16xf32>
          %get3A_262 = arith.constant 0 : i32
          %get3A_263 = arith.index_cast %get3A_262 : i32 to index
          %get3A_264 = arith.index_cast %scan3A_137 : i32 to index
          %get3A_265 = arith.constant 96 : index
          %get3A_266 = tpu.vector_load %arg10[%get3A_263, %get3A_264, %get3A_265] {strides = array<i32>} : memref<2x128x128xf32, #tpu.memory_space<vmem>>, vector<1x1x16xf32>,
          %get3A_267 = vector.shape_cast %get3A_266 : vector<1x1x16xf32> to vector<16xf32>
          %mul3A_268 = arith.mulf %get3A_261, %get3A_267 : vector<16xf32>
          %swap3A_269 = arith.constant 0 : i32
          %swap3A_270 = arith.index_cast %swap3A_269 : i32 to index
          %swap3A_271 = arith.index_cast %scan3A_137 : i32 to index
          %swap3A_272 = arith.constant 96 : index
          %swap3A_273 = tpu.vector_load %arg9[%swap3A_270, %swap3A_271, %swap3A_272] {strides = array<i32>} : memref<2x128x128xf32, #tpu.memory_space<vmem>>, vector<1x1x16xf32>,
          %swap3A_274 = vector.shape_cast %swap3A_273 : vector<1x1x16xf32> to vector<16xf32>
          %swap3A_275 = vector.shape_cast %mul3A_268 : vector<16xf32> to vector<1x1x16xf32>
          tpu.vector_store %arg9[%swap3A_270, %swap3A_271, %swap3A_272], %swap3A_275 {strides = array<i32>} : memref<2x128x128xf32, #tpu.memory_space<vmem>>, vector<1x1x16xf32>,
          %get3A_276 = arith.constant 0 : i32
          %get3A_277 = arith.index_cast %get3A_276 : i32 to index
          %get3A_278 = arith.index_cast %scan3A_137 : i32 to index
          %get3A_279 = arith.constant 112 : index
          %get3A_280 = tpu.vector_load %arg9[%get3A_277, %get3A_278, %get3A_279] {strides = array<i32>} : memref<2x128x128xf32, #tpu.memory_space<vmem>>, vector<1x1x16xf32>,
          %get3A_281 = vector.shape_cast %get3A_280 : vector<1x1x16xf32> to vector<16xf32>
          %get3A_282 = arith.constant 0 : i32
          %get3A_283 = arith.index_cast %get3A_282 : i32 to index
          %get3A_284 = arith.index_cast %scan3A_137 : i32 to index
          %get3A_285 = arith.constant 112 : index
          %get3A_286 = tpu.vector_load %arg10[%get3A_283, %get3A_284, %get3A_285] {strides = array<i32>} : memref<2x128x128xf32, #tpu.memory_space<vmem>>, vector<1x1x16xf32>,
          %get3A_287 = vector.shape_cast %get3A_286 : vector<1x1x16xf32> to vector<16xf32>
          %mul3A_288 = arith.mulf %get3A_281, %get3A_287 : vector<16xf32>
          %swap3A_289 = arith.constant 0 : i32
          %swap3A_290 = arith.index_cast %swap3A_289 : i32 to index
          %swap3A_291 = arith.index_cast %scan3A_137 : i32 to index
          %swap3A_292 = arith.constant 112 : index
          %swap3A_293 = tpu.vector_load %arg9[%swap3A_290, %swap3A_291, %swap3A_292] {strides = array<i32>} : memref<2x128x128xf32, #tpu.memory_space<vmem>>, vector<1x1x16xf32>,
          %swap3A_294 = vector.shape_cast %swap3A_293 : vector<1x1x16xf32> to vector<16xf32>
          %swap3A_295 = vector.shape_cast %mul3A_288 : vector<16xf32> to vector<1x1x16xf32>
          tpu.vector_store %arg9[%swap3A_290, %swap3A_291, %swap3A_292], %swap3A_295 {strides = array<i32>} : memref<2x128x128xf32, #tpu.memory_space<vmem>>, vector<1x1x16xf32>,
        }
        %scan3A_91 = arith.constant 128 : i32
        %mul3A_92 = arith.constant 128 : i32
        %mul3A_93 = arith.muli %mul3A_40, %mul3A_92 : i32
        %add3A_94 = arith.addi %add3A, %mul3A_93 : i32
        %run_scoped3A = arith.constant 0 : i32
        "tpu.region"() ({
          %run_scoped3A_137 = tpu.sem_alloc : memref<!tpu.dma_semaphore, #tpu.memory_space<semaphore_mem>>
          %dma_start3A_138 = arith.constant 0 : i32
          %dma_start3A_139 = arith.constant 0 : i32
          %dma_start3A_140 = tpu.memref_slice %arg9[%run_scoped3A, %dma_start3A_138, %dma_start3A_139] : memref<2x128x128xf32, #tpu.memory_space<vmem>> -> memref<1x128x128xf32, #tpu.memory_space<vmem>>
          %dma_start3A_141 = tpu.memref_squeeze %dma_start3A_140 : memref<1x128x128xf32, #tpu.memory_space<vmem>> -> memref<128x128xf32, #tpu.memory_space<vmem>>
          %dma_start3A_142 = arith.constant 0 : i32
          %dma_start3A_143 = tpu.memref_slice %arg6[%add3A_94, %dma_start3A_142] : memref<131072x128xf32, #tpu.memory_space<hbm>> -> memref<128x128xf32, #tpu.memory_space<hbm>>
          %dma_start3A_144 = arith.constant 0 : i32
          %dma_start3A_145 = tpu.memref_slice %arg6[%add3A_94, %dma_start3A_144] : memref<131072x128xf32, #tpu.memory_space<hbm>> -> memref<128x128xf32, #tpu.memory_space<hbm>>
          %dma_start3A_146 = arith.constant 0 : i32
          %dma_start3A_147 = arith.constant 0 : i32
          %dma_start3A_148 = tpu.memref_slice %arg9[%run_scoped3A, %dma_start3A_146, %dma_start3A_147] : memref<2x128x128xf32, #tpu.memory_space<vmem>> -> memref<1x128x128xf32, #tpu.memory_space<vmem>>
          %dma_start3A_149 = tpu.memref_squeeze %dma_start3A_148 : memref<1x128x128xf32, #tpu.memory_space<vmem>> -> memref<128x128xf32, #tpu.memory_space<vmem>>
          tpu.enqueue_dma source(%dma_start3A_149 : memref<128x128xf32, #tpu.memory_space<vmem>>) target(%dma_start3A_145 : memref<128x128xf32, #tpu.memory_space<hbm>>) target_semaphore(%run_scoped3A_137 : memref<!tpu.dma_semaphore, #tpu.memory_space<semaphore_mem>>)
          %dma_wait3A_150 = arith.constant 0 : i32
          %dma_wait3A_151 = arith.constant 0 : i32
          %dma_wait3A_152 = tpu.memref_slice %arg9[%run_scoped3A, %dma_wait3A_150, %dma_wait3A_151] : memref<2x128x128xf32, #tpu.memory_space<vmem>> -> memref<1x128x128xf32, #tpu.memory_space<vmem>>
          %dma_wait3A_153 = tpu.memref_squeeze %dma_wait3A_152 : memref<1x128x128xf32, #tpu.memory_space<vmem>> -> memref<128x128xf32, #tpu.memory_space<vmem>>
          %dma_wait3A_154 = arith.constant 0 : i32
          %dma_wait3A_155 = tpu.memref_slice %arg6[%add3A_94, %dma_wait3A_154] : memref<131072x128xf32, #tpu.memory_space<hbm>> -> memref<128x128xf32, #tpu.memory_space<hbm>>
          %dma_wait3A_156 = arith.constant 0 : i32
          %dma_wait3A_157 = tpu.memref_slice %arg6[%add3A_94, %dma_wait3A_156] : memref<131072x128xf32, #tpu.memory_space<hbm>> -> memref<128x128xf32, #tpu.memory_space<hbm>>
          %dma_wait3A_158 = arith.constant 0 : i32
          %dma_wait3A_159 = arith.constant 0 : i32
          %dma_wait3A_160 = tpu.memref_slice %arg9[%run_scoped3A, %dma_wait3A_158, %dma_wait3A_159] : memref<2x128x128xf32, #tpu.memory_space<vmem>> -> memref<1x128x128xf32, #tpu.memory_space<vmem>>
          %dma_wait3A_161 = tpu.memref_squeeze %dma_wait3A_160 : memref<1x128x128xf32, #tpu.memory_space<vmem>> -> memref<128x128xf32, #tpu.memory_space<vmem>>
          tpu.wait_dma2 semaphore(%run_scoped3A_137 : memref<!tpu.dma_semaphore, #tpu.memory_space<semaphore_mem>>) src(%dma_wait3A_161 : memref<128x128xf32, #tpu.memory_space<vmem>>) dst(%dma_wait3A_157 : memref<128x128xf32, #tpu.memory_space<hbm>>)
          tpu.yield
        }) : () -> ()
        %add3A_95 = arith.constant 2 : i32
        %add3A_96 = arith.addi %mul3A_40, %add3A_95 : i32
        %lt3A = arith.constant 32 : i32
        %lt3A_97 = arith.cmpi slt, %add3A_96, %lt3A : i32
        %convert_element_type3A_98 = arith.extui %lt3A_97 : i1 to i32
        %cond3A_99 = arith.constant 0 : i32
        %cond3A_100 = arith.cmpi ne, %convert_element_type3A_98, %cond3A_99 : i32
        scf.if %cond3A_100 {
          %add3A_137 = arith.constant 2 : i32
          %add3A_138 = arith.addi %mul3A_40, %add3A_137 : i32
          %dma_start3A_139 = arith.constant 0 : i32
          %dma_start3A_140 = arith.constant 0 : i32
          %dma_start3A_141 = arith.constant 0 : i32
          %dma_start3A_142 = tpu.memref_slice %arg9[%dma_start3A_139, %dma_start3A_140, %dma_start3A_141] : memref<2x128x128xf32, #tpu.memory_space<vmem>> -> memref<1x128x128xf32, #tpu.memory_space<vmem>>
          %dma_start3A_143 = tpu.memref_squeeze %dma_start3A_142 : memref<1x128x128xf32, #tpu.memory_space<vmem>> -> memref<128x128xf32, #tpu.memory_space<vmem>>
          %dma_start3A_144 = arith.constant 0 : i32
          %dma_start3A_145 = tpu.memref_slice %arg7[%add3A_138, %dma_start3A_144] : memref<32x128xi32, #tpu.memory_space<vmem>> -> memref<1x128xi32, #tpu.memory_space<vmem>>
          %dma_start3A_146 = tpu.memref_squeeze %dma_start3A_145 : memref<1x128xi32, #tpu.memory_space<vmem>> -> memref<128xi32, #tpu.memory_space<vmem>>
          %dma_start3A_147 = arith.constant 0 : i32
          %dma_start3A_148 = arith.constant 0 : i32
          %dma_start3A_149 = tpu.memref_slice %arg2[%dma_start3A_147, %dma_start3A_148] : memref<10000x128xf32, #tpu.memory_space<hbm>> -> memref<10000x128xf32, #tpu.memory_space<hbm>>
          tpu.enqueue_indirect_dma source(%dma_start3A_149 : memref<10000x128xf32, #tpu.memory_space<hbm>>) target(%dma_start3A_143 : memref<128x128xf32, #tpu.memory_space<vmem>>) offsets(%dma_start3A_146 : memref<128xi32, #tpu.memory_space<vmem>>) semaphore(%arg11 : memref<!tpu.dma_semaphore, #tpu.memory_space<semaphore_mem>>)
          %dma_start3A_150 = arith.constant 0 : i32
          %dma_start3A_151 = arith.constant 0 : i32
          %dma_start3A_152 = arith.constant 0 : i32
          %dma_start3A_153 = tpu.memref_slice %arg10[%dma_start3A_150, %dma_start3A_151, %dma_start3A_152] : memref<2x128x128xf32, #tpu.memory_space<vmem>> -> memref<1x128x128xf32, #tpu.memory_space<vmem>>
          %dma_start3A_154 = tpu.memref_squeeze %dma_start3A_153 : memref<1x128x128xf32, #tpu.memory_space<vmem>> -> memref<128x128xf32, #tpu.memory_space<vmem>>
          %dma_start3A_155 = arith.constant 0 : i32
          %dma_start3A_156 = tpu.memref_slice %arg8[%add3A_138, %dma_start3A_155] : memref<32x128xi32, #tpu.memory_space<vmem>> -> memref<1x128xi32, #tpu.memory_space<vmem>>
          %dma_start3A_157 = tpu.memref_squeeze %dma_start3A_156 : memref<1x128xi32, #tpu.memory_space<vmem>> -> memref<128xi32, #tpu.memory_space<vmem>>
          %dma_start3A_158 = arith.constant 0 : i32
          %dma_start3A_159 = arith.constant 0 : i32
          %dma_start3A_160 = tpu.memref_slice %arg2[%dma_start3A_158, %dma_start3A_159] : memref<10000x128xf32, #tpu.memory_space<hbm>> -> memref<10000x128xf32, #tpu.memory_space<hbm>>
          tpu.enqueue_indirect_dma source(%dma_start3A_160 : memref<10000x128xf32, #tpu.memory_space<hbm>>) target(%dma_start3A_154 : memref<128x128xf32, #tpu.memory_space<vmem>>) offsets(%dma_start3A_157 : memref<128xi32, #tpu.memory_space<vmem>>) semaphore(%arg12 : memref<!tpu.dma_semaphore, #tpu.memory_space<semaphore_mem>>)
        } else {
        }
        %add3A_101 = arith.constant 1 : i32
        %add3A_102 = arith.addi %mul3A_40, %add3A_101 : i32
        %dma_wait3A_103 = arith.constant 1 : i32
        %dma_wait3A_104 = arith.constant 0 : i32
        %dma_wait3A_105 = arith.constant 0 : i32
        %dma_wait3A_106 = tpu.memref_slice %arg9[%dma_wait3A_103, %dma_wait3A_104, %dma_wait3A_105] : memref<2x128x128xf32, #tpu.memory_space<vmem>> -> memref<1x128x128xf32, #tpu.memory_space<vmem>>
        %dma_wait3A_107 = tpu.memref_squeeze %dma_wait3A_106 : memref<1x128x128xf32, #tpu.memory_space<vmem>> -> memref<128x128xf32, #tpu.memory_space<vmem>>
        %dma_wait3A_108 = arith.constant 0 : i32
        %dma_wait3A_109 = tpu.memref_slice %arg7[%add3A_102, %dma_wait3A_108] : memref<32x128xi32, #tpu.memory_space<vmem>> -> memref<1x128xi32, #tpu.memory_space<vmem>>
        %dma_wait3A_110 = tpu.memref_squeeze %dma_wait3A_109 : memref<1x128xi32, #tpu.memory_space<vmem>> -> memref<128xi32, #tpu.memory_space<vmem>>
        %dma_wait3A_111 = arith.constant 0 : i32
        %dma_wait3A_112 = arith.constant 0 : i32
        %dma_wait3A_113 = tpu.memref_slice %arg2[%dma_wait3A_111, %dma_wait3A_112] : memref<10000x128xf32, #tpu.memory_space<hbm>> -> memref<10000x128xf32, #tpu.memory_space<hbm>>
        tpu.wait_indirect_dma semaphore(%arg13 : memref<!tpu.dma_semaphore, #tpu.memory_space<semaphore_mem>>) src(%dma_wait3A_113 : memref<10000x128xf32, #tpu.memory_space<hbm>>) dst(%dma_wait3A_107 : memref<128x128xf32, #tpu.memory_space<vmem>>)
        %dma_wait3A_114 = arith.constant 1 : i32
        %dma_wait3A_115 = arith.constant 0 : i32
        %dma_wait3A_116 = arith.constant 0 : i32
        %dma_wait3A_117 = tpu.memref_slice %arg10[%dma_wait3A_114, %dma_wait3A_115, %dma_wait3A_116] : memref<2x128x128xf32, #tpu.memory_space<vmem>> -> memref<1x128x128xf32, #tpu.memory_space<vmem>>
        %dma_wait3A_118 = tpu.memref_squeeze %dma_wait3A_117 : memref<1x128x128xf32, #tpu.memory_space<vmem>> -> memref<128x128xf32, #tpu.memory_space<vmem>>
        %dma_wait3A_119 = arith.constant 0 : i32
        %dma_wait3A_120 = tpu.memref_slice %arg8[%add3A_102, %dma_wait3A_119] : memref<32x128xi32, #tpu.memory_space<vmem>> -> memref<1x128xi32, #tpu.memory_space<vmem>>
        %dma_wait3A_121 = tpu.memref_squeeze %dma_wait3A_120 : memref<1x128xi32, #tpu.memory_space<vmem>> -> memref<128xi32, #tpu.memory_space<vmem>>
        %dma_wait3A_122 = arith.constant 0 : i32
        %dma_wait3A_123 = arith.constant 0 : i32
        %dma_wait3A_124 = tpu.memref_slice %arg2[%dma_wait3A_122, %dma_wait3A_123] : memref<10000x128xf32, #tpu.memory_space<hbm>> -> memref<10000x128xf32, #tpu.memory_space<hbm>>
        tpu.wait_indirect_dma semaphore(%arg14 : memref<!tpu.dma_semaphore, #tpu.memory_space<semaphore_mem>>) src(%dma_wait3A_124 : memref<10000x128xf32, #tpu.memory_space<hbm>>) dst(%dma_wait3A_118 : memref<128x128xf32, #tpu.memory_space<vmem>>)
        %add3A_125 = arith.constant 1 : i32
        %add3A_126 = arith.addi %mul3A_40, %add3A_125 : i32
        %scan3A_127 = arith.constant 0 : i32
        %scan3A_128 = arith.constant 0 : i32
        %scan3A_129 = arith.constant 128 : i32
        %scan3A_130 = arith.addi %scan3A_128, %scan3A_129 : i32
        %scan3A_131 = arith.constant 1 : i32
        scf.for %scan3A_137 = %scan3A_128 to %scan3A_130 step %scan3A_131  : i32 {
          %get3A = arith.constant 1 : i32
          %get3A_138 = arith.index_cast %get3A : i32 to index
          %get3A_139 = arith.index_cast %scan3A_137 : i32 to index
          %get3A_140 = arith.constant 0 : index
          %get3A_141 = tpu.vector_load %arg9[%get3A_138, %get3A_139, %get3A_140] {strides = array<i32>} : memref<2x128x128xf32, #tpu.memory_space<vmem>>, vector<1x1x16xf32>,
          %get3A_142 = vector.shape_cast %get3A_141 : vector<1x1x16xf32> to vector<16xf32>
          %get3A_143 = arith.constant 1 : i32
          %get3A_144 = arith.index_cast %get3A_143 : i32 to index
          %get3A_145 = arith.index_cast %scan3A_137 : i32 to index
          %get3A_146 = arith.constant 0 : index
          %get3A_147 = tpu.vector_load %arg10[%get3A_144, %get3A_145, %get3A_146] {strides = array<i32>} : memref<2x128x128xf32, #tpu.memory_space<vmem>>, vector<1x1x16xf32>,
          %get3A_148 = vector.shape_cast %get3A_147 : vector<1x1x16xf32> to vector<16xf32>
          %mul3A_149 = arith.mulf %get3A_142, %get3A_148 : vector<16xf32>
          %swap3A = arith.constant 1 : i32
          %swap3A_150 = arith.index_cast %swap3A : i32 to index
          %swap3A_151 = arith.index_cast %scan3A_137 : i32 to index
          %swap3A_152 = arith.constant 0 : index
          %swap3A_153 = tpu.vector_load %arg9[%swap3A_150, %swap3A_151, %swap3A_152] {strides = array<i32>} : memref<2x128x128xf32, #tpu.memory_space<vmem>>, vector<1x1x16xf32>,
          %swap3A_154 = vector.shape_cast %swap3A_153 : vector<1x1x16xf32> to vector<16xf32>
          %swap3A_155 = vector.shape_cast %mul3A_149 : vector<16xf32> to vector<1x1x16xf32>
          tpu.vector_store %arg9[%swap3A_150, %swap3A_151, %swap3A_152], %swap3A_155 {strides = array<i32>} : memref<2x128x128xf32, #tpu.memory_space<vmem>>, vector<1x1x16xf32>,
          %get3A_156 = arith.constant 1 : i32
          %get3A_157 = arith.index_cast %get3A_156 : i32 to index
          %get3A_158 = arith.index_cast %scan3A_137 : i32 to index
          %get3A_159 = arith.constant 16 : index
          %get3A_160 = tpu.vector_load %arg9[%get3A_157, %get3A_158, %get3A_159] {strides = array<i32>} : memref<2x128x128xf32, #tpu.memory_space<vmem>>, vector<1x1x16xf32>,
          %get3A_161 = vector.shape_cast %get3A_160 : vector<1x1x16xf32> to vector<16xf32>
          %get3A_162 = arith.constant 1 : i32
          %get3A_163 = arith.index_cast %get3A_162 : i32 to index
          %get3A_164 = arith.index_cast %scan3A_137 : i32 to index
          %get3A_165 = arith.constant 16 : index
          %get3A_166 = tpu.vector_load %arg10[%get3A_163, %get3A_164, %get3A_165] {strides = array<i32>} : memref<2x128x128xf32, #tpu.memory_space<vmem>>, vector<1x1x16xf32>,
          %get3A_167 = vector.shape_cast %get3A_166 : vector<1x1x16xf32> to vector<16xf32>
          %mul3A_168 = arith.mulf %get3A_161, %get3A_167 : vector<16xf32>
          %swap3A_169 = arith.constant 1 : i32
          %swap3A_170 = arith.index_cast %swap3A_169 : i32 to index
          %swap3A_171 = arith.index_cast %scan3A_137 : i32 to index
          %swap3A_172 = arith.constant 16 : index
          %swap3A_173 = tpu.vector_load %arg9[%swap3A_170, %swap3A_171, %swap3A_172] {strides = array<i32>} : memref<2x128x128xf32, #tpu.memory_space<vmem>>, vector<1x1x16xf32>,
          %swap3A_174 = vector.shape_cast %swap3A_173 : vector<1x1x16xf32> to vector<16xf32>
          %swap3A_175 = vector.shape_cast %mul3A_168 : vector<16xf32> to vector<1x1x16xf32>
          tpu.vector_store %arg9[%swap3A_170, %swap3A_171, %swap3A_172], %swap3A_175 {strides = array<i32>} : memref<2x128x128xf32, #tpu.memory_space<vmem>>, vector<1x1x16xf32>,
          %get3A_176 = arith.constant 1 : i32
          %get3A_177 = arith.index_cast %get3A_176 : i32 to index
          %get3A_178 = arith.index_cast %scan3A_137 : i32 to index
          %get3A_179 = arith.constant 32 : index
          %get3A_180 = tpu.vector_load %arg9[%get3A_177, %get3A_178, %get3A_179] {strides = array<i32>} : memref<2x128x128xf32, #tpu.memory_space<vmem>>, vector<1x1x16xf32>,
          %get3A_181 = vector.shape_cast %get3A_180 : vector<1x1x16xf32> to vector<16xf32>
          %get3A_182 = arith.constant 1 : i32
          %get3A_183 = arith.index_cast %get3A_182 : i32 to index
          %get3A_184 = arith.index_cast %scan3A_137 : i32 to index
          %get3A_185 = arith.constant 32 : index
          %get3A_186 = tpu.vector_load %arg10[%get3A_183, %get3A_184, %get3A_185] {strides = array<i32>} : memref<2x128x128xf32, #tpu.memory_space<vmem>>, vector<1x1x16xf32>,
          %get3A_187 = vector.shape_cast %get3A_186 : vector<1x1x16xf32> to vector<16xf32>
          %mul3A_188 = arith.mulf %get3A_181, %get3A_187 : vector<16xf32>
          %swap3A_189 = arith.constant 1 : i32
          %swap3A_190 = arith.index_cast %swap3A_189 : i32 to index
          %swap3A_191 = arith.index_cast %scan3A_137 : i32 to index
          %swap3A_192 = arith.constant 32 : index
          %swap3A_193 = tpu.vector_load %arg9[%swap3A_190, %swap3A_191, %swap3A_192] {strides = array<i32>} : memref<2x128x128xf32, #tpu.memory_space<vmem>>, vector<1x1x16xf32>,
          %swap3A_194 = vector.shape_cast %swap3A_193 : vector<1x1x16xf32> to vector<16xf32>
          %swap3A_195 = vector.shape_cast %mul3A_188 : vector<16xf32> to vector<1x1x16xf32>
          tpu.vector_store %arg9[%swap3A_190, %swap3A_191, %swap3A_192], %swap3A_195 {strides = array<i32>} : memref<2x128x128xf32, #tpu.memory_space<vmem>>, vector<1x1x16xf32>,
          %get3A_196 = arith.constant 1 : i32
          %get3A_197 = arith.index_cast %get3A_196 : i32 to index
          %get3A_198 = arith.index_cast %scan3A_137 : i32 to index
          %get3A_199 = arith.constant 48 : index
          %get3A_200 = tpu.vector_load %arg9[%get3A_197, %get3A_198, %get3A_199] {strides = array<i32>} : memref<2x128x128xf32, #tpu.memory_space<vmem>>, vector<1x1x16xf32>,
          %get3A_201 = vector.shape_cast %get3A_200 : vector<1x1x16xf32> to vector<16xf32>
          %get3A_202 = arith.constant 1 : i32
          %get3A_203 = arith.index_cast %get3A_202 : i32 to index
          %get3A_204 = arith.index_cast %scan3A_137 : i32 to index
          %get3A_205 = arith.constant 48 : index
          %get3A_206 = tpu.vector_load %arg10[%get3A_203, %get3A_204, %get3A_205] {strides = array<i32>} : memref<2x128x128xf32, #tpu.memory_space<vmem>>, vector<1x1x16xf32>,
          %get3A_207 = vector.shape_cast %get3A_206 : vector<1x1x16xf32> to vector<16xf32>
          %mul3A_208 = arith.mulf %get3A_201, %get3A_207 : vector<16xf32>
          %swap3A_209 = arith.constant 1 : i32
          %swap3A_210 = arith.index_cast %swap3A_209 : i32 to index
          %swap3A_211 = arith.index_cast %scan3A_137 : i32 to index
          %swap3A_212 = arith.constant 48 : index
          %swap3A_213 = tpu.vector_load %arg9[%swap3A_210, %swap3A_211, %swap3A_212] {strides = array<i32>} : memref<2x128x128xf32, #tpu.memory_space<vmem>>, vector<1x1x16xf32>,
          %swap3A_214 = vector.shape_cast %swap3A_213 : vector<1x1x16xf32> to vector<16xf32>
          %swap3A_215 = vector.shape_cast %mul3A_208 : vector<16xf32> to vector<1x1x16xf32>
          tpu.vector_store %arg9[%swap3A_210, %swap3A_211, %swap3A_212], %swap3A_215 {strides = array<i32>} : memref<2x128x128xf32, #tpu.memory_space<vmem>>, vector<1x1x16xf32>,
          %get3A_216 = arith.constant 1 : i32
          %get3A_217 = arith.index_cast %get3A_216 : i32 to index
          %get3A_218 = arith.index_cast %scan3A_137 : i32 to index
          %get3A_219 = arith.constant 64 : index
          %get3A_220 = tpu.vector_load %arg9[%get3A_217, %get3A_218, %get3A_219] {strides = array<i32>} : memref<2x128x128xf32, #tpu.memory_space<vmem>>, vector<1x1x16xf32>,
          %get3A_221 = vector.shape_cast %get3A_220 : vector<1x1x16xf32> to vector<16xf32>
          %get3A_222 = arith.constant 1 : i32
          %get3A_223 = arith.index_cast %get3A_222 : i32 to index
          %get3A_224 = arith.index_cast %scan3A_137 : i32 to index
          %get3A_225 = arith.constant 64 : index
          %get3A_226 = tpu.vector_load %arg10[%get3A_223, %get3A_224, %get3A_225] {strides = array<i32>} : memref<2x128x128xf32, #tpu.memory_space<vmem>>, vector<1x1x16xf32>,
          %get3A_227 = vector.shape_cast %get3A_226 : vector<1x1x16xf32> to vector<16xf32>
          %mul3A_228 = arith.mulf %get3A_221, %get3A_227 : vector<16xf32>
          %swap3A_229 = arith.constant 1 : i32
          %swap3A_230 = arith.index_cast %swap3A_229 : i32 to index
          %swap3A_231 = arith.index_cast %scan3A_137 : i32 to index
          %swap3A_232 = arith.constant 64 : index
          %swap3A_233 = tpu.vector_load %arg9[%swap3A_230, %swap3A_231, %swap3A_232] {strides = array<i32>} : memref<2x128x128xf32, #tpu.memory_space<vmem>>, vector<1x1x16xf32>,
          %swap3A_234 = vector.shape_cast %swap3A_233 : vector<1x1x16xf32> to vector<16xf32>
          %swap3A_235 = vector.shape_cast %mul3A_228 : vector<16xf32> to vector<1x1x16xf32>
          tpu.vector_store %arg9[%swap3A_230, %swap3A_231, %swap3A_232], %swap3A_235 {strides = array<i32>} : memref<2x128x128xf32, #tpu.memory_space<vmem>>, vector<1x1x16xf32>,
          %get3A_236 = arith.constant 1 : i32
          %get3A_237 = arith.index_cast %get3A_236 : i32 to index
          %get3A_238 = arith.index_cast %scan3A_137 : i32 to index
          %get3A_239 = arith.constant 80 : index
          %get3A_240 = tpu.vector_load %arg9[%get3A_237, %get3A_238, %get3A_239] {strides = array<i32>} : memref<2x128x128xf32, #tpu.memory_space<vmem>>, vector<1x1x16xf32>,
          %get3A_241 = vector.shape_cast %get3A_240 : vector<1x1x16xf32> to vector<16xf32>
          %get3A_242 = arith.constant 1 : i32
          %get3A_243 = arith.index_cast %get3A_242 : i32 to index
          %get3A_244 = arith.index_cast %scan3A_137 : i32 to index
          %get3A_245 = arith.constant 80 : index
          %get3A_246 = tpu.vector_load %arg10[%get3A_243, %get3A_244, %get3A_245] {strides = array<i32>} : memref<2x128x128xf32, #tpu.memory_space<vmem>>, vector<1x1x16xf32>,
          %get3A_247 = vector.shape_cast %get3A_246 : vector<1x1x16xf32> to vector<16xf32>
          %mul3A_248 = arith.mulf %get3A_241, %get3A_247 : vector<16xf32>
          %swap3A_249 = arith.constant 1 : i32
          %swap3A_250 = arith.index_cast %swap3A_249 : i32 to index
          %swap3A_251 = arith.index_cast %scan3A_137 : i32 to index
          %swap3A_252 = arith.constant 80 : index
          %swap3A_253 = tpu.vector_load %arg9[%swap3A_250, %swap3A_251, %swap3A_252] {strides = array<i32>} : memref<2x128x128xf32, #tpu.memory_space<vmem>>, vector<1x1x16xf32>,
          %swap3A_254 = vector.shape_cast %swap3A_253 : vector<1x1x16xf32> to vector<16xf32>
          %swap3A_255 = vector.shape_cast %mul3A_248 : vector<16xf32> to vector<1x1x16xf32>
          tpu.vector_store %arg9[%swap3A_250, %swap3A_251, %swap3A_252], %swap3A_255 {strides = array<i32>} : memref<2x128x128xf32, #tpu.memory_space<vmem>>, vector<1x1x16xf32>,
          %get3A_256 = arith.constant 1 : i32
          %get3A_257 = arith.index_cast %get3A_256 : i32 to index
          %get3A_258 = arith.index_cast %scan3A_137 : i32 to index
          %get3A_259 = arith.constant 96 : index
          %get3A_260 = tpu.vector_load %arg9[%get3A_257, %get3A_258, %get3A_259] {strides = array<i32>} : memref<2x128x128xf32, #tpu.memory_space<vmem>>, vector<1x1x16xf32>,
          %get3A_261 = vector.shape_cast %get3A_260 : vector<1x1x16xf32> to vector<16xf32>
          %get3A_262 = arith.constant 1 : i32
          %get3A_263 = arith.index_cast %get3A_262 : i32 to index
          %get3A_264 = arith.index_cast %scan3A_137 : i32 to index
          %get3A_265 = arith.constant 96 : index
          %get3A_266 = tpu.vector_load %arg10[%get3A_263, %get3A_264, %get3A_265] {strides = array<i32>} : memref<2x128x128xf32, #tpu.memory_space<vmem>>, vector<1x1x16xf32>,
          %get3A_267 = vector.shape_cast %get3A_266 : vector<1x1x16xf32> to vector<16xf32>
          %mul3A_268 = arith.mulf %get3A_261, %get3A_267 : vector<16xf32>
          %swap3A_269 = arith.constant 1 : i32
          %swap3A_270 = arith.index_cast %swap3A_269 : i32 to index
          %swap3A_271 = arith.index_cast %scan3A_137 : i32 to index
          %swap3A_272 = arith.constant 96 : index
          %swap3A_273 = tpu.vector_load %arg9[%swap3A_270, %swap3A_271, %swap3A_272] {strides = array<i32>} : memref<2x128x128xf32, #tpu.memory_space<vmem>>, vector<1x1x16xf32>,
          %swap3A_274 = vector.shape_cast %swap3A_273 : vector<1x1x16xf32> to vector<16xf32>
          %swap3A_275 = vector.shape_cast %mul3A_268 : vector<16xf32> to vector<1x1x16xf32>
          tpu.vector_store %arg9[%swap3A_270, %swap3A_271, %swap3A_272], %swap3A_275 {strides = array<i32>} : memref<2x128x128xf32, #tpu.memory_space<vmem>>, vector<1x1x16xf32>,
          %get3A_276 = arith.constant 1 : i32
          %get3A_277 = arith.index_cast %get3A_276 : i32 to index
          %get3A_278 = arith.index_cast %scan3A_137 : i32 to index
          %get3A_279 = arith.constant 112 : index
          %get3A_280 = tpu.vector_load %arg9[%get3A_277, %get3A_278, %get3A_279] {strides = array<i32>} : memref<2x128x128xf32, #tpu.memory_space<vmem>>, vector<1x1x16xf32>,
          %get3A_281 = vector.shape_cast %get3A_280 : vector<1x1x16xf32> to vector<16xf32>
          %get3A_282 = arith.constant 1 : i32
          %get3A_283 = arith.index_cast %get3A_282 : i32 to index
          %get3A_284 = arith.index_cast %scan3A_137 : i32 to index
          %get3A_285 = arith.constant 112 : index
          %get3A_286 = tpu.vector_load %arg10[%get3A_283, %get3A_284, %get3A_285] {strides = array<i32>} : memref<2x128x128xf32, #tpu.memory_space<vmem>>, vector<1x1x16xf32>,
          %get3A_287 = vector.shape_cast %get3A_286 : vector<1x1x16xf32> to vector<16xf32>
          %mul3A_288 = arith.mulf %get3A_281, %get3A_287 : vector<16xf32>
          %swap3A_289 = arith.constant 1 : i32
          %swap3A_290 = arith.index_cast %swap3A_289 : i32 to index
          %swap3A_291 = arith.index_cast %scan3A_137 : i32 to index
          %swap3A_292 = arith.constant 112 : index
          %swap3A_293 = tpu.vector_load %arg9[%swap3A_290, %swap3A_291, %swap3A_292] {strides = array<i32>} : memref<2x128x128xf32, #tpu.memory_space<vmem>>, vector<1x1x16xf32>,
          %swap3A_294 = vector.shape_cast %swap3A_293 : vector<1x1x16xf32> to vector<16xf32>
          %swap3A_295 = vector.shape_cast %mul3A_288 : vector<16xf32> to vector<1x1x16xf32>
          tpu.vector_store %arg9[%swap3A_290, %swap3A_291, %swap3A_292], %swap3A_295 {strides = array<i32>} : memref<2x128x128xf32, #tpu.memory_space<vmem>>, vector<1x1x16xf32>,
        }
        %scan3A_132 = arith.constant 128 : i32
        %mul3A_133 = arith.constant 128 : i32
        %mul3A_134 = arith.muli %add3A_126, %mul3A_133 : i32
        %add3A_135 = arith.addi %add3A, %mul3A_134 : i32
        %run_scoped3A_136 = arith.constant 1 : i32
        "tpu.region"() ({
          %run_scoped3A_137 = tpu.sem_alloc : memref<!tpu.dma_semaphore, #tpu.memory_space<semaphore_mem>>
          %dma_start3A_138 = arith.constant 0 : i32
          %dma_start3A_139 = arith.constant 0 : i32
          %dma_start3A_140 = tpu.memref_slice %arg9[%run_scoped3A_136, %dma_start3A_138, %dma_start3A_139] : memref<2x128x128xf32, #tpu.memory_space<vmem>> -> memref<1x128x128xf32, #tpu.memory_space<vmem>>
          %dma_start3A_141 = tpu.memref_squeeze %dma_start3A_140 : memref<1x128x128xf32, #tpu.memory_space<vmem>> -> memref<128x128xf32, #tpu.memory_space<vmem>>
          %dma_start3A_142 = arith.constant 0 : i32
          %dma_start3A_143 = tpu.memref_slice %arg6[%add3A_135, %dma_start3A_142] : memref<131072x128xf32, #tpu.memory_space<hbm>> -> memref<128x128xf32, #tpu.memory_space<hbm>>
          %dma_start3A_144 = arith.constant 0 : i32
          %dma_start3A_145 = tpu.memref_slice %arg6[%add3A_135, %dma_start3A_144] : memref<131072x128xf32, #tpu.memory_space<hbm>> -> memref<128x128xf32, #tpu.memory_space<hbm>>
          %dma_start3A_146 = arith.constant 0 : i32
          %dma_start3A_147 = arith.constant 0 : i32
          %dma_start3A_148 = tpu.memref_slice %arg9[%run_scoped3A_136, %dma_start3A_146, %dma_start3A_147] : memref<2x128x128xf32, #tpu.memory_space<vmem>> -> memref<1x128x128xf32, #tpu.memory_space<vmem>>
          %dma_start3A_149 = tpu.memref_squeeze %dma_start3A_148 : memref<1x128x128xf32, #tpu.memory_space<vmem>> -> memref<128x128xf32, #tpu.memory_space<vmem>>
          tpu.enqueue_dma source(%dma_start3A_149 : memref<128x128xf32, #tpu.memory_space<vmem>>) target(%dma_start3A_145 : memref<128x128xf32, #tpu.memory_space<hbm>>) target_semaphore(%run_scoped3A_137 : memref<!tpu.dma_semaphore, #tpu.memory_space<semaphore_mem>>)
          %dma_wait3A_150 = arith.constant 0 : i32
          %dma_wait3A_151 = arith.constant 0 : i32
          %dma_wait3A_152 = tpu.memref_slice %arg9[%run_scoped3A_136, %dma_wait3A_150, %dma_wait3A_151] : memref<2x128x128xf32, #tpu.memory_space<vmem>> -> memref<1x128x128xf32, #tpu.memory_space<vmem>>
          %dma_wait3A_153 = tpu.memref_squeeze %dma_wait3A_152 : memref<1x128x128xf32, #tpu.memory_space<vmem>> -> memref<128x128xf32, #tpu.memory_space<vmem>>
          %dma_wait3A_154 = arith.constant 0 : i32
          %dma_wait3A_155 = tpu.memref_slice %arg6[%add3A_135, %dma_wait3A_154] : memref<131072x128xf32, #tpu.memory_space<hbm>> -> memref<128x128xf32, #tpu.memory_space<hbm>>
          %dma_wait3A_156 = arith.constant 0 : i32
          %dma_wait3A_157 = tpu.memref_slice %arg6[%add3A_135, %dma_wait3A_156] : memref<131072x128xf32, #tpu.memory_space<hbm>> -> memref<128x128xf32, #tpu.memory_space<hbm>>
          %dma_wait3A_158 = arith.constant 0 : i32
          %dma_wait3A_159 = arith.constant 0 : i32
          %dma_wait3A_160 = tpu.memref_slice %arg9[%run_scoped3A_136, %dma_wait3A_158, %dma_wait3A_159] : memref<2x128x128xf32, #tpu.memory_space<vmem>> -> memref<1x128x128xf32, #tpu.memory_space<vmem>>
          %dma_wait3A_161 = tpu.memref_squeeze %dma_wait3A_160 : memref<1x128x128xf32, #tpu.memory_space<vmem>> -> memref<128x128xf32, #tpu.memory_space<vmem>>
          tpu.wait_dma2 semaphore(%run_scoped3A_137 : memref<!tpu.dma_semaphore, #tpu.memory_space<semaphore_mem>>) src(%dma_wait3A_161 : memref<128x128xf32, #tpu.memory_space<vmem>>) dst(%dma_wait3A_157 : memref<128x128xf32, #tpu.memory_space<hbm>>)
          tpu.yield
        }) : () -> ()
      }
      %scan3A_37 = arith.constant 16 : i32
    } else {
    }
    %eq3A_5 = arith.constant 1 : i32
    %eq3A_6 = arith.cmpi eq, %arg0, %eq3A_5 : i32
    %convert_element_type3A_7 = arith.extui %eq3A_6 : i1 to i32
    %cond3A_8 = arith.constant 0 : i32
    %cond3A_9 = arith.cmpi ne, %convert_element_type3A_7, %cond3A_8 : i32
    scf.if %cond3A_9 {
      %dma_start3A = arith.constant 0 : i32
      %dma_start3A_10 = arith.constant 0 : i32
      %dma_start3A_11 = arith.constant 0 : i32
      %dma_start3A_12 = arith.constant 0 : i32
      %dma_start3A_13 = tpu.memref_slice %arg9[%dma_start3A_10, %dma_start3A_11, %dma_start3A_12] : memref<2x128x128xf32, #tpu.memory_space<vmem>> -> memref<1x128x128xf32, #tpu.memory_space<vmem>>
      %dma_start3A_14 = tpu.memref_squeeze %dma_start3A_13 : memref<1x128x128xf32, #tpu.memory_space<vmem>> -> memref<128x128xf32, #tpu.memory_space<vmem>>
      %dma_start3A_15 = arith.constant 0 : i32
      %dma_start3A_16 = tpu.memref_slice %arg7[%dma_start3A, %dma_start3A_15] : memref<32x128xi32, #tpu.memory_space<vmem>> -> memref<1x128xi32, #tpu.memory_space<vmem>>
      %dma_start3A_17 = tpu.memref_squeeze %dma_start3A_16 : memref<1x128xi32, #tpu.memory_space<vmem>> -> memref<128xi32, #tpu.memory_space<vmem>>
      %dma_start3A_18 = arith.constant 0 : i32
      %dma_start3A_19 = arith.constant 0 : i32
      %dma_start3A_20 = tpu.memref_slice %arg3[%dma_start3A_18, %dma_start3A_19] : memref<10000x128xf32, #tpu.memory_space<hbm>> -> memref<10000x128xf32, #tpu.memory_space<hbm>>
      tpu.enqueue_indirect_dma source(%dma_start3A_20 : memref<10000x128xf32, #tpu.memory_space<hbm>>) target(%dma_start3A_14 : memref<128x128xf32, #tpu.memory_space<vmem>>) offsets(%dma_start3A_17 : memref<128xi32, #tpu.memory_space<vmem>>) semaphore(%arg11 : memref<!tpu.dma_semaphore, #tpu.memory_space<semaphore_mem>>)
      %dma_start3A_21 = arith.constant 0 : i32
      %dma_start3A_22 = arith.constant 0 : i32
      %dma_start3A_23 = arith.constant 0 : i32
      %dma_start3A_24 = arith.constant 0 : i32
      %dma_start3A_25 = tpu.memref_slice %arg10[%dma_start3A_22, %dma_start3A_23, %dma_start3A_24] : memref<2x128x128xf32, #tpu.memory_space<vmem>> -> memref<1x128x128xf32, #tpu.memory_space<vmem>>
      %dma_start3A_26 = tpu.memref_squeeze %dma_start3A_25 : memref<1x128x128xf32, #tpu.memory_space<vmem>> -> memref<128x128xf32, #tpu.memory_space<vmem>>
      %dma_start3A_27 = arith.constant 0 : i32
      %dma_start3A_28 = tpu.memref_slice %arg8[%dma_start3A_21, %dma_start3A_27] : memref<32x128xi32, #tpu.memory_space<vmem>> -> memref<1x128xi32, #tpu.memory_space<vmem>>
      %dma_start3A_29 = tpu.memref_squeeze %dma_start3A_28 : memref<1x128xi32, #tpu.memory_space<vmem>> -> memref<128xi32, #tpu.memory_space<vmem>>
      %dma_start3A_30 = arith.constant 0 : i32
      %dma_start3A_31 = arith.constant 0 : i32
      %dma_start3A_32 = tpu.memref_slice %arg3[%dma_start3A_30, %dma_start3A_31] : memref<10000x128xf32, #tpu.memory_space<hbm>> -> memref<10000x128xf32, #tpu.memory_space<hbm>>
      tpu.enqueue_indirect_dma source(%dma_start3A_32 : memref<10000x128xf32, #tpu.memory_space<hbm>>) target(%dma_start3A_26 : memref<128x128xf32, #tpu.memory_space<vmem>>) offsets(%dma_start3A_29 : memref<128xi32, #tpu.memory_space<vmem>>) semaphore(%arg12 : memref<!tpu.dma_semaphore, #tpu.memory_space<semaphore_mem>>)
      %scan3A = arith.constant 0 : i32
      %scan3A_33 = arith.constant 0 : i32
      %scan3A_34 = arith.constant 16 : i32
      %scan3A_35 = arith.addi %scan3A_33, %scan3A_34 : i32
      %scan3A_36 = arith.constant 1 : i32
      scf.for %scan3A_38 = %scan3A_33 to %scan3A_35 step %scan3A_36  : i32 {
        %mul3A_39 = arith.constant 2 : i32
        %mul3A_40 = arith.muli %scan3A_38, %mul3A_39 : i32
        %add3A_41 = arith.constant 1 : i32
        %add3A_42 = arith.addi %mul3A_40, %add3A_41 : i32
        %dma_start3A_43 = arith.constant 1 : i32
        %dma_start3A_44 = arith.constant 0 : i32
        %dma_start3A_45 = arith.constant 0 : i32
        %dma_start3A_46 = tpu.memref_slice %arg9[%dma_start3A_43, %dma_start3A_44, %dma_start3A_45] : memref<2x128x128xf32, #tpu.memory_space<vmem>> -> memref<1x128x128xf32, #tpu.memory_space<vmem>>
        %dma_start3A_47 = tpu.memref_squeeze %dma_start3A_46 : memref<1x128x128xf32, #tpu.memory_space<vmem>> -> memref<128x128xf32, #tpu.memory_space<vmem>>
        %dma_start3A_48 = arith.constant 0 : i32
        %dma_start3A_49 = tpu.memref_slice %arg7[%add3A_42, %dma_start3A_48] : memref<32x128xi32, #tpu.memory_space<vmem>> -> memref<1x128xi32, #tpu.memory_space<vmem>>
        %dma_start3A_50 = tpu.memref_squeeze %dma_start3A_49 : memref<1x128xi32, #tpu.memory_space<vmem>> -> memref<128xi32, #tpu.memory_space<vmem>>
        %dma_start3A_51 = arith.constant 0 : i32
        %dma_start3A_52 = arith.constant 0 : i32
        %dma_start3A_53 = tpu.memref_slice %arg3[%dma_start3A_51, %dma_start3A_52] : memref<10000x128xf32, #tpu.memory_space<hbm>> -> memref<10000x128xf32, #tpu.memory_space<hbm>>
        tpu.enqueue_indirect_dma source(%dma_start3A_53 : memref<10000x128xf32, #tpu.memory_space<hbm>>) target(%dma_start3A_47 : memref<128x128xf32, #tpu.memory_space<vmem>>) offsets(%dma_start3A_50 : memref<128xi32, #tpu.memory_space<vmem>>) semaphore(%arg13 : memref<!tpu.dma_semaphore, #tpu.memory_space<semaphore_mem>>)
        %dma_start3A_54 = arith.constant 1 : i32
        %dma_start3A_55 = arith.constant 0 : i32
        %dma_start3A_56 = arith.constant 0 : i32
        %dma_start3A_57 = tpu.memref_slice %arg10[%dma_start3A_54, %dma_start3A_55, %dma_start3A_56] : memref<2x128x128xf32, #tpu.memory_space<vmem>> -> memref<1x128x128xf32, #tpu.memory_space<vmem>>
        %dma_start3A_58 = tpu.memref_squeeze %dma_start3A_57 : memref<1x128x128xf32, #tpu.memory_space<vmem>> -> memref<128x128xf32, #tpu.memory_space<vmem>>
        %dma_start3A_59 = arith.constant 0 : i32
        %dma_start3A_60 = tpu.memref_slice %arg8[%add3A_42, %dma_start3A_59] : memref<32x128xi32, #tpu.memory_space<vmem>> -> memref<1x128xi32, #tpu.memory_space<vmem>>
        %dma_start3A_61 = tpu.memref_squeeze %dma_start3A_60 : memref<1x128xi32, #tpu.memory_space<vmem>> -> memref<128xi32, #tpu.memory_space<vmem>>
        %dma_start3A_62 = arith.constant 0 : i32
        %dma_start3A_63 = arith.constant 0 : i32
        %dma_start3A_64 = tpu.memref_slice %arg3[%dma_start3A_62, %dma_start3A_63] : memref<10000x128xf32, #tpu.memory_space<hbm>> -> memref<10000x128xf32, #tpu.memory_space<hbm>>
        tpu.enqueue_indirect_dma source(%dma_start3A_64 : memref<10000x128xf32, #tpu.memory_space<hbm>>) target(%dma_start3A_58 : memref<128x128xf32, #tpu.memory_space<vmem>>) offsets(%dma_start3A_61 : memref<128xi32, #tpu.memory_space<vmem>>) semaphore(%arg14 : memref<!tpu.dma_semaphore, #tpu.memory_space<semaphore_mem>>)
        %dma_wait3A = arith.constant 0 : i32
        %dma_wait3A_65 = arith.constant 0 : i32
        %dma_wait3A_66 = arith.constant 0 : i32
        %dma_wait3A_67 = tpu.memref_slice %arg9[%dma_wait3A, %dma_wait3A_65, %dma_wait3A_66] : memref<2x128x128xf32, #tpu.memory_space<vmem>> -> memref<1x128x128xf32, #tpu.memory_space<vmem>>
        %dma_wait3A_68 = tpu.memref_squeeze %dma_wait3A_67 : memref<1x128x128xf32, #tpu.memory_space<vmem>> -> memref<128x128xf32, #tpu.memory_space<vmem>>
        %dma_wait3A_69 = arith.constant 0 : i32
        %dma_wait3A_70 = tpu.memref_slice %arg7[%mul3A_40, %dma_wait3A_69] : memref<32x128xi32, #tpu.memory_space<vmem>> -> memref<1x128xi32, #tpu.memory_space<vmem>>
        %dma_wait3A_71 = tpu.memref_squeeze %dma_wait3A_70 : memref<1x128xi32, #tpu.memory_space<vmem>> -> memref<128xi32, #tpu.memory_space<vmem>>
        %dma_wait3A_72 = arith.constant 0 : i32
        %dma_wait3A_73 = arith.constant 0 : i32
        %dma_wait3A_74 = tpu.memref_slice %arg3[%dma_wait3A_72, %dma_wait3A_73] : memref<10000x128xf32, #tpu.memory_space<hbm>> -> memref<10000x128xf32, #tpu.memory_space<hbm>>
        tpu.wait_indirect_dma semaphore(%arg11 : memref<!tpu.dma_semaphore, #tpu.memory_space<semaphore_mem>>) src(%dma_wait3A_74 : memref<10000x128xf32, #tpu.memory_space<hbm>>) dst(%dma_wait3A_68 : memref<128x128xf32, #tpu.memory_space<vmem>>)
        %dma_wait3A_75 = arith.constant 0 : i32
        %dma_wait3A_76 = arith.constant 0 : i32
        %dma_wait3A_77 = arith.constant 0 : i32
        %dma_wait3A_78 = tpu.memref_slice %arg10[%dma_wait3A_75, %dma_wait3A_76, %dma_wait3A_77] : memref<2x128x128xf32, #tpu.memory_space<vmem>> -> memref<1x128x128xf32, #tpu.memory_space<vmem>>
        %dma_wait3A_79 = tpu.memref_squeeze %dma_wait3A_78 : memref<1x128x128xf32, #tpu.memory_space<vmem>> -> memref<128x128xf32, #tpu.memory_space<vmem>>
        %dma_wait3A_80 = arith.constant 0 : i32
        %dma_wait3A_81 = tpu.memref_slice %arg8[%mul3A_40, %dma_wait3A_80] : memref<32x128xi32, #tpu.memory_space<vmem>> -> memref<1x128xi32, #tpu.memory_space<vmem>>
        %dma_wait3A_82 = tpu.memref_squeeze %dma_wait3A_81 : memref<1x128xi32, #tpu.memory_space<vmem>> -> memref<128xi32, #tpu.memory_space<vmem>>
        %dma_wait3A_83 = arith.constant 0 : i32
        %dma_wait3A_84 = arith.constant 0 : i32
        %dma_wait3A_85 = tpu.memref_slice %arg3[%dma_wait3A_83, %dma_wait3A_84] : memref<10000x128xf32, #tpu.memory_space<hbm>> -> memref<10000x128xf32, #tpu.memory_space<hbm>>
        tpu.wait_indirect_dma semaphore(%arg12 : memref<!tpu.dma_semaphore, #tpu.memory_space<semaphore_mem>>) src(%dma_wait3A_85 : memref<10000x128xf32, #tpu.memory_space<hbm>>) dst(%dma_wait3A_79 : memref<128x128xf32, #tpu.memory_space<vmem>>)
        %scan3A_86 = arith.constant 0 : i32
        %scan3A_87 = arith.constant 0 : i32
        %scan3A_88 = arith.constant 128 : i32
        %scan3A_89 = arith.addi %scan3A_87, %scan3A_88 : i32
        %scan3A_90 = arith.constant 1 : i32
        scf.for %scan3A_137 = %scan3A_87 to %scan3A_89 step %scan3A_90  : i32 {
          %get3A = arith.constant 0 : i32
          %get3A_138 = arith.index_cast %get3A : i32 to index
          %get3A_139 = arith.index_cast %scan3A_137 : i32 to index
          %get3A_140 = arith.constant 0 : index
          %get3A_141 = tpu.vector_load %arg9[%get3A_138, %get3A_139, %get3A_140] {strides = array<i32>} : memref<2x128x128xf32, #tpu.memory_space<vmem>>, vector<1x1x16xf32>,
          %get3A_142 = vector.shape_cast %get3A_141 : vector<1x1x16xf32> to vector<16xf32>
          %get3A_143 = arith.constant 0 : i32
          %get3A_144 = arith.index_cast %get3A_143 : i32 to index
          %get3A_145 = arith.index_cast %scan3A_137 : i32 to index
          %get3A_146 = arith.constant 0 : index
          %get3A_147 = tpu.vector_load %arg10[%get3A_144, %get3A_145, %get3A_146] {strides = array<i32>} : memref<2x128x128xf32, #tpu.memory_space<vmem>>, vector<1x1x16xf32>,
          %get3A_148 = vector.shape_cast %get3A_147 : vector<1x1x16xf32> to vector<16xf32>
          %mul3A_149 = arith.mulf %get3A_142, %get3A_148 : vector<16xf32>
          %swap3A = arith.constant 0 : i32
          %swap3A_150 = arith.index_cast %swap3A : i32 to index
          %swap3A_151 = arith.index_cast %scan3A_137 : i32 to index
          %swap3A_152 = arith.constant 0 : index
          %swap3A_153 = tpu.vector_load %arg9[%swap3A_150, %swap3A_151, %swap3A_152] {strides = array<i32>} : memref<2x128x128xf32, #tpu.memory_space<vmem>>, vector<1x1x16xf32>,
          %swap3A_154 = vector.shape_cast %swap3A_153 : vector<1x1x16xf32> to vector<16xf32>
          %swap3A_155 = vector.shape_cast %mul3A_149 : vector<16xf32> to vector<1x1x16xf32>
          tpu.vector_store %arg9[%swap3A_150, %swap3A_151, %swap3A_152], %swap3A_155 {strides = array<i32>} : memref<2x128x128xf32, #tpu.memory_space<vmem>>, vector<1x1x16xf32>,
          %get3A_156 = arith.constant 0 : i32
          %get3A_157 = arith.index_cast %get3A_156 : i32 to index
          %get3A_158 = arith.index_cast %scan3A_137 : i32 to index
          %get3A_159 = arith.constant 16 : index
          %get3A_160 = tpu.vector_load %arg9[%get3A_157, %get3A_158, %get3A_159] {strides = array<i32>} : memref<2x128x128xf32, #tpu.memory_space<vmem>>, vector<1x1x16xf32>,
          %get3A_161 = vector.shape_cast %get3A_160 : vector<1x1x16xf32> to vector<16xf32>
          %get3A_162 = arith.constant 0 : i32
          %get3A_163 = arith.index_cast %get3A_162 : i32 to index
          %get3A_164 = arith.index_cast %scan3A_137 : i32 to index
          %get3A_165 = arith.constant 16 : index
          %get3A_166 = tpu.vector_load %arg10[%get3A_163, %get3A_164, %get3A_165] {strides = array<i32>} : memref<2x128x128xf32, #tpu.memory_space<vmem>>, vector<1x1x16xf32>,
          %get3A_167 = vector.shape_cast %get3A_166 : vector<1x1x16xf32> to vector<16xf32>
          %mul3A_168 = arith.mulf %get3A_161, %get3A_167 : vector<16xf32>
          %swap3A_169 = arith.constant 0 : i32
          %swap3A_170 = arith.index_cast %swap3A_169 : i32 to index
          %swap3A_171 = arith.index_cast %scan3A_137 : i32 to index
          %swap3A_172 = arith.constant 16 : index
          %swap3A_173 = tpu.vector_load %arg9[%swap3A_170, %swap3A_171, %swap3A_172] {strides = array<i32>} : memref<2x128x128xf32, #tpu.memory_space<vmem>>, vector<1x1x16xf32>,
          %swap3A_174 = vector.shape_cast %swap3A_173 : vector<1x1x16xf32> to vector<16xf32>
          %swap3A_175 = vector.shape_cast %mul3A_168 : vector<16xf32> to vector<1x1x16xf32>
          tpu.vector_store %arg9[%swap3A_170, %swap3A_171, %swap3A_172], %swap3A_175 {strides = array<i32>} : memref<2x128x128xf32, #tpu.memory_space<vmem>>, vector<1x1x16xf32>,
          %get3A_176 = arith.constant 0 : i32
          %get3A_177 = arith.index_cast %get3A_176 : i32 to index
          %get3A_178 = arith.index_cast %scan3A_137 : i32 to index
          %get3A_179 = arith.constant 32 : index
          %get3A_180 = tpu.vector_load %arg9[%get3A_177, %get3A_178, %get3A_179] {strides = array<i32>} : memref<2x128x128xf32, #tpu.memory_space<vmem>>, vector<1x1x16xf32>,
          %get3A_181 = vector.shape_cast %get3A_180 : vector<1x1x16xf32> to vector<16xf32>
          %get3A_182 = arith.constant 0 : i32
          %get3A_183 = arith.index_cast %get3A_182 : i32 to index
          %get3A_184 = arith.index_cast %scan3A_137 : i32 to index
          %get3A_185 = arith.constant 32 : index
          %get3A_186 = tpu.vector_load %arg10[%get3A_183, %get3A_184, %get3A_185] {strides = array<i32>} : memref<2x128x128xf32, #tpu.memory_space<vmem>>, vector<1x1x16xf32>,
          %get3A_187 = vector.shape_cast %get3A_186 : vector<1x1x16xf32> to vector<16xf32>
          %mul3A_188 = arith.mulf %get3A_181, %get3A_187 : vector<16xf32>
          %swap3A_189 = arith.constant 0 : i32
          %swap3A_190 = arith.index_cast %swap3A_189 : i32 to index
          %swap3A_191 = arith.index_cast %scan3A_137 : i32 to index
          %swap3A_192 = arith.constant 32 : index
          %swap3A_193 = tpu.vector_load %arg9[%swap3A_190, %swap3A_191, %swap3A_192] {strides = array<i32>} : memref<2x128x128xf32, #tpu.memory_space<vmem>>, vector<1x1x16xf32>,
          %swap3A_194 = vector.shape_cast %swap3A_193 : vector<1x1x16xf32> to vector<16xf32>
          %swap3A_195 = vector.shape_cast %mul3A_188 : vector<16xf32> to vector<1x1x16xf32>
          tpu.vector_store %arg9[%swap3A_190, %swap3A_191, %swap3A_192], %swap3A_195 {strides = array<i32>} : memref<2x128x128xf32, #tpu.memory_space<vmem>>, vector<1x1x16xf32>,
          %get3A_196 = arith.constant 0 : i32
          %get3A_197 = arith.index_cast %get3A_196 : i32 to index
          %get3A_198 = arith.index_cast %scan3A_137 : i32 to index
          %get3A_199 = arith.constant 48 : index
          %get3A_200 = tpu.vector_load %arg9[%get3A_197, %get3A_198, %get3A_199] {strides = array<i32>} : memref<2x128x128xf32, #tpu.memory_space<vmem>>, vector<1x1x16xf32>,
          %get3A_201 = vector.shape_cast %get3A_200 : vector<1x1x16xf32> to vector<16xf32>
          %get3A_202 = arith.constant 0 : i32
          %get3A_203 = arith.index_cast %get3A_202 : i32 to index
          %get3A_204 = arith.index_cast %scan3A_137 : i32 to index
          %get3A_205 = arith.constant 48 : index
          %get3A_206 = tpu.vector_load %arg10[%get3A_203, %get3A_204, %get3A_205] {strides = array<i32>} : memref<2x128x128xf32, #tpu.memory_space<vmem>>, vector<1x1x16xf32>,
          %get3A_207 = vector.shape_cast %get3A_206 : vector<1x1x16xf32> to vector<16xf32>
          %mul3A_208 = arith.mulf %get3A_201, %get3A_207 : vector<16xf32>
          %swap3A_209 = arith.constant 0 : i32
          %swap3A_210 = arith.index_cast %swap3A_209 : i32 to index
          %swap3A_211 = arith.index_cast %scan3A_137 : i32 to index
          %swap3A_212 = arith.constant 48 : index
          %swap3A_213 = tpu.vector_load %arg9[%swap3A_210, %swap3A_211, %swap3A_212] {strides = array<i32>} : memref<2x128x128xf32, #tpu.memory_space<vmem>>, vector<1x1x16xf32>,
          %swap3A_214 = vector.shape_cast %swap3A_213 : vector<1x1x16xf32> to vector<16xf32>
          %swap3A_215 = vector.shape_cast %mul3A_208 : vector<16xf32> to vector<1x1x16xf32>
          tpu.vector_store %arg9[%swap3A_210, %swap3A_211, %swap3A_212], %swap3A_215 {strides = array<i32>} : memref<2x128x128xf32, #tpu.memory_space<vmem>>, vector<1x1x16xf32>,
          %get3A_216 = arith.constant 0 : i32
          %get3A_217 = arith.index_cast %get3A_216 : i32 to index
          %get3A_218 = arith.index_cast %scan3A_137 : i32 to index
          %get3A_219 = arith.constant 64 : index
          %get3A_220 = tpu.vector_load %arg9[%get3A_217, %get3A_218, %get3A_219] {strides = array<i32>} : memref<2x128x128xf32, #tpu.memory_space<vmem>>, vector<1x1x16xf32>,
          %get3A_221 = vector.shape_cast %get3A_220 : vector<1x1x16xf32> to vector<16xf32>
          %get3A_222 = arith.constant 0 : i32
          %get3A_223 = arith.index_cast %get3A_222 : i32 to index
          %get3A_224 = arith.index_cast %scan3A_137 : i32 to index
          %get3A_225 = arith.constant 64 : index
          %get3A_226 = tpu.vector_load %arg10[%get3A_223, %get3A_224, %get3A_225] {strides = array<i32>} : memref<2x128x128xf32, #tpu.memory_space<vmem>>, vector<1x1x16xf32>,
          %get3A_227 = vector.shape_cast %get3A_226 : vector<1x1x16xf32> to vector<16xf32>
          %mul3A_228 = arith.mulf %get3A_221, %get3A_227 : vector<16xf32>
          %swap3A_229 = arith.constant 0 : i32
          %swap3A_230 = arith.index_cast %swap3A_229 : i32 to index
          %swap3A_231 = arith.index_cast %scan3A_137 : i32 to index
          %swap3A_232 = arith.constant 64 : index
          %swap3A_233 = tpu.vector_load %arg9[%swap3A_230, %swap3A_231, %swap3A_232] {strides = array<i32>} : memref<2x128x128xf32, #tpu.memory_space<vmem>>, vector<1x1x16xf32>,
          %swap3A_234 = vector.shape_cast %swap3A_233 : vector<1x1x16xf32> to vector<16xf32>
          %swap3A_235 = vector.shape_cast %mul3A_228 : vector<16xf32> to vector<1x1x16xf32>
          tpu.vector_store %arg9[%swap3A_230, %swap3A_231, %swap3A_232], %swap3A_235 {strides = array<i32>} : memref<2x128x128xf32, #tpu.memory_space<vmem>>, vector<1x1x16xf32>,
          %get3A_236 = arith.constant 0 : i32
          %get3A_237 = arith.index_cast %get3A_236 : i32 to index
          %get3A_238 = arith.index_cast %scan3A_137 : i32 to index
          %get3A_239 = arith.constant 80 : index
          %get3A_240 = tpu.vector_load %arg9[%get3A_237, %get3A_238, %get3A_239] {strides = array<i32>} : memref<2x128x128xf32, #tpu.memory_space<vmem>>, vector<1x1x16xf32>,
          %get3A_241 = vector.shape_cast %get3A_240 : vector<1x1x16xf32> to vector<16xf32>
          %get3A_242 = arith.constant 0 : i32
          %get3A_243 = arith.index_cast %get3A_242 : i32 to index
          %get3A_244 = arith.index_cast %scan3A_137 : i32 to index
          %get3A_245 = arith.constant 80 : index
          %get3A_246 = tpu.vector_load %arg10[%get3A_243, %get3A_244, %get3A_245] {strides = array<i32>} : memref<2x128x128xf32, #tpu.memory_space<vmem>>, vector<1x1x16xf32>,
          %get3A_247 = vector.shape_cast %get3A_246 : vector<1x1x16xf32> to vector<16xf32>
          %mul3A_248 = arith.mulf %get3A_241, %get3A_247 : vector<16xf32>
          %swap3A_249 = arith.constant 0 : i32
          %swap3A_250 = arith.index_cast %swap3A_249 : i32 to index
          %swap3A_251 = arith.index_cast %scan3A_137 : i32 to index
          %swap3A_252 = arith.constant 80 : index
          %swap3A_253 = tpu.vector_load %arg9[%swap3A_250, %swap3A_251, %swap3A_252] {strides = array<i32>} : memref<2x128x128xf32, #tpu.memory_space<vmem>>, vector<1x1x16xf32>,
          %swap3A_254 = vector.shape_cast %swap3A_253 : vector<1x1x16xf32> to vector<16xf32>
          %swap3A_255 = vector.shape_cast %mul3A_248 : vector<16xf32> to vector<1x1x16xf32>
          tpu.vector_store %arg9[%swap3A_250, %swap3A_251, %swap3A_252], %swap3A_255 {strides = array<i32>} : memref<2x128x128xf32, #tpu.memory_space<vmem>>, vector<1x1x16xf32>,
          %get3A_256 = arith.constant 0 : i32
          %get3A_257 = arith.index_cast %get3A_256 : i32 to index
          %get3A_258 = arith.index_cast %scan3A_137 : i32 to index
          %get3A_259 = arith.constant 96 : index
          %get3A_260 = tpu.vector_load %arg9[%get3A_257, %get3A_258, %get3A_259] {strides = array<i32>} : memref<2x128x128xf32, #tpu.memory_space<vmem>>, vector<1x1x16xf32>,
          %get3A_261 = vector.shape_cast %get3A_260 : vector<1x1x16xf32> to vector<16xf32>
          %get3A_262 = arith.constant 0 : i32
          %get3A_263 = arith.index_cast %get3A_262 : i32 to index
          %get3A_264 = arith.index_cast %scan3A_137 : i32 to index
          %get3A_265 = arith.constant 96 : index
          %get3A_266 = tpu.vector_load %arg10[%get3A_263, %get3A_264, %get3A_265] {strides = array<i32>} : memref<2x128x128xf32, #tpu.memory_space<vmem>>, vector<1x1x16xf32>,
          %get3A_267 = vector.shape_cast %get3A_266 : vector<1x1x16xf32> to vector<16xf32>
          %mul3A_268 = arith.mulf %get3A_261, %get3A_267 : vector<16xf32>
          %swap3A_269 = arith.constant 0 : i32
          %swap3A_270 = arith.index_cast %swap3A_269 : i32 to index
          %swap3A_271 = arith.index_cast %scan3A_137 : i32 to index
          %swap3A_272 = arith.constant 96 : index
          %swap3A_273 = tpu.vector_load %arg9[%swap3A_270, %swap3A_271, %swap3A_272] {strides = array<i32>} : memref<2x128x128xf32, #tpu.memory_space<vmem>>, vector<1x1x16xf32>,
          %swap3A_274 = vector.shape_cast %swap3A_273 : vector<1x1x16xf32> to vector<16xf32>
          %swap3A_275 = vector.shape_cast %mul3A_268 : vector<16xf32> to vector<1x1x16xf32>
          tpu.vector_store %arg9[%swap3A_270, %swap3A_271, %swap3A_272], %swap3A_275 {strides = array<i32>} : memref<2x128x128xf32, #tpu.memory_space<vmem>>, vector<1x1x16xf32>,
          %get3A_276 = arith.constant 0 : i32
          %get3A_277 = arith.index_cast %get3A_276 : i32 to index
          %get3A_278 = arith.index_cast %scan3A_137 : i32 to index
          %get3A_279 = arith.constant 112 : index
          %get3A_280 = tpu.vector_load %arg9[%get3A_277, %get3A_278, %get3A_279] {strides = array<i32>} : memref<2x128x128xf32, #tpu.memory_space<vmem>>, vector<1x1x16xf32>,
          %get3A_281 = vector.shape_cast %get3A_280 : vector<1x1x16xf32> to vector<16xf32>
          %get3A_282 = arith.constant 0 : i32
          %get3A_283 = arith.index_cast %get3A_282 : i32 to index
          %get3A_284 = arith.index_cast %scan3A_137 : i32 to index
          %get3A_285 = arith.constant 112 : index
          %get3A_286 = tpu.vector_load %arg10[%get3A_283, %get3A_284, %get3A_285] {strides = array<i32>} : memref<2x128x128xf32, #tpu.memory_space<vmem>>, vector<1x1x16xf32>,
          %get3A_287 = vector.shape_cast %get3A_286 : vector<1x1x16xf32> to vector<16xf32>
          %mul3A_288 = arith.mulf %get3A_281, %get3A_287 : vector<16xf32>
          %swap3A_289 = arith.constant 0 : i32
          %swap3A_290 = arith.index_cast %swap3A_289 : i32 to index
          %swap3A_291 = arith.index_cast %scan3A_137 : i32 to index
          %swap3A_292 = arith.constant 112 : index
          %swap3A_293 = tpu.vector_load %arg9[%swap3A_290, %swap3A_291, %swap3A_292] {strides = array<i32>} : memref<2x128x128xf32, #tpu.memory_space<vmem>>, vector<1x1x16xf32>,
          %swap3A_294 = vector.shape_cast %swap3A_293 : vector<1x1x16xf32> to vector<16xf32>
          %swap3A_295 = vector.shape_cast %mul3A_288 : vector<16xf32> to vector<1x1x16xf32>
          tpu.vector_store %arg9[%swap3A_290, %swap3A_291, %swap3A_292], %swap3A_295 {strides = array<i32>} : memref<2x128x128xf32, #tpu.memory_space<vmem>>, vector<1x1x16xf32>,
        }
        %scan3A_91 = arith.constant 128 : i32
        %mul3A_92 = arith.constant 128 : i32
        %mul3A_93 = arith.muli %mul3A_40, %mul3A_92 : i32
        %add3A_94 = arith.addi %add3A, %mul3A_93 : i32
        %run_scoped3A = arith.constant 0 : i32
        "tpu.region"() ({
          %run_scoped3A_137 = tpu.sem_alloc : memref<!tpu.dma_semaphore, #tpu.memory_space<semaphore_mem>>
          %dma_start3A_138 = arith.constant 0 : i32
          %dma_start3A_139 = arith.constant 0 : i32
          %dma_start3A_140 = tpu.memref_slice %arg9[%run_scoped3A, %dma_start3A_138, %dma_start3A_139] : memref<2x128x128xf32, #tpu.memory_space<vmem>> -> memref<1x128x128xf32, #tpu.memory_space<vmem>>
          %dma_start3A_141 = tpu.memref_squeeze %dma_start3A_140 : memref<1x128x128xf32, #tpu.memory_space<vmem>> -> memref<128x128xf32, #tpu.memory_space<vmem>>
          %dma_start3A_142 = arith.constant 0 : i32
          %dma_start3A_143 = tpu.memref_slice %arg6[%add3A_94, %dma_start3A_142] : memref<131072x128xf32, #tpu.memory_space<hbm>> -> memref<128x128xf32, #tpu.memory_space<hbm>>
          %dma_start3A_144 = arith.constant 0 : i32
          %dma_start3A_145 = tpu.memref_slice %arg6[%add3A_94, %dma_start3A_144] : memref<131072x128xf32, #tpu.memory_space<hbm>> -> memref<128x128xf32, #tpu.memory_space<hbm>>
          %dma_start3A_146 = arith.constant 0 : i32
          %dma_start3A_147 = arith.constant 0 : i32
          %dma_start3A_148 = tpu.memref_slice %arg9[%run_scoped3A, %dma_start3A_146, %dma_start3A_147] : memref<2x128x128xf32, #tpu.memory_space<vmem>> -> memref<1x128x128xf32, #tpu.memory_space<vmem>>
          %dma_start3A_149 = tpu.memref_squeeze %dma_start3A_148 : memref<1x128x128xf32, #tpu.memory_space<vmem>> -> memref<128x128xf32, #tpu.memory_space<vmem>>
          tpu.enqueue_dma source(%dma_start3A_149 : memref<128x128xf32, #tpu.memory_space<vmem>>) target(%dma_start3A_145 : memref<128x128xf32, #tpu.memory_space<hbm>>) target_semaphore(%run_scoped3A_137 : memref<!tpu.dma_semaphore, #tpu.memory_space<semaphore_mem>>)
          %dma_wait3A_150 = arith.constant 0 : i32
          %dma_wait3A_151 = arith.constant 0 : i32
          %dma_wait3A_152 = tpu.memref_slice %arg9[%run_scoped3A, %dma_wait3A_150, %dma_wait3A_151] : memref<2x128x128xf32, #tpu.memory_space<vmem>> -> memref<1x128x128xf32, #tpu.memory_space<vmem>>
          %dma_wait3A_153 = tpu.memref_squeeze %dma_wait3A_152 : memref<1x128x128xf32, #tpu.memory_space<vmem>> -> memref<128x128xf32, #tpu.memory_space<vmem>>
          %dma_wait3A_154 = arith.constant 0 : i32
          %dma_wait3A_155 = tpu.memref_slice %arg6[%add3A_94, %dma_wait3A_154] : memref<131072x128xf32, #tpu.memory_space<hbm>> -> memref<128x128xf32, #tpu.memory_space<hbm>>
          %dma_wait3A_156 = arith.constant 0 : i32
          %dma_wait3A_157 = tpu.memref_slice %arg6[%add3A_94, %dma_wait3A_156] : memref<131072x128xf32, #tpu.memory_space<hbm>> -> memref<128x128xf32, #tpu.memory_space<hbm>>
          %dma_wait3A_158 = arith.constant 0 : i32
          %dma_wait3A_159 = arith.constant 0 : i32
          %dma_wait3A_160 = tpu.memref_slice %arg9[%run_scoped3A, %dma_wait3A_158, %dma_wait3A_159] : memref<2x128x128xf32, #tpu.memory_space<vmem>> -> memref<1x128x128xf32, #tpu.memory_space<vmem>>
          %dma_wait3A_161 = tpu.memref_squeeze %dma_wait3A_160 : memref<1x128x128xf32, #tpu.memory_space<vmem>> -> memref<128x128xf32, #tpu.memory_space<vmem>>
          tpu.wait_dma2 semaphore(%run_scoped3A_137 : memref<!tpu.dma_semaphore, #tpu.memory_space<semaphore_mem>>) src(%dma_wait3A_161 : memref<128x128xf32, #tpu.memory_space<vmem>>) dst(%dma_wait3A_157 : memref<128x128xf32, #tpu.memory_space<hbm>>)
          tpu.yield
        }) : () -> ()
        %add3A_95 = arith.constant 2 : i32
        %add3A_96 = arith.addi %mul3A_40, %add3A_95 : i32
        %lt3A = arith.constant 32 : i32
        %lt3A_97 = arith.cmpi slt, %add3A_96, %lt3A : i32
        %convert_element_type3A_98 = arith.extui %lt3A_97 : i1 to i32
        %cond3A_99 = arith.constant 0 : i32
        %cond3A_100 = arith.cmpi ne, %convert_element_type3A_98, %cond3A_99 : i32
        scf.if %cond3A_100 {
          %add3A_137 = arith.constant 2 : i32
          %add3A_138 = arith.addi %mul3A_40, %add3A_137 : i32
          %dma_start3A_139 = arith.constant 0 : i32
          %dma_start3A_140 = arith.constant 0 : i32
          %dma_start3A_141 = arith.constant 0 : i32
          %dma_start3A_142 = tpu.memref_slice %arg9[%dma_start3A_139, %dma_start3A_140, %dma_start3A_141] : memref<2x128x128xf32, #tpu.memory_space<vmem>> -> memref<1x128x128xf32, #tpu.memory_space<vmem>>
          %dma_start3A_143 = tpu.memref_squeeze %dma_start3A_142 : memref<1x128x128xf32, #tpu.memory_space<vmem>> -> memref<128x128xf32, #tpu.memory_space<vmem>>
          %dma_start3A_144 = arith.constant 0 : i32
          %dma_start3A_145 = tpu.memref_slice %arg7[%add3A_138, %dma_start3A_144] : memref<32x128xi32, #tpu.memory_space<vmem>> -> memref<1x128xi32, #tpu.memory_space<vmem>>
          %dma_start3A_146 = tpu.memref_squeeze %dma_start3A_145 : memref<1x128xi32, #tpu.memory_space<vmem>> -> memref<128xi32, #tpu.memory_space<vmem>>
          %dma_start3A_147 = arith.constant 0 : i32
          %dma_start3A_148 = arith.constant 0 : i32
          %dma_start3A_149 = tpu.memref_slice %arg3[%dma_start3A_147, %dma_start3A_148] : memref<10000x128xf32, #tpu.memory_space<hbm>> -> memref<10000x128xf32, #tpu.memory_space<hbm>>
          tpu.enqueue_indirect_dma source(%dma_start3A_149 : memref<10000x128xf32, #tpu.memory_space<hbm>>) target(%dma_start3A_143 : memref<128x128xf32, #tpu.memory_space<vmem>>) offsets(%dma_start3A_146 : memref<128xi32, #tpu.memory_space<vmem>>) semaphore(%arg11 : memref<!tpu.dma_semaphore, #tpu.memory_space<semaphore_mem>>)
          %dma_start3A_150 = arith.constant 0 : i32
          %dma_start3A_151 = arith.constant 0 : i32
          %dma_start3A_152 = arith.constant 0 : i32
          %dma_start3A_153 = tpu.memref_slice %arg10[%dma_start3A_150, %dma_start3A_151, %dma_start3A_152] : memref<2x128x128xf32, #tpu.memory_space<vmem>> -> memref<1x128x128xf32, #tpu.memory_space<vmem>>
          %dma_start3A_154 = tpu.memref_squeeze %dma_start3A_153 : memref<1x128x128xf32, #tpu.memory_space<vmem>> -> memref<128x128xf32, #tpu.memory_space<vmem>>
          %dma_start3A_155 = arith.constant 0 : i32
          %dma_start3A_156 = tpu.memref_slice %arg8[%add3A_138, %dma_start3A_155] : memref<32x128xi32, #tpu.memory_space<vmem>> -> memref<1x128xi32, #tpu.memory_space<vmem>>
          %dma_start3A_157 = tpu.memref_squeeze %dma_start3A_156 : memref<1x128xi32, #tpu.memory_space<vmem>> -> memref<128xi32, #tpu.memory_space<vmem>>
          %dma_start3A_158 = arith.constant 0 : i32
          %dma_start3A_159 = arith.constant 0 : i32
          %dma_start3A_160 = tpu.memref_slice %arg3[%dma_start3A_158, %dma_start3A_159] : memref<10000x128xf32, #tpu.memory_space<hbm>> -> memref<10000x128xf32, #tpu.memory_space<hbm>>
          tpu.enqueue_indirect_dma source(%dma_start3A_160 : memref<10000x128xf32, #tpu.memory_space<hbm>>) target(%dma_start3A_154 : memref<128x128xf32, #tpu.memory_space<vmem>>) offsets(%dma_start3A_157 : memref<128xi32, #tpu.memory_space<vmem>>) semaphore(%arg12 : memref<!tpu.dma_semaphore, #tpu.memory_space<semaphore_mem>>)
        } else {
        }
        %add3A_101 = arith.constant 1 : i32
        %add3A_102 = arith.addi %mul3A_40, %add3A_101 : i32
        %dma_wait3A_103 = arith.constant 1 : i32
        %dma_wait3A_104 = arith.constant 0 : i32
        %dma_wait3A_105 = arith.constant 0 : i32
        %dma_wait3A_106 = tpu.memref_slice %arg9[%dma_wait3A_103, %dma_wait3A_104, %dma_wait3A_105] : memref<2x128x128xf32, #tpu.memory_space<vmem>> -> memref<1x128x128xf32, #tpu.memory_space<vmem>>
        %dma_wait3A_107 = tpu.memref_squeeze %dma_wait3A_106 : memref<1x128x128xf32, #tpu.memory_space<vmem>> -> memref<128x128xf32, #tpu.memory_space<vmem>>
        %dma_wait3A_108 = arith.constant 0 : i32
        %dma_wait3A_109 = tpu.memref_slice %arg7[%add3A_102, %dma_wait3A_108] : memref<32x128xi32, #tpu.memory_space<vmem>> -> memref<1x128xi32, #tpu.memory_space<vmem>>
        %dma_wait3A_110 = tpu.memref_squeeze %dma_wait3A_109 : memref<1x128xi32, #tpu.memory_space<vmem>> -> memref<128xi32, #tpu.memory_space<vmem>>
        %dma_wait3A_111 = arith.constant 0 : i32
        %dma_wait3A_112 = arith.constant 0 : i32
        %dma_wait3A_113 = tpu.memref_slice %arg3[%dma_wait3A_111, %dma_wait3A_112] : memref<10000x128xf32, #tpu.memory_space<hbm>> -> memref<10000x128xf32, #tpu.memory_space<hbm>>
        tpu.wait_indirect_dma semaphore(%arg13 : memref<!tpu.dma_semaphore, #tpu.memory_space<semaphore_mem>>) src(%dma_wait3A_113 : memref<10000x128xf32, #tpu.memory_space<hbm>>) dst(%dma_wait3A_107 : memref<128x128xf32, #tpu.memory_space<vmem>>)
        %dma_wait3A_114 = arith.constant 1 : i32
        %dma_wait3A_115 = arith.constant 0 : i32
        %dma_wait3A_116 = arith.constant 0 : i32
        %dma_wait3A_117 = tpu.memref_slice %arg10[%dma_wait3A_114, %dma_wait3A_115, %dma_wait3A_116] : memref<2x128x128xf32, #tpu.memory_space<vmem>> -> memref<1x128x128xf32, #tpu.memory_space<vmem>>
        %dma_wait3A_118 = tpu.memref_squeeze %dma_wait3A_117 : memref<1x128x128xf32, #tpu.memory_space<vmem>> -> memref<128x128xf32, #tpu.memory_space<vmem>>
        %dma_wait3A_119 = arith.constant 0 : i32
        %dma_wait3A_120 = tpu.memref_slice %arg8[%add3A_102, %dma_wait3A_119] : memref<32x128xi32, #tpu.memory_space<vmem>> -> memref<1x128xi32, #tpu.memory_space<vmem>>
        %dma_wait3A_121 = tpu.memref_squeeze %dma_wait3A_120 : memref<1x128xi32, #tpu.memory_space<vmem>> -> memref<128xi32, #tpu.memory_space<vmem>>
        %dma_wait3A_122 = arith.constant 0 : i32
        %dma_wait3A_123 = arith.constant 0 : i32
        %dma_wait3A_124 = tpu.memref_slice %arg3[%dma_wait3A_122, %dma_wait3A_123] : memref<10000x128xf32, #tpu.memory_space<hbm>> -> memref<10000x128xf32, #tpu.memory_space<hbm>>
        tpu.wait_indirect_dma semaphore(%arg14 : memref<!tpu.dma_semaphore, #tpu.memory_space<semaphore_mem>>) src(%dma_wait3A_124 : memref<10000x128xf32, #tpu.memory_space<hbm>>) dst(%dma_wait3A_118 : memref<128x128xf32, #tpu.memory_space<vmem>>)
        %add3A_125 = arith.constant 1 : i32
        %add3A_126 = arith.addi %mul3A_40, %add3A_125 : i32
        %scan3A_127 = arith.constant 0 : i32
        %scan3A_128 = arith.constant 0 : i32
        %scan3A_129 = arith.constant 128 : i32
        %scan3A_130 = arith.addi %scan3A_128, %scan3A_129 : i32
        %scan3A_131 = arith.constant 1 : i32
        scf.for %scan3A_137 = %scan3A_128 to %scan3A_130 step %scan3A_131  : i32 {
          %get3A = arith.constant 1 : i32
          %get3A_138 = arith.index_cast %get3A : i32 to index
          %get3A_139 = arith.index_cast %scan3A_137 : i32 to index
          %get3A_140 = arith.constant 0 : index
          %get3A_141 = tpu.vector_load %arg9[%get3A_138, %get3A_139, %get3A_140] {strides = array<i32>} : memref<2x128x128xf32, #tpu.memory_space<vmem>>, vector<1x1x16xf32>,
          %get3A_142 = vector.shape_cast %get3A_141 : vector<1x1x16xf32> to vector<16xf32>
          %get3A_143 = arith.constant 1 : i32
          %get3A_144 = arith.index_cast %get3A_143 : i32 to index
          %get3A_145 = arith.index_cast %scan3A_137 : i32 to index
          %get3A_146 = arith.constant 0 : index
          %get3A_147 = tpu.vector_load %arg10[%get3A_144, %get3A_145, %get3A_146] {strides = array<i32>} : memref<2x128x128xf32, #tpu.memory_space<vmem>>, vector<1x1x16xf32>,
          %get3A_148 = vector.shape_cast %get3A_147 : vector<1x1x16xf32> to vector<16xf32>
          %mul3A_149 = arith.mulf %get3A_142, %get3A_148 : vector<16xf32>
          %swap3A = arith.constant 1 : i32
          %swap3A_150 = arith.index_cast %swap3A : i32 to index
          %swap3A_151 = arith.index_cast %scan3A_137 : i32 to index
          %swap3A_152 = arith.constant 0 : index
          %swap3A_153 = tpu.vector_load %arg9[%swap3A_150, %swap3A_151, %swap3A_152] {strides = array<i32>} : memref<2x128x128xf32, #tpu.memory_space<vmem>>, vector<1x1x16xf32>,
          %swap3A_154 = vector.shape_cast %swap3A_153 : vector<1x1x16xf32> to vector<16xf32>
          %swap3A_155 = vector.shape_cast %mul3A_149 : vector<16xf32> to vector<1x1x16xf32>
          tpu.vector_store %arg9[%swap3A_150, %swap3A_151, %swap3A_152], %swap3A_155 {strides = array<i32>} : memref<2x128x128xf32, #tpu.memory_space<vmem>>, vector<1x1x16xf32>,
          %get3A_156 = arith.constant 1 : i32
          %get3A_157 = arith.index_cast %get3A_156 : i32 to index
          %get3A_158 = arith.index_cast %scan3A_137 : i32 to index
          %get3A_159 = arith.constant 16 : index
          %get3A_160 = tpu.vector_load %arg9[%get3A_157, %get3A_158, %get3A_159] {strides = array<i32>} : memref<2x128x128xf32, #tpu.memory_space<vmem>>, vector<1x1x16xf32>,
          %get3A_161 = vector.shape_cast %get3A_160 : vector<1x1x16xf32> to vector<16xf32>
          %get3A_162 = arith.constant 1 : i32
          %get3A_163 = arith.index_cast %get3A_162 : i32 to index
          %get3A_164 = arith.index_cast %scan3A_137 : i32 to index
          %get3A_165 = arith.constant 16 : index
          %get3A_166 = tpu.vector_load %arg10[%get3A_163, %get3A_164, %get3A_165] {strides = array<i32>} : memref<2x128x128xf32, #tpu.memory_space<vmem>>, vector<1x1x16xf32>,
          %get3A_167 = vector.shape_cast %get3A_166 : vector<1x1x16xf32> to vector<16xf32>
          %mul3A_168 = arith.mulf %get3A_161, %get3A_167 : vector<16xf32>
          %swap3A_169 = arith.constant 1 : i32
          %swap3A_170 = arith.index_cast %swap3A_169 : i32 to index
          %swap3A_171 = arith.index_cast %scan3A_137 : i32 to index
          %swap3A_172 = arith.constant 16 : index
          %swap3A_173 = tpu.vector_load %arg9[%swap3A_170, %swap3A_171, %swap3A_172] {strides = array<i32>} : memref<2x128x128xf32, #tpu.memory_space<vmem>>, vector<1x1x16xf32>,
          %swap3A_174 = vector.shape_cast %swap3A_173 : vector<1x1x16xf32> to vector<16xf32>
          %swap3A_175 = vector.shape_cast %mul3A_168 : vector<16xf32> to vector<1x1x16xf32>
          tpu.vector_store %arg9[%swap3A_170, %swap3A_171, %swap3A_172], %swap3A_175 {strides = array<i32>} : memref<2x128x128xf32, #tpu.memory_space<vmem>>, vector<1x1x16xf32>,
          %get3A_176 = arith.constant 1 : i32
          %get3A_177 = arith.index_cast %get3A_176 : i32 to index
          %get3A_178 = arith.index_cast %scan3A_137 : i32 to index
          %get3A_179 = arith.constant 32 : index
          %get3A_180 = tpu.vector_load %arg9[%get3A_177, %get3A_178, %get3A_179] {strides = array<i32>} : memref<2x128x128xf32, #tpu.memory_space<vmem>>, vector<1x1x16xf32>,
          %get3A_181 = vector.shape_cast %get3A_180 : vector<1x1x16xf32> to vector<16xf32>
          %get3A_182 = arith.constant 1 : i32
          %get3A_183 = arith.index_cast %get3A_182 : i32 to index
          %get3A_184 = arith.index_cast %scan3A_137 : i32 to index
          %get3A_185 = arith.constant 32 : index
          %get3A_186 = tpu.vector_load %arg10[%get3A_183, %get3A_184, %get3A_185] {strides = array<i32>} : memref<2x128x128xf32, #tpu.memory_space<vmem>>, vector<1x1x16xf32>,
          %get3A_187 = vector.shape_cast %get3A_186 : vector<1x1x16xf32> to vector<16xf32>
          %mul3A_188 = arith.mulf %get3A_181, %get3A_187 : vector<16xf32>
          %swap3A_189 = arith.constant 1 : i32
          %swap3A_190 = arith.index_cast %swap3A_189 : i32 to index
          %swap3A_191 = arith.index_cast %scan3A_137 : i32 to index
          %swap3A_192 = arith.constant 32 : index
          %swap3A_193 = tpu.vector_load %arg9[%swap3A_190, %swap3A_191, %swap3A_192] {strides = array<i32>} : memref<2x128x128xf32, #tpu.memory_space<vmem>>, vector<1x1x16xf32>,
          %swap3A_194 = vector.shape_cast %swap3A_193 : vector<1x1x16xf32> to vector<16xf32>
          %swap3A_195 = vector.shape_cast %mul3A_188 : vector<16xf32> to vector<1x1x16xf32>
          tpu.vector_store %arg9[%swap3A_190, %swap3A_191, %swap3A_192], %swap3A_195 {strides = array<i32>} : memref<2x128x128xf32, #tpu.memory_space<vmem>>, vector<1x1x16xf32>,
          %get3A_196 = arith.constant 1 : i32
          %get3A_197 = arith.index_cast %get3A_196 : i32 to index
          %get3A_198 = arith.index_cast %scan3A_137 : i32 to index
          %get3A_199 = arith.constant 48 : index
          %get3A_200 = tpu.vector_load %arg9[%get3A_197, %get3A_198, %get3A_199] {strides = array<i32>} : memref<2x128x128xf32, #tpu.memory_space<vmem>>, vector<1x1x16xf32>,
          %get3A_201 = vector.shape_cast %get3A_200 : vector<1x1x16xf32> to vector<16xf32>
          %get3A_202 = arith.constant 1 : i32
          %get3A_203 = arith.index_cast %get3A_202 : i32 to index
          %get3A_204 = arith.index_cast %scan3A_137 : i32 to index
          %get3A_205 = arith.constant 48 : index
          %get3A_206 = tpu.vector_load %arg10[%get3A_203, %get3A_204, %get3A_205] {strides = array<i32>} : memref<2x128x128xf32, #tpu.memory_space<vmem>>, vector<1x1x16xf32>,
          %get3A_207 = vector.shape_cast %get3A_206 : vector<1x1x16xf32> to vector<16xf32>
          %mul3A_208 = arith.mulf %get3A_201, %get3A_207 : vector<16xf32>
          %swap3A_209 = arith.constant 1 : i32
          %swap3A_210 = arith.index_cast %swap3A_209 : i32 to index
          %swap3A_211 = arith.index_cast %scan3A_137 : i32 to index
          %swap3A_212 = arith.constant 48 : index
          %swap3A_213 = tpu.vector_load %arg9[%swap3A_210, %swap3A_211, %swap3A_212] {strides = array<i32>} : memref<2x128x128xf32, #tpu.memory_space<vmem>>, vector<1x1x16xf32>,
          %swap3A_214 = vector.shape_cast %swap3A_213 : vector<1x1x16xf32> to vector<16xf32>
          %swap3A_215 = vector.shape_cast %mul3A_208 : vector<16xf32> to vector<1x1x16xf32>
          tpu.vector_store %arg9[%swap3A_210, %swap3A_211, %swap3A_212], %swap3A_215 {strides = array<i32>} : memref<2x128x128xf32, #tpu.memory_space<vmem>>, vector<1x1x16xf32>,
          %get3A_216 = arith.constant 1 : i32
          %get3A_217 = arith.index_cast %get3A_216 : i32 to index
          %get3A_218 = arith.index_cast %scan3A_137 : i32 to index
          %get3A_219 = arith.constant 64 : index
          %get3A_220 = tpu.vector_load %arg9[%get3A_217, %get3A_218, %get3A_219] {strides = array<i32>} : memref<2x128x128xf32, #tpu.memory_space<vmem>>, vector<1x1x16xf32>,
          %get3A_221 = vector.shape_cast %get3A_220 : vector<1x1x16xf32> to vector<16xf32>
          %get3A_222 = arith.constant 1 : i32
          %get3A_223 = arith.index_cast %get3A_222 : i32 to index
          %get3A_224 = arith.index_cast %scan3A_137 : i32 to index
          %get3A_225 = arith.constant 64 : index
          %get3A_226 = tpu.vector_load %arg10[%get3A_223, %get3A_224, %get3A_225] {strides = array<i32>} : memref<2x128x128xf32, #tpu.memory_space<vmem>>, vector<1x1x16xf32>,
          %get3A_227 = vector.shape_cast %get3A_226 : vector<1x1x16xf32> to vector<16xf32>
          %mul3A_228 = arith.mulf %get3A_221, %get3A_227 : vector<16xf32>
          %swap3A_229 = arith.constant 1 : i32
          %swap3A_230 = arith.index_cast %swap3A_229 : i32 to index
          %swap3A_231 = arith.index_cast %scan3A_137 : i32 to index
          %swap3A_232 = arith.constant 64 : index
          %swap3A_233 = tpu.vector_load %arg9[%swap3A_230, %swap3A_231, %swap3A_232] {strides = array<i32>} : memref<2x128x128xf32, #tpu.memory_space<vmem>>, vector<1x1x16xf32>,
          %swap3A_234 = vector.shape_cast %swap3A_233 : vector<1x1x16xf32> to vector<16xf32>
          %swap3A_235 = vector.shape_cast %mul3A_228 : vector<16xf32> to vector<1x1x16xf32>
          tpu.vector_store %arg9[%swap3A_230, %swap3A_231, %swap3A_232], %swap3A_235 {strides = array<i32>} : memref<2x128x128xf32, #tpu.memory_space<vmem>>, vector<1x1x16xf32>,
          %get3A_236 = arith.constant 1 : i32
          %get3A_237 = arith.index_cast %get3A_236 : i32 to index
          %get3A_238 = arith.index_cast %scan3A_137 : i32 to index
          %get3A_239 = arith.constant 80 : index
          %get3A_240 = tpu.vector_load %arg9[%get3A_237, %get3A_238, %get3A_239] {strides = array<i32>} : memref<2x128x128xf32, #tpu.memory_space<vmem>>, vector<1x1x16xf32>,
          %get3A_241 = vector.shape_cast %get3A_240 : vector<1x1x16xf32> to vector<16xf32>
          %get3A_242 = arith.constant 1 : i32
          %get3A_243 = arith.index_cast %get3A_242 : i32 to index
          %get3A_244 = arith.index_cast %scan3A_137 : i32 to index
          %get3A_245 = arith.constant 80 : index
          %get3A_246 = tpu.vector_load %arg10[%get3A_243, %get3A_244, %get3A_245] {strides = array<i32>} : memref<2x128x128xf32, #tpu.memory_space<vmem>>, vector<1x1x16xf32>,
          %get3A_247 = vector.shape_cast %get3A_246 : vector<1x1x16xf32> to vector<16xf32>
          %mul3A_248 = arith.mulf %get3A_241, %get3A_247 : vector<16xf32>
          %swap3A_249 = arith.constant 1 : i32
          %swap3A_250 = arith.index_cast %swap3A_249 : i32 to index
          %swap3A_251 = arith.index_cast %scan3A_137 : i32 to index
          %swap3A_252 = arith.constant 80 : index
          %swap3A_253 = tpu.vector_load %arg9[%swap3A_250, %swap3A_251, %swap3A_252] {strides = array<i32>} : memref<2x128x128xf32, #tpu.memory_space<vmem>>, vector<1x1x16xf32>,
          %swap3A_254 = vector.shape_cast %swap3A_253 : vector<1x1x16xf32> to vector<16xf32>
          %swap3A_255 = vector.shape_cast %mul3A_248 : vector<16xf32> to vector<1x1x16xf32>
          tpu.vector_store %arg9[%swap3A_250, %swap3A_251, %swap3A_252], %swap3A_255 {strides = array<i32>} : memref<2x128x128xf32, #tpu.memory_space<vmem>>, vector<1x1x16xf32>,
          %get3A_256 = arith.constant 1 : i32
          %get3A_257 = arith.index_cast %get3A_256 : i32 to index
          %get3A_258 = arith.index_cast %scan3A_137 : i32 to index
          %get3A_259 = arith.constant 96 : index
          %get3A_260 = tpu.vector_load %arg9[%get3A_257, %get3A_258, %get3A_259] {strides = array<i32>} : memref<2x128x128xf32, #tpu.memory_space<vmem>>, vector<1x1x16xf32>,
          %get3A_261 = vector.shape_cast %get3A_260 : vector<1x1x16xf32> to vector<16xf32>
          %get3A_262 = arith.constant 1 : i32
          %get3A_263 = arith.index_cast %get3A_262 : i32 to index
          %get3A_264 = arith.index_cast %scan3A_137 : i32 to index
          %get3A_265 = arith.constant 96 : index
          %get3A_266 = tpu.vector_load %arg10[%get3A_263, %get3A_264, %get3A_265] {strides = array<i32>} : memref<2x128x128xf32, #tpu.memory_space<vmem>>, vector<1x1x16xf32>,
          %get3A_267 = vector.shape_cast %get3A_266 : vector<1x1x16xf32> to vector<16xf32>
          %mul3A_268 = arith.mulf %get3A_261, %get3A_267 : vector<16xf32>
          %swap3A_269 = arith.constant 1 : i32
          %swap3A_270 = arith.index_cast %swap3A_269 : i32 to index
          %swap3A_271 = arith.index_cast %scan3A_137 : i32 to index
          %swap3A_272 = arith.constant 96 : index
          %swap3A_273 = tpu.vector_load %arg9[%swap3A_270, %swap3A_271, %swap3A_272] {strides = array<i32>} : memref<2x128x128xf32, #tpu.memory_space<vmem>>, vector<1x1x16xf32>,
          %swap3A_274 = vector.shape_cast %swap3A_273 : vector<1x1x16xf32> to vector<16xf32>
          %swap3A_275 = vector.shape_cast %mul3A_268 : vector<16xf32> to vector<1x1x16xf32>
          tpu.vector_store %arg9[%swap3A_270, %swap3A_271, %swap3A_272], %swap3A_275 {strides = array<i32>} : memref<2x128x128xf32, #tpu.memory_space<vmem>>, vector<1x1x16xf32>,
          %get3A_276 = arith.constant 1 : i32
          %get3A_277 = arith.index_cast %get3A_276 : i32 to index
          %get3A_278 = arith.index_cast %scan3A_137 : i32 to index
          %get3A_279 = arith.constant 112 : index
          %get3A_280 = tpu.vector_load %arg9[%get3A_277, %get3A_278, %get3A_279] {strides = array<i32>} : memref<2x128x128xf32, #tpu.memory_space<vmem>>, vector<1x1x16xf32>,
          %get3A_281 = vector.shape_cast %get3A_280 : vector<1x1x16xf32> to vector<16xf32>
          %get3A_282 = arith.constant 1 : i32
          %get3A_283 = arith.index_cast %get3A_282 : i32 to index
          %get3A_284 = arith.index_cast %scan3A_137 : i32 to index
          %get3A_285 = arith.constant 112 : index
          %get3A_286 = tpu.vector_load %arg10[%get3A_283, %get3A_284, %get3A_285] {strides = array<i32>} : memref<2x128x128xf32, #tpu.memory_space<vmem>>, vector<1x1x16xf32>,
          %get3A_287 = vector.shape_cast %get3A_286 : vector<1x1x16xf32> to vector<16xf32>
          %mul3A_288 = arith.mulf %get3A_281, %get3A_287 : vector<16xf32>
          %swap3A_289 = arith.constant 1 : i32
          %swap3A_290 = arith.index_cast %swap3A_289 : i32 to index
          %swap3A_291 = arith.index_cast %scan3A_137 : i32 to index
          %swap3A_292 = arith.constant 112 : index
          %swap3A_293 = tpu.vector_load %arg9[%swap3A_290, %swap3A_291, %swap3A_292] {strides = array<i32>} : memref<2x128x128xf32, #tpu.memory_space<vmem>>, vector<1x1x16xf32>,
          %swap3A_294 = vector.shape_cast %swap3A_293 : vector<1x1x16xf32> to vector<16xf32>
          %swap3A_295 = vector.shape_cast %mul3A_288 : vector<16xf32> to vector<1x1x16xf32>
          tpu.vector_store %arg9[%swap3A_290, %swap3A_291, %swap3A_292], %swap3A_295 {strides = array<i32>} : memref<2x128x128xf32, #tpu.memory_space<vmem>>, vector<1x1x16xf32>,
        }
        %scan3A_132 = arith.constant 128 : i32
        %mul3A_133 = arith.constant 128 : i32
        %mul3A_134 = arith.muli %add3A_126, %mul3A_133 : i32
        %add3A_135 = arith.addi %add3A, %mul3A_134 : i32
        %run_scoped3A_136 = arith.constant 1 : i32
        "tpu.region"() ({
          %run_scoped3A_137 = tpu.sem_alloc : memref<!tpu.dma_semaphore, #tpu.memory_space<semaphore_mem>>
          %dma_start3A_138 = arith.constant 0 : i32
          %dma_start3A_139 = arith.constant 0 : i32
          %dma_start3A_140 = tpu.memref_slice %arg9[%run_scoped3A_136, %dma_start3A_138, %dma_start3A_139] : memref<2x128x128xf32, #tpu.memory_space<vmem>> -> memref<1x128x128xf32, #tpu.memory_space<vmem>>
          %dma_start3A_141 = tpu.memref_squeeze %dma_start3A_140 : memref<1x128x128xf32, #tpu.memory_space<vmem>> -> memref<128x128xf32, #tpu.memory_space<vmem>>
          %dma_start3A_142 = arith.constant 0 : i32
          %dma_start3A_143 = tpu.memref_slice %arg6[%add3A_135, %dma_start3A_142] : memref<131072x128xf32, #tpu.memory_space<hbm>> -> memref<128x128xf32, #tpu.memory_space<hbm>>
          %dma_start3A_144 = arith.constant 0 : i32
          %dma_start3A_145 = tpu.memref_slice %arg6[%add3A_135, %dma_start3A_144] : memref<131072x128xf32, #tpu.memory_space<hbm>> -> memref<128x128xf32, #tpu.memory_space<hbm>>
          %dma_start3A_146 = arith.constant 0 : i32
          %dma_start3A_147 = arith.constant 0 : i32
          %dma_start3A_148 = tpu.memref_slice %arg9[%run_scoped3A_136, %dma_start3A_146, %dma_start3A_147] : memref<2x128x128xf32, #tpu.memory_space<vmem>> -> memref<1x128x128xf32, #tpu.memory_space<vmem>>
          %dma_start3A_149 = tpu.memref_squeeze %dma_start3A_148 : memref<1x128x128xf32, #tpu.memory_space<vmem>> -> memref<128x128xf32, #tpu.memory_space<vmem>>
          tpu.enqueue_dma source(%dma_start3A_149 : memref<128x128xf32, #tpu.memory_space<vmem>>) target(%dma_start3A_145 : memref<128x128xf32, #tpu.memory_space<hbm>>) target_semaphore(%run_scoped3A_137 : memref<!tpu.dma_semaphore, #tpu.memory_space<semaphore_mem>>)
          %dma_wait3A_150 = arith.constant 0 : i32
          %dma_wait3A_151 = arith.constant 0 : i32
          %dma_wait3A_152 = tpu.memref_slice %arg9[%run_scoped3A_136, %dma_wait3A_150, %dma_wait3A_151] : memref<2x128x128xf32, #tpu.memory_space<vmem>> -> memref<1x128x128xf32, #tpu.memory_space<vmem>>
          %dma_wait3A_153 = tpu.memref_squeeze %dma_wait3A_152 : memref<1x128x128xf32, #tpu.memory_space<vmem>> -> memref<128x128xf32, #tpu.memory_space<vmem>>
          %dma_wait3A_154 = arith.constant 0 : i32
          %dma_wait3A_155 = tpu.memref_slice %arg6[%add3A_135, %dma_wait3A_154] : memref<131072x128xf32, #tpu.memory_space<hbm>> -> memref<128x128xf32, #tpu.memory_space<hbm>>
          %dma_wait3A_156 = arith.constant 0 : i32
          %dma_wait3A_157 = tpu.memref_slice %arg6[%add3A_135, %dma_wait3A_156] : memref<131072x128xf32, #tpu.memory_space<hbm>> -> memref<128x128xf32, #tpu.memory_space<hbm>>
          %dma_wait3A_158 = arith.constant 0 : i32
          %dma_wait3A_159 = arith.constant 0 : i32
          %dma_wait3A_160 = tpu.memref_slice %arg9[%run_scoped3A_136, %dma_wait3A_158, %dma_wait3A_159] : memref<2x128x128xf32, #tpu.memory_space<vmem>> -> memref<1x128x128xf32, #tpu.memory_space<vmem>>
          %dma_wait3A_161 = tpu.memref_squeeze %dma_wait3A_160 : memref<1x128x128xf32, #tpu.memory_space<vmem>> -> memref<128x128xf32, #tpu.memory_space<vmem>>
          tpu.wait_dma2 semaphore(%run_scoped3A_137 : memref<!tpu.dma_semaphore, #tpu.memory_space<semaphore_mem>>) src(%dma_wait3A_161 : memref<128x128xf32, #tpu.memory_space<vmem>>) dst(%dma_wait3A_157 : memref<128x128xf32, #tpu.memory_space<hbm>>)
          tpu.yield
        }) : () -> ()
      }
      %scan3A_37 = arith.constant 16 : i32
    } else {
    }
    return
  }
}

#map = affine_map<(d0, d1) -> (0, 0)>
#map1 = affine_map<(d0, d1) -> (0, 0, 0)>
module attributes {stable_mosaic.version = 14 : i64} {
  func.func @_agg_body(%arg0: i32, %arg1: i32, %arg2: memref<10000x128xf32, #tpu.memory_space<hbm>>, %arg3: memref<10000x128xf32, #tpu.memory_space<hbm>>, %arg4: memref<16x160x125xi32, #tpu.memory_space<hbm>>, %arg5: memref<16x160x125xi32, #tpu.memory_space<hbm>>, %arg6: memref<20000x128xf32, #tpu.memory_space<hbm>>, %arg7: memref<10000x128xf32, #tpu.memory_space<vmem_shared>>, %arg8: memref<40x125xi32, #tpu.memory_space<vmem>>, %arg9: memref<40x125xi32, #tpu.memory_space<vmem>>, %arg10: memref<2x125x128xf32, #tpu.memory_space<vmem>>, %arg11: memref<!tpu.dma_semaphore, #tpu.memory_space<semaphore_mem>>, %arg12: memref<!tpu.dma_semaphore, #tpu.memory_space<semaphore_mem>>) attributes {dimension_semantics = [#tpu.dimension_semantics<core_parallel>, #tpu.dimension_semantics<subcore_parallel>], iteration_bounds = array<i64: 2, 16>, scalar_prefetch = 0 : i64, scratch_operands = 6 : i64, tpu.core_type = #tpu.core_type<sc_vector_subcore>, window_params = [{transform_indices = #map}, {transform_indices = #map}, {transform_indices = #map1}, {transform_indices = #map1}, {transform_indices = #map}]} {
    %mul3A = arith.constant 10000 : i32
    %mul3A_0 = arith.muli %arg0, %mul3A : i32
    %eq3A = arith.constant 0 : i32
    %eq3A_1 = arith.cmpi eq, %arg0, %eq3A : i32
    %convert_element_type3A = arith.extui %eq3A_1 : i1 to i32
    %cond3A = arith.constant 0 : i32
    %cond3A_2 = arith.cmpi ne, %convert_element_type3A, %cond3A : i32
    scf.if %cond3A_2 {
      %mul3A_8 = arith.constant 624 : i32
      %mul3A_9 = arith.muli %arg1, %mul3A_8 : i32
      "tpu.region"() ({
        %run_scoped3A = tpu.sem_alloc : memref<!tpu.dma_semaphore, #tpu.memory_space<semaphore_mem>>
        %dma_start3A = arith.constant 0 : i32
        %dma_start3A_28 = tpu.memref_slice %arg7[%mul3A_9, %dma_start3A] : memref<10000x128xf32, #tpu.memory_space<vmem_shared>> -> memref<624x128xf32, #tpu.memory_space<vmem_shared>>
        %dma_start3A_29 = arith.constant 0 : i32
        %dma_start3A_30 = tpu.memref_slice %arg2[%mul3A_9, %dma_start3A_29] : memref<10000x128xf32, #tpu.memory_space<hbm>> -> memref<624x128xf32, #tpu.memory_space<hbm>>
        tpu.enqueue_dma source(%dma_start3A_30 : memref<624x128xf32, #tpu.memory_space<hbm>>) target(%dma_start3A_28 : memref<624x128xf32, #tpu.memory_space<vmem_shared>>) target_semaphore(%run_scoped3A : memref<!tpu.dma_semaphore, #tpu.memory_space<semaphore_mem>>)
        %dma_wait3A = arith.constant 0 : i32
        %dma_wait3A_31 = tpu.memref_slice %arg7[%mul3A_9, %dma_wait3A] : memref<10000x128xf32, #tpu.memory_space<vmem_shared>> -> memref<624x128xf32, #tpu.memory_space<vmem_shared>>
        %dma_wait3A_32 = arith.constant 0 : i32
        %dma_wait3A_33 = tpu.memref_slice %arg2[%mul3A_9, %dma_wait3A_32] : memref<10000x128xf32, #tpu.memory_space<hbm>> -> memref<624x128xf32, #tpu.memory_space<hbm>>
        tpu.wait_dma2 semaphore(%run_scoped3A : memref<!tpu.dma_semaphore, #tpu.memory_space<semaphore_mem>>) src(%dma_wait3A_33 : memref<624x128xf32, #tpu.memory_space<hbm>>) dst(%dma_wait3A_31 : memref<624x128xf32, #tpu.memory_space<vmem_shared>>)
        tpu.yield
      }) : () -> ()
      %eq3A_10 = arith.constant 0 : i32
      %eq3A_11 = arith.cmpi eq, %arg1, %eq3A_10 : i32
      %convert_element_type3A_12 = arith.extui %eq3A_11 : i1 to i32
      %cond3A_13 = arith.constant 0 : i32
      %cond3A_14 = arith.cmpi ne, %convert_element_type3A_12, %cond3A_13 : i32
      scf.if %cond3A_14 {
        "tpu.region"() ({
          %run_scoped3A = tpu.sem_alloc : memref<!tpu.dma_semaphore, #tpu.memory_space<semaphore_mem>>
          %dma_start3A = arith.constant 9984 : i32
          %dma_start3A_28 = arith.constant 0 : i32
          %dma_start3A_29 = tpu.memref_slice %arg7[%dma_start3A, %dma_start3A_28] : memref<10000x128xf32, #tpu.memory_space<vmem_shared>> -> memref<16x128xf32, #tpu.memory_space<vmem_shared>>
          %dma_start3A_30 = arith.constant 9984 : i32
          %dma_start3A_31 = arith.constant 0 : i32
          %dma_start3A_32 = tpu.memref_slice %arg2[%dma_start3A_30, %dma_start3A_31] : memref<10000x128xf32, #tpu.memory_space<hbm>> -> memref<16x128xf32, #tpu.memory_space<hbm>>
          tpu.enqueue_dma source(%dma_start3A_32 : memref<16x128xf32, #tpu.memory_space<hbm>>) target(%dma_start3A_29 : memref<16x128xf32, #tpu.memory_space<vmem_shared>>) target_semaphore(%run_scoped3A : memref<!tpu.dma_semaphore, #tpu.memory_space<semaphore_mem>>)
          %dma_wait3A = arith.constant 9984 : i32
          %dma_wait3A_33 = arith.constant 0 : i32
          %dma_wait3A_34 = tpu.memref_slice %arg7[%dma_wait3A, %dma_wait3A_33] : memref<10000x128xf32, #tpu.memory_space<vmem_shared>> -> memref<16x128xf32, #tpu.memory_space<vmem_shared>>
          %dma_wait3A_35 = arith.constant 9984 : i32
          %dma_wait3A_36 = arith.constant 0 : i32
          %dma_wait3A_37 = tpu.memref_slice %arg2[%dma_wait3A_35, %dma_wait3A_36] : memref<10000x128xf32, #tpu.memory_space<hbm>> -> memref<16x128xf32, #tpu.memory_space<hbm>>
          tpu.wait_dma2 semaphore(%run_scoped3A : memref<!tpu.dma_semaphore, #tpu.memory_space<semaphore_mem>>) src(%dma_wait3A_37 : memref<16x128xf32, #tpu.memory_space<hbm>>) dst(%dma_wait3A_34 : memref<16x128xf32, #tpu.memory_space<vmem_shared>>)
          tpu.yield
        }) : () -> ()
      } else {
      }
      %barrier3A = arith.constant 0 : index
      tpu.barrier barrier_id(%barrier3A)
      %scan3A = arith.constant 0 : i32
      %scan3A_15 = arith.constant 0 : i32
      %scan3A_16 = arith.constant 4 : i32
      %scan3A_17 = arith.addi %scan3A_15, %scan3A_16 : i32
      %scan3A_18 = arith.constant 1 : i32
      scf.for %scan3A_28 = %scan3A_15 to %scan3A_17 step %scan3A_18  : i32 {
        %mul3A_29 = arith.constant 40 : i32
        %mul3A_30 = arith.muli %scan3A_28, %mul3A_29 : i32
        "tpu.region"() ({
          %run_scoped3A = tpu.sem_alloc : memref<!tpu.dma_semaphore, #tpu.memory_space<semaphore_mem>>
          %dma_start3A_50 = arith.constant 0 : i32
          %dma_start3A_51 = tpu.memref_slice %arg4[%arg1, %mul3A_30, %dma_start3A_50] : memref<16x160x125xi32, #tpu.memory_space<hbm>> -> memref<1x40x125xi32, #tpu.memory_space<hbm>>
          %dma_start3A_52 = tpu.memref_squeeze %dma_start3A_51 : memref<1x40x125xi32, #tpu.memory_space<hbm>> -> memref<40x125xi32, #tpu.memory_space<hbm>>
          %dma_start3A_53 = arith.constant 0 : i32
          %dma_start3A_54 = tpu.memref_slice %arg4[%arg1, %mul3A_30, %dma_start3A_53] : memref<16x160x125xi32, #tpu.memory_space<hbm>> -> memref<1x40x125xi32, #tpu.memory_space<hbm>>
          %dma_start3A_55 = tpu.memref_squeeze %dma_start3A_54 : memref<1x40x125xi32, #tpu.memory_space<hbm>> -> memref<40x125xi32, #tpu.memory_space<hbm>>
          tpu.enqueue_dma source(%dma_start3A_55 : memref<40x125xi32, #tpu.memory_space<hbm>>) target(%arg8 : memref<40x125xi32, #tpu.memory_space<vmem>>) target_semaphore(%run_scoped3A : memref<!tpu.dma_semaphore, #tpu.memory_space<semaphore_mem>>)
          %dma_wait3A = arith.constant 0 : i32
          %dma_wait3A_56 = tpu.memref_slice %arg4[%arg1, %mul3A_30, %dma_wait3A] : memref<16x160x125xi32, #tpu.memory_space<hbm>> -> memref<1x40x125xi32, #tpu.memory_space<hbm>>
          %dma_wait3A_57 = tpu.memref_squeeze %dma_wait3A_56 : memref<1x40x125xi32, #tpu.memory_space<hbm>> -> memref<40x125xi32, #tpu.memory_space<hbm>>
          %dma_wait3A_58 = arith.constant 0 : i32
          %dma_wait3A_59 = tpu.memref_slice %arg4[%arg1, %mul3A_30, %dma_wait3A_58] : memref<16x160x125xi32, #tpu.memory_space<hbm>> -> memref<1x40x125xi32, #tpu.memory_space<hbm>>
          %dma_wait3A_60 = tpu.memref_squeeze %dma_wait3A_59 : memref<1x40x125xi32, #tpu.memory_space<hbm>> -> memref<40x125xi32, #tpu.memory_space<hbm>>
          tpu.wait_dma2 semaphore(%run_scoped3A : memref<!tpu.dma_semaphore, #tpu.memory_space<semaphore_mem>>) src(%dma_wait3A_60 : memref<40x125xi32, #tpu.memory_space<hbm>>) dst(%arg8 : memref<40x125xi32, #tpu.memory_space<vmem>>)
          tpu.yield
        }) : () -> ()
        %mul3A_31 = arith.constant 40 : i32
        %mul3A_32 = arith.muli %scan3A_28, %mul3A_31 : i32
        "tpu.region"() ({
          %run_scoped3A = tpu.sem_alloc : memref<!tpu.dma_semaphore, #tpu.memory_space<semaphore_mem>>
          %dma_start3A_50 = arith.constant 0 : i32
          %dma_start3A_51 = tpu.memref_slice %arg5[%arg1, %mul3A_32, %dma_start3A_50] : memref<16x160x125xi32, #tpu.memory_space<hbm>> -> memref<1x40x125xi32, #tpu.memory_space<hbm>>
          %dma_start3A_52 = tpu.memref_squeeze %dma_start3A_51 : memref<1x40x125xi32, #tpu.memory_space<hbm>> -> memref<40x125xi32, #tpu.memory_space<hbm>>
          %dma_start3A_53 = arith.constant 0 : i32
          %dma_start3A_54 = tpu.memref_slice %arg5[%arg1, %mul3A_32, %dma_start3A_53] : memref<16x160x125xi32, #tpu.memory_space<hbm>> -> memref<1x40x125xi32, #tpu.memory_space<hbm>>
          %dma_start3A_55 = tpu.memref_squeeze %dma_start3A_54 : memref<1x40x125xi32, #tpu.memory_space<hbm>> -> memref<40x125xi32, #tpu.memory_space<hbm>>
          tpu.enqueue_dma source(%dma_start3A_55 : memref<40x125xi32, #tpu.memory_space<hbm>>) target(%arg9 : memref<40x125xi32, #tpu.memory_space<vmem>>) target_semaphore(%run_scoped3A : memref<!tpu.dma_semaphore, #tpu.memory_space<semaphore_mem>>)
          %dma_wait3A = arith.constant 0 : i32
          %dma_wait3A_56 = tpu.memref_slice %arg5[%arg1, %mul3A_32, %dma_wait3A] : memref<16x160x125xi32, #tpu.memory_space<hbm>> -> memref<1x40x125xi32, #tpu.memory_space<hbm>>
          %dma_wait3A_57 = tpu.memref_squeeze %dma_wait3A_56 : memref<1x40x125xi32, #tpu.memory_space<hbm>> -> memref<40x125xi32, #tpu.memory_space<hbm>>
          %dma_wait3A_58 = arith.constant 0 : i32
          %dma_wait3A_59 = tpu.memref_slice %arg5[%arg1, %mul3A_32, %dma_wait3A_58] : memref<16x160x125xi32, #tpu.memory_space<hbm>> -> memref<1x40x125xi32, #tpu.memory_space<hbm>>
          %dma_wait3A_60 = tpu.memref_squeeze %dma_wait3A_59 : memref<1x40x125xi32, #tpu.memory_space<hbm>> -> memref<40x125xi32, #tpu.memory_space<hbm>>
          tpu.wait_dma2 semaphore(%run_scoped3A : memref<!tpu.dma_semaphore, #tpu.memory_space<semaphore_mem>>) src(%dma_wait3A_60 : memref<40x125xi32, #tpu.memory_space<hbm>>) dst(%arg9 : memref<40x125xi32, #tpu.memory_space<vmem>>)
          tpu.yield
        }) : () -> ()
        %dma_start3A = arith.constant 0 : i32
        %dma_start3A_33 = arith.constant 0 : i32
        %dma_start3A_34 = arith.constant 0 : i32
        %dma_start3A_35 = arith.constant 0 : i32
        %dma_start3A_36 = tpu.memref_slice %arg10[%dma_start3A_33, %dma_start3A_34, %dma_start3A_35] : memref<2x125x128xf32, #tpu.memory_space<vmem>> -> memref<1x125x128xf32, #tpu.memory_space<vmem>>
        %dma_start3A_37 = tpu.memref_squeeze %dma_start3A_36 : memref<1x125x128xf32, #tpu.memory_space<vmem>> -> memref<125x128xf32, #tpu.memory_space<vmem>>
        %dma_start3A_38 = arith.constant 0 : i32
        %dma_start3A_39 = tpu.memref_slice %arg8[%dma_start3A, %dma_start3A_38] : memref<40x125xi32, #tpu.memory_space<vmem>> -> memref<1x125xi32, #tpu.memory_space<vmem>>
        %dma_start3A_40 = tpu.memref_squeeze %dma_start3A_39 : memref<1x125xi32, #tpu.memory_space<vmem>> -> memref<125xi32, #tpu.memory_space<vmem>>
        %dma_start3A_41 = arith.constant 0 : i32
        %dma_start3A_42 = arith.constant 0 : i32
        %dma_start3A_43 = tpu.memref_slice %arg2[%dma_start3A_41, %dma_start3A_42] : memref<10000x128xf32, #tpu.memory_space<hbm>> -> memref<10000x128xf32, #tpu.memory_space<hbm>>
        tpu.enqueue_indirect_dma source(%dma_start3A_43 : memref<10000x128xf32, #tpu.memory_space<hbm>>) target(%dma_start3A_37 : memref<125x128xf32, #tpu.memory_space<vmem>>) offsets(%dma_start3A_40 : memref<125xi32, #tpu.memory_space<vmem>>) semaphore(%arg11 : memref<!tpu.dma_semaphore, #tpu.memory_space<semaphore_mem>>)
        %scan3A_44 = arith.constant 0 : i32
        %scan3A_45 = arith.constant 0 : i32
        %scan3A_46 = arith.constant 20 : i32
        %scan3A_47 = arith.addi %scan3A_45, %scan3A_46 : i32
        %scan3A_48 = arith.constant 1 : i32
        scf.for %scan3A_50 = %scan3A_45 to %scan3A_47 step %scan3A_48  : i32 {
          %mul3A_51 = arith.constant 2 : i32
          %mul3A_52 = arith.muli %scan3A_50, %mul3A_51 : i32
          %add3A_53 = arith.constant 1 : i32
          %add3A_54 = arith.addi %mul3A_52, %add3A_53 : i32
          %dma_start3A_55 = arith.constant 1 : i32
          %dma_start3A_56 = arith.constant 0 : i32
          %dma_start3A_57 = arith.constant 0 : i32
          %dma_start3A_58 = tpu.memref_slice %arg10[%dma_start3A_55, %dma_start3A_56, %dma_start3A_57] : memref<2x125x128xf32, #tpu.memory_space<vmem>> -> memref<1x125x128xf32, #tpu.memory_space<vmem>>
          %dma_start3A_59 = tpu.memref_squeeze %dma_start3A_58 : memref<1x125x128xf32, #tpu.memory_space<vmem>> -> memref<125x128xf32, #tpu.memory_space<vmem>>
          %dma_start3A_60 = arith.constant 0 : i32
          %dma_start3A_61 = tpu.memref_slice %arg8[%add3A_54, %dma_start3A_60] : memref<40x125xi32, #tpu.memory_space<vmem>> -> memref<1x125xi32, #tpu.memory_space<vmem>>
          %dma_start3A_62 = tpu.memref_squeeze %dma_start3A_61 : memref<1x125xi32, #tpu.memory_space<vmem>> -> memref<125xi32, #tpu.memory_space<vmem>>
          %dma_start3A_63 = arith.constant 0 : i32
          %dma_start3A_64 = arith.constant 0 : i32
          %dma_start3A_65 = tpu.memref_slice %arg2[%dma_start3A_63, %dma_start3A_64] : memref<10000x128xf32, #tpu.memory_space<hbm>> -> memref<10000x128xf32, #tpu.memory_space<hbm>>
          tpu.enqueue_indirect_dma source(%dma_start3A_65 : memref<10000x128xf32, #tpu.memory_space<hbm>>) target(%dma_start3A_59 : memref<125x128xf32, #tpu.memory_space<vmem>>) offsets(%dma_start3A_62 : memref<125xi32, #tpu.memory_space<vmem>>) semaphore(%arg12 : memref<!tpu.dma_semaphore, #tpu.memory_space<semaphore_mem>>)
          %dma_wait3A = arith.constant 0 : i32
          %dma_wait3A_66 = arith.constant 0 : i32
          %dma_wait3A_67 = arith.constant 0 : i32
          %dma_wait3A_68 = tpu.memref_slice %arg10[%dma_wait3A, %dma_wait3A_66, %dma_wait3A_67] : memref<2x125x128xf32, #tpu.memory_space<vmem>> -> memref<1x125x128xf32, #tpu.memory_space<vmem>>
          %dma_wait3A_69 = tpu.memref_squeeze %dma_wait3A_68 : memref<1x125x128xf32, #tpu.memory_space<vmem>> -> memref<125x128xf32, #tpu.memory_space<vmem>>
          %dma_wait3A_70 = arith.constant 0 : i32
          %dma_wait3A_71 = tpu.memref_slice %arg8[%mul3A_52, %dma_wait3A_70] : memref<40x125xi32, #tpu.memory_space<vmem>> -> memref<1x125xi32, #tpu.memory_space<vmem>>
          %dma_wait3A_72 = tpu.memref_squeeze %dma_wait3A_71 : memref<1x125xi32, #tpu.memory_space<vmem>> -> memref<125xi32, #tpu.memory_space<vmem>>
          %dma_wait3A_73 = arith.constant 0 : i32
          %dma_wait3A_74 = arith.constant 0 : i32
          %dma_wait3A_75 = tpu.memref_slice %arg2[%dma_wait3A_73, %dma_wait3A_74] : memref<10000x128xf32, #tpu.memory_space<hbm>> -> memref<10000x128xf32, #tpu.memory_space<hbm>>
          tpu.wait_indirect_dma semaphore(%arg11 : memref<!tpu.dma_semaphore, #tpu.memory_space<semaphore_mem>>) src(%dma_wait3A_75 : memref<10000x128xf32, #tpu.memory_space<hbm>>) dst(%dma_wait3A_69 : memref<125x128xf32, #tpu.memory_space<vmem>>)
          %run_scoped3A = arith.constant 0 : i32
          "tpu.region"() ({
            %run_scoped3A_98 = tpu.sem_alloc : memref<!tpu.dma_semaphore, #tpu.memory_space<semaphore_mem>>
            %dma_start3A_99 = arith.constant 0 : i32
            %dma_start3A_100 = arith.constant 0 : i32
            %dma_start3A_101 = tpu.memref_slice %arg10[%run_scoped3A, %dma_start3A_99, %dma_start3A_100] : memref<2x125x128xf32, #tpu.memory_space<vmem>> -> memref<1x125x128xf32, #tpu.memory_space<vmem>>
            %dma_start3A_102 = tpu.memref_squeeze %dma_start3A_101 : memref<1x125x128xf32, #tpu.memory_space<vmem>> -> memref<125x128xf32, #tpu.memory_space<vmem>>
            %dma_start3A_103 = arith.constant 0 : i32
            %dma_start3A_104 = tpu.memref_slice %arg9[%mul3A_52, %dma_start3A_103] : memref<40x125xi32, #tpu.memory_space<vmem>> -> memref<1x125xi32, #tpu.memory_space<vmem>>
            %dma_start3A_105 = tpu.memref_squeeze %dma_start3A_104 : memref<1x125xi32, #tpu.memory_space<vmem>> -> memref<125xi32, #tpu.memory_space<vmem>>
            %dma_start3A_106 = arith.constant 0 : i32
            %dma_start3A_107 = arith.constant 0 : i32
            %dma_start3A_108 = tpu.memref_slice %arg7[%dma_start3A_106, %dma_start3A_107] : memref<10000x128xf32, #tpu.memory_space<vmem_shared>> -> memref<10000x128xf32, #tpu.memory_space<vmem_shared>>
            tpu.enqueue_indirect_dma source(%dma_start3A_102 : memref<125x128xf32, #tpu.memory_space<vmem>>) target(%dma_start3A_108 : memref<10000x128xf32, #tpu.memory_space<vmem_shared>>) offsets(%dma_start3A_105 : memref<125xi32, #tpu.memory_space<vmem>>) semaphore(%run_scoped3A_98 : memref<!tpu.dma_semaphore, #tpu.memory_space<semaphore_mem>>) {add = true}
            %dma_wait3A_109 = arith.constant 0 : i32
            %dma_wait3A_110 = arith.constant 0 : i32
            %dma_wait3A_111 = tpu.memref_slice %arg10[%run_scoped3A, %dma_wait3A_109, %dma_wait3A_110] : memref<2x125x128xf32, #tpu.memory_space<vmem>> -> memref<1x125x128xf32, #tpu.memory_space<vmem>>
            %dma_wait3A_112 = tpu.memref_squeeze %dma_wait3A_111 : memref<1x125x128xf32, #tpu.memory_space<vmem>> -> memref<125x128xf32, #tpu.memory_space<vmem>>
            %dma_wait3A_113 = arith.constant 0 : i32
            %dma_wait3A_114 = tpu.memref_slice %arg9[%mul3A_52, %dma_wait3A_113] : memref<40x125xi32, #tpu.memory_space<vmem>> -> memref<1x125xi32, #tpu.memory_space<vmem>>
            %dma_wait3A_115 = tpu.memref_squeeze %dma_wait3A_114 : memref<1x125xi32, #tpu.memory_space<vmem>> -> memref<125xi32, #tpu.memory_space<vmem>>
            %dma_wait3A_116 = arith.constant 0 : i32
            %dma_wait3A_117 = arith.constant 0 : i32
            %dma_wait3A_118 = tpu.memref_slice %arg7[%dma_wait3A_116, %dma_wait3A_117] : memref<10000x128xf32, #tpu.memory_space<vmem_shared>> -> memref<10000x128xf32, #tpu.memory_space<vmem_shared>>
            tpu.wait_indirect_dma semaphore(%run_scoped3A_98 : memref<!tpu.dma_semaphore, #tpu.memory_space<semaphore_mem>>) src(%dma_wait3A_112 : memref<125x128xf32, #tpu.memory_space<vmem>>) dst(%dma_wait3A_118 : memref<10000x128xf32, #tpu.memory_space<vmem_shared>>)
            tpu.yield
          }) : () -> ()
          %add3A_76 = arith.constant 2 : i32
          %add3A_77 = arith.addi %mul3A_52, %add3A_76 : i32
          %lt3A = arith.constant 40 : i32
          %lt3A_78 = arith.cmpi slt, %add3A_77, %lt3A : i32
          %convert_element_type3A_79 = arith.extui %lt3A_78 : i1 to i32
          %cond3A_80 = arith.constant 0 : i32
          %cond3A_81 = arith.cmpi ne, %convert_element_type3A_79, %cond3A_80 : i32
          scf.if %cond3A_81 {
            %add3A_98 = arith.constant 2 : i32
            %add3A_99 = arith.addi %mul3A_52, %add3A_98 : i32
            %dma_start3A_100 = arith.constant 0 : i32
            %dma_start3A_101 = arith.constant 0 : i32
            %dma_start3A_102 = arith.constant 0 : i32
            %dma_start3A_103 = tpu.memref_slice %arg10[%dma_start3A_100, %dma_start3A_101, %dma_start3A_102] : memref<2x125x128xf32, #tpu.memory_space<vmem>> -> memref<1x125x128xf32, #tpu.memory_space<vmem>>
            %dma_start3A_104 = tpu.memref_squeeze %dma_start3A_103 : memref<1x125x128xf32, #tpu.memory_space<vmem>> -> memref<125x128xf32, #tpu.memory_space<vmem>>
            %dma_start3A_105 = arith.constant 0 : i32
            %dma_start3A_106 = tpu.memref_slice %arg8[%add3A_99, %dma_start3A_105] : memref<40x125xi32, #tpu.memory_space<vmem>> -> memref<1x125xi32, #tpu.memory_space<vmem>>
            %dma_start3A_107 = tpu.memref_squeeze %dma_start3A_106 : memref<1x125xi32, #tpu.memory_space<vmem>> -> memref<125xi32, #tpu.memory_space<vmem>>
            %dma_start3A_108 = arith.constant 0 : i32
            %dma_start3A_109 = arith.constant 0 : i32
            %dma_start3A_110 = tpu.memref_slice %arg2[%dma_start3A_108, %dma_start3A_109] : memref<10000x128xf32, #tpu.memory_space<hbm>> -> memref<10000x128xf32, #tpu.memory_space<hbm>>
            tpu.enqueue_indirect_dma source(%dma_start3A_110 : memref<10000x128xf32, #tpu.memory_space<hbm>>) target(%dma_start3A_104 : memref<125x128xf32, #tpu.memory_space<vmem>>) offsets(%dma_start3A_107 : memref<125xi32, #tpu.memory_space<vmem>>) semaphore(%arg11 : memref<!tpu.dma_semaphore, #tpu.memory_space<semaphore_mem>>)
          } else {
          }
          %add3A_82 = arith.constant 1 : i32
          %add3A_83 = arith.addi %mul3A_52, %add3A_82 : i32
          %dma_wait3A_84 = arith.constant 1 : i32
          %dma_wait3A_85 = arith.constant 0 : i32
          %dma_wait3A_86 = arith.constant 0 : i32
          %dma_wait3A_87 = tpu.memref_slice %arg10[%dma_wait3A_84, %dma_wait3A_85, %dma_wait3A_86] : memref<2x125x128xf32, #tpu.memory_space<vmem>> -> memref<1x125x128xf32, #tpu.memory_space<vmem>>
          %dma_wait3A_88 = tpu.memref_squeeze %dma_wait3A_87 : memref<1x125x128xf32, #tpu.memory_space<vmem>> -> memref<125x128xf32, #tpu.memory_space<vmem>>
          %dma_wait3A_89 = arith.constant 0 : i32
          %dma_wait3A_90 = tpu.memref_slice %arg8[%add3A_83, %dma_wait3A_89] : memref<40x125xi32, #tpu.memory_space<vmem>> -> memref<1x125xi32, #tpu.memory_space<vmem>>
          %dma_wait3A_91 = tpu.memref_squeeze %dma_wait3A_90 : memref<1x125xi32, #tpu.memory_space<vmem>> -> memref<125xi32, #tpu.memory_space<vmem>>
          %dma_wait3A_92 = arith.constant 0 : i32
          %dma_wait3A_93 = arith.constant 0 : i32
          %dma_wait3A_94 = tpu.memref_slice %arg2[%dma_wait3A_92, %dma_wait3A_93] : memref<10000x128xf32, #tpu.memory_space<hbm>> -> memref<10000x128xf32, #tpu.memory_space<hbm>>
          tpu.wait_indirect_dma semaphore(%arg12 : memref<!tpu.dma_semaphore, #tpu.memory_space<semaphore_mem>>) src(%dma_wait3A_94 : memref<10000x128xf32, #tpu.memory_space<hbm>>) dst(%dma_wait3A_88 : memref<125x128xf32, #tpu.memory_space<vmem>>)
          %add3A_95 = arith.constant 1 : i32
          %add3A_96 = arith.addi %mul3A_52, %add3A_95 : i32
          %run_scoped3A_97 = arith.constant 1 : i32
          "tpu.region"() ({
            %run_scoped3A_98 = tpu.sem_alloc : memref<!tpu.dma_semaphore, #tpu.memory_space<semaphore_mem>>
            %dma_start3A_99 = arith.constant 0 : i32
            %dma_start3A_100 = arith.constant 0 : i32
            %dma_start3A_101 = tpu.memref_slice %arg10[%run_scoped3A_97, %dma_start3A_99, %dma_start3A_100] : memref<2x125x128xf32, #tpu.memory_space<vmem>> -> memref<1x125x128xf32, #tpu.memory_space<vmem>>
            %dma_start3A_102 = tpu.memref_squeeze %dma_start3A_101 : memref<1x125x128xf32, #tpu.memory_space<vmem>> -> memref<125x128xf32, #tpu.memory_space<vmem>>
            %dma_start3A_103 = arith.constant 0 : i32
            %dma_start3A_104 = tpu.memref_slice %arg9[%add3A_96, %dma_start3A_103] : memref<40x125xi32, #tpu.memory_space<vmem>> -> memref<1x125xi32, #tpu.memory_space<vmem>>
            %dma_start3A_105 = tpu.memref_squeeze %dma_start3A_104 : memref<1x125xi32, #tpu.memory_space<vmem>> -> memref<125xi32, #tpu.memory_space<vmem>>
            %dma_start3A_106 = arith.constant 0 : i32
            %dma_start3A_107 = arith.constant 0 : i32
            %dma_start3A_108 = tpu.memref_slice %arg7[%dma_start3A_106, %dma_start3A_107] : memref<10000x128xf32, #tpu.memory_space<vmem_shared>> -> memref<10000x128xf32, #tpu.memory_space<vmem_shared>>
            tpu.enqueue_indirect_dma source(%dma_start3A_102 : memref<125x128xf32, #tpu.memory_space<vmem>>) target(%dma_start3A_108 : memref<10000x128xf32, #tpu.memory_space<vmem_shared>>) offsets(%dma_start3A_105 : memref<125xi32, #tpu.memory_space<vmem>>) semaphore(%run_scoped3A_98 : memref<!tpu.dma_semaphore, #tpu.memory_space<semaphore_mem>>) {add = true}
            %dma_wait3A_109 = arith.constant 0 : i32
            %dma_wait3A_110 = arith.constant 0 : i32
            %dma_wait3A_111 = tpu.memref_slice %arg10[%run_scoped3A_97, %dma_wait3A_109, %dma_wait3A_110] : memref<2x125x128xf32, #tpu.memory_space<vmem>> -> memref<1x125x128xf32, #tpu.memory_space<vmem>>
            %dma_wait3A_112 = tpu.memref_squeeze %dma_wait3A_111 : memref<1x125x128xf32, #tpu.memory_space<vmem>> -> memref<125x128xf32, #tpu.memory_space<vmem>>
            %dma_wait3A_113 = arith.constant 0 : i32
            %dma_wait3A_114 = tpu.memref_slice %arg9[%add3A_96, %dma_wait3A_113] : memref<40x125xi32, #tpu.memory_space<vmem>> -> memref<1x125xi32, #tpu.memory_space<vmem>>
            %dma_wait3A_115 = tpu.memref_squeeze %dma_wait3A_114 : memref<1x125xi32, #tpu.memory_space<vmem>> -> memref<125xi32, #tpu.memory_space<vmem>>
            %dma_wait3A_116 = arith.constant 0 : i32
            %dma_wait3A_117 = arith.constant 0 : i32
            %dma_wait3A_118 = tpu.memref_slice %arg7[%dma_wait3A_116, %dma_wait3A_117] : memref<10000x128xf32, #tpu.memory_space<vmem_shared>> -> memref<10000x128xf32, #tpu.memory_space<vmem_shared>>
            tpu.wait_indirect_dma semaphore(%run_scoped3A_98 : memref<!tpu.dma_semaphore, #tpu.memory_space<semaphore_mem>>) src(%dma_wait3A_112 : memref<125x128xf32, #tpu.memory_space<vmem>>) dst(%dma_wait3A_118 : memref<10000x128xf32, #tpu.memory_space<vmem_shared>>)
            tpu.yield
          }) : () -> ()
        }
        %scan3A_49 = arith.constant 20 : i32
      }
      %scan3A_19 = arith.constant 4 : i32
      %barrier3A_20 = arith.constant 0 : index
      tpu.barrier barrier_id(%barrier3A_20)
      %mul3A_21 = arith.constant 624 : i32
      %mul3A_22 = arith.muli %arg1, %mul3A_21 : i32
      %add3A = arith.addi %mul3A_0, %mul3A_22 : i32
      "tpu.region"() ({
        %run_scoped3A = tpu.sem_alloc : memref<!tpu.dma_semaphore, #tpu.memory_space<semaphore_mem>>
        %dma_start3A = arith.constant 0 : i32
        %dma_start3A_28 = tpu.memref_slice %arg6[%add3A, %dma_start3A] : memref<20000x128xf32, #tpu.memory_space<hbm>> -> memref<624x128xf32, #tpu.memory_space<hbm>>
        %dma_start3A_29 = arith.constant 0 : i32
        %dma_start3A_30 = tpu.memref_slice %arg7[%mul3A_22, %dma_start3A_29] : memref<10000x128xf32, #tpu.memory_space<vmem_shared>> -> memref<624x128xf32, #tpu.memory_space<vmem_shared>>
        tpu.enqueue_dma source(%dma_start3A_30 : memref<624x128xf32, #tpu.memory_space<vmem_shared>>) target(%dma_start3A_28 : memref<624x128xf32, #tpu.memory_space<hbm>>) target_semaphore(%run_scoped3A : memref<!tpu.dma_semaphore, #tpu.memory_space<semaphore_mem>>)
        %dma_wait3A = arith.constant 0 : i32
        %dma_wait3A_31 = tpu.memref_slice %arg6[%add3A, %dma_wait3A] : memref<20000x128xf32, #tpu.memory_space<hbm>> -> memref<624x128xf32, #tpu.memory_space<hbm>>
        %dma_wait3A_32 = arith.constant 0 : i32
        %dma_wait3A_33 = tpu.memref_slice %arg7[%mul3A_22, %dma_wait3A_32] : memref<10000x128xf32, #tpu.memory_space<vmem_shared>> -> memref<624x128xf32, #tpu.memory_space<vmem_shared>>
        tpu.wait_dma2 semaphore(%run_scoped3A : memref<!tpu.dma_semaphore, #tpu.memory_space<semaphore_mem>>) src(%dma_wait3A_33 : memref<624x128xf32, #tpu.memory_space<vmem_shared>>) dst(%dma_wait3A_31 : memref<624x128xf32, #tpu.memory_space<hbm>>)
        tpu.yield
      }) : () -> ()
      %eq3A_23 = arith.constant 0 : i32
      %eq3A_24 = arith.cmpi eq, %arg1, %eq3A_23 : i32
      %convert_element_type3A_25 = arith.extui %eq3A_24 : i1 to i32
      %cond3A_26 = arith.constant 0 : i32
      %cond3A_27 = arith.cmpi ne, %convert_element_type3A_25, %cond3A_26 : i32
      scf.if %cond3A_27 {
        %add3A_28 = arith.constant 9984 : i32
        %add3A_29 = arith.addi %mul3A_0, %add3A_28 : i32
        "tpu.region"() ({
          %run_scoped3A = tpu.sem_alloc : memref<!tpu.dma_semaphore, #tpu.memory_space<semaphore_mem>>
          %dma_start3A = arith.constant 0 : i32
          %dma_start3A_30 = tpu.memref_slice %arg6[%add3A_29, %dma_start3A] : memref<20000x128xf32, #tpu.memory_space<hbm>> -> memref<16x128xf32, #tpu.memory_space<hbm>>
          %dma_start3A_31 = arith.constant 9984 : i32
          %dma_start3A_32 = arith.constant 0 : i32
          %dma_start3A_33 = tpu.memref_slice %arg7[%dma_start3A_31, %dma_start3A_32] : memref<10000x128xf32, #tpu.memory_space<vmem_shared>> -> memref<16x128xf32, #tpu.memory_space<vmem_shared>>
          tpu.enqueue_dma source(%dma_start3A_33 : memref<16x128xf32, #tpu.memory_space<vmem_shared>>) target(%dma_start3A_30 : memref<16x128xf32, #tpu.memory_space<hbm>>) target_semaphore(%run_scoped3A : memref<!tpu.dma_semaphore, #tpu.memory_space<semaphore_mem>>)
          %dma_wait3A = arith.constant 0 : i32
          %dma_wait3A_34 = tpu.memref_slice %arg6[%add3A_29, %dma_wait3A] : memref<20000x128xf32, #tpu.memory_space<hbm>> -> memref<16x128xf32, #tpu.memory_space<hbm>>
          %dma_wait3A_35 = arith.constant 9984 : i32
          %dma_wait3A_36 = arith.constant 0 : i32
          %dma_wait3A_37 = tpu.memref_slice %arg7[%dma_wait3A_35, %dma_wait3A_36] : memref<10000x128xf32, #tpu.memory_space<vmem_shared>> -> memref<16x128xf32, #tpu.memory_space<vmem_shared>>
          tpu.wait_dma2 semaphore(%run_scoped3A : memref<!tpu.dma_semaphore, #tpu.memory_space<semaphore_mem>>) src(%dma_wait3A_37 : memref<16x128xf32, #tpu.memory_space<vmem_shared>>) dst(%dma_wait3A_34 : memref<16x128xf32, #tpu.memory_space<hbm>>)
          tpu.yield
        }) : () -> ()
      } else {
      }
    } else {
    }
    %eq3A_3 = arith.constant 1 : i32
    %eq3A_4 = arith.cmpi eq, %arg0, %eq3A_3 : i32
    %convert_element_type3A_5 = arith.extui %eq3A_4 : i1 to i32
    %cond3A_6 = arith.constant 0 : i32
    %cond3A_7 = arith.cmpi ne, %convert_element_type3A_5, %cond3A_6 : i32
    scf.if %cond3A_7 {
      %mul3A_8 = arith.constant 624 : i32
      %mul3A_9 = arith.muli %arg1, %mul3A_8 : i32
      "tpu.region"() ({
        %run_scoped3A = tpu.sem_alloc : memref<!tpu.dma_semaphore, #tpu.memory_space<semaphore_mem>>
        %dma_start3A = arith.constant 0 : i32
        %dma_start3A_28 = tpu.memref_slice %arg7[%mul3A_9, %dma_start3A] : memref<10000x128xf32, #tpu.memory_space<vmem_shared>> -> memref<624x128xf32, #tpu.memory_space<vmem_shared>>
        %dma_start3A_29 = arith.constant 0 : i32
        %dma_start3A_30 = tpu.memref_slice %arg3[%mul3A_9, %dma_start3A_29] : memref<10000x128xf32, #tpu.memory_space<hbm>> -> memref<624x128xf32, #tpu.memory_space<hbm>>
        tpu.enqueue_dma source(%dma_start3A_30 : memref<624x128xf32, #tpu.memory_space<hbm>>) target(%dma_start3A_28 : memref<624x128xf32, #tpu.memory_space<vmem_shared>>) target_semaphore(%run_scoped3A : memref<!tpu.dma_semaphore, #tpu.memory_space<semaphore_mem>>)
        %dma_wait3A = arith.constant 0 : i32
        %dma_wait3A_31 = tpu.memref_slice %arg7[%mul3A_9, %dma_wait3A] : memref<10000x128xf32, #tpu.memory_space<vmem_shared>> -> memref<624x128xf32, #tpu.memory_space<vmem_shared>>
        %dma_wait3A_32 = arith.constant 0 : i32
        %dma_wait3A_33 = tpu.memref_slice %arg3[%mul3A_9, %dma_wait3A_32] : memref<10000x128xf32, #tpu.memory_space<hbm>> -> memref<624x128xf32, #tpu.memory_space<hbm>>
        tpu.wait_dma2 semaphore(%run_scoped3A : memref<!tpu.dma_semaphore, #tpu.memory_space<semaphore_mem>>) src(%dma_wait3A_33 : memref<624x128xf32, #tpu.memory_space<hbm>>) dst(%dma_wait3A_31 : memref<624x128xf32, #tpu.memory_space<vmem_shared>>)
        tpu.yield
      }) : () -> ()
      %eq3A_10 = arith.constant 0 : i32
      %eq3A_11 = arith.cmpi eq, %arg1, %eq3A_10 : i32
      %convert_element_type3A_12 = arith.extui %eq3A_11 : i1 to i32
      %cond3A_13 = arith.constant 0 : i32
      %cond3A_14 = arith.cmpi ne, %convert_element_type3A_12, %cond3A_13 : i32
      scf.if %cond3A_14 {
        "tpu.region"() ({
          %run_scoped3A = tpu.sem_alloc : memref<!tpu.dma_semaphore, #tpu.memory_space<semaphore_mem>>
          %dma_start3A = arith.constant 9984 : i32
          %dma_start3A_28 = arith.constant 0 : i32
          %dma_start3A_29 = tpu.memref_slice %arg7[%dma_start3A, %dma_start3A_28] : memref<10000x128xf32, #tpu.memory_space<vmem_shared>> -> memref<16x128xf32, #tpu.memory_space<vmem_shared>>
          %dma_start3A_30 = arith.constant 9984 : i32
          %dma_start3A_31 = arith.constant 0 : i32
          %dma_start3A_32 = tpu.memref_slice %arg3[%dma_start3A_30, %dma_start3A_31] : memref<10000x128xf32, #tpu.memory_space<hbm>> -> memref<16x128xf32, #tpu.memory_space<hbm>>
          tpu.enqueue_dma source(%dma_start3A_32 : memref<16x128xf32, #tpu.memory_space<hbm>>) target(%dma_start3A_29 : memref<16x128xf32, #tpu.memory_space<vmem_shared>>) target_semaphore(%run_scoped3A : memref<!tpu.dma_semaphore, #tpu.memory_space<semaphore_mem>>)
          %dma_wait3A = arith.constant 9984 : i32
          %dma_wait3A_33 = arith.constant 0 : i32
          %dma_wait3A_34 = tpu.memref_slice %arg7[%dma_wait3A, %dma_wait3A_33] : memref<10000x128xf32, #tpu.memory_space<vmem_shared>> -> memref<16x128xf32, #tpu.memory_space<vmem_shared>>
          %dma_wait3A_35 = arith.constant 9984 : i32
          %dma_wait3A_36 = arith.constant 0 : i32
          %dma_wait3A_37 = tpu.memref_slice %arg3[%dma_wait3A_35, %dma_wait3A_36] : memref<10000x128xf32, #tpu.memory_space<hbm>> -> memref<16x128xf32, #tpu.memory_space<hbm>>
          tpu.wait_dma2 semaphore(%run_scoped3A : memref<!tpu.dma_semaphore, #tpu.memory_space<semaphore_mem>>) src(%dma_wait3A_37 : memref<16x128xf32, #tpu.memory_space<hbm>>) dst(%dma_wait3A_34 : memref<16x128xf32, #tpu.memory_space<vmem_shared>>)
          tpu.yield
        }) : () -> ()
      } else {
      }
      %barrier3A = arith.constant 0 : index
      tpu.barrier barrier_id(%barrier3A)
      %scan3A = arith.constant 0 : i32
      %scan3A_15 = arith.constant 0 : i32
      %scan3A_16 = arith.constant 4 : i32
      %scan3A_17 = arith.addi %scan3A_15, %scan3A_16 : i32
      %scan3A_18 = arith.constant 1 : i32
      scf.for %scan3A_28 = %scan3A_15 to %scan3A_17 step %scan3A_18  : i32 {
        %mul3A_29 = arith.constant 40 : i32
        %mul3A_30 = arith.muli %scan3A_28, %mul3A_29 : i32
        "tpu.region"() ({
          %run_scoped3A = tpu.sem_alloc : memref<!tpu.dma_semaphore, #tpu.memory_space<semaphore_mem>>
          %dma_start3A_50 = arith.constant 0 : i32
          %dma_start3A_51 = tpu.memref_slice %arg4[%arg1, %mul3A_30, %dma_start3A_50] : memref<16x160x125xi32, #tpu.memory_space<hbm>> -> memref<1x40x125xi32, #tpu.memory_space<hbm>>
          %dma_start3A_52 = tpu.memref_squeeze %dma_start3A_51 : memref<1x40x125xi32, #tpu.memory_space<hbm>> -> memref<40x125xi32, #tpu.memory_space<hbm>>
          %dma_start3A_53 = arith.constant 0 : i32
          %dma_start3A_54 = tpu.memref_slice %arg4[%arg1, %mul3A_30, %dma_start3A_53] : memref<16x160x125xi32, #tpu.memory_space<hbm>> -> memref<1x40x125xi32, #tpu.memory_space<hbm>>
          %dma_start3A_55 = tpu.memref_squeeze %dma_start3A_54 : memref<1x40x125xi32, #tpu.memory_space<hbm>> -> memref<40x125xi32, #tpu.memory_space<hbm>>
          tpu.enqueue_dma source(%dma_start3A_55 : memref<40x125xi32, #tpu.memory_space<hbm>>) target(%arg8 : memref<40x125xi32, #tpu.memory_space<vmem>>) target_semaphore(%run_scoped3A : memref<!tpu.dma_semaphore, #tpu.memory_space<semaphore_mem>>)
          %dma_wait3A = arith.constant 0 : i32
          %dma_wait3A_56 = tpu.memref_slice %arg4[%arg1, %mul3A_30, %dma_wait3A] : memref<16x160x125xi32, #tpu.memory_space<hbm>> -> memref<1x40x125xi32, #tpu.memory_space<hbm>>
          %dma_wait3A_57 = tpu.memref_squeeze %dma_wait3A_56 : memref<1x40x125xi32, #tpu.memory_space<hbm>> -> memref<40x125xi32, #tpu.memory_space<hbm>>
          %dma_wait3A_58 = arith.constant 0 : i32
          %dma_wait3A_59 = tpu.memref_slice %arg4[%arg1, %mul3A_30, %dma_wait3A_58] : memref<16x160x125xi32, #tpu.memory_space<hbm>> -> memref<1x40x125xi32, #tpu.memory_space<hbm>>
          %dma_wait3A_60 = tpu.memref_squeeze %dma_wait3A_59 : memref<1x40x125xi32, #tpu.memory_space<hbm>> -> memref<40x125xi32, #tpu.memory_space<hbm>>
          tpu.wait_dma2 semaphore(%run_scoped3A : memref<!tpu.dma_semaphore, #tpu.memory_space<semaphore_mem>>) src(%dma_wait3A_60 : memref<40x125xi32, #tpu.memory_space<hbm>>) dst(%arg8 : memref<40x125xi32, #tpu.memory_space<vmem>>)
          tpu.yield
        }) : () -> ()
        %mul3A_31 = arith.constant 40 : i32
        %mul3A_32 = arith.muli %scan3A_28, %mul3A_31 : i32
        "tpu.region"() ({
          %run_scoped3A = tpu.sem_alloc : memref<!tpu.dma_semaphore, #tpu.memory_space<semaphore_mem>>
          %dma_start3A_50 = arith.constant 0 : i32
          %dma_start3A_51 = tpu.memref_slice %arg5[%arg1, %mul3A_32, %dma_start3A_50] : memref<16x160x125xi32, #tpu.memory_space<hbm>> -> memref<1x40x125xi32, #tpu.memory_space<hbm>>
          %dma_start3A_52 = tpu.memref_squeeze %dma_start3A_51 : memref<1x40x125xi32, #tpu.memory_space<hbm>> -> memref<40x125xi32, #tpu.memory_space<hbm>>
          %dma_start3A_53 = arith.constant 0 : i32
          %dma_start3A_54 = tpu.memref_slice %arg5[%arg1, %mul3A_32, %dma_start3A_53] : memref<16x160x125xi32, #tpu.memory_space<hbm>> -> memref<1x40x125xi32, #tpu.memory_space<hbm>>
          %dma_start3A_55 = tpu.memref_squeeze %dma_start3A_54 : memref<1x40x125xi32, #tpu.memory_space<hbm>> -> memref<40x125xi32, #tpu.memory_space<hbm>>
          tpu.enqueue_dma source(%dma_start3A_55 : memref<40x125xi32, #tpu.memory_space<hbm>>) target(%arg9 : memref<40x125xi32, #tpu.memory_space<vmem>>) target_semaphore(%run_scoped3A : memref<!tpu.dma_semaphore, #tpu.memory_space<semaphore_mem>>)
          %dma_wait3A = arith.constant 0 : i32
          %dma_wait3A_56 = tpu.memref_slice %arg5[%arg1, %mul3A_32, %dma_wait3A] : memref<16x160x125xi32, #tpu.memory_space<hbm>> -> memref<1x40x125xi32, #tpu.memory_space<hbm>>
          %dma_wait3A_57 = tpu.memref_squeeze %dma_wait3A_56 : memref<1x40x125xi32, #tpu.memory_space<hbm>> -> memref<40x125xi32, #tpu.memory_space<hbm>>
          %dma_wait3A_58 = arith.constant 0 : i32
          %dma_wait3A_59 = tpu.memref_slice %arg5[%arg1, %mul3A_32, %dma_wait3A_58] : memref<16x160x125xi32, #tpu.memory_space<hbm>> -> memref<1x40x125xi32, #tpu.memory_space<hbm>>
          %dma_wait3A_60 = tpu.memref_squeeze %dma_wait3A_59 : memref<1x40x125xi32, #tpu.memory_space<hbm>> -> memref<40x125xi32, #tpu.memory_space<hbm>>
          tpu.wait_dma2 semaphore(%run_scoped3A : memref<!tpu.dma_semaphore, #tpu.memory_space<semaphore_mem>>) src(%dma_wait3A_60 : memref<40x125xi32, #tpu.memory_space<hbm>>) dst(%arg9 : memref<40x125xi32, #tpu.memory_space<vmem>>)
          tpu.yield
        }) : () -> ()
        %dma_start3A = arith.constant 0 : i32
        %dma_start3A_33 = arith.constant 0 : i32
        %dma_start3A_34 = arith.constant 0 : i32
        %dma_start3A_35 = arith.constant 0 : i32
        %dma_start3A_36 = tpu.memref_slice %arg10[%dma_start3A_33, %dma_start3A_34, %dma_start3A_35] : memref<2x125x128xf32, #tpu.memory_space<vmem>> -> memref<1x125x128xf32, #tpu.memory_space<vmem>>
        %dma_start3A_37 = tpu.memref_squeeze %dma_start3A_36 : memref<1x125x128xf32, #tpu.memory_space<vmem>> -> memref<125x128xf32, #tpu.memory_space<vmem>>
        %dma_start3A_38 = arith.constant 0 : i32
        %dma_start3A_39 = tpu.memref_slice %arg8[%dma_start3A, %dma_start3A_38] : memref<40x125xi32, #tpu.memory_space<vmem>> -> memref<1x125xi32, #tpu.memory_space<vmem>>
        %dma_start3A_40 = tpu.memref_squeeze %dma_start3A_39 : memref<1x125xi32, #tpu.memory_space<vmem>> -> memref<125xi32, #tpu.memory_space<vmem>>
        %dma_start3A_41 = arith.constant 0 : i32
        %dma_start3A_42 = arith.constant 0 : i32
        %dma_start3A_43 = tpu.memref_slice %arg3[%dma_start3A_41, %dma_start3A_42] : memref<10000x128xf32, #tpu.memory_space<hbm>> -> memref<10000x128xf32, #tpu.memory_space<hbm>>
        tpu.enqueue_indirect_dma source(%dma_start3A_43 : memref<10000x128xf32, #tpu.memory_space<hbm>>) target(%dma_start3A_37 : memref<125x128xf32, #tpu.memory_space<vmem>>) offsets(%dma_start3A_40 : memref<125xi32, #tpu.memory_space<vmem>>) semaphore(%arg11 : memref<!tpu.dma_semaphore, #tpu.memory_space<semaphore_mem>>)
        %scan3A_44 = arith.constant 0 : i32
        %scan3A_45 = arith.constant 0 : i32
        %scan3A_46 = arith.constant 20 : i32
        %scan3A_47 = arith.addi %scan3A_45, %scan3A_46 : i32
        %scan3A_48 = arith.constant 1 : i32
        scf.for %scan3A_50 = %scan3A_45 to %scan3A_47 step %scan3A_48  : i32 {
          %mul3A_51 = arith.constant 2 : i32
          %mul3A_52 = arith.muli %scan3A_50, %mul3A_51 : i32
          %add3A_53 = arith.constant 1 : i32
          %add3A_54 = arith.addi %mul3A_52, %add3A_53 : i32
          %dma_start3A_55 = arith.constant 1 : i32
          %dma_start3A_56 = arith.constant 0 : i32
          %dma_start3A_57 = arith.constant 0 : i32
          %dma_start3A_58 = tpu.memref_slice %arg10[%dma_start3A_55, %dma_start3A_56, %dma_start3A_57] : memref<2x125x128xf32, #tpu.memory_space<vmem>> -> memref<1x125x128xf32, #tpu.memory_space<vmem>>
          %dma_start3A_59 = tpu.memref_squeeze %dma_start3A_58 : memref<1x125x128xf32, #tpu.memory_space<vmem>> -> memref<125x128xf32, #tpu.memory_space<vmem>>
          %dma_start3A_60 = arith.constant 0 : i32
          %dma_start3A_61 = tpu.memref_slice %arg8[%add3A_54, %dma_start3A_60] : memref<40x125xi32, #tpu.memory_space<vmem>> -> memref<1x125xi32, #tpu.memory_space<vmem>>
          %dma_start3A_62 = tpu.memref_squeeze %dma_start3A_61 : memref<1x125xi32, #tpu.memory_space<vmem>> -> memref<125xi32, #tpu.memory_space<vmem>>
          %dma_start3A_63 = arith.constant 0 : i32
          %dma_start3A_64 = arith.constant 0 : i32
          %dma_start3A_65 = tpu.memref_slice %arg3[%dma_start3A_63, %dma_start3A_64] : memref<10000x128xf32, #tpu.memory_space<hbm>> -> memref<10000x128xf32, #tpu.memory_space<hbm>>
          tpu.enqueue_indirect_dma source(%dma_start3A_65 : memref<10000x128xf32, #tpu.memory_space<hbm>>) target(%dma_start3A_59 : memref<125x128xf32, #tpu.memory_space<vmem>>) offsets(%dma_start3A_62 : memref<125xi32, #tpu.memory_space<vmem>>) semaphore(%arg12 : memref<!tpu.dma_semaphore, #tpu.memory_space<semaphore_mem>>)
          %dma_wait3A = arith.constant 0 : i32
          %dma_wait3A_66 = arith.constant 0 : i32
          %dma_wait3A_67 = arith.constant 0 : i32
          %dma_wait3A_68 = tpu.memref_slice %arg10[%dma_wait3A, %dma_wait3A_66, %dma_wait3A_67] : memref<2x125x128xf32, #tpu.memory_space<vmem>> -> memref<1x125x128xf32, #tpu.memory_space<vmem>>
          %dma_wait3A_69 = tpu.memref_squeeze %dma_wait3A_68 : memref<1x125x128xf32, #tpu.memory_space<vmem>> -> memref<125x128xf32, #tpu.memory_space<vmem>>
          %dma_wait3A_70 = arith.constant 0 : i32
          %dma_wait3A_71 = tpu.memref_slice %arg8[%mul3A_52, %dma_wait3A_70] : memref<40x125xi32, #tpu.memory_space<vmem>> -> memref<1x125xi32, #tpu.memory_space<vmem>>
          %dma_wait3A_72 = tpu.memref_squeeze %dma_wait3A_71 : memref<1x125xi32, #tpu.memory_space<vmem>> -> memref<125xi32, #tpu.memory_space<vmem>>
          %dma_wait3A_73 = arith.constant 0 : i32
          %dma_wait3A_74 = arith.constant 0 : i32
          %dma_wait3A_75 = tpu.memref_slice %arg3[%dma_wait3A_73, %dma_wait3A_74] : memref<10000x128xf32, #tpu.memory_space<hbm>> -> memref<10000x128xf32, #tpu.memory_space<hbm>>
          tpu.wait_indirect_dma semaphore(%arg11 : memref<!tpu.dma_semaphore, #tpu.memory_space<semaphore_mem>>) src(%dma_wait3A_75 : memref<10000x128xf32, #tpu.memory_space<hbm>>) dst(%dma_wait3A_69 : memref<125x128xf32, #tpu.memory_space<vmem>>)
          %run_scoped3A = arith.constant 0 : i32
          "tpu.region"() ({
            %run_scoped3A_98 = tpu.sem_alloc : memref<!tpu.dma_semaphore, #tpu.memory_space<semaphore_mem>>
            %dma_start3A_99 = arith.constant 0 : i32
            %dma_start3A_100 = arith.constant 0 : i32
            %dma_start3A_101 = tpu.memref_slice %arg10[%run_scoped3A, %dma_start3A_99, %dma_start3A_100] : memref<2x125x128xf32, #tpu.memory_space<vmem>> -> memref<1x125x128xf32, #tpu.memory_space<vmem>>
            %dma_start3A_102 = tpu.memref_squeeze %dma_start3A_101 : memref<1x125x128xf32, #tpu.memory_space<vmem>> -> memref<125x128xf32, #tpu.memory_space<vmem>>
            %dma_start3A_103 = arith.constant 0 : i32
            %dma_start3A_104 = tpu.memref_slice %arg9[%mul3A_52, %dma_start3A_103] : memref<40x125xi32, #tpu.memory_space<vmem>> -> memref<1x125xi32, #tpu.memory_space<vmem>>
            %dma_start3A_105 = tpu.memref_squeeze %dma_start3A_104 : memref<1x125xi32, #tpu.memory_space<vmem>> -> memref<125xi32, #tpu.memory_space<vmem>>
            %dma_start3A_106 = arith.constant 0 : i32
            %dma_start3A_107 = arith.constant 0 : i32
            %dma_start3A_108 = tpu.memref_slice %arg7[%dma_start3A_106, %dma_start3A_107] : memref<10000x128xf32, #tpu.memory_space<vmem_shared>> -> memref<10000x128xf32, #tpu.memory_space<vmem_shared>>
            tpu.enqueue_indirect_dma source(%dma_start3A_102 : memref<125x128xf32, #tpu.memory_space<vmem>>) target(%dma_start3A_108 : memref<10000x128xf32, #tpu.memory_space<vmem_shared>>) offsets(%dma_start3A_105 : memref<125xi32, #tpu.memory_space<vmem>>) semaphore(%run_scoped3A_98 : memref<!tpu.dma_semaphore, #tpu.memory_space<semaphore_mem>>) {add = true}
            %dma_wait3A_109 = arith.constant 0 : i32
            %dma_wait3A_110 = arith.constant 0 : i32
            %dma_wait3A_111 = tpu.memref_slice %arg10[%run_scoped3A, %dma_wait3A_109, %dma_wait3A_110] : memref<2x125x128xf32, #tpu.memory_space<vmem>> -> memref<1x125x128xf32, #tpu.memory_space<vmem>>
            %dma_wait3A_112 = tpu.memref_squeeze %dma_wait3A_111 : memref<1x125x128xf32, #tpu.memory_space<vmem>> -> memref<125x128xf32, #tpu.memory_space<vmem>>
            %dma_wait3A_113 = arith.constant 0 : i32
            %dma_wait3A_114 = tpu.memref_slice %arg9[%mul3A_52, %dma_wait3A_113] : memref<40x125xi32, #tpu.memory_space<vmem>> -> memref<1x125xi32, #tpu.memory_space<vmem>>
            %dma_wait3A_115 = tpu.memref_squeeze %dma_wait3A_114 : memref<1x125xi32, #tpu.memory_space<vmem>> -> memref<125xi32, #tpu.memory_space<vmem>>
            %dma_wait3A_116 = arith.constant 0 : i32
            %dma_wait3A_117 = arith.constant 0 : i32
            %dma_wait3A_118 = tpu.memref_slice %arg7[%dma_wait3A_116, %dma_wait3A_117] : memref<10000x128xf32, #tpu.memory_space<vmem_shared>> -> memref<10000x128xf32, #tpu.memory_space<vmem_shared>>
            tpu.wait_indirect_dma semaphore(%run_scoped3A_98 : memref<!tpu.dma_semaphore, #tpu.memory_space<semaphore_mem>>) src(%dma_wait3A_112 : memref<125x128xf32, #tpu.memory_space<vmem>>) dst(%dma_wait3A_118 : memref<10000x128xf32, #tpu.memory_space<vmem_shared>>)
            tpu.yield
          }) : () -> ()
          %add3A_76 = arith.constant 2 : i32
          %add3A_77 = arith.addi %mul3A_52, %add3A_76 : i32
          %lt3A = arith.constant 40 : i32
          %lt3A_78 = arith.cmpi slt, %add3A_77, %lt3A : i32
          %convert_element_type3A_79 = arith.extui %lt3A_78 : i1 to i32
          %cond3A_80 = arith.constant 0 : i32
          %cond3A_81 = arith.cmpi ne, %convert_element_type3A_79, %cond3A_80 : i32
          scf.if %cond3A_81 {
            %add3A_98 = arith.constant 2 : i32
            %add3A_99 = arith.addi %mul3A_52, %add3A_98 : i32
            %dma_start3A_100 = arith.constant 0 : i32
            %dma_start3A_101 = arith.constant 0 : i32
            %dma_start3A_102 = arith.constant 0 : i32
            %dma_start3A_103 = tpu.memref_slice %arg10[%dma_start3A_100, %dma_start3A_101, %dma_start3A_102] : memref<2x125x128xf32, #tpu.memory_space<vmem>> -> memref<1x125x128xf32, #tpu.memory_space<vmem>>
            %dma_start3A_104 = tpu.memref_squeeze %dma_start3A_103 : memref<1x125x128xf32, #tpu.memory_space<vmem>> -> memref<125x128xf32, #tpu.memory_space<vmem>>
            %dma_start3A_105 = arith.constant 0 : i32
            %dma_start3A_106 = tpu.memref_slice %arg8[%add3A_99, %dma_start3A_105] : memref<40x125xi32, #tpu.memory_space<vmem>> -> memref<1x125xi32, #tpu.memory_space<vmem>>
            %dma_start3A_107 = tpu.memref_squeeze %dma_start3A_106 : memref<1x125xi32, #tpu.memory_space<vmem>> -> memref<125xi32, #tpu.memory_space<vmem>>
            %dma_start3A_108 = arith.constant 0 : i32
            %dma_start3A_109 = arith.constant 0 : i32
            %dma_start3A_110 = tpu.memref_slice %arg3[%dma_start3A_108, %dma_start3A_109] : memref<10000x128xf32, #tpu.memory_space<hbm>> -> memref<10000x128xf32, #tpu.memory_space<hbm>>
            tpu.enqueue_indirect_dma source(%dma_start3A_110 : memref<10000x128xf32, #tpu.memory_space<hbm>>) target(%dma_start3A_104 : memref<125x128xf32, #tpu.memory_space<vmem>>) offsets(%dma_start3A_107 : memref<125xi32, #tpu.memory_space<vmem>>) semaphore(%arg11 : memref<!tpu.dma_semaphore, #tpu.memory_space<semaphore_mem>>)
          } else {
          }
          %add3A_82 = arith.constant 1 : i32
          %add3A_83 = arith.addi %mul3A_52, %add3A_82 : i32
          %dma_wait3A_84 = arith.constant 1 : i32
          %dma_wait3A_85 = arith.constant 0 : i32
          %dma_wait3A_86 = arith.constant 0 : i32
          %dma_wait3A_87 = tpu.memref_slice %arg10[%dma_wait3A_84, %dma_wait3A_85, %dma_wait3A_86] : memref<2x125x128xf32, #tpu.memory_space<vmem>> -> memref<1x125x128xf32, #tpu.memory_space<vmem>>
          %dma_wait3A_88 = tpu.memref_squeeze %dma_wait3A_87 : memref<1x125x128xf32, #tpu.memory_space<vmem>> -> memref<125x128xf32, #tpu.memory_space<vmem>>
          %dma_wait3A_89 = arith.constant 0 : i32
          %dma_wait3A_90 = tpu.memref_slice %arg8[%add3A_83, %dma_wait3A_89] : memref<40x125xi32, #tpu.memory_space<vmem>> -> memref<1x125xi32, #tpu.memory_space<vmem>>
          %dma_wait3A_91 = tpu.memref_squeeze %dma_wait3A_90 : memref<1x125xi32, #tpu.memory_space<vmem>> -> memref<125xi32, #tpu.memory_space<vmem>>
          %dma_wait3A_92 = arith.constant 0 : i32
          %dma_wait3A_93 = arith.constant 0 : i32
          %dma_wait3A_94 = tpu.memref_slice %arg3[%dma_wait3A_92, %dma_wait3A_93] : memref<10000x128xf32, #tpu.memory_space<hbm>> -> memref<10000x128xf32, #tpu.memory_space<hbm>>
          tpu.wait_indirect_dma semaphore(%arg12 : memref<!tpu.dma_semaphore, #tpu.memory_space<semaphore_mem>>) src(%dma_wait3A_94 : memref<10000x128xf32, #tpu.memory_space<hbm>>) dst(%dma_wait3A_88 : memref<125x128xf32, #tpu.memory_space<vmem>>)
          %add3A_95 = arith.constant 1 : i32
          %add3A_96 = arith.addi %mul3A_52, %add3A_95 : i32
          %run_scoped3A_97 = arith.constant 1 : i32
          "tpu.region"() ({
            %run_scoped3A_98 = tpu.sem_alloc : memref<!tpu.dma_semaphore, #tpu.memory_space<semaphore_mem>>
            %dma_start3A_99 = arith.constant 0 : i32
            %dma_start3A_100 = arith.constant 0 : i32
            %dma_start3A_101 = tpu.memref_slice %arg10[%run_scoped3A_97, %dma_start3A_99, %dma_start3A_100] : memref<2x125x128xf32, #tpu.memory_space<vmem>> -> memref<1x125x128xf32, #tpu.memory_space<vmem>>
            %dma_start3A_102 = tpu.memref_squeeze %dma_start3A_101 : memref<1x125x128xf32, #tpu.memory_space<vmem>> -> memref<125x128xf32, #tpu.memory_space<vmem>>
            %dma_start3A_103 = arith.constant 0 : i32
            %dma_start3A_104 = tpu.memref_slice %arg9[%add3A_96, %dma_start3A_103] : memref<40x125xi32, #tpu.memory_space<vmem>> -> memref<1x125xi32, #tpu.memory_space<vmem>>
            %dma_start3A_105 = tpu.memref_squeeze %dma_start3A_104 : memref<1x125xi32, #tpu.memory_space<vmem>> -> memref<125xi32, #tpu.memory_space<vmem>>
            %dma_start3A_106 = arith.constant 0 : i32
            %dma_start3A_107 = arith.constant 0 : i32
            %dma_start3A_108 = tpu.memref_slice %arg7[%dma_start3A_106, %dma_start3A_107] : memref<10000x128xf32, #tpu.memory_space<vmem_shared>> -> memref<10000x128xf32, #tpu.memory_space<vmem_shared>>
            tpu.enqueue_indirect_dma source(%dma_start3A_102 : memref<125x128xf32, #tpu.memory_space<vmem>>) target(%dma_start3A_108 : memref<10000x128xf32, #tpu.memory_space<vmem_shared>>) offsets(%dma_start3A_105 : memref<125xi32, #tpu.memory_space<vmem>>) semaphore(%run_scoped3A_98 : memref<!tpu.dma_semaphore, #tpu.memory_space<semaphore_mem>>) {add = true}
            %dma_wait3A_109 = arith.constant 0 : i32
            %dma_wait3A_110 = arith.constant 0 : i32
            %dma_wait3A_111 = tpu.memref_slice %arg10[%run_scoped3A_97, %dma_wait3A_109, %dma_wait3A_110] : memref<2x125x128xf32, #tpu.memory_space<vmem>> -> memref<1x125x128xf32, #tpu.memory_space<vmem>>
            %dma_wait3A_112 = tpu.memref_squeeze %dma_wait3A_111 : memref<1x125x128xf32, #tpu.memory_space<vmem>> -> memref<125x128xf32, #tpu.memory_space<vmem>>
            %dma_wait3A_113 = arith.constant 0 : i32
            %dma_wait3A_114 = tpu.memref_slice %arg9[%add3A_96, %dma_wait3A_113] : memref<40x125xi32, #tpu.memory_space<vmem>> -> memref<1x125xi32, #tpu.memory_space<vmem>>
            %dma_wait3A_115 = tpu.memref_squeeze %dma_wait3A_114 : memref<1x125xi32, #tpu.memory_space<vmem>> -> memref<125xi32, #tpu.memory_space<vmem>>
            %dma_wait3A_116 = arith.constant 0 : i32
            %dma_wait3A_117 = arith.constant 0 : i32
            %dma_wait3A_118 = tpu.memref_slice %arg7[%dma_wait3A_116, %dma_wait3A_117] : memref<10000x128xf32, #tpu.memory_space<vmem_shared>> -> memref<10000x128xf32, #tpu.memory_space<vmem_shared>>
            tpu.wait_indirect_dma semaphore(%run_scoped3A_98 : memref<!tpu.dma_semaphore, #tpu.memory_space<semaphore_mem>>) src(%dma_wait3A_112 : memref<125x128xf32, #tpu.memory_space<vmem>>) dst(%dma_wait3A_118 : memref<10000x128xf32, #tpu.memory_space<vmem_shared>>)
            tpu.yield
          }) : () -> ()
        }
        %scan3A_49 = arith.constant 20 : i32
      }
      %scan3A_19 = arith.constant 4 : i32
      %barrier3A_20 = arith.constant 0 : index
      tpu.barrier barrier_id(%barrier3A_20)
      %mul3A_21 = arith.constant 624 : i32
      %mul3A_22 = arith.muli %arg1, %mul3A_21 : i32
      %add3A = arith.addi %mul3A_0, %mul3A_22 : i32
      "tpu.region"() ({
        %run_scoped3A = tpu.sem_alloc : memref<!tpu.dma_semaphore, #tpu.memory_space<semaphore_mem>>
        %dma_start3A = arith.constant 0 : i32
        %dma_start3A_28 = tpu.memref_slice %arg6[%add3A, %dma_start3A] : memref<20000x128xf32, #tpu.memory_space<hbm>> -> memref<624x128xf32, #tpu.memory_space<hbm>>
        %dma_start3A_29 = arith.constant 0 : i32
        %dma_start3A_30 = tpu.memref_slice %arg7[%mul3A_22, %dma_start3A_29] : memref<10000x128xf32, #tpu.memory_space<vmem_shared>> -> memref<624x128xf32, #tpu.memory_space<vmem_shared>>
        tpu.enqueue_dma source(%dma_start3A_30 : memref<624x128xf32, #tpu.memory_space<vmem_shared>>) target(%dma_start3A_28 : memref<624x128xf32, #tpu.memory_space<hbm>>) target_semaphore(%run_scoped3A : memref<!tpu.dma_semaphore, #tpu.memory_space<semaphore_mem>>)
        %dma_wait3A = arith.constant 0 : i32
        %dma_wait3A_31 = tpu.memref_slice %arg6[%add3A, %dma_wait3A] : memref<20000x128xf32, #tpu.memory_space<hbm>> -> memref<624x128xf32, #tpu.memory_space<hbm>>
        %dma_wait3A_32 = arith.constant 0 : i32
        %dma_wait3A_33 = tpu.memref_slice %arg7[%mul3A_22, %dma_wait3A_32] : memref<10000x128xf32, #tpu.memory_space<vmem_shared>> -> memref<624x128xf32, #tpu.memory_space<vmem_shared>>
        tpu.wait_dma2 semaphore(%run_scoped3A : memref<!tpu.dma_semaphore, #tpu.memory_space<semaphore_mem>>) src(%dma_wait3A_33 : memref<624x128xf32, #tpu.memory_space<vmem_shared>>) dst(%dma_wait3A_31 : memref<624x128xf32, #tpu.memory_space<hbm>>)
        tpu.yield
      }) : () -> ()
      %eq3A_23 = arith.constant 0 : i32
      %eq3A_24 = arith.cmpi eq, %arg1, %eq3A_23 : i32
      %convert_element_type3A_25 = arith.extui %eq3A_24 : i1 to i32
      %cond3A_26 = arith.constant 0 : i32
      %cond3A_27 = arith.cmpi ne, %convert_element_type3A_25, %cond3A_26 : i32
      scf.if %cond3A_27 {
        %add3A_28 = arith.constant 9984 : i32
        %add3A_29 = arith.addi %mul3A_0, %add3A_28 : i32
        "tpu.region"() ({
          %run_scoped3A = tpu.sem_alloc : memref<!tpu.dma_semaphore, #tpu.memory_space<semaphore_mem>>
          %dma_start3A = arith.constant 0 : i32
          %dma_start3A_30 = tpu.memref_slice %arg6[%add3A_29, %dma_start3A] : memref<20000x128xf32, #tpu.memory_space<hbm>> -> memref<16x128xf32, #tpu.memory_space<hbm>>
          %dma_start3A_31 = arith.constant 9984 : i32
          %dma_start3A_32 = arith.constant 0 : i32
          %dma_start3A_33 = tpu.memref_slice %arg7[%dma_start3A_31, %dma_start3A_32] : memref<10000x128xf32, #tpu.memory_space<vmem_shared>> -> memref<16x128xf32, #tpu.memory_space<vmem_shared>>
          tpu.enqueue_dma source(%dma_start3A_33 : memref<16x128xf32, #tpu.memory_space<vmem_shared>>) target(%dma_start3A_30 : memref<16x128xf32, #tpu.memory_space<hbm>>) target_semaphore(%run_scoped3A : memref<!tpu.dma_semaphore, #tpu.memory_space<semaphore_mem>>)
          %dma_wait3A = arith.constant 0 : i32
          %dma_wait3A_34 = tpu.memref_slice %arg6[%add3A_29, %dma_wait3A] : memref<20000x128xf32, #tpu.memory_space<hbm>> -> memref<16x128xf32, #tpu.memory_space<hbm>>
          %dma_wait3A_35 = arith.constant 9984 : i32
          %dma_wait3A_36 = arith.constant 0 : i32
          %dma_wait3A_37 = tpu.memref_slice %arg7[%dma_wait3A_35, %dma_wait3A_36] : memref<10000x128xf32, #tpu.memory_space<vmem_shared>> -> memref<16x128xf32, #tpu.memory_space<vmem_shared>>
          tpu.wait_dma2 semaphore(%run_scoped3A : memref<!tpu.dma_semaphore, #tpu.memory_space<semaphore_mem>>) src(%dma_wait3A_37 : memref<16x128xf32, #tpu.memory_space<vmem_shared>>) dst(%dma_wait3A_34 : memref<16x128xf32, #tpu.memory_space<hbm>>)
          tpu.yield
        }) : () -> ()
      } else {
      }
    } else {
    }
    return
  }
}

module attributes {stable_mosaic.version = 14 : i64} {
  func.func @_mm1_body(%arg0: i32, %arg1: memref<1000x256xf32, #tpu.memory_space<vmem>>, %arg2: memref<256x256xf32, #tpu.memory_space<vmem>>, %arg3: memref<2x1000x128xf32, #tpu.memory_space<vmem>>) attributes {dimension_semantics = [#tpu.dimension_semantics<arbitrary>], iteration_bounds = array<i64: 10>, scalar_prefetch = 0 : i64, scratch_operands = 0 : i64, tpu.core_type = #tpu.core_type<tc>, window_params = [{transform_indices = @transform_0, window_bounds = array<i64: 1000, 256>}, {pipeline_mode = #tpu.pipeline_mode<synchronous>, transform_indices = @transform_1, window_bounds = array<i64: 256, 256>}, {transform_indices = @transform_2, window_bounds = array<i64: 2, 1000, 128>}]} {
    %get3A = arith.constant 0 : index
    %get3A_0 = arith.constant 0 : index
    %get3A_1 = vector.load %arg1[%get3A, %get3A_0] : memref<1000x256xf32, #tpu.memory_space<vmem>>, vector<1000x256xf32>
    %get3A_2 = arith.constant 0 : index
    %get3A_3 = arith.constant 0 : index
    %get3A_4 = vector.load %arg2[%get3A_2, %get3A_3] : memref<256x256xf32, #tpu.memory_space<vmem>>, vector<256x256xf32>
    %dot_general3A = arith.constant dense<0.000000e+00> : vector<1000x256xf32>
    %dot_general3A_5 = tpu.matmul %get3A_1, %get3A_4, %dot_general3A {dimension_numbers = #tpu.dot_dimension_numbers<[1], [0], [0], [1], [0, 0, 1, 1], [], []>, transpose_lhs_hint = false} : vector<1000x256xf32>, vector<256x256xf32>, vector<1000x256xf32> -> vector<1000x256xf32>
    %slice3A = vector.extract_strided_slice %dot_general3A_5 {offsets = [0, 0], sizes = [1000, 128], strides = [1, 1]} : vector<1000x256xf32> to vector<1000x128xf32>
    %swap3A = arith.constant 0 : index
    %swap3A_6 = arith.constant 0 : index
    %swap3A_7 = arith.constant 0 : index
    %swap3A_8 = vector.load %arg3[%swap3A, %swap3A_6, %swap3A_7] : memref<2x1000x128xf32, #tpu.memory_space<vmem>>, vector<1x1000x128xf32>
    %swap3A_9 = vector.shape_cast %swap3A_8 : vector<1x1000x128xf32> to vector<1000x128xf32>
    %swap3A_10 = vector.shape_cast %slice3A : vector<1000x128xf32> to vector<1x1000x128xf32>
    tpu.vector_store %arg3[%swap3A, %swap3A_6, %swap3A_7], %swap3A_10 {strides = array<i32>} : memref<2x1000x128xf32, #tpu.memory_space<vmem>>, vector<1x1000x128xf32>,
    %slice3A_11 = vector.extract_strided_slice %dot_general3A_5 {offsets = [0, 128], sizes = [1000, 128], strides = [1, 1]} : vector<1000x256xf32> to vector<1000x128xf32>
    %swap3A_12 = arith.constant 1 : index
    %swap3A_13 = arith.constant 0 : index
    %swap3A_14 = arith.constant 0 : index
    %swap3A_15 = vector.load %arg3[%swap3A_12, %swap3A_13, %swap3A_14] : memref<2x1000x128xf32, #tpu.memory_space<vmem>>, vector<1x1000x128xf32>
    %swap3A_16 = vector.shape_cast %swap3A_15 : vector<1x1000x128xf32> to vector<1000x128xf32>
    %swap3A_17 = vector.shape_cast %slice3A_11 : vector<1000x128xf32> to vector<1x1000x128xf32>
    tpu.vector_store %arg3[%swap3A_12, %swap3A_13, %swap3A_14], %swap3A_17 {strides = array<i32>} : memref<2x1000x128xf32, #tpu.memory_space<vmem>>, vector<1x1000x128xf32>,
    return
  }
  func.func @transform_0(%arg0: i32) -> (i32, i32) {
    %c0_i32 = arith.constant 0 : i32
    %c0_i32_0 = arith.constant 0 : i32
    return %arg0, %c0_i32 : i32, i32
  }
  func.func @transform_1(%arg0: i32) -> (i32, i32) {
    %c0_i32 = arith.constant 0 : i32
    %c0_i32_0 = arith.constant 0 : i32
    %c0_i32_1 = arith.constant 0 : i32
    return %c0_i32, %c0_i32_0 : i32, i32
  }
  func.func @transform_2(%arg0: i32) -> (i32, i32, i32) {
    %c0_i32 = arith.constant 0 : i32
    %c0_i32_0 = arith.constant 0 : i32
    %c0_i32_1 = arith.constant 0 : i32
    return %c0_i32, %arg0, %c0_i32_0 : i32, i32, i32
  }
}

module attributes {stable_mosaic.version = 14 : i64} {
  func.func @_scale_body(%arg0: i32, %arg1: memref<2x1000x128xf32, #tpu.memory_space<vmem>>, %arg2: memref<1000x128xf32, #tpu.memory_space<vmem>>, %arg3: memref<1000x128xf32, #tpu.memory_space<vmem>>, %arg4: memref<2x1000x128xf32, #tpu.memory_space<vmem>>) attributes {dimension_semantics = [#tpu.dimension_semantics<arbitrary>], iteration_bounds = array<i64: 10>, scalar_prefetch = 0 : i64, scratch_operands = 0 : i64, tpu.core_type = #tpu.core_type<tc>, window_params = [{transform_indices = @transform_0, window_bounds = array<i64: 2, 1000, 128>}, {transform_indices = @transform_1, window_bounds = array<i64: 1000, 128>}, {transform_indices = @transform_2, window_bounds = array<i64: 1000, 128>}, {transform_indices = @transform_3, window_bounds = array<i64: 2, 1000, 128>}]} {
    %get3A = arith.constant 0 : index
    %get3A_0 = arith.constant 0 : index
    %get3A_1 = vector.load %arg2[%get3A, %get3A_0] : memref<1000x128xf32, #tpu.memory_space<vmem>>, vector<1000x1xf32>
    %add3A = arith.constant 1.000000e+00 : f32
    %add3A_2 = vector.broadcast %add3A : f32 to vector<1000x1xf32>
    %add3A_3 = arith.addf %add3A_2, %get3A_1 : vector<1000x1xf32>
    %get3A_4 = arith.constant 0 : index
    %get3A_5 = arith.constant 0 : index
    %get3A_6 = vector.load %arg3[%get3A_4, %get3A_5] : memref<1000x128xf32, #tpu.memory_space<vmem>>, vector<1000x1xf32>
    %add3A_7 = arith.addf %add3A_3, %get3A_6 : vector<1000x1xf32>
    %rsqrt3A = math.rsqrt %add3A_7 : vector<1000x1xf32>
    %get3A_8 = arith.constant 0 : index
    %get3A_9 = arith.constant 0 : index
    %get3A_10 = arith.constant 0 : index
    %get3A_11 = vector.load %arg1[%get3A_8, %get3A_9, %get3A_10] : memref<2x1000x128xf32, #tpu.memory_space<vmem>>, vector<1x1000x128xf32>
    %get3A_12 = vector.shape_cast %get3A_11 : vector<1x1000x128xf32> to vector<1000x128xf32>
    %mul3A = vector.broadcast %rsqrt3A : vector<1000x1xf32> to vector<1000x128xf32>
    %mul3A_13 = arith.mulf %get3A_12, %mul3A : vector<1000x128xf32>
    %swap3A = arith.constant 0 : index
    %swap3A_14 = arith.constant 0 : index
    %swap3A_15 = arith.constant 0 : index
    %swap3A_16 = vector.load %arg4[%swap3A, %swap3A_14, %swap3A_15] : memref<2x1000x128xf32, #tpu.memory_space<vmem>>, vector<1x1000x128xf32>
    %swap3A_17 = vector.shape_cast %swap3A_16 : vector<1x1000x128xf32> to vector<1000x128xf32>
    %swap3A_18 = vector.shape_cast %mul3A_13 : vector<1000x128xf32> to vector<1x1000x128xf32>
    tpu.vector_store %arg4[%swap3A, %swap3A_14, %swap3A_15], %swap3A_18 {strides = array<i32>} : memref<2x1000x128xf32, #tpu.memory_space<vmem>>, vector<1x1000x128xf32>,
    %get3A_19 = arith.constant 1 : index
    %get3A_20 = arith.constant 0 : index
    %get3A_21 = arith.constant 0 : index
    %get3A_22 = vector.load %arg1[%get3A_19, %get3A_20, %get3A_21] : memref<2x1000x128xf32, #tpu.memory_space<vmem>>, vector<1x1000x128xf32>
    %get3A_23 = vector.shape_cast %get3A_22 : vector<1x1000x128xf32> to vector<1000x128xf32>
    %mul3A_24 = vector.broadcast %rsqrt3A : vector<1000x1xf32> to vector<1000x128xf32>
    %mul3A_25 = arith.mulf %get3A_23, %mul3A_24 : vector<1000x128xf32>
    %swap3A_26 = arith.constant 1 : index
    %swap3A_27 = arith.constant 0 : index
    %swap3A_28 = arith.constant 0 : index
    %swap3A_29 = vector.load %arg4[%swap3A_26, %swap3A_27, %swap3A_28] : memref<2x1000x128xf32, #tpu.memory_space<vmem>>, vector<1x1000x128xf32>
    %swap3A_30 = vector.shape_cast %swap3A_29 : vector<1x1000x128xf32> to vector<1000x128xf32>
    %swap3A_31 = vector.shape_cast %mul3A_25 : vector<1000x128xf32> to vector<1x1000x128xf32>
    tpu.vector_store %arg4[%swap3A_26, %swap3A_27, %swap3A_28], %swap3A_31 {strides = array<i32>} : memref<2x1000x128xf32, #tpu.memory_space<vmem>>, vector<1x1000x128xf32>,
    return
  }
  func.func @transform_0(%arg0: i32) -> (i32, i32, i32) {
    %c0_i32 = arith.constant 0 : i32
    %c0_i32_0 = arith.constant 0 : i32
    %c0_i32_1 = arith.constant 0 : i32
    return %c0_i32, %arg0, %c0_i32_0 : i32, i32, i32
  }
  func.func @transform_1(%arg0: i32) -> (i32, i32) {
    %c0_i32 = arith.constant 0 : i32
    %c0_i32_0 = arith.constant 0 : i32
    return %arg0, %c0_i32 : i32, i32
  }
  func.func @transform_2(%arg0: i32) -> (i32, i32) {
    %c0_i32 = arith.constant 0 : i32
    %c0_i32_0 = arith.constant 0 : i32
    return %arg0, %c0_i32 : i32, i32
  }
  func.func @transform_3(%arg0: i32) -> (i32, i32, i32) {
    %c0_i32 = arith.constant 0 : i32
    %c0_i32_0 = arith.constant 0 : i32
    %c0_i32_1 = arith.constant 0 : i32
    return %c0_i32, %arg0, %c0_i32_0 : i32, i32, i32
  }
}

module attributes {stable_mosaic.version = 14 : i64} {
  func.func @_pmm2_body(%arg0: i32, %arg1: memref<2x1000x128xf32, #tpu.memory_space<vmem>>, %arg2: memref<2x1000x128xf32, #tpu.memory_space<vmem>>, %arg3: memref<1000x128xf32, #tpu.memory_space<vmem>>, %arg4: memref<1000x128xf32, #tpu.memory_space<vmem>>, %arg5: memref<1x256xf32, #tpu.memory_space<vmem>>, %arg6: memref<1x256xf32, #tpu.memory_space<vmem>>, %arg7: memref<1x256xf32, #tpu.memory_space<vmem>>, %arg8: memref<256x256xf32, #tpu.memory_space<vmem>>, %arg9: memref<2x1000x128xf32, #tpu.memory_space<vmem>>) attributes {dimension_semantics = [#tpu.dimension_semantics<arbitrary>], iteration_bounds = array<i64: 10>, scalar_prefetch = 0 : i64, scratch_operands = 0 : i64, tpu.core_type = #tpu.core_type<tc>, window_params = [{transform_indices = @transform_0, window_bounds = array<i64: 2, 1000, 128>}, {transform_indices = @transform_1, window_bounds = array<i64: 2, 1000, 128>}, {transform_indices = @transform_2, window_bounds = array<i64: 1000, 128>}, {transform_indices = @transform_3, window_bounds = array<i64: 1000, 128>}, {pipeline_mode = #tpu.pipeline_mode<synchronous>, transform_indices = @transform_4, window_bounds = array<i64: 1, 256>}, {pipeline_mode = #tpu.pipeline_mode<synchronous>, transform_indices = @transform_5, window_bounds = array<i64: 1, 256>}, {pipeline_mode = #tpu.pipeline_mode<synchronous>, transform_indices = @transform_6, window_bounds = array<i64: 1, 256>}, {pipeline_mode = #tpu.pipeline_mode<synchronous>, transform_indices = @transform_7, window_bounds = array<i64: 256, 256>}, {transform_indices = @transform_8, window_bounds = array<i64: 2, 1000, 128>}]} {
    %get3A = arith.constant 0 : index
    %get3A_0 = arith.constant 0 : index
    %get3A_1 = vector.load %arg3[%get3A, %get3A_0] : memref<1000x128xf32, #tpu.memory_space<vmem>>, vector<1000x1xf32>
    %add3A = arith.constant 1.000000e+00 : f32
    %add3A_2 = vector.broadcast %add3A : f32 to vector<1000x1xf32>
    %add3A_3 = arith.addf %add3A_2, %get3A_1 : vector<1000x1xf32>
    %get3A_4 = arith.constant 0 : index
    %get3A_5 = arith.constant 0 : index
    %get3A_6 = vector.load %arg4[%get3A_4, %get3A_5] : memref<1000x128xf32, #tpu.memory_space<vmem>>, vector<1000x1xf32>
    %add3A_7 = arith.addf %add3A_3, %get3A_6 : vector<1000x1xf32>
    %rsqrt3A = math.rsqrt %add3A_7 : vector<1000x1xf32>
    %get3A_8 = arith.constant 0 : index
    %get3A_9 = arith.constant 0 : index
    %get3A_10 = arith.constant 0 : index
    %get3A_11 = vector.load %arg1[%get3A_8, %get3A_9, %get3A_10] : memref<2x1000x128xf32, #tpu.memory_space<vmem>>, vector<1x1000x128xf32>
    %get3A_12 = vector.shape_cast %get3A_11 : vector<1x1000x128xf32> to vector<1000x128xf32>
    %get3A_13 = arith.constant 0 : index
    %get3A_14 = arith.constant 0 : index
    %get3A_15 = arith.constant 0 : index
    %get3A_16 = vector.load %arg2[%get3A_13, %get3A_14, %get3A_15] : memref<2x1000x128xf32, #tpu.memory_space<vmem>>, vector<1x1000x128xf32>
    %get3A_17 = vector.shape_cast %get3A_16 : vector<1x1000x128xf32> to vector<1000x128xf32>
    %add3A_18 = arith.addf %get3A_12, %get3A_17 : vector<1000x128xf32>
    %mul3A = vector.broadcast %rsqrt3A : vector<1000x1xf32> to vector<1000x128xf32>
    %mul3A_19 = arith.mulf %add3A_18, %mul3A : vector<1000x128xf32>
    %get3A_20 = arith.constant 0 : index
    %get3A_21 = arith.constant 0 : index
    %get3A_22 = vector.load %arg5[%get3A_20, %get3A_21] : memref<1x256xf32, #tpu.memory_space<vmem>>, vector<1x128xf32>
    %add3A_23 = vector.broadcast %get3A_22 : vector<1x128xf32> to vector<1000x128xf32>
    %add3A_24 = arith.addf %mul3A_19, %add3A_23 : vector<1000x128xf32>
    %get3A_25 = arith.constant 1 : index
    %get3A_26 = arith.constant 0 : index
    %get3A_27 = arith.constant 0 : index
    %get3A_28 = vector.load %arg1[%get3A_25, %get3A_26, %get3A_27] : memref<2x1000x128xf32, #tpu.memory_space<vmem>>, vector<1x1000x128xf32>
    %get3A_29 = vector.shape_cast %get3A_28 : vector<1x1000x128xf32> to vector<1000x128xf32>
    %get3A_30 = arith.constant 1 : index
    %get3A_31 = arith.constant 0 : index
    %get3A_32 = arith.constant 0 : index
    %get3A_33 = vector.load %arg2[%get3A_30, %get3A_31, %get3A_32] : memref<2x1000x128xf32, #tpu.memory_space<vmem>>, vector<1x1000x128xf32>
    %get3A_34 = vector.shape_cast %get3A_33 : vector<1x1000x128xf32> to vector<1000x128xf32>
    %add3A_35 = arith.addf %get3A_29, %get3A_34 : vector<1000x128xf32>
    %mul3A_36 = vector.broadcast %rsqrt3A : vector<1000x1xf32> to vector<1000x128xf32>
    %mul3A_37 = arith.mulf %add3A_35, %mul3A_36 : vector<1000x128xf32>
    %get3A_38 = arith.constant 0 : index
    %get3A_39 = arith.constant 128 : index
    %get3A_40 = vector.load %arg5[%get3A_38, %get3A_39] : memref<1x256xf32, #tpu.memory_space<vmem>>, vector<1x128xf32>
    %add3A_41 = vector.broadcast %get3A_40 : vector<1x128xf32> to vector<1000x128xf32>
    %add3A_42 = arith.addf %mul3A_37, %add3A_41 : vector<1000x128xf32>
    %mul3A_43 = arith.constant 0.999994993 : f32
    %mul3A_44 = vector.broadcast %mul3A_43 : f32 to vector<1000x128xf32>
    %mul3A_45 = arith.mulf %add3A_24, %mul3A_44 : vector<1000x128xf32>
    %get3A_46 = arith.constant 0 : index
    %get3A_47 = arith.constant 0 : index
    %get3A_48 = vector.load %arg6[%get3A_46, %get3A_47] : memref<1x256xf32, #tpu.memory_space<vmem>>, vector<1x128xf32>
    %mul3A_49 = vector.broadcast %get3A_48 : vector<1x128xf32> to vector<1000x128xf32>
    %mul3A_50 = arith.mulf %mul3A_45, %mul3A_49 : vector<1000x128xf32>
    %get3A_51 = arith.constant 0 : index
    %get3A_52 = arith.constant 0 : index
    %get3A_53 = vector.load %arg7[%get3A_51, %get3A_52] : memref<1x256xf32, #tpu.memory_space<vmem>>, vector<1x128xf32>
    %add3A_54 = vector.broadcast %get3A_53 : vector<1x128xf32> to vector<1000x128xf32>
    %add3A_55 = arith.addf %mul3A_50, %add3A_54 : vector<1000x128xf32>
    %max3A = arith.constant 0.000000e+00 : f32
    %max3A_56 = vector.broadcast %max3A : f32 to vector<1000x128xf32>
    %max3A_57 = arith.maximumf %add3A_55, %max3A_56 : vector<1000x128xf32>
    %mul3A_58 = arith.constant 0.999994993 : f32
    %mul3A_59 = vector.broadcast %mul3A_58 : f32 to vector<1000x128xf32>
    %mul3A_60 = arith.mulf %add3A_42, %mul3A_59 : vector<1000x128xf32>
    %get3A_61 = arith.constant 0 : index
    %get3A_62 = arith.constant 128 : index
    %get3A_63 = vector.load %arg6[%get3A_61, %get3A_62] : memref<1x256xf32, #tpu.memory_space<vmem>>, vector<1x128xf32>
    %mul3A_64 = vector.broadcast %get3A_63 : vector<1x128xf32> to vector<1000x128xf32>
    %mul3A_65 = arith.mulf %mul3A_60, %mul3A_64 : vector<1000x128xf32>
    %get3A_66 = arith.constant 0 : index
    %get3A_67 = arith.constant 128 : index
    %get3A_68 = vector.load %arg7[%get3A_66, %get3A_67] : memref<1x256xf32, #tpu.memory_space<vmem>>, vector<1x128xf32>
    %add3A_69 = vector.broadcast %get3A_68 : vector<1x128xf32> to vector<1000x128xf32>
    %add3A_70 = arith.addf %mul3A_65, %add3A_69 : vector<1000x128xf32>
    %max3A_71 = arith.constant 0.000000e+00 : f32
    %max3A_72 = vector.broadcast %max3A_71 : f32 to vector<1000x128xf32>
    %max3A_73 = arith.maximumf %add3A_70, %max3A_72 : vector<1000x128xf32>
    %get3A_74 = arith.constant 0 : index
    %get3A_75 = arith.constant 0 : index
    %get3A_76 = vector.load %arg8[%get3A_74, %get3A_75] : memref<256x256xf32, #tpu.memory_space<vmem>>, vector<128x256xf32>
    %dot_general3A = arith.constant dense<0.000000e+00> : vector<1000x256xf32>
    %dot_general3A_77 = tpu.matmul %max3A_57, %get3A_76, %dot_general3A {dimension_numbers = #tpu.dot_dimension_numbers<[1], [0], [0], [1], [0, 0, 1, 1], [], []>, transpose_lhs_hint = false} : vector<1000x128xf32>, vector<128x256xf32>, vector<1000x256xf32> -> vector<1000x256xf32>
    %get3A_78 = arith.constant 128 : index
    %get3A_79 = arith.constant 0 : index
    %get3A_80 = vector.load %arg8[%get3A_78, %get3A_79] : memref<256x256xf32, #tpu.memory_space<vmem>>, vector<128x256xf32>
    %dot_general3A_81 = arith.constant dense<0.000000e+00> : vector<1000x256xf32>
    %dot_general3A_82 = tpu.matmul %max3A_73, %get3A_80, %dot_general3A_81 {dimension_numbers = #tpu.dot_dimension_numbers<[1], [0], [0], [1], [0, 0, 1, 1], [], []>, transpose_lhs_hint = false} : vector<1000x128xf32>, vector<128x256xf32>, vector<1000x256xf32> -> vector<1000x256xf32>
    %add3A_83 = arith.addf %dot_general3A_77, %dot_general3A_82 : vector<1000x256xf32>
    %mul3A_84 = vector.broadcast %rsqrt3A : vector<1000x1xf32> to vector<1000x256xf32>
    %mul3A_85 = arith.mulf %add3A_83, %mul3A_84 : vector<1000x256xf32>
    %slice3A = vector.extract_strided_slice %mul3A_85 {offsets = [0, 0], sizes = [1000, 128], strides = [1, 1]} : vector<1000x256xf32> to vector<1000x128xf32>
    %swap3A = arith.constant 0 : index
    %swap3A_86 = arith.constant 0 : index
    %swap3A_87 = arith.constant 0 : index
    %swap3A_88 = vector.load %arg9[%swap3A, %swap3A_86, %swap3A_87] : memref<2x1000x128xf32, #tpu.memory_space<vmem>>, vector<1x1000x128xf32>
    %swap3A_89 = vector.shape_cast %swap3A_88 : vector<1x1000x128xf32> to vector<1000x128xf32>
    %swap3A_90 = vector.shape_cast %slice3A : vector<1000x128xf32> to vector<1x1000x128xf32>
    tpu.vector_store %arg9[%swap3A, %swap3A_86, %swap3A_87], %swap3A_90 {strides = array<i32>} : memref<2x1000x128xf32, #tpu.memory_space<vmem>>, vector<1x1000x128xf32>,
    %slice3A_91 = vector.extract_strided_slice %mul3A_85 {offsets = [0, 128], sizes = [1000, 128], strides = [1, 1]} : vector<1000x256xf32> to vector<1000x128xf32>
    %swap3A_92 = arith.constant 1 : index
    %swap3A_93 = arith.constant 0 : index
    %swap3A_94 = arith.constant 0 : index
    %swap3A_95 = vector.load %arg9[%swap3A_92, %swap3A_93, %swap3A_94] : memref<2x1000x128xf32, #tpu.memory_space<vmem>>, vector<1x1000x128xf32>
    %swap3A_96 = vector.shape_cast %swap3A_95 : vector<1x1000x128xf32> to vector<1000x128xf32>
    %swap3A_97 = vector.shape_cast %slice3A_91 : vector<1000x128xf32> to vector<1x1000x128xf32>
    tpu.vector_store %arg9[%swap3A_92, %swap3A_93, %swap3A_94], %swap3A_97 {strides = array<i32>} : memref<2x1000x128xf32, #tpu.memory_space<vmem>>, vector<1x1000x128xf32>,
    return
  }
  func.func @transform_0(%arg0: i32) -> (i32, i32, i32) {
    %c0_i32 = arith.constant 0 : i32
    %c0_i32_0 = arith.constant 0 : i32
    %c0_i32_1 = arith.constant 0 : i32
    return %c0_i32, %arg0, %c0_i32_0 : i32, i32, i32
  }
  func.func @transform_1(%arg0: i32) -> (i32, i32, i32) {
    %c0_i32 = arith.constant 0 : i32
    %c0_i32_0 = arith.constant 0 : i32
    %c0_i32_1 = arith.constant 0 : i32
    return %c0_i32, %arg0, %c0_i32_0 : i32, i32, i32
  }
  func.func @transform_2(%arg0: i32) -> (i32, i32) {
    %c0_i32 = arith.constant 0 : i32
    %c0_i32_0 = arith.constant 0 : i32
    return %arg0, %c0_i32 : i32, i32
  }
  func.func @transform_3(%arg0: i32) -> (i32, i32) {
    %c0_i32 = arith.constant 0 : i32
    %c0_i32_0 = arith.constant 0 : i32
    return %arg0, %c0_i32 : i32, i32
  }
  func.func @transform_4(%arg0: i32) -> (i32, i32) {
    %c0_i32 = arith.constant 0 : i32
    %c0_i32_0 = arith.constant 0 : i32
    %c0_i32_1 = arith.constant 0 : i32
    return %c0_i32, %c0_i32_0 : i32, i32
  }
  func.func @transform_5(%arg0: i32) -> (i32, i32) {
    %c0_i32 = arith.constant 0 : i32
    %c0_i32_0 = arith.constant 0 : i32
    %c0_i32_1 = arith.constant 0 : i32
    return %c0_i32, %c0_i32_0 : i32, i32
  }
  func.func @transform_6(%arg0: i32) -> (i32, i32) {
    %c0_i32 = arith.constant 0 : i32
    %c0_i32_0 = arith.constant 0 : i32
    %c0_i32_1 = arith.constant 0 : i32
    return %c0_i32, %c0_i32_0 : i32, i32
  }
  func.func @transform_7(%arg0: i32) -> (i32, i32) {
    %c0_i32 = arith.constant 0 : i32
    %c0_i32_0 = arith.constant 0 : i32
    %c0_i32_1 = arith.constant 0 : i32
    return %c0_i32, %c0_i32_0 : i32, i32
  }
  func.func @transform_8(%arg0: i32) -> (i32, i32, i32) {
    %c0_i32 = arith.constant 0 : i32
    %c0_i32_0 = arith.constant 0 : i32
    %c0_i32_1 = arith.constant 0 : i32
    return %c0_i32, %arg0, %c0_i32_0 : i32, i32, i32
  }
}

module attributes {stable_mosaic.version = 14 : i64} {
  func.func @_post2_body(%arg0: i32, %arg1: memref<2x1000x128xf32, #tpu.memory_space<vmem>>, %arg2: memref<2x1000x128xf32, #tpu.memory_space<vmem>>, %arg3: memref<1000x128xf32, #tpu.memory_space<vmem>>, %arg4: memref<1000x128xf32, #tpu.memory_space<vmem>>, %arg5: memref<1x256xf32, #tpu.memory_space<vmem>>, %arg6: memref<2x1000x128xf32, #tpu.memory_space<vmem>>) attributes {dimension_semantics = [#tpu.dimension_semantics<arbitrary>], iteration_bounds = array<i64: 10>, scalar_prefetch = 0 : i64, scratch_operands = 0 : i64, tpu.core_type = #tpu.core_type<tc>, window_params = [{transform_indices = @transform_0, window_bounds = array<i64: 2, 1000, 128>}, {transform_indices = @transform_1, window_bounds = array<i64: 2, 1000, 128>}, {transform_indices = @transform_2, window_bounds = array<i64: 1000, 128>}, {transform_indices = @transform_3, window_bounds = array<i64: 1000, 128>}, {pipeline_mode = #tpu.pipeline_mode<synchronous>, transform_indices = @transform_4, window_bounds = array<i64: 1, 256>}, {transform_indices = @transform_5, window_bounds = array<i64: 2, 1000, 128>}]} {
    %get3A = arith.constant 0 : index
    %get3A_0 = arith.constant 0 : index
    %get3A_1 = vector.load %arg3[%get3A, %get3A_0] : memref<1000x128xf32, #tpu.memory_space<vmem>>, vector<1000x1xf32>
    %add3A = arith.constant 1.000000e+00 : f32
    %add3A_2 = vector.broadcast %add3A : f32 to vector<1000x1xf32>
    %add3A_3 = arith.addf %add3A_2, %get3A_1 : vector<1000x1xf32>
    %get3A_4 = arith.constant 0 : index
    %get3A_5 = arith.constant 0 : index
    %get3A_6 = vector.load %arg4[%get3A_4, %get3A_5] : memref<1000x128xf32, #tpu.memory_space<vmem>>, vector<1000x1xf32>
    %add3A_7 = arith.addf %add3A_3, %get3A_6 : vector<1000x1xf32>
    %rsqrt3A = math.rsqrt %add3A_7 : vector<1000x1xf32>
    %get3A_8 = arith.constant 0 : index
    %get3A_9 = arith.constant 0 : index
    %get3A_10 = arith.constant 0 : index
    %get3A_11 = vector.load %arg1[%get3A_8, %get3A_9, %get3A_10] : memref<2x1000x128xf32, #tpu.memory_space<vmem>>, vector<1x1000x128xf32>
    %get3A_12 = vector.shape_cast %get3A_11 : vector<1x1000x128xf32> to vector<1000x128xf32>
    %get3A_13 = arith.constant 0 : index
    %get3A_14 = arith.constant 0 : index
    %get3A_15 = arith.constant 0 : index
    %get3A_16 = vector.load %arg2[%get3A_13, %get3A_14, %get3A_15] : memref<2x1000x128xf32, #tpu.memory_space<vmem>>, vector<1x1000x128xf32>
    %get3A_17 = vector.shape_cast %get3A_16 : vector<1x1000x128xf32> to vector<1000x128xf32>
    %add3A_18 = arith.addf %get3A_12, %get3A_17 : vector<1000x128xf32>
    %mul3A = vector.broadcast %rsqrt3A : vector<1000x1xf32> to vector<1000x128xf32>
    %mul3A_19 = arith.mulf %add3A_18, %mul3A : vector<1000x128xf32>
    %get3A_20 = arith.constant 0 : index
    %get3A_21 = arith.constant 0 : index
    %get3A_22 = vector.load %arg5[%get3A_20, %get3A_21] : memref<1x256xf32, #tpu.memory_space<vmem>>, vector<1x128xf32>
    %add3A_23 = vector.broadcast %get3A_22 : vector<1x128xf32> to vector<1000x128xf32>
    %add3A_24 = arith.addf %mul3A_19, %add3A_23 : vector<1000x128xf32>
    %swap3A = arith.constant 0 : index
    %swap3A_25 = arith.constant 0 : index
    %swap3A_26 = arith.constant 0 : index
    %swap3A_27 = vector.load %arg6[%swap3A, %swap3A_25, %swap3A_26] : memref<2x1000x128xf32, #tpu.memory_space<vmem>>, vector<1x1000x128xf32>
    %swap3A_28 = vector.shape_cast %swap3A_27 : vector<1x1000x128xf32> to vector<1000x128xf32>
    %swap3A_29 = vector.shape_cast %add3A_24 : vector<1000x128xf32> to vector<1x1000x128xf32>
    tpu.vector_store %arg6[%swap3A, %swap3A_25, %swap3A_26], %swap3A_29 {strides = array<i32>} : memref<2x1000x128xf32, #tpu.memory_space<vmem>>, vector<1x1000x128xf32>,
    %get3A_30 = arith.constant 1 : index
    %get3A_31 = arith.constant 0 : index
    %get3A_32 = arith.constant 0 : index
    %get3A_33 = vector.load %arg1[%get3A_30, %get3A_31, %get3A_32] : memref<2x1000x128xf32, #tpu.memory_space<vmem>>, vector<1x1000x128xf32>
    %get3A_34 = vector.shape_cast %get3A_33 : vector<1x1000x128xf32> to vector<1000x128xf32>
    %get3A_35 = arith.constant 1 : index
    %get3A_36 = arith.constant 0 : index
    %get3A_37 = arith.constant 0 : index
    %get3A_38 = vector.load %arg2[%get3A_35, %get3A_36, %get3A_37] : memref<2x1000x128xf32, #tpu.memory_space<vmem>>, vector<1x1000x128xf32>
    %get3A_39 = vector.shape_cast %get3A_38 : vector<1x1000x128xf32> to vector<1000x128xf32>
    %add3A_40 = arith.addf %get3A_34, %get3A_39 : vector<1000x128xf32>
    %mul3A_41 = vector.broadcast %rsqrt3A : vector<1000x1xf32> to vector<1000x128xf32>
    %mul3A_42 = arith.mulf %add3A_40, %mul3A_41 : vector<1000x128xf32>
    %get3A_43 = arith.constant 0 : index
    %get3A_44 = arith.constant 128 : index
    %get3A_45 = vector.load %arg5[%get3A_43, %get3A_44] : memref<1x256xf32, #tpu.memory_space<vmem>>, vector<1x128xf32>
    %add3A_46 = vector.broadcast %get3A_45 : vector<1x128xf32> to vector<1000x128xf32>
    %add3A_47 = arith.addf %mul3A_42, %add3A_46 : vector<1000x128xf32>
    %swap3A_48 = arith.constant 1 : index
    %swap3A_49 = arith.constant 0 : index
    %swap3A_50 = arith.constant 0 : index
    %swap3A_51 = vector.load %arg6[%swap3A_48, %swap3A_49, %swap3A_50] : memref<2x1000x128xf32, #tpu.memory_space<vmem>>, vector<1x1000x128xf32>
    %swap3A_52 = vector.shape_cast %swap3A_51 : vector<1x1000x128xf32> to vector<1000x128xf32>
    %swap3A_53 = vector.shape_cast %add3A_47 : vector<1000x128xf32> to vector<1x1000x128xf32>
    tpu.vector_store %arg6[%swap3A_48, %swap3A_49, %swap3A_50], %swap3A_53 {strides = array<i32>} : memref<2x1000x128xf32, #tpu.memory_space<vmem>>, vector<1x1000x128xf32>,
    return
  }
  func.func @transform_0(%arg0: i32) -> (i32, i32, i32) {
    %c0_i32 = arith.constant 0 : i32
    %c0_i32_0 = arith.constant 0 : i32
    %c0_i32_1 = arith.constant 0 : i32
    return %c0_i32, %arg0, %c0_i32_0 : i32, i32, i32
  }
  func.func @transform_1(%arg0: i32) -> (i32, i32, i32) {
    %c0_i32 = arith.constant 0 : i32
    %c0_i32_0 = arith.constant 0 : i32
    %c0_i32_1 = arith.constant 0 : i32
    return %c0_i32, %arg0, %c0_i32_0 : i32, i32, i32
  }
  func.func @transform_2(%arg0: i32) -> (i32, i32) {
    %c0_i32 = arith.constant 0 : i32
    %c0_i32_0 = arith.constant 0 : i32
    return %arg0, %c0_i32 : i32, i32
  }
  func.func @transform_3(%arg0: i32) -> (i32, i32) {
    %c0_i32 = arith.constant 0 : i32
    %c0_i32_0 = arith.constant 0 : i32
    return %arg0, %c0_i32 : i32, i32
  }
  func.func @transform_4(%arg0: i32) -> (i32, i32) {
    %c0_i32 = arith.constant 0 : i32
    %c0_i32_0 = arith.constant 0 : i32
    %c0_i32_1 = arith.constant 0 : i32
    return %c0_i32, %c0_i32_0 : i32, i32
  }
  func.func @transform_5(%arg0: i32) -> (i32, i32, i32) {
    %c0_i32 = arith.constant 0 : i32
    %c0_i32_0 = arith.constant 0 : i32
    %c0_i32_1 = arith.constant 0 : i32
    return %c0_i32, %arg0, %c0_i32_0 : i32, i32, i32
  }
}

module attributes {stable_mosaic.version = 14 : i64} {
  func.func @_pred_body(%arg0: i32, %arg1: memref<2x512x128xf32, #tpu.memory_space<vmem>>, %arg2: memref<256x256xf32, #tpu.memory_space<vmem>>, %arg3: memref<1x256xf32, #tpu.memory_space<vmem>>, %arg4: memref<1x256xf32, #tpu.memory_space<vmem>>, %arg5: memref<1x1xf32, #tpu.memory_space<vmem>>, %arg6: memref<512x1xf32, #tpu.memory_space<vmem>>) attributes {dimension_semantics = [#tpu.dimension_semantics<arbitrary>], iteration_bounds = array<i64: 128>, scalar_prefetch = 0 : i64, scratch_operands = 0 : i64, tpu.core_type = #tpu.core_type<tc>, window_params = [{transform_indices = @transform_0, window_bounds = array<i64: 2, 512, 128>}, {pipeline_mode = #tpu.pipeline_mode<synchronous>, transform_indices = @transform_1, window_bounds = array<i64: 256, 256>}, {pipeline_mode = #tpu.pipeline_mode<synchronous>, transform_indices = @transform_2, window_bounds = array<i64: 1, 256>}, {pipeline_mode = #tpu.pipeline_mode<synchronous>, transform_indices = @transform_3, window_bounds = array<i64: 1, 256>}, {pipeline_mode = #tpu.pipeline_mode<synchronous>, transform_indices = @transform_4, window_bounds = array<i64: 1, 1>}, {transform_indices = @transform_5, window_bounds = array<i64: 512, 1>}]} {
    %get3A = arith.constant 0 : index
    %get3A_0 = arith.constant 0 : index
    %get3A_1 = vector.load %arg2[%get3A, %get3A_0] : memref<256x256xf32, #tpu.memory_space<vmem>>, vector<256x256xf32>
    %convert_element_type3A = arith.truncf %get3A_1 : vector<256x256xf32> to vector<256x256xbf16>
    %get3A_2 = arith.constant 0 : index
    %get3A_3 = arith.constant 0 : index
    %get3A_4 = arith.constant 0 : index
    %get3A_5 = vector.load %arg1[%get3A_2, %get3A_3, %get3A_4] : memref<2x512x128xf32, #tpu.memory_space<vmem>>, vector<1x512x128xf32>
    %get3A_6 = vector.shape_cast %get3A_5 : vector<1x512x128xf32> to vector<512x128xf32>
    %convert_element_type3A_7 = arith.truncf %get3A_6 : vector<512x128xf32> to vector<512x128xbf16>
    %slice3A = vector.extract_strided_slice %convert_element_type3A {offsets = [0, 0], sizes = [128, 256], strides = [1, 1]} : vector<256x256xbf16> to vector<128x256xbf16>
    %dot_general3A = arith.constant dense<0.000000e+00> : vector<512x256xf32>
    %dot_general3A_8 = tpu.matmul %convert_element_type3A_7, %slice3A, %dot_general3A {dimension_numbers = #tpu.dot_dimension_numbers<[1], [0], [0], [1], [0, 0, 1, 1], [], []>, transpose_lhs_hint = false} : vector<512x128xbf16>, vector<128x256xbf16>, vector<512x256xf32> -> vector<512x256xf32>
    %get3A_9 = arith.constant 1 : index
    %get3A_10 = arith.constant 0 : index
    %get3A_11 = arith.constant 0 : index
    %get3A_12 = vector.load %arg1[%get3A_9, %get3A_10, %get3A_11] : memref<2x512x128xf32, #tpu.memory_space<vmem>>, vector<1x512x128xf32>
    %get3A_13 = vector.shape_cast %get3A_12 : vector<1x512x128xf32> to vector<512x128xf32>
    %convert_element_type3A_14 = arith.truncf %get3A_13 : vector<512x128xf32> to vector<512x128xbf16>
    %slice3A_15 = vector.extract_strided_slice %convert_element_type3A {offsets = [128, 0], sizes = [128, 256], strides = [1, 1]} : vector<256x256xbf16> to vector<128x256xbf16>
    %dot_general3A_16 = arith.constant dense<0.000000e+00> : vector<512x256xf32>
    %dot_general3A_17 = tpu.matmul %convert_element_type3A_14, %slice3A_15, %dot_general3A_16 {dimension_numbers = #tpu.dot_dimension_numbers<[1], [0], [0], [1], [0, 0, 1, 1], [], []>, transpose_lhs_hint = false} : vector<512x128xbf16>, vector<128x256xbf16>, vector<512x256xf32> -> vector<512x256xf32>
    %add3A = arith.addf %dot_general3A_8, %dot_general3A_17 : vector<512x256xf32>
    %get3A_18 = arith.constant 0 : index
    %get3A_19 = arith.constant 0 : index
    %get3A_20 = vector.load %arg3[%get3A_18, %get3A_19] : memref<1x256xf32, #tpu.memory_space<vmem>>, vector<1x256xf32>
    %add3A_21 = vector.broadcast %get3A_20 : vector<1x256xf32> to vector<512x256xf32>
    %add3A_22 = arith.addf %add3A, %add3A_21 : vector<512x256xf32>
    %max3A = arith.constant 0.000000e+00 : f32
    %max3A_23 = vector.broadcast %max3A : f32 to vector<512x256xf32>
    %max3A_24 = arith.maximumf %add3A_22, %max3A_23 : vector<512x256xf32>
    %get3A_25 = arith.constant 0 : index
    %get3A_26 = arith.constant 0 : index
    %get3A_27 = vector.load %arg4[%get3A_25, %get3A_26] : memref<1x256xf32, #tpu.memory_space<vmem>>, vector<1x256xf32>
    %mul3A = vector.broadcast %get3A_27 : vector<1x256xf32> to vector<512x256xf32>
    %mul3A_28 = arith.mulf %max3A_24, %mul3A : vector<512x256xf32>
    %reduce_sum3A = arith.constant dense<0.000000e+00> : vector<512xf32>
    %reduce_sum3A_29 = vector.multi_reduction <add>, %mul3A_28, %reduce_sum3A [1] : vector<512x256xf32> to vector<512xf32>
    %broadcast_in_dim3A = vector.shape_cast %reduce_sum3A_29 : vector<512xf32> to vector<512x1xf32>
    %get3A_30 = arith.constant 0 : index
    %get3A_31 = arith.constant 0 : index
    %get3A_32 = vector.load %arg5[%get3A_30, %get3A_31] : memref<1x1xf32, #tpu.memory_space<vmem>>, vector<1x1xf32>
    %add3A_33 = vector.broadcast %get3A_32 : vector<1x1xf32> to vector<512x1xf32>
    %add3A_34 = arith.addf %broadcast_in_dim3A, %add3A_33 : vector<512x1xf32>
    %logistic3A = arith.negf %add3A_34 : vector<512x1xf32>
    %logistic3A_35 = math.exp %logistic3A : vector<512x1xf32>
    %logistic3A_36 = arith.constant 1.000000e+00 : f32
    %logistic3A_37 = vector.broadcast %logistic3A_36 : f32 to vector<512x1xf32>
    %logistic3A_38 = arith.addf %logistic3A_37, %logistic3A_35 : vector<512x1xf32>
    %logistic3A_39 = arith.divf %logistic3A_37, %logistic3A_38 : vector<512x1xf32>
    %swap3A = arith.constant 0 : index
    %swap3A_40 = arith.constant 0 : index
    %swap3A_41 = vector.load %arg6[%swap3A, %swap3A_40] : memref<512x1xf32, #tpu.memory_space<vmem>>, vector<512x1xf32>
    tpu.vector_store %arg6[%swap3A, %swap3A_40], %logistic3A_39 {strides = array<i32>} : memref<512x1xf32, #tpu.memory_space<vmem>>, vector<512x1xf32>,
    return
  }
  func.func @transform_0(%arg0: i32) -> (i32, i32, i32) {
    %c0_i32 = arith.constant 0 : i32
    %c0_i32_0 = arith.constant 0 : i32
    %c0_i32_1 = arith.constant 0 : i32
    return %c0_i32, %arg0, %c0_i32_0 : i32, i32, i32
  }
  func.func @transform_1(%arg0: i32) -> (i32, i32) {
    %c0_i32 = arith.constant 0 : i32
    %c0_i32_0 = arith.constant 0 : i32
    %c0_i32_1 = arith.constant 0 : i32
    return %c0_i32, %c0_i32_0 : i32, i32
  }
  func.func @transform_2(%arg0: i32) -> (i32, i32) {
    %c0_i32 = arith.constant 0 : i32
    %c0_i32_0 = arith.constant 0 : i32
    %c0_i32_1 = arith.constant 0 : i32
    return %c0_i32, %c0_i32_0 : i32, i32
  }
  func.func @transform_3(%arg0: i32) -> (i32, i32) {
    %c0_i32 = arith.constant 0 : i32
    %c0_i32_0 = arith.constant 0 : i32
    %c0_i32_1 = arith.constant 0 : i32
    return %c0_i32, %c0_i32_0 : i32, i32
  }
  func.func @transform_4(%arg0: i32) -> (i32, i32) {
    %c0_i32 = arith.constant 0 : i32
    %c0_i32_0 = arith.constant 0 : i32
    %c0_i32_1 = arith.constant 0 : i32
    return %c0_i32, %c0_i32_0 : i32, i32
  }
  func.func @transform_5(%arg0: i32) -> (i32, i32) {
    %c0_i32 = arith.constant 0 : i32
    %c0_i32_0 = arith.constant 0 : i32
    return %arg0, %c0_i32 : i32, i32
  }
}

</mosaic_0001>

<sc_bundles>
// kernel: kernel.11.cloned.1.call-start
scs
__scs_entry_jumppad:
0x0: {  	(pc) =	sbr.rel $0x88, $3  }
0x1: {  	(tag) =	ssettag $0x0;
	lr =	simm.s32 $0x1  }
0x2: {  	[smem:$0x3F93] =	sst lr;
	_ =	strace $0xD0000000  }
0x3: {  	_ = 	snop  }
0x4: {  	_ = 	snop  }
0x5: {  	_ = 	snop  }
0x6: {  	_ = 	snop  }
0x7: {  	_ = 	snop  }
__scs_overlays_trampoline_lowered:
0x8: {  	[smem:$0x3FA2] =	sst s0  }
0x9: {  	[smem:$0x3FA3] =	sst s1  }
0xa: {  	[smem:$0x3FA4] =	sst s2  }
0xb: {  	[smem:$0x3FA5] =	sst s3  }
0xc: {  	[smem:$0x3FA6] =	sst s4  }
0xd: {  	[smem:$0x3FA7] =	sst s5  }
0xe: {  	[smem:$0x3FA8] =	sst s6  }
0xf: {  	[smem:$0x3FA9] =	sst s7  }
0x10: {  	[smem:$0x3FAA] =	sst s8  }
0x11: {  	[smem:$0x3FAB] =	sst s9;
	s0 =	simm.s32 @!p0 $0x0  }
0x12: {  	s1 =	sld [smem:$0x3F91];
	s0 =	simm.s32 @p0 $0x1  }
0x13: {  	[smem:$0x3FAC] =	sst s0;
	s0 =	simm.s32 @!p1 $0x0  }
0x14: {  	s2 =	sld [smem:$0x3F90];
	s0 =	simm.s32 @p1 $0x1  }
0x15: {  	[smem:$0x3FAD] =	sst s0;
	s0 =	simm.s32 @!p2 $0x0  }
0x16: {  	s3 =	sld [smem:$0x3FDB];
	s0 =	simm.s32 @p2 $0x1  }
0x17: {  	s4 =	simm.s32 $0x1BF5;
	[smem:$0x3FAF] =	sst s0  }
0x18: {  	s0 =	sld [smem:$0x3F92];
	_ =	swait.ge [sflag:s4], $0x0  }
0x19: {  	s7 =	sld [smem:$0x3F93]  }
0x1a: {  	s8 =	sadd.s32 $0xFFFFE003, lr  }
0x1b: {  	s9 =	sadd.s32 $0xFFFFFEF7, lr;
	s5 =	simm.s32 $0xFFFFFFFF;
	p2 =	slt.u32 s8, $0xFFFFF086  }
0x1c: {  	p1 =	slt.u32 s9, $0xF7A;
	s5 =	simm.s32 @!p2 $0x0  }
0x1d: {  	s5 =	simm.s32 @p1 $0x1;
	p0 =	seq.s32 s7, s2  }
0x1e: {  	s7 =	smul.u32 @!p0 $0xF7A, s2;
	p2 =	seq.s32 @!p0 s5, $0x0  }
0x1f: {  	s9 =	smul.u32 $0xF7A, s1;
	s8 =	simm.s32 @!p0 $0x1BF5;
	p2 =	por !p2, p0  }
0x20: {  	[sflag:s8] =	ssyncset.s32 @!p0 $0xFFFFF086;
	s6 =	sadd.s32 @!p0 s3, s7;
	s7 =	simm.s32 @!p0 $0x108  }
0x21: {  	s3 =	sadd.s32 s3, s9;
	s6 =	sadd.s32 @!p0 $0x88, s6;
	s7 =	simm.s32 @p2 $0x1082  }
0x22: {  	[simem:s7], [sflag:s8] =	dma.local @!p0 [hbm:s6], $0xF7A  }
0x23: {  	s9 =	sor.u32 $0xD0000000, s2;
	s6 =	simm.s32 $0x108;
	_ =	swait.ge @!p0 [sflag:s8], $0x0  }
0x24: {  	s3 =	sadd.s32 $0x88, s3;
	s6 =	simm.s32 @!p1 $0x1082;
	[sflag:s4] =	ssyncset.s32 $0xFFFFF086  }
0x25: {  	[simem:s6], [sflag:s4] =	dma.local [hbm:s3], $0xF7A  }
0x26: {  	[smem:$0x3F93] =	sst s1;
	(tag) =	ssettag s2;
	_ =	strace s9  }
0x27: {  	s1 =	sld [smem:$0x3FA3]  }
0x28: {  	s2 =	sld [smem:$0x3FA4]  }
0x29: {  	s4 =	sld [smem:$0x3FA6]  }
0x2a: {  	p0 =	seq.s32 s5, $0x0;
	s5 =	sld [smem:$0x3FA7]  }
0x2b: {  	s6 =	sld [smem:$0x3FA8]  }
0x2c: {  	s7 =	sld [smem:$0x3FA9]  }
0x2d: {  	s3 =	simm.s32 $0x108;
	s8 =	sld [smem:$0x3FAA]  }
0x2e: {  	s3 =	simm.s32 @!p0 $0x1082;
	s9 =	sld [smem:$0x3FAB]  }
0x2f: {  	lr =	sadd.s32 s0, s3;
	s0 =	sld [smem:$0x3FA2]  }
0x30: {  	s3 =	sld [smem:$0x3FA5]  }
0x31: {  	[smem:$0x3FAE] =	sst s10  }
0x32: {  	s10 =	sld [smem:$0x3FAC];
	_ =	sdelay $0x3  }
0x33: {  	p0 =	seq.s32 s10, $0x1;
	s10 =	sld [smem:$0x3FAE];
	_ =	sdelay $0x3  }
0x34: {  	[smem:$0x3FAE] =	sst s10  }
0x35: {  	s10 =	sld [smem:$0x3FAD];
	_ =	sdelay $0x3  }
0x36: {  	p1 =	seq.s32 s10, $0x1;
	s10 =	sld [smem:$0x3FAE];
	_ =	sdelay $0x3  }
0x37: {  	[smem:$0x3FAE] =	sst s10  }
0x38: {  	s10 =	sld [smem:$0x3FAF]  }
0x39: {  	_ = 	snop;
	(pc) =	sbr.ind lr, $3  }
0x3a: {  	_ = 	snop  }
0x3b: {  	_ = 	snop  }
0x3c: {  	p2 =	seq.s32 s10, $0x1;
	s10 =	sld [smem:$0x3FAE]  }
0x3d: {  	_ =	shalt  }
0x3e: {  	_ =	shalt  }
0x3f: {  	_ =	shalt  }
0x40: {  	_ =	shalt  }
0x41: {  	_ =	shalt  }
0x42: {  	_ =	shalt  }
0x43: {  	_ =	shalt  }
0x44: {  	_ =	shalt  }
0x45: {  	_ =	shalt  }
0x46: {  	_ =	shalt  }
0x47: {  	_ =	shalt  }
0x48: {  	_ =	shalt  }
0x49: {  	_ =	shalt  }
0x4a: {  	_ =	shalt  }
0x4b: {  	_ =	shalt  }
0x4c: {  	_ =	shalt  }
0x4d: {  	_ =	shalt  }
0x4e: {  	_ =	shalt  }
0x4f: {  	_ =	shalt  }
0x50: {  	_ =	shalt  }
0x51: {  	_ =	shalt  }
0x52: {  	_ =	shalt  }
0x53: {  	_ =	shalt  }
0x54: {  	_ =	shalt  }
0x55: {  	_ =	shalt  }
0x56: {  	_ =	shalt  }
0x57: {  	_ =	shalt  }
0x58: {  	_ =	shalt  }
0x59: {  	_ =	shalt  }
0x5a: {  	_ =	shalt  }
0x5b: {  	_ =	shalt  }
0x5c: {  	_ =	shalt  }
0x5d: {  	_ =	shalt  }
0x5e: {  	_ =	shalt  }
0x5f: {  	_ =	shalt  }
0x60: {  	_ =	shalt  }
0x61: {  	_ =	shalt  }
0x62: {  	_ =	shalt  }
0x63: {  	_ =	shalt  }
0x64: {  	_ =	shalt  }
0x65: {  	_ =	shalt  }
0x66: {  	_ =	shalt  }
0x67: {  	_ =	shalt  }
0x68: {  	_ =	shalt  }
0x69: {  	_ =	shalt  }
0x6a: {  	_ =	shalt  }
0x6b: {  	_ =	shalt  }
0x6c: {  	_ =	shalt  }
0x6d: {  	_ =	shalt  }
0x6e: {  	_ =	shalt  }
0x6f: {  	_ =	shalt  }
0x70: {  	_ =	shalt  }
0x71: {  	_ =	shalt  }
0x72: {  	_ =	shalt  }
0x73: {  	_ =	shalt  }
0x74: {  	_ =	shalt  }
0x75: {  	_ =	shalt  }
0x76: {  	_ =	shalt  }
0x77: {  	_ =	shalt  }
0x78: {  	_ =	shalt  }
0x79: {  	_ =	shalt  }
0x7a: {  	_ =	shalt  }
0x7b: {  	_ =	shalt  }
0x7c: {  	_ =	shalt  }
0x7d: {  	_ =	shalt  }
0x7e: {  	_ =	shalt  }
0x7f: {  	_ =	shalt  }
0x80: {  	_ =	shalt  }
0x81: {  	_ =	shalt  }
0x82: {  	_ =	shalt  }
0x83: {  	_ =	shalt  }
0x84: {  	_ =	shalt  }
0x85: {  	_ =	shalt  }
0x86: {  	_ =	shalt  }
0x87: {  	_ =	shalt  }
.Lfunc_end0:
.L_simem_size_0:
called_computation_lowered:
.L_overlay_start_0:
0x88: {  	s2 =	sld [smem:$0x3FD9]  }
0x89: {  	s3 =	sld [smem:$0x3FFE];
	_ =	sdelay $0x1  }
0x8a: {  	s1 =	srdreg.scid  }
0x8b: {  	s0 =	sand.u32 $0x1, s1  }
0x8c: {  	s17 =	sshll.u32 s0, $0xA;
	s2 =	sadd.s32 s3, s2  }
0x8d: {  	s2 =	sadd.s32 s2, s17  }
0x8e: {  	[smem:$0x3FBA] =	sst s2  }
0x8f: {  	_ = 	snop  }
0x90: {  	s2 =	sld [smem:$0x3FD0];
	(tm) =	ssettm $0x1  }
0x91: {  	s18 =	sld [smem:$0x3FFB];
	_ =	sdelay $0x3  }
0x92: {  	_ =	strace s18  }
0x93: {  	s3 =	sld [smem:$0x3FFC];
	_ =	sdelay $0x3  }
0x94: {  	_ =	strace s3  }
0x95: {  	s3 =	sld [smem:$0x3FFD];
	_ =	sdelay $0x3  }
0x96: {  	_ =	strace s3  }
0x97: {  	_ =	strace $0x8FFFFFFF  }
0x98: {  	s19 =	sld [smem:$0x3FDB];
	_ =	sdelay $0x1  }
0x99: {  	s4 =	simm.s32 $_scs_section_size  }
0x9a: {  	s5 =	simm.s32 $_size__tile_overlayer_lowered;
	s6 =	simm.s32 $_tile_overlayer_lowered  }
0x9b: {  	s22 =	simm.s32 $0x1BFF;
	s21 =	sshll.u32 s6, $0x1;
	s3 =	sadd.s32 s4, s19  }
0x9c: {  	s7 =	simm.s32 $0x0;
	s20 =	sshll.u32 s5, $0x1;
	s5 =	sadd.s32 s21, s3  }
0x9d: {  	[timem:s7], [sflag:s22] =	dma.local [hbm:s5], s20  }
0x9e: {  	_ =	swait.ge [sflag:s22], s20  }
0x9f: {  	s4 =	ssub.s32 $0x0, s20;
	[sflag:s22] =	ssyncset.done $0x0  }
0xa0: {  	[sflag:s22] =	ssyncadd.s32 s4;
	_ =	sdelay $0x1  }
0xa1: {  	s23 =	simm.s32 $0x1B8B  }
0xa2: {  	_ =	swait.ge [sflag:s23], $0x1  }
0xa3: {  	[sflag:s23] =	ssyncset.done $0x0  }
0xa4: {  	s25 =	simm.s32 $0x1B8E;
	s24 =	sld [smem:$0x3FFE];
	[sflag:s23] =	ssyncadd.s32 $0xFFFFFFFF  }
0xa5: {  	s26 =	simm.s32 $execute0_lowered;
	[smem:$0x3FD2] =	sst s25  }
0xa6: {  	s5 =	sshll.u32 s26, $0x1;
	_ =	strace $0x80000046;
	[dreg:$0x1] =	wrdreg $0xFFFFFFFF  }
0xa7: {  	s28 =	simm.s32 $_size_execute0_lowered;
	s3 =	sadd.s32 s3, s5;
	[dreg:$0x0] =	wrdreg $0x0  }
0xa8: {  	s5 =	sshll.u32 s28, $0x1;
	[dreg:$0x2] =	wrdreg s3  }
0xa9: {  	[dreg:$0x3] =	wrdreg s5  }
0xaa: {  	[dreg:$0x4] =	wrdreg $0xC0  }
0xab: {  	_ =	task [dreg:s7], $0x5FFFF  }
0xac: {  	[dreg:$0x1] =	wrdreg $0xFFFFFFFF  }
0xad: {  	[dreg:$0x0] =	wrdreg $0x60  }
0xae: {  	[dreg:$0x2] =	wrdreg s24  }
0xaf: {  	[dreg:$0x3] =	wrdreg s2  }
0xb0: {  	[dreg:$0x4] =	wrdreg $0x0  }
0xb1: {  	[dreg:$0x5] =	wrdreg $0x9  }
0xb2: {  	_ =	task.clear_ibuf [dreg:s7], $0x6FFFF;
	_ =	strace $0x90000046  }
0xb3: {  	s29 =	simm.s32 $0x9;
	_ =	strace $0x80000048  }
0xb4: {  	_ =	swait.ge [sflag:s29], $0x1  }
0xb5: {  	[sflag:s29] =	ssyncadd.s32 $0xFFFFFFFF  }
0xb6: {  	_ =	strace $0x90000048  }
0xb7: {  	_ =	sfence  }
0xb8: {  	s30 =	sld [smem:$0x0];
	_ =	sdelay $0x2  }
0xb9: {  	s31 =	sshll.u32 s1, $0xD;
	s1 =	sshrl.u32 s1, $0x2  }
0xba: {  	s3 =	sand.u32 $0x4000, s31;
	s1 =	sadd.s32 s1, s30  }
0xbb: {  	s0 =	sor.u32 s3, s0;
	s1 =	sshll.u32 s1, $0x11  }
0xbc: {  	s0 =	sor.u32 s1, s0  }
0xbd: {  	s0 =	sadd.s32 $0x8F2B, s0  }
0xbe: {  	[sflag:s0] =	ssyncadd.remote.s32 $0x1  }
0xbf: {  	_ =	sfence.sel $0xFFFF  }
0xc0: {  	[dreg:$0x0] =	wrdreg $0xFFFFFFFF;
	(pc) =	sbr.abs _section_cstart, $3  }
0xc1: {  	[dreg:$0x1] =	wrdreg $0xFFFFFFFF  }
0xc2: {  	_ =	task.clear_ibuf [dreg:s7], $0x2FFFF;
	_ =	strace $0x9FFFFFFF  }
0xc3: {  	(tm) =	ssettm $0x7FFFFFFF  }
tec
execute0_lowered:
.L_overlay_start_1:
0x0: {  	(tag) =	ssettag $0x1  }
0x1: {  	s0 =	srdreg.scid;
	s6 =	rddreg [dreg:$0x0]  }
0x2: {  	s1 =	rddreg [dreg:$0x1];
	s11 =	stileid.u32  }
0x3: {  	s2 =	rddreg [dreg:$0x2];
	s3 =	simm.s32 $0x0;
	s17 =	simm.s32 $0x0  }
0x4: {  	s4 =	sand.u32 $0x1, s0;
	[smem:$0x7FF] =	sst s3;
	s7 =	smul.u32 $0x13800, s11  }
0x5: {  	s12 =	smul.u32 $0x4E000, s11;
	s13 =	sadd.s32 $0x34800, s6;
	s29 =	sshll.u32 s11, $0x6  }
0x6: {  	s16 =	sadd.s32 $0x138000, s2;
	p0 =	sne.s32 s11, $0x0;
	s0 =	sshll.u32 s4, $0x4  }
0x7: {  	s26 =	ssub.s32 $0x2, s4;
	s14 =	smul.u32 $0x138800, s4;
	s5 =	sor.u32 s11, s0  }
0x8: {  	s0 =	rddreg [dreg:$0x3];
	_ =	strace $0x80000047;
	s9 =	sshrl.u32 s7, $0x3  }
0x9: {  	s10 =	sshrl.u32 s26, $0x1;
	s28 =	sshrl.u32 s12, $0x2;
	s12 =	simm.s32 $0x1  }
0xa: {  	s5 =	smul.u32 $0x500, s5;
	s9 =	sadd.s32 s9, s6;
	s10 =	ssub.s32 s26, s10  }
0xb: {  	s15 =	sadd.s32 s28, s2;
	s7 =	sadd.s32 s7, s14;
	s30 =	sshrl.u32 s14, $0x3  }
0xc: {  	s14 =	simm.s32 $0x13880;
	s4 =	sadd.s32 $0xD600, s9;
	s31 =	sshrl.u32 s7, $0x3  }
0xd: {  	s9 =	sadd.s32 s13, s30;
	s10 =	smax.u32 s10, $0x1;
	s11 =	sshrl.u32 s15, $0x3  }
0xe: {  	s15 =	simm.s32 $0x16080;
	s8 =	sadd.s32 s5, s6;
	s5 =	sor.u32 $0x1C01, s29  }
0xf: {  	s6 =	sadd.s32 $0x34600, s6;
	s9 =	sadd.s32 $0x27000, s9;
	s7 =	sadd.s32 $0x3600, s8  }
0x10: {  	s8 =	sadd.s32 s13, s31;
	s13 =	sshrl.u32 @!p0 s16, $0x3;
	s16 =	simm.s32 $0x7D  }
.LBB2_1:
0x11: {  	[spmem:s11], [sflag:s5] =	dma.local [hbm:s4], $0x2700  }
0x12: {  	_ =	swait.ge [sflag:s12], $0x2700  }
0x13: {  	[sflag:s12] =	ssyncset.done $0x0  }
0x14: {  	s18 =	simm.s32 @!p0 $0x1;
	[sflag:s12] =	ssyncadd.s32 $0xFFFFD900  }
0x15: {  	[spmem:s13], [sflag:s5] =	dma.local @!p0 [hbm:s6], $0x100  }
0x16: {  	_ =	swait.ge @!p0 [sflag:s18], $0x100  }
0x17: {  	[sflag:s18] =	ssyncset.done @!p0 $0x0  }
0x18: {  	[sflag:s18] =	ssyncadd.s32 @!p0 $0xFFFFFF00  }
0x19: {  	[tilespmem:s14], [sflag:$0x1] =	stream.linear.gather [hbm4b:s7+s3], $0x2800, $0x38;
	[tilespmem:$0x1A080] =	vst v63  }
0x1a: {  	_ =	swait.ge [sflag:s12], $0x2800  }
0x1b: {  	[sflag:s12] =	ssyncset.done $0x0  }
0x1c: {  	[sflag:s12] =	ssyncadd.s32 $0xFFFFD800  }
0x1d: {  	[tilespmem:s15], [sflag:$0x1] =	stream.linear.gather [hbm4b:s1+s3], $0x3E80, $0x38;
	[tilespmem:$0x1A080] =	vst v63  }
0x1e: {  	_ =	swait.ge [sflag:s12], $0x3E80  }
0x1f: {  	[sflag:s12] =	ssyncset.done $0x0  }
0x20: {  	[sflag:s12] =	ssyncadd.s32 $0xFFFFC180  }
0x21: {  	s31 =	simm.s32 $0x13880;
	[bflag:$0x0] =	sbarrier.arrive $0xFFFF  }
0x22: {  	[spmem:s2] =	stream.indirect.scatter.add.f32 [tilespmem:s15], [sflag:$0x1], $0x80, s31, s16, $0xb8;
	[tilespmem:$0x1A080] =	vst v63  }
0x23: {  	s18 =	simm.s32 $0x200;
	_ =	swait.ge [sflag:s12], $0x3E80  }
.LBB2_2:
0x24: {  	s19 =	sshra.s32 s18, $0x2;
	[sflag:s12] =	ssyncset.done $0x0;
	p1 =	sne.s32 s18, $0x9E00  }
.Ltmp0:
0x25: {  	s19 =	sadd.s32 $0x13880, s19;
	[sflag:s12] =	ssyncadd.s32 $0xFFFFC180;
	(pc) =	sbr.rel @p1 .LBB2_2-.Ltmp0, $3  }
0x26: {  	[spmem:s2] =	stream.indirect.scatter.add.f32 [tilespmem:s15], [sflag:$0x1], $0x80, s19, s16, $0xb8;
	[tilespmem:$0x1A080] =	vst v63  }
0x27: {  	s18 =	sadd.s32 $0x200, s18;
	_ =	sdelay $0x1  }
0x28: {  	_ =	swait.ge [sflag:s12], $0x3E80  }
0x29: {  	[sflag:s12] =	ssyncset.done $0x0  }
0x2a: {  	[sflag:s12] =	ssyncadd.s32 $0xFFFFC180  }
0x2b: {  	[bflag:$0x0] =	sbarrier.arrive $0xFFFF  }
0x2c: {  	[hbm:s8], [sflag:s5] =	dma.local [spmem:s11], $0x2700  }
0x2d: {  	s17 =	sadd.s32 $0x1, s17;
	_ =	swait.ge [sflag:s12], $0x2700  }
0x2e: {  	p1 =	sne.s32 s17, s10;
	[sflag:s12] =	ssyncset.done $0x0  }
.Ltmp1:
0x2f: {  	s18 =	simm.s32 @!p0 $0x1;
	[sflag:s12] =	ssyncadd.s32 $0xFFFFD900;
	(pc) =	sbr.rel @p1 .LBB2_1-.Ltmp1, $4  }
0x30: {  	[hbm:s9], [sflag:s5] =	dma.local @!p0 [spmem:s13], $0x100  }
0x31: {  	_ =	swait.ge @!p0 [sflag:s18], $0x100  }
0x32: {  	[sflag:s18] =	ssyncset.done @!p0 $0x0  }
0x33: {  	[sflag:s18] =	ssyncadd.s32 @!p0 $0xFFFFFF00  }
0x34: {  	_ =	sfence.sel $0x180000  }
0x35: {  	[bflag:$0x0] =	sbarrier.arrive $0xFFFF  }
0x36: {  	_ =	strace $0x90000047  }
0x37: {  	s0 =	sadd.s32 @!p0 $0x100000, s0;
	[bflag:$0x2] =	sbarrier.arrive $0xFFFF  }
0x38: {  	[sflag:s0] =	ssyncadd.tile.s32 @!p0 $0x1;
	_ =	shalt  }
.Lfunc_end2:
_tile_overlayer_lowered:
.L_overlay_start_2:
0x39: {  	(tag) =	ssettag $0x2  }
0x3a: {  	s0 =	rddreg [dreg:$0x0];
	s2 =	stileid.u32  }
0x3b: {  	s1 =	rddreg [dreg:$0x1];
	p0 =	sne.s32 s2, $0x0  }
0x3c: {  	s3 =	rddreg [dreg:$0x2];
	[bflag:$0x3] =	sbarrier.arrive $0xFFFF;
	s2 =	simm.s32 @!p0 $0x1C01  }
0x3d: {  	[timem:s3], [sflag:s2] =	dma.local @!p0 [hbm:s0], s1  }
0x3e: {  	s0 =	simm.s32 @!p0 $0x1  }
0x3f: {  	_ =	swait.ge @!p0 [sflag:s0], s1  }
0x40: {  	s1 =	ssub.s32 @!p0 $0x0, s1;
	[sflag:s0] =	ssyncset.done @!p0 $0x0  }
0x41: {  	[sflag:s0] =	ssyncadd.s32 @!p0 s1  }
0x42: {  	[bflag:$0x3] =	sbarrier.arrive $0xFFFF  }
0x43: {  	_ =	shalt  }

// kernel: kernel.14.cloned.1.call-start
scs
__scs_entry_jumppad:
0x0: {  	(pc) =	sbr.rel $0x88, $3  }
0x1: {  	(tag) =	ssettag $0x0;
	lr =	simm.s32 $0x1  }
0x2: {  	[smem:$0x3F93] =	sst lr;
	_ =	strace $0xD0000000  }
0x3: {  	_ = 	snop  }
0x4: {  	_ = 	snop  }
0x5: {  	_ = 	snop  }
0x6: {  	_ = 	snop  }
0x7: {  	_ = 	snop  }
__scs_overlays_trampoline_lowered:
0x8: {  	[smem:$0x3FA2] =	sst s0  }
0x9: {  	[smem:$0x3FA3] =	sst s1  }
0xa: {  	[smem:$0x3FA4] =	sst s2  }
0xb: {  	[smem:$0x3FA5] =	sst s3  }
0xc: {  	[smem:$0x3FA6] =	sst s4  }
0xd: {  	[smem:$0x3FA7] =	sst s5  }
0xe: {  	[smem:$0x3FA8] =	sst s6  }
0xf: {  	[smem:$0x3FA9] =	sst s7  }
0x10: {  	[smem:$0x3FAA] =	sst s8  }
0x11: {  	[smem:$0x3FAB] =	sst s9;
	s0 =	simm.s32 @!p0 $0x0  }
0x12: {  	s1 =	sld [smem:$0x3F91];
	s0 =	simm.s32 @p0 $0x1  }
0x13: {  	[smem:$0x3FAC] =	sst s0;
	s0 =	simm.s32 @!p1 $0x0  }
0x14: {  	s2 =	sld [smem:$0x3F90];
	s0 =	simm.s32 @p1 $0x1  }
0x15: {  	[smem:$0x3FAD] =	sst s0;
	s0 =	simm.s32 @!p2 $0x0  }
0x16: {  	s3 =	sld [smem:$0x3FDB];
	s0 =	simm.s32 @p2 $0x1  }
0x17: {  	s4 =	simm.s32 $0x1BF5;
	[smem:$0x3FAF] =	sst s0  }
0x18: {  	s0 =	sld [smem:$0x3F92];
	_ =	swait.ge [sflag:s4], $0x0  }
0x19: {  	s7 =	sld [smem:$0x3F93]  }
0x1a: {  	s8 =	sadd.s32 $0xFFFFE003, lr  }
0x1b: {  	s9 =	sadd.s32 $0xFFFFFEF7, lr;
	s5 =	simm.s32 $0xFFFFFFFF;
	p2 =	slt.u32 s8, $0xFFFFF086  }
0x1c: {  	p1 =	slt.u32 s9, $0xF7A;
	s5 =	simm.s32 @!p2 $0x0  }
0x1d: {  	s5 =	simm.s32 @p1 $0x1;
	p0 =	seq.s32 s7, s2  }
0x1e: {  	s7 =	smul.u32 @!p0 $0xF7A, s2;
	p2 =	seq.s32 @!p0 s5, $0x0  }
0x1f: {  	s9 =	smul.u32 $0xF7A, s1;
	s8 =	simm.s32 @!p0 $0x1BF5;
	p2 =	por !p2, p0  }
0x20: {  	[sflag:s8] =	ssyncset.s32 @!p0 $0xFFFFF086;
	s6 =	sadd.s32 @!p0 s3, s7;
	s7 =	simm.s32 @!p0 $0x108  }
0x21: {  	s3 =	sadd.s32 s3, s9;
	s6 =	sadd.s32 @!p0 $0x88, s6;
	s7 =	simm.s32 @p2 $0x1082  }
0x22: {  	[simem:s7], [sflag:s8] =	dma.local @!p0 [hbm:s6], $0xF7A  }
0x23: {  	s9 =	sor.u32 $0xD0000000, s2;
	s6 =	simm.s32 $0x108;
	_ =	swait.ge @!p0 [sflag:s8], $0x0  }
0x24: {  	s3 =	sadd.s32 $0x88, s3;
	s6 =	simm.s32 @!p1 $0x1082;
	[sflag:s4] =	ssyncset.s32 $0xFFFFF086  }
0x25: {  	[simem:s6], [sflag:s4] =	dma.local [hbm:s3], $0xF7A  }
0x26: {  	[smem:$0x3F93] =	sst s1;
	(tag) =	ssettag s2;
	_ =	strace s9  }
0x27: {  	s1 =	sld [smem:$0x3FA3]  }
0x28: {  	s2 =	sld [smem:$0x3FA4]  }
0x29: {  	s4 =	sld [smem:$0x3FA6]  }
0x2a: {  	p0 =	seq.s32 s5, $0x0;
	s5 =	sld [smem:$0x3FA7]  }
0x2b: {  	s6 =	sld [smem:$0x3FA8]  }
0x2c: {  	s7 =	sld [smem:$0x3FA9]  }
0x2d: {  	s3 =	simm.s32 $0x108;
	s8 =	sld [smem:$0x3FAA]  }
0x2e: {  	s3 =	simm.s32 @!p0 $0x1082;
	s9 =	sld [smem:$0x3FAB]  }
0x2f: {  	lr =	sadd.s32 s0, s3;
	s0 =	sld [smem:$0x3FA2]  }
0x30: {  	s3 =	sld [smem:$0x3FA5]  }
0x31: {  	[smem:$0x3FAE] =	sst s10  }
0x32: {  	s10 =	sld [smem:$0x3FAC];
	_ =	sdelay $0x3  }
0x33: {  	p0 =	seq.s32 s10, $0x1;
	s10 =	sld [smem:$0x3FAE];
	_ =	sdelay $0x3  }
0x34: {  	[smem:$0x3FAE] =	sst s10  }
0x35: {  	s10 =	sld [smem:$0x3FAD];
	_ =	sdelay $0x3  }
0x36: {  	p1 =	seq.s32 s10, $0x1;
	s10 =	sld [smem:$0x3FAE];
	_ =	sdelay $0x3  }
0x37: {  	[smem:$0x3FAE] =	sst s10  }
0x38: {  	s10 =	sld [smem:$0x3FAF]  }
0x39: {  	_ = 	snop;
	(pc) =	sbr.ind lr, $3  }
0x3a: {  	_ = 	snop  }
0x3b: {  	_ = 	snop  }
0x3c: {  	p2 =	seq.s32 s10, $0x1;
	s10 =	sld [smem:$0x3FAE]  }
0x3d: {  	_ =	shalt  }
0x3e: {  	_ =	shalt  }
0x3f: {  	_ =	shalt  }
0x40: {  	_ =	shalt  }
0x41: {  	_ =	shalt  }
0x42: {  	_ =	shalt  }
0x43: {  	_ =	shalt  }
0x44: {  	_ =	shalt  }
0x45: {  	_ =	shalt  }
0x46: {  	_ =	shalt  }
0x47: {  	_ =	shalt  }
0x48: {  	_ =	shalt  }
0x49: {  	_ =	shalt  }
0x4a: {  	_ =	shalt  }
0x4b: {  	_ =	shalt  }
0x4c: {  	_ =	shalt  }
0x4d: {  	_ =	shalt  }
0x4e: {  	_ =	shalt  }
0x4f: {  	_ =	shalt  }
0x50: {  	_ =	shalt  }
0x51: {  	_ =	shalt  }
0x52: {  	_ =	shalt  }
0x53: {  	_ =	shalt  }
0x54: {  	_ =	shalt  }
0x55: {  	_ =	shalt  }
0x56: {  	_ =	shalt  }
0x57: {  	_ =	shalt  }
0x58: {  	_ =	shalt  }
0x59: {  	_ =	shalt  }
0x5a: {  	_ =	shalt  }
0x5b: {  	_ =	shalt  }
0x5c: {  	_ =	shalt  }
0x5d: {  	_ =	shalt  }
0x5e: {  	_ =	shalt  }
0x5f: {  	_ =	shalt  }
0x60: {  	_ =	shalt  }
0x61: {  	_ =	shalt  }
0x62: {  	_ =	shalt  }
0x63: {  	_ =	shalt  }
0x64: {  	_ =	shalt  }
0x65: {  	_ =	shalt  }
0x66: {  	_ =	shalt  }
0x67: {  	_ =	shalt  }
0x68: {  	_ =	shalt  }
0x69: {  	_ =	shalt  }
0x6a: {  	_ =	shalt  }
0x6b: {  	_ =	shalt  }
0x6c: {  	_ =	shalt  }
0x6d: {  	_ =	shalt  }
0x6e: {  	_ =	shalt  }
0x6f: {  	_ =	shalt  }
0x70: {  	_ =	shalt  }
0x71: {  	_ =	shalt  }
0x72: {  	_ =	shalt  }
0x73: {  	_ =	shalt  }
0x74: {  	_ =	shalt  }
0x75: {  	_ =	shalt  }
0x76: {  	_ =	shalt  }
0x77: {  	_ =	shalt  }
0x78: {  	_ =	shalt  }
0x79: {  	_ =	shalt  }
0x7a: {  	_ =	shalt  }
0x7b: {  	_ =	shalt  }
0x7c: {  	_ =	shalt  }
0x7d: {  	_ =	shalt  }
0x7e: {  	_ =	shalt  }
0x7f: {  	_ =	shalt  }
0x80: {  	_ =	shalt  }
0x81: {  	_ =	shalt  }
0x82: {  	_ =	shalt  }
0x83: {  	_ =	shalt  }
0x84: {  	_ =	shalt  }
0x85: {  	_ =	shalt  }
0x86: {  	_ =	shalt  }
0x87: {  	_ =	shalt  }
.Lfunc_end0:
.L_simem_size_0:
called_computation.1_lowered:
.L_overlay_start_0:
0x88: {  	s2 =	sld [smem:$0x3FD9]  }
0x89: {  	s3 =	sld [smem:$0x3FFE];
	_ =	sdelay $0x1  }
0x8a: {  	s1 =	srdreg.scid  }
0x8b: {  	s0 =	sand.u32 $0x1, s1  }
0x8c: {  	s16 =	sshll.u32 s0, $0xA;
	s2 =	sadd.s32 s3, s2  }
0x8d: {  	s2 =	sadd.s32 s2, s16  }
0x8e: {  	[smem:$0x3FBA] =	sst s2  }
0x8f: {  	_ = 	snop  }
0x90: {  	(tm) =	ssettm $0x1  }
0x91: {  	s17 =	sld [smem:$0x3FFB];
	_ =	sdelay $0x3  }
0x92: {  	_ =	strace s17  }
0x93: {  	s2 =	sld [smem:$0x3FFC];
	_ =	sdelay $0x3  }
0x94: {  	_ =	strace s2  }
0x95: {  	s2 =	sld [smem:$0x3FFD];
	_ =	sdelay $0x3  }
0x96: {  	_ =	strace s2  }
0x97: {  	_ =	strace $0x8FFFFFFF  }
0x98: {  	s18 =	sld [smem:$0x3FDB];
	_ =	sdelay $0x1  }
0x99: {  	s19 =	simm.s32 $_scs_section_size  }
0x9a: {  	s4 =	simm.s32 $_size__tile_overlayer_lowered;
	s5 =	simm.s32 $_tile_overlayer_lowered  }
0x9b: {  	s22 =	simm.s32 $0x1BFF;
	s21 =	sshll.u32 s5, $0x1;
	s2 =	sadd.s32 s19, s18  }
0x9c: {  	s6 =	simm.s32 $0x0;
	s20 =	sshll.u32 s4, $0x1;
	s4 =	sadd.s32 s21, s2  }
0x9d: {  	[timem:s6], [sflag:s22] =	dma.local [hbm:s4], s20  }
0x9e: {  	_ =	swait.ge [sflag:s22], s20  }
0x9f: {  	s3 =	ssub.s32 $0x0, s20;
	[sflag:s22] =	ssyncset.done $0x0  }
0xa0: {  	[sflag:s22] =	ssyncadd.s32 s3;
	_ =	sdelay $0x1  }
0xa1: {  	s23 =	simm.s32 $0x1B8B  }
0xa2: {  	_ =	swait.ge [sflag:s23], $0x1  }
0xa3: {  	[sflag:s23] =	ssyncset.done $0x0  }
0xa4: {  	s25 =	simm.s32 $0x1B8E;
	s24 =	sld [smem:$0x3FFE];
	[sflag:s23] =	ssyncadd.s32 $0xFFFFFFFF  }
0xa5: {  	s26 =	simm.s32 $execute0_lowered;
	[smem:$0x3FD2] =	sst s25  }
0xa6: {  	s4 =	sshll.u32 s26, $0x1;
	_ =	strace $0x80000049;
	[dreg:$0x1] =	wrdreg $0xFFFFFFFF  }
0xa7: {  	s28 =	simm.s32 $_size_execute0_lowered;
	s2 =	sadd.s32 s2, s4;
	[dreg:$0x0] =	wrdreg $0x0  }
0xa8: {  	s4 =	sshll.u32 s28, $0x1;
	[dreg:$0x2] =	wrdreg s2  }
0xa9: {  	[dreg:$0x3] =	wrdreg s4  }
0xaa: {  	[dreg:$0x4] =	wrdreg $0xC0  }
0xab: {  	_ =	task [dreg:s6], $0x5FFFF  }
0xac: {  	[dreg:$0x1] =	wrdreg $0xFFFFFFFF  }
0xad: {  	[dreg:$0x0] =	wrdreg $0x60  }
0xae: {  	[dreg:$0x2] =	wrdreg s24  }
0xaf: {  	[dreg:$0x3] =	wrdreg $0x0  }
0xb0: {  	[dreg:$0x4] =	wrdreg $0x9  }
0xb1: {  	_ =	task.clear_ibuf [dreg:s6], $0x5FFFF;
	_ =	strace $0x90000049  }
0xb2: {  	s29 =	simm.s32 $0x9;
	_ =	strace $0x8000004B  }
0xb3: {  	_ =	swait.ge [sflag:s29], $0x1  }
0xb4: {  	[sflag:s29] =	ssyncadd.s32 $0xFFFFFFFF  }
0xb5: {  	_ =	strace $0x9000004B  }
0xb6: {  	_ =	sfence  }
0xb7: {  	s30 =	sld [smem:$0x0];
	_ =	sdelay $0x2  }
0xb8: {  	s31 =	sshll.u32 s1, $0xD;
	s1 =	sshrl.u32 s1, $0x2  }
0xb9: {  	s3 =	sand.u32 $0x4000, s31;
	s1 =	sadd.s32 s1, s30  }
0xba: {  	s0 =	sor.u32 s3, s0;
	s1 =	sshll.u32 s1, $0x11  }
0xbb: {  	s0 =	sor.u32 s1, s0  }
0xbc: {  	s0 =	sadd.s32 $0x8F2B, s0  }
0xbd: {  	[sflag:s0] =	ssyncadd.remote.s32 $0x1  }
0xbe: {  	_ =	sfence.sel $0xFFFF  }
0xbf: {  	[dreg:$0x0] =	wrdreg $0xFFFFFFFF;
	(pc) =	sbr.abs _section_cstart, $3  }
0xc0: {  	[dreg:$0x1] =	wrdreg $0xFFFFFFFF  }
0xc1: {  	_ =	task.clear_ibuf [dreg:s6], $0x2FFFF;
	_ =	strace $0x9FFFFFFF  }
0xc2: {  	(tm) =	ssettm $0x7FFFFFFF  }
0xc3: {  	_ =	shalt  }
tec
execute0_lowered:
.L_overlay_start_1:
0x0: {  	(tag) =	ssettag $0x1  }
0x1: {  	s0 =	rddreg [dreg:$0x0]  }
0x2: {  	s1 =	rddreg [dreg:$0x1]  }
0x3: {  	s2 =	simm.s32 $0x0;
	s8 =	stileid.u32;
	s4 =	srdreg.scid  }
0x4: {  	s28 =	simm.s32 $0x1A080;
	s29 =	simm.s32 $0x1;
	s30 =	simm.s32 $0x2  }
0x5: {  	s31 =	simm.s32 $0x14C00;
	[smem:$0x7FF] =	sst s2;
	s3 =	sadd.s32 $0x96A00, s0  }
0x6: {  	s7 =	smul.u32 $0x2700, s8;
	s9 =	sand.u32 $0x1, s4;
	s4 =	sadd.s32 $0x51800, s0  }
0x7: {  	s11 =	smul.u32 $0x4E000, s8;
	s5 =	sadd.s32 $0x8CA00, s0;
	s6 =	sadd.s32 $0x82A00, s0  }
0x8: {  	s22 =	sadd.s32 $0xBDA00, s0;
	s24 =	sadd.s32 $0xE4C00, s0;
	s25 =	sadd.s32 $0x78800, s0  }
0x9: {  	p1 =	sne.s32 s8, $0x0;
	_ =	strace $0x8000004A;
	[dreg:$0x5] =	wrdreg s22  }
0xa: {  	s18 =	sshll.u32 s8, $0x6;
	p2 =	seq.s32 s8, $0x0;
	[dreg:$0x7] =	wrdreg s24  }
0xb: {  	s10 =	ssub.s32 $0x2, s9;
	p0 =	seq.s32 s9, $0x1;
	[dreg:$0x9] =	wrdreg s25  }
0xc: {  	s24 =	simm.s32 $0x14C80;
	s25 =	simm.s32 $0x7D;
	s12 =	sshrl.u32 s10, $0x1  }
0xd: {  	s13 =	sadd.s32 s7, s0;
	s19 =	sshrl.u32 s11, $0x2;
	s21 =	sadd.s32 s3, s7  }
0xe: {  	s11 =	sadd.s32 $0x138000, s1;
	s7 =	sadd.s32 s4, s7;
	s0 =	sadd.s32 $0x10BD00, s0  }
0xf: {  	s14 =	ssub.s32 s10, s12;
	s20 =	sadd.s32 s19, s1;
	[dreg:$0x3] =	wrdreg s21  }
0x10: {  	s10 =	smul.u32 $0x5000, s8;
	s23 =	sadd.s32 $0xBDC00, s13;
	[dreg:$0x8] =	wrdreg s7  }
.Ltmp0:
0x11: {  	s26 =	sadd.s32 $0xE4D00, s13;
	[dreg:$0xb] =	wrdreg s0;
	(pc) =	sbr.rel .LBB2_1-.Ltmp0, $4  }
0x12: {  	s7 =	sor.u32 $0x1C03, s18;
	s21 =	simm.s32 $0x3;
	[dreg:$0x4] =	wrdreg s11  }
0x13: {  	s22 =	sshrl.u32 @!p1 s11, $0x3;
	s0 =	simm.s32 $0x15F80;
	[dreg:$0x6] =	wrdreg s23  }
0x14: {  	s8 =	simm.s32 $0x16000;
	[dreg:$0xa] =	wrdreg s26;
	s17 =	smax.u32 s14, $0x1  }
0x15: {  	s20 =	sshrl.u32 s20, $0x3;
	s23 =	simm.s32 $0x13880;
	s26 =	simm.s32 $0x16080  }
.LBB2_12:
0x16: {  	s11 =	rddreg [dreg:$0x4]  }
0x17: {  	s11 =	sshrl.u32 s11, $0x3  }
0x18: {  	[hbm:s9], [sflag:s19] =	dma.local [spmem:s11], $0x100  }
0x19: {  	_ =	swait.ge [sflag:s21], $0x100  }
0x1a: {  	[sflag:s21] =	ssyncset.done $0x0  }
0x1b: {  	[sflag:s21] =	ssyncadd.s32 $0xFFFFFF00  }
.LBB2_13:
0x1c: {  	s2 =	sadd.s32 $0x1, s2  }
0x1d: {  	p3 =	sne.s32 s2, s17  }
.Ltmp1:
0x1e: {  	_ = 	snop;
	(pc) =	sbr.rel @!p3 .LBB2_14-.Ltmp1, $1  }
0x1f: {  	_ =	sdelay $0x3  }
.LBB2_1:
.Ltmp2:
0x20: {  	(pc) =	sbr.rel @!p0 .LBB2_2-.Ltmp2, $1  }
0x21: {  	_ =	sdelay $0x3  }
0x22: {  	s9 =	rddreg [dreg:$0x8]  }
0x23: {  	[spmem:s20], [sflag:s7] =	dma.local [hbm:s9], $0x2700  }
0x24: {  	_ =	swait.ge [sflag:s21], $0x2700  }
0x25: {  	[sflag:s21] =	ssyncset.done $0x0  }
0x26: {  	s9 =	rddreg [dreg:$0x9];
	[sflag:s21] =	ssyncadd.s32 $0xFFFFD900  }
0x27: {  	[spmem:s22], [sflag:s7] =	dma.local @!p1 [hbm:s9], $0x100  }
0x28: {  	s9 =	simm.s32 @!p1 $0x3  }
0x29: {  	_ =	swait.ge @!p1 [sflag:s9], $0x100  }
0x2a: {  	[sflag:s9] =	ssyncset.done @!p1 $0x0  }
0x2b: {  	[sflag:s9] =	ssyncadd.s32 @!p1 $0xFFFFFF00  }
0x2c: {  	s11 =	simm.s32 $0x0;
	s9 =	simm.s32 $0x0;
	[bflag:$0x0] =	sbarrier.arrive $0xFFFF  }
.LBB2_8:
0x2d: {  	s12 =	smul.u32 $0x1400, s11;
	_ =	sdelay $0x1  }
0x2e: {  	s12 =	sadd.s32 s10, s12  }
0x2f: {  	s12 =	sshrl.u32 s12, $0x3  }
0x30: {  	s13 =	sadd.s32 s5, s12  }
0x31: {  	[tilespmem:s23], [sflag:$0x3] =	stream.linear.gather [hbm4b:s13+s9], $0x1400, $0x38;
	[tilespmem:$0x1E080] =	vst v63  }
0x32: {  	_ =	swait.ge [sflag:s21], $0x1400  }
0x33: {  	[sflag:s21] =	ssyncset.done $0x0  }
0x34: {  	s12 =	sadd.s32 s6, s12;
	[sflag:s21] =	ssyncadd.s32 $0xFFFFEC00  }
0x35: {  	[tilespmem:s24], [sflag:$0x3] =	stream.linear.gather [hbm4b:s12+s9], $0x1400, $0x38;
	[tilespmem:$0x1E080] =	vst v63  }
0x36: {  	_ =	swait.ge [sflag:s21], $0x1400  }
0x37: {  	[sflag:s21] =	ssyncset.done $0x0  }
0x38: {  	[sflag:s21] =	ssyncadd.s32 $0xFFFFEC00  }
0x39: {  	[tilespmem:s26], [sflag:$0x1] =	stream.indirect.gather [hbm4b:s4+s25], $0x80, s23, s25, $0xb8;
	[tilespmem:$0x1E080] =	vst v63  }
0x3a: {  	s14 =	simm.s32 $0x13900  }
0x3b: {  	[tilespmem:s28], [sflag:$0x2] =	stream.indirect.gather [hbm4b:s4+s25], $0x80, s14, s25, $0xb8;
	[tilespmem:$0x1E080] =	vst v63  }
0x3c: {  	_ =	swait.ge [sflag:s29], $0x3E80  }
0x3d: {  	[sflag:s29] =	ssyncset.done $0x0  }
0x3e: {  	s15 =	simm.s32 $0x14C80;
	[sflag:s29] =	ssyncadd.s32 $0xFFFFC180  }
0x3f: {  	[spmem:s1] =	stream.indirect.scatter.add.f32 [tilespmem:s26], [sflag:$0x3], $0x80, s15, s25, $0xb8;
	[tilespmem:$0x1E080] =	vst v63  }
0x40: {  	_ =	swait.ge [sflag:s21], $0x3E80  }
0x41: {  	[sflag:s21] =	ssyncset.done $0x0  }
0x42: {  	s16 =	simm.s32 $0x13980;
	[sflag:s21] =	ssyncadd.s32 $0xFFFFC180  }
0x43: {  	[tilespmem:s26], [sflag:$0x1] =	stream.indirect.gather [hbm4b:s4+s25], $0x80, s16, s25, $0xb8;
	[tilespmem:$0x1E080] =	vst v63  }
0x44: {  	_ =	swait.ge [sflag:s30], $0x3E80  }
0x45: {  	[sflag:s30] =	ssyncset.done $0x0  }
0x46: {  	s19 =	simm.s32 $0x14D00;
	[sflag:s30] =	ssyncadd.s32 $0xFFFFC180  }
0x47: {  	[spmem:s1] =	stream.indirect.scatter.add.f32 [tilespmem:s28], [sflag:$0x3], $0x80, s19, s25, $0xb8;
	[tilespmem:$0x1E080] =	vst v63  }
0x48: {  	_ =	swait.ge [sflag:s21], $0x3E80  }
0x49: {  	s13 =	simm.s32 $0x100;
	s14 =	simm.s32 $0x800;
	[sflag:s21] =	ssyncset.done $0x0  }
.LBB2_9:
0x4a: {  	s12 =	sadd.s32 $0x13900, s13  }
0x4b: {  	[sflag:s21] =	ssyncadd.s32 $0xFFFFC180;
	s15 =	smov.u32 s14;
	s16 =	sadd.s32 $0x400, s14  }
0x4c: {  	[tilespmem:s28], [sflag:$0x2] =	stream.indirect.gather [hbm4b:s4+s25], $0x80, s12, s25, $0xb8;
	[tilespmem:$0x1E080] =	vst v63  }
0x4d: {  	p3 =	sne.s32 s14, $0x4800;
	_ =	swait.ge [sflag:s29], $0x3E80  }
0x4e: {  	[sflag:s29] =	ssyncset.done $0x0  }
0x4f: {  	s12 =	sadd.s32 $0x14C80, s13;
	[sflag:s29] =	ssyncadd.s32 $0xFFFFC180  }
0x50: {  	[spmem:s1] =	stream.indirect.scatter.add.f32 [tilespmem:s26], [sflag:$0x3], $0x80, s12, s25, $0xb8;
	[tilespmem:$0x1E080] =	vst v63  }
0x51: {  	_ =	swait.ge [sflag:s21], $0x3E80  }
0x52: {  	[sflag:s21] =	ssyncset.done $0x0  }
0x53: {  	s12 =	sadd.s32 $0x13980, s13;
	[sflag:s21] =	ssyncadd.s32 $0xFFFFC180  }
0x54: {  	[tilespmem:s26], [sflag:$0x1] =	stream.indirect.gather [hbm4b:s4+s25], $0x80, s12, s25, $0xb8;
	[tilespmem:$0x1E080] =	vst v63  }
0x55: {  	_ =	swait.ge [sflag:s30], $0x3E80  }
.Ltmp3:
0x56: {  	[sflag:s30] =	ssyncset.done $0x0;
	(pc) =	sbr.rel @p3 .LBB2_9-.Ltmp3, $4  }
0x57: {  	s12 =	sadd.s32 $0x14D00, s13;
	[sflag:s30] =	ssyncadd.s32 $0xFFFFC180  }
0x58: {  	[spmem:s1] =	stream.indirect.scatter.add.f32 [tilespmem:s28], [sflag:$0x3], $0x80, s12, s25, $0xb8;
	[tilespmem:$0x1E080] =	vst v63  }
0x59: {  	_ =	swait.ge [sflag:s21], $0x3E80  }
0x5a: {  	s14 =	smov.u32 s16;
	s13 =	sshra.s32 s15, $0x2;
	[sflag:s21] =	ssyncset.done $0x0  }
0x5b: {  	s12 =	sadd.s32 $0x13900, s13;
	[sflag:s21] =	ssyncadd.s32 $0xFFFFC180  }
0x5c: {  	[tilespmem:s28], [sflag:$0x2] =	stream.indirect.gather [hbm4b:s4+s25], $0x80, s12, s25, $0xb8;
	[tilespmem:$0x1E080] =	vst v63  }
0x5d: {  	_ =	swait.ge [sflag:s29], $0x3E80  }
0x5e: {  	[sflag:s29] =	ssyncset.done $0x0  }
0x5f: {  	s15 =	sadd.s32 $0x14C80, s13;
	[sflag:s29] =	ssyncadd.s32 $0xFFFFC180  }
0x60: {  	[spmem:s1] =	stream.indirect.scatter.add.f32 [tilespmem:s26], [sflag:$0x3], $0x80, s15, s25, $0xb8;
	[tilespmem:$0x1E080] =	vst v63  }
0x61: {  	_ =	swait.ge [sflag:s21], $0x3E80  }
0x62: {  	[sflag:s21] =	ssyncset.done $0x0  }
0x63: {  	s16 =	sadd.s32 $0x13980, s13;
	[sflag:s21] =	ssyncadd.s32 $0xFFFFC180  }
0x64: {  	[tilespmem:s26], [sflag:$0x1] =	stream.indirect.gather [hbm4b:s4+s25], $0x80, s16, s25, $0xb8;
	[tilespmem:$0x1E080] =	vst v63  }
0x65: {  	_ =	swait.ge [sflag:s30], $0x3E80  }
0x66: {  	[sflag:s30] =	ssyncset.done $0x0  }
0x67: {  	s19 =	sadd.s32 $0x14D00, s13;
	[sflag:s30] =	ssyncadd.s32 $0xFFFFC180  }
0x68: {  	[spmem:s1] =	stream.indirect.scatter.add.f32 [tilespmem:s28], [sflag:$0x3], $0x80, s19, s25, $0xb8;
	[tilespmem:$0x1E080] =	vst v63  }
0x69: {  	_ =	swait.ge [sflag:s21], $0x3E80  }
0x6a: {  	[sflag:s21] =	ssyncset.done $0x0  }
0x6b: {  	[sflag:s21] =	ssyncadd.s32 $0xFFFFC180  }
0x6c: {  	[tilespmem:s28], [sflag:$0x2] =	stream.indirect.gather [hbm4b:s4+s25], $0x80, s31, s25, $0xb8;
	[tilespmem:$0x1E080] =	vst v63  }
0x6d: {  	_ =	swait.ge [sflag:s29], $0x3E80  }
0x6e: {  	[sflag:s29] =	ssyncset.done $0x0  }
0x6f: {  	[sflag:s29] =	ssyncadd.s32 $0xFFFFC180  }
0x70: {  	[spmem:s1] =	stream.indirect.scatter.add.f32 [tilespmem:s26], [sflag:$0x3], $0x80, s0, s25, $0xb8;
	[tilespmem:$0x1E080] =	vst v63  }
0x71: {  	_ =	swait.ge [sflag:s21], $0x3E80  }
0x72: {  	[sflag:s21] =	ssyncset.done $0x0  }
0x73: {  	[sflag:s21] =	ssyncadd.s32 $0xFFFFC180  }
0x74: {  	s11 =	sadd.s32 $0x1, s11;
	_ =	swait.ge [sflag:s30], $0x3E80  }
0x75: {  	p3 =	sne.s32 s11, $0x4;
	[sflag:s30] =	ssyncset.done $0x0  }
.Ltmp4:
0x76: {  	[sflag:s30] =	ssyncadd.s32 $0xFFFFC180;
	(pc) =	sbr.rel @p3 .LBB2_8-.Ltmp4, $4  }
0x77: {  	[spmem:s1] =	stream.indirect.scatter.add.f32 [tilespmem:s28], [sflag:$0x3], $0x80, s8, s25, $0xb8;
	[tilespmem:$0x1E080] =	vst v63  }
0x78: {  	_ =	swait.ge [sflag:s21], $0x3E80  }
0x79: {  	[sflag:s21] =	ssyncset.done $0x0  }
0x7a: {  	[sflag:s21] =	ssyncadd.s32 $0xFFFFC180  }
0x7b: {  	[bflag:$0x0] =	sbarrier.arrive $0xFFFF  }
0x7c: {  	s9 =	rddreg [dreg:$0xa]  }
0x7d: {  	[hbm:s9], [sflag:s7] =	dma.local [spmem:s20], $0x2700  }
.Ltmp5:
0x7e: {  	_ = 	snop;
	(pc) =	sbr.rel @p1 .LBB2_13-.Ltmp5, $4  }
.Ltmp6:
0x7f: {  	_ = 	snop;
	(pc) =	sbr.rel @!p1 .LBB2_12-.Ltmp6, $4  }
0x80: {  	_ =	swait.ge [sflag:s21], $0x2700  }
0x81: {  	[sflag:s21] =	ssyncset.done $0x0  }
0x82: {  	s19 =	smov.u32 s7;
	s9 =	rddreg [dreg:$0xb];
	[sflag:s21] =	ssyncadd.s32 $0xFFFFD900  }
0x83: {  	_ = 	snop  }
.LBB2_2:
0x84: {  	s19 =	sor.u32 $0x1C03, s18;
	s9 =	rddreg [dreg:$0x3]  }
0x85: {  	[spmem:s20], [sflag:s19] =	dma.local [hbm:s9], $0x2700  }
0x86: {  	_ =	swait.ge [sflag:s21], $0x2700  }
0x87: {  	[sflag:s21] =	ssyncset.done $0x0  }
0x88: {  	s9 =	rddreg [dreg:$0x5];
	[sflag:s21] =	ssyncadd.s32 $0xFFFFD900  }
0x89: {  	[spmem:s22], [sflag:s19] =	dma.local @!p1 [hbm:s9], $0x100  }
0x8a: {  	s9 =	simm.s32 @!p1 $0x3  }
0x8b: {  	_ =	swait.ge @!p1 [sflag:s9], $0x100  }
0x8c: {  	[sflag:s9] =	ssyncset.done @!p1 $0x0  }
0x8d: {  	[sflag:s9] =	ssyncadd.s32 @!p1 $0xFFFFFF00  }
0x8e: {  	s11 =	simm.s32 $0x0;
	s9 =	simm.s32 $0x0;
	[bflag:$0x0] =	sbarrier.arrive $0xFFFF  }
.LBB2_3:
0x8f: {  	s13 =	smul.u32 $0x1400, s11;
	_ =	sdelay $0x1  }
0x90: {  	s13 =	sadd.s32 s10, s13  }
0x91: {  	s13 =	sshrl.u32 s13, $0x3  }
0x92: {  	s14 =	sadd.s32 s5, s13  }
0x93: {  	[tilespmem:s23], [sflag:$0x3] =	stream.linear.gather [hbm4b:s14+s9], $0x1400, $0x38;
	[tilespmem:$0x1E080] =	vst v63  }
0x94: {  	_ =	swait.ge [sflag:s21], $0x1400  }
0x95: {  	[sflag:s21] =	ssyncset.done $0x0  }
0x96: {  	s13 =	sadd.s32 s6, s13;
	[sflag:s21] =	ssyncadd.s32 $0xFFFFEC00  }
0x97: {  	[tilespmem:s24], [sflag:$0x3] =	stream.linear.gather [hbm4b:s13+s9], $0x1400, $0x38;
	[tilespmem:$0x1E080] =	vst v63  }
0x98: {  	_ =	swait.ge [sflag:s21], $0x1400  }
0x99: {  	[sflag:s21] =	ssyncset.done $0x0  }
0x9a: {  	[sflag:s21] =	ssyncadd.s32 $0xFFFFEC00  }
0x9b: {  	[tilespmem:s26], [sflag:$0x1] =	stream.indirect.gather [hbm4b:s3+s25], $0x80, s23, s25, $0xb8;
	[tilespmem:$0x1E080] =	vst v63  }
0x9c: {  	s12 =	simm.s32 $0x13900  }
0x9d: {  	[tilespmem:s28], [sflag:$0x2] =	stream.indirect.gather [hbm4b:s3+s25], $0x80, s12, s25, $0xb8;
	[tilespmem:$0x1E080] =	vst v63  }
0x9e: {  	_ =	swait.ge [sflag:s29], $0x3E80  }
0x9f: {  	[sflag:s29] =	ssyncset.done $0x0  }
0xa0: {  	s14 =	simm.s32 $0x14C80;
	[sflag:s29] =	ssyncadd.s32 $0xFFFFC180  }
0xa1: {  	[spmem:s1] =	stream.indirect.scatter.add.f32 [tilespmem:s26], [sflag:$0x3], $0x80, s14, s25, $0xb8;
	[tilespmem:$0x1E080] =	vst v63  }
0xa2: {  	_ =	swait.ge [sflag:s21], $0x3E80  }
0xa3: {  	[sflag:s21] =	ssyncset.done $0x0  }
0xa4: {  	s15 =	simm.s32 $0x13980;
	[sflag:s21] =	ssyncadd.s32 $0xFFFFC180  }
0xa5: {  	[tilespmem:s26], [sflag:$0x1] =	stream.indirect.gather [hbm4b:s3+s25], $0x80, s15, s25, $0xb8;
	[tilespmem:$0x1E080] =	vst v63  }
0xa6: {  	_ =	swait.ge [sflag:s30], $0x3E80  }
0xa7: {  	[sflag:s30] =	ssyncset.done $0x0  }
0xa8: {  	s16 =	simm.s32 $0x14D00;
	[sflag:s30] =	ssyncadd.s32 $0xFFFFC180  }
0xa9: {  	[spmem:s1] =	stream.indirect.scatter.add.f32 [tilespmem:s28], [sflag:$0x3], $0x80, s16, s25, $0xb8;
	[tilespmem:$0x1E080] =	vst v63  }
0xaa: {  	_ =	swait.ge [sflag:s21], $0x3E80  }
0xab: {  	s13 =	simm.s32 $0x100;
	s14 =	simm.s32 $0x800;
	[sflag:s21] =	ssyncset.done $0x0  }
.LBB2_4:
0xac: {  	s15 =	sadd.s32 $0x13900, s13  }
0xad: {  	[sflag:s21] =	ssyncadd.s32 $0xFFFFC180;
	s12 =	smov.u32 s14;
	s16 =	sadd.s32 $0x400, s14  }
0xae: {  	[tilespmem:s28], [sflag:$0x2] =	stream.indirect.gather [hbm4b:s3+s25], $0x80, s15, s25, $0xb8;
	[tilespmem:$0x1E080] =	vst v63  }
0xaf: {  	p3 =	sne.s32 s14, $0x4800;
	_ =	swait.ge [sflag:s29], $0x3E80  }
0xb0: {  	[sflag:s29] =	ssyncset.done $0x0  }
0xb1: {  	s14 =	sadd.s32 $0x14C80, s13;
	[sflag:s29] =	ssyncadd.s32 $0xFFFFC180  }
0xb2: {  	[spmem:s1] =	stream.indirect.scatter.add.f32 [tilespmem:s26], [sflag:$0x3], $0x80, s14, s25, $0xb8;
	[tilespmem:$0x1E080] =	vst v63  }
0xb3: {  	_ =	swait.ge [sflag:s21], $0x3E80  }
0xb4: {  	[sflag:s21] =	ssyncset.done $0x0  }
0xb5: {  	s14 =	sadd.s32 $0x13980, s13;
	[sflag:s21] =	ssyncadd.s32 $0xFFFFC180  }
0xb6: {  	[tilespmem:s26], [sflag:$0x1] =	stream.indirect.gather [hbm4b:s3+s25], $0x80, s14, s25, $0xb8;
	[tilespmem:$0x1E080] =	vst v63  }
0xb7: {  	_ =	swait.ge [sflag:s30], $0x3E80  }
.Ltmp7:
0xb8: {  	[sflag:s30] =	ssyncset.done $0x0;
	(pc) =	sbr.rel @p3 .LBB2_4-.Ltmp7, $4  }
0xb9: {  	s13 =	sadd.s32 $0x14D00, s13;
	[sflag:s30] =	ssyncadd.s32 $0xFFFFC180  }
0xba: {  	[spmem:s1] =	stream.indirect.scatter.add.f32 [tilespmem:s28], [sflag:$0x3], $0x80, s13, s25, $0xb8;
	[tilespmem:$0x1E080] =	vst v63  }
0xbb: {  	_ =	swait.ge [sflag:s21], $0x3E80  }
0xbc: {  	s14 =	smov.u32 s16;
	s13 =	sshra.s32 s12, $0x2;
	[sflag:s21] =	ssyncset.done $0x0  }
0xbd: {  	s12 =	sadd.s32 $0x13900, s13;
	[sflag:s21] =	ssyncadd.s32 $0xFFFFC180  }
0xbe: {  	[tilespmem:s28], [sflag:$0x2] =	stream.indirect.gather [hbm4b:s3+s25], $0x80, s12, s25, $0xb8;
	[tilespmem:$0x1E080] =	vst v63  }
0xbf: {  	_ =	swait.ge [sflag:s29], $0x3E80  }
0xc0: {  	[sflag:s29] =	ssyncset.done $0x0  }
0xc1: {  	s14 =	sadd.s32 $0x14C80, s13;
	[sflag:s29] =	ssyncadd.s32 $0xFFFFC180  }
0xc2: {  	[spmem:s1] =	stream.indirect.scatter.add.f32 [tilespmem:s26], [sflag:$0x3], $0x80, s14, s25, $0xb8;
	[tilespmem:$0x1E080] =	vst v63  }
0xc3: {  	_ =	swait.ge [sflag:s21], $0x3E80  }
0xc4: {  	[sflag:s21] =	ssyncset.done $0x0  }
0xc5: {  	s15 =	sadd.s32 $0x13980, s13;
	[sflag:s21] =	ssyncadd.s32 $0xFFFFC180  }
0xc6: {  	[tilespmem:s26], [sflag:$0x1] =	stream.indirect.gather [hbm4b:s3+s25], $0x80, s15, s25, $0xb8;
	[tilespmem:$0x1E080] =	vst v63  }
0xc7: {  	_ =	swait.ge [sflag:s30], $0x3E80  }
0xc8: {  	[sflag:s30] =	ssyncset.done $0x0  }
0xc9: {  	s16 =	sadd.s32 $0x14D00, s13;
	[sflag:s30] =	ssyncadd.s32 $0xFFFFC180  }
0xca: {  	[spmem:s1] =	stream.indirect.scatter.add.f32 [tilespmem:s28], [sflag:$0x3], $0x80, s16, s25, $0xb8;
	[tilespmem:$0x1E080] =	vst v63  }
0xcb: {  	_ =	swait.ge [sflag:s21], $0x3E80  }
0xcc: {  	[sflag:s21] =	ssyncset.done $0x0  }
0xcd: {  	[sflag:s21] =	ssyncadd.s32 $0xFFFFC180  }
0xce: {  	[tilespmem:s28], [sflag:$0x2] =	stream.indirect.gather [hbm4b:s3+s25], $0x80, s31, s25, $0xb8;
	[tilespmem:$0x1E080] =	vst v63  }
0xcf: {  	_ =	swait.ge [sflag:s29], $0x3E80  }
0xd0: {  	[sflag:s29] =	ssyncset.done $0x0  }
0xd1: {  	[sflag:s29] =	ssyncadd.s32 $0xFFFFC180  }
0xd2: {  	[spmem:s1] =	stream.indirect.scatter.add.f32 [tilespmem:s26], [sflag:$0x3], $0x80, s0, s25, $0xb8;
	[tilespmem:$0x1E080] =	vst v63  }
0xd3: {  	_ =	swait.ge [sflag:s21], $0x3E80  }
0xd4: {  	[sflag:s21] =	ssyncset.done $0x0  }
0xd5: {  	[sflag:s21] =	ssyncadd.s32 $0xFFFFC180  }
0xd6: {  	s11 =	sadd.s32 $0x1, s11;
	_ =	swait.ge [sflag:s30], $0x3E80  }
0xd7: {  	p3 =	sne.s32 s11, $0x4;
	[sflag:s30] =	ssyncset.done $0x0  }
.Ltmp8:
0xd8: {  	[sflag:s30] =	ssyncadd.s32 $0xFFFFC180;
	(pc) =	sbr.rel @p3 .LBB2_3-.Ltmp8, $4  }
0xd9: {  	[spmem:s1] =	stream.indirect.scatter.add.f32 [tilespmem:s28], [sflag:$0x3], $0x80, s8, s25, $0xb8;
	[tilespmem:$0x1E080] =	vst v63  }
0xda: {  	_ =	swait.ge [sflag:s21], $0x3E80  }
0xdb: {  	[sflag:s21] =	ssyncset.done $0x0  }
0xdc: {  	[sflag:s21] =	ssyncadd.s32 $0xFFFFC180  }
0xdd: {  	[bflag:$0x0] =	sbarrier.arrive $0xFFFF  }
0xde: {  	s9 =	rddreg [dreg:$0x6]  }
0xdf: {  	[hbm:s9], [sflag:s19] =	dma.local [spmem:s20], $0x2700  }
.Ltmp9:
0xe0: {  	_ = 	snop;
	(pc) =	sbr.rel @!p2 .LBB2_13-.Ltmp9, $4  }
.Ltmp10:
0xe1: {  	_ = 	snop;
	(pc) =	sbr.rel @p2 .LBB2_12-.Ltmp10, $4  }
0xe2: {  	_ =	swait.ge [sflag:s21], $0x2700  }
0xe3: {  	[sflag:s21] =	ssyncset.done $0x0  }
0xe4: {  	s9 =	rddreg [dreg:$0x7];
	[sflag:s21] =	ssyncadd.s32 $0xFFFFD900  }
0xe5: {  	_ = 	snop  }
.LBB2_14:
0xe6: {  	_ =	sfence.sel $0x180000  }
0xe7: {  	[bflag:$0x0] =	sbarrier.arrive $0xFFFF  }
0xe8: {  	_ =	strace $0x9000004A  }
0xe9: {  	[bflag:$0x2] =	sbarrier.arrive $0xFFFF  }
0xea: {  	s0 =	rddreg [dreg:$0x2]  }
0xeb: {  	s0 =	sadd.s32 @!p1 $0x100000, s0  }
0xec: {  	[sflag:s0] =	ssyncadd.tile.s32 @!p1 $0x1;
	_ =	shalt  }
.Lfunc_end2:
_tile_overlayer_lowered:
.L_overlay_start_2:
0xed: {  	(tag) =	ssettag $0x2  }
0xee: {  	s0 =	rddreg [dreg:$0x0];
	s2 =	stileid.u32  }
0xef: {  	s1 =	rddreg [dreg:$0x1];
	p0 =	sne.s32 s2, $0x0  }
0xf0: {  	s3 =	rddreg [dreg:$0x2];
	[bflag:$0x3] =	sbarrier.arrive $0xFFFF;
	s2 =	simm.s32 @!p0 $0x1C03  }
0xf1: {  	[timem:s3], [sflag:s2] =	dma.local @!p0 [hbm:s0], s1  }
0xf2: {  	s0 =	simm.s32 @!p0 $0x3  }
0xf3: {  	_ =	swait.ge @!p0 [sflag:s0], s1  }
0xf4: {  	s1 =	ssub.s32 @!p0 $0x0, s1;
	[sflag:s0] =	ssyncset.done @!p0 $0x0  }
0xf5: {  	[sflag:s0] =	ssyncadd.s32 @!p0 s1  }
0xf6: {  	[bflag:$0x3] =	sbarrier.arrive $0xFFFF  }
0xf7: {  	_ =	shalt  }

// kernel: kernel.17.cloned.1.call-start
scs
__scs_entry_jumppad:
0x0: {  	(pc) =	sbr.rel $0x88, $3  }
0x1: {  	(tag) =	ssettag $0x0;
	lr =	simm.s32 $0x1  }
0x2: {  	[smem:$0x3F93] =	sst lr;
	_ =	strace $0xD0000000  }
0x3: {  	_ = 	snop  }
0x4: {  	_ = 	snop  }
0x5: {  	_ = 	snop  }
0x6: {  	_ = 	snop  }
0x7: {  	_ = 	snop  }
__scs_overlays_trampoline_lowered:
0x8: {  	[smem:$0x3FA2] =	sst s0  }
0x9: {  	[smem:$0x3FA3] =	sst s1  }
0xa: {  	[smem:$0x3FA4] =	sst s2  }
0xb: {  	[smem:$0x3FA5] =	sst s3  }
0xc: {  	[smem:$0x3FA6] =	sst s4  }
0xd: {  	[smem:$0x3FA7] =	sst s5  }
0xe: {  	[smem:$0x3FA8] =	sst s6  }
0xf: {  	[smem:$0x3FA9] =	sst s7  }
0x10: {  	[smem:$0x3FAA] =	sst s8  }
0x11: {  	[smem:$0x3FAB] =	sst s9;
	s0 =	simm.s32 @!p0 $0x0  }
0x12: {  	s1 =	sld [smem:$0x3F91];
	s0 =	simm.s32 @p0 $0x1  }
0x13: {  	[smem:$0x3FAC] =	sst s0;
	s0 =	simm.s32 @!p1 $0x0  }
0x14: {  	s2 =	sld [smem:$0x3F90];
	s0 =	simm.s32 @p1 $0x1  }
0x15: {  	[smem:$0x3FAD] =	sst s0;
	s0 =	simm.s32 @!p2 $0x0  }
0x16: {  	s3 =	sld [smem:$0x3FDB];
	s0 =	simm.s32 @p2 $0x1  }
0x17: {  	s4 =	simm.s32 $0x1BF5;
	[smem:$0x3FAF] =	sst s0  }
0x18: {  	s0 =	sld [smem:$0x3F92];
	_ =	swait.ge [sflag:s4], $0x0  }
0x19: {  	s7 =	sld [smem:$0x3F93]  }
0x1a: {  	s8 =	sadd.s32 $0xFFFFE003, lr  }
0x1b: {  	s9 =	sadd.s32 $0xFFFFFEF7, lr;
	s5 =	simm.s32 $0xFFFFFFFF;
	p2 =	slt.u32 s8, $0xFFFFF086  }
0x1c: {  	p1 =	slt.u32 s9, $0xF7A;
	s5 =	simm.s32 @!p2 $0x0  }
0x1d: {  	s5 =	simm.s32 @p1 $0x1;
	p0 =	seq.s32 s7, s2  }
0x1e: {  	s7 =	smul.u32 @!p0 $0xF7A, s2;
	p2 =	seq.s32 @!p0 s5, $0x0  }
0x1f: {  	s9 =	smul.u32 $0xF7A, s1;
	s8 =	simm.s32 @!p0 $0x1BF5;
	p2 =	por !p2, p0  }
0x20: {  	[sflag:s8] =	ssyncset.s32 @!p0 $0xFFFFF086;
	s6 =	sadd.s32 @!p0 s3, s7;
	s7 =	simm.s32 @!p0 $0x108  }
0x21: {  	s3 =	sadd.s32 s3, s9;
	s6 =	sadd.s32 @!p0 $0x88, s6;
	s7 =	simm.s32 @p2 $0x1082  }
0x22: {  	[simem:s7], [sflag:s8] =	dma.local @!p0 [hbm:s6], $0xF7A  }
0x23: {  	s9 =	sor.u32 $0xD0000000, s2;
	s6 =	simm.s32 $0x108;
	_ =	swait.ge @!p0 [sflag:s8], $0x0  }
0x24: {  	s3 =	sadd.s32 $0x88, s3;
	s6 =	simm.s32 @!p1 $0x1082;
	[sflag:s4] =	ssyncset.s32 $0xFFFFF086  }
0x25: {  	[simem:s6], [sflag:s4] =	dma.local [hbm:s3], $0xF7A  }
0x26: {  	[smem:$0x3F93] =	sst s1;
	(tag) =	ssettag s2;
	_ =	strace s9  }
0x27: {  	s1 =	sld [smem:$0x3FA3]  }
0x28: {  	s2 =	sld [smem:$0x3FA4]  }
0x29: {  	s4 =	sld [smem:$0x3FA6]  }
0x2a: {  	p0 =	seq.s32 s5, $0x0;
	s5 =	sld [smem:$0x3FA7]  }
0x2b: {  	s6 =	sld [smem:$0x3FA8]  }
0x2c: {  	s7 =	sld [smem:$0x3FA9]  }
0x2d: {  	s3 =	simm.s32 $0x108;
	s8 =	sld [smem:$0x3FAA]  }
0x2e: {  	s3 =	simm.s32 @!p0 $0x1082;
	s9 =	sld [smem:$0x3FAB]  }
0x2f: {  	lr =	sadd.s32 s0, s3;
	s0 =	sld [smem:$0x3FA2]  }
0x30: {  	s3 =	sld [smem:$0x3FA5]  }
0x31: {  	[smem:$0x3FAE] =	sst s10  }
0x32: {  	s10 =	sld [smem:$0x3FAC];
	_ =	sdelay $0x3  }
0x33: {  	p0 =	seq.s32 s10, $0x1;
	s10 =	sld [smem:$0x3FAE];
	_ =	sdelay $0x3  }
0x34: {  	[smem:$0x3FAE] =	sst s10  }
0x35: {  	s10 =	sld [smem:$0x3FAD];
	_ =	sdelay $0x3  }
0x36: {  	p1 =	seq.s32 s10, $0x1;
	s10 =	sld [smem:$0x3FAE];
	_ =	sdelay $0x3  }
0x37: {  	[smem:$0x3FAE] =	sst s10  }
0x38: {  	s10 =	sld [smem:$0x3FAF]  }
0x39: {  	_ = 	snop;
	(pc) =	sbr.ind lr, $3  }
0x3a: {  	_ = 	snop  }
0x3b: {  	_ = 	snop  }
0x3c: {  	p2 =	seq.s32 s10, $0x1;
	s10 =	sld [smem:$0x3FAE]  }
0x3d: {  	_ =	shalt  }
0x3e: {  	_ =	shalt  }
0x3f: {  	_ =	shalt  }
0x40: {  	_ =	shalt  }
0x41: {  	_ =	shalt  }
0x42: {  	_ =	shalt  }
0x43: {  	_ =	shalt  }
0x44: {  	_ =	shalt  }
0x45: {  	_ =	shalt  }
0x46: {  	_ =	shalt  }
0x47: {  	_ =	shalt  }
0x48: {  	_ =	shalt  }
0x49: {  	_ =	shalt  }
0x4a: {  	_ =	shalt  }
0x4b: {  	_ =	shalt  }
0x4c: {  	_ =	shalt  }
0x4d: {  	_ =	shalt  }
0x4e: {  	_ =	shalt  }
0x4f: {  	_ =	shalt  }
0x50: {  	_ =	shalt  }
0x51: {  	_ =	shalt  }
0x52: {  	_ =	shalt  }
0x53: {  	_ =	shalt  }
0x54: {  	_ =	shalt  }
0x55: {  	_ =	shalt  }
0x56: {  	_ =	shalt  }
0x57: {  	_ =	shalt  }
0x58: {  	_ =	shalt  }
0x59: {  	_ =	shalt  }
0x5a: {  	_ =	shalt  }
0x5b: {  	_ =	shalt  }
0x5c: {  	_ =	shalt  }
0x5d: {  	_ =	shalt  }
0x5e: {  	_ =	shalt  }
0x5f: {  	_ =	shalt  }
0x60: {  	_ =	shalt  }
0x61: {  	_ =	shalt  }
0x62: {  	_ =	shalt  }
0x63: {  	_ =	shalt  }
0x64: {  	_ =	shalt  }
0x65: {  	_ =	shalt  }
0x66: {  	_ =	shalt  }
0x67: {  	_ =	shalt  }
0x68: {  	_ =	shalt  }
0x69: {  	_ =	shalt  }
0x6a: {  	_ =	shalt  }
0x6b: {  	_ =	shalt  }
0x6c: {  	_ =	shalt  }
0x6d: {  	_ =	shalt  }
0x6e: {  	_ =	shalt  }
0x6f: {  	_ =	shalt  }
0x70: {  	_ =	shalt  }
0x71: {  	_ =	shalt  }
0x72: {  	_ =	shalt  }
0x73: {  	_ =	shalt  }
0x74: {  	_ =	shalt  }
0x75: {  	_ =	shalt  }
0x76: {  	_ =	shalt  }
0x77: {  	_ =	shalt  }
0x78: {  	_ =	shalt  }
0x79: {  	_ =	shalt  }
0x7a: {  	_ =	shalt  }
0x7b: {  	_ =	shalt  }
0x7c: {  	_ =	shalt  }
0x7d: {  	_ =	shalt  }
0x7e: {  	_ =	shalt  }
0x7f: {  	_ =	shalt  }
0x80: {  	_ =	shalt  }
0x81: {  	_ =	shalt  }
0x82: {  	_ =	shalt  }
0x83: {  	_ =	shalt  }
0x84: {  	_ =	shalt  }
0x85: {  	_ =	shalt  }
0x86: {  	_ =	shalt  }
0x87: {  	_ =	shalt  }
.Lfunc_end0:
.L_simem_size_0:
called_computation.2_lowered:
.L_overlay_start_0:
0x88: {  	s2 =	sld [smem:$0x3FD9]  }
0x89: {  	s3 =	sld [smem:$0x3FFE];
	_ =	sdelay $0x1  }
0x8a: {  	s1 =	srdreg.scid  }
0x8b: {  	s0 =	sand.u32 $0x1, s1  }
0x8c: {  	s16 =	sshll.u32 s0, $0xA;
	s2 =	sadd.s32 s3, s2  }
0x8d: {  	s2 =	sadd.s32 s2, s16  }
0x8e: {  	[smem:$0x3FBA] =	sst s2  }
0x8f: {  	_ = 	snop  }
0x90: {  	(tm) =	ssettm $0x1  }
0x91: {  	s17 =	sld [smem:$0x3FFB];
	_ =	sdelay $0x3  }
0x92: {  	_ =	strace s17  }
0x93: {  	s2 =	sld [smem:$0x3FFC];
	_ =	sdelay $0x3  }
0x94: {  	_ =	strace s2  }
0x95: {  	s2 =	sld [smem:$0x3FFD];
	_ =	sdelay $0x3  }
0x96: {  	_ =	strace s2  }
0x97: {  	_ =	strace $0x8FFFFFFF  }
0x98: {  	s18 =	sld [smem:$0x3FDB];
	_ =	sdelay $0x1  }
0x99: {  	s19 =	simm.s32 $_scs_section_size  }
0x9a: {  	s4 =	simm.s32 $_size__tile_overlayer_lowered;
	s5 =	simm.s32 $_tile_overlayer_lowered  }
0x9b: {  	s22 =	simm.s32 $0x1BFF;
	s21 =	sshll.u32 s5, $0x1;
	s2 =	sadd.s32 s19, s18  }
0x9c: {  	s6 =	simm.s32 $0x0;
	s20 =	sshll.u32 s4, $0x1;
	s4 =	sadd.s32 s21, s2  }
0x9d: {  	[timem:s6], [sflag:s22] =	dma.local [hbm:s4], s20  }
0x9e: {  	_ =	swait.ge [sflag:s22], s20  }
0x9f: {  	s3 =	ssub.s32 $0x0, s20;
	[sflag:s22] =	ssyncset.done $0x0  }
0xa0: {  	[sflag:s22] =	ssyncadd.s32 s3;
	_ =	sdelay $0x1  }
0xa1: {  	s23 =	simm.s32 $0x1B8B  }
0xa2: {  	_ =	swait.ge [sflag:s23], $0x1  }
0xa3: {  	[sflag:s23] =	ssyncset.done $0x0  }
0xa4: {  	s25 =	simm.s32 $0x1B8E;
	s24 =	sld [smem:$0x3FFE];
	[sflag:s23] =	ssyncadd.s32 $0xFFFFFFFF  }
0xa5: {  	s26 =	simm.s32 $execute0_lowered;
	[smem:$0x3FD2] =	sst s25  }
0xa6: {  	s4 =	sshll.u32 s26, $0x1;
	_ =	strace $0x8000004C;
	[dreg:$0x1] =	wrdreg $0xFFFFFFFF  }
0xa7: {  	s28 =	simm.s32 $_size_execute0_lowered;
	s2 =	sadd.s32 s2, s4;
	[dreg:$0x0] =	wrdreg $0x0  }
0xa8: {  	s4 =	sshll.u32 s28, $0x1;
	[dreg:$0x2] =	wrdreg s2  }
0xa9: {  	[dreg:$0x3] =	wrdreg s4  }
0xaa: {  	[dreg:$0x4] =	wrdreg $0xC0  }
0xab: {  	_ =	task [dreg:s6], $0x5FFFF  }
0xac: {  	[dreg:$0x1] =	wrdreg $0xFFFFFFFF  }
0xad: {  	[dreg:$0x0] =	wrdreg $0x60  }
0xae: {  	[dreg:$0x2] =	wrdreg s24  }
0xaf: {  	[dreg:$0x3] =	wrdreg $0x0  }
0xb0: {  	[dreg:$0x4] =	wrdreg $0x9  }
0xb1: {  	_ =	task.clear_ibuf [dreg:s6], $0x5FFFF;
	_ =	strace $0x9000004C  }
0xb2: {  	s29 =	simm.s32 $0x9;
	_ =	strace $0x8000004E  }
0xb3: {  	_ =	swait.ge [sflag:s29], $0x1  }
0xb4: {  	[sflag:s29] =	ssyncadd.s32 $0xFFFFFFFF  }
0xb5: {  	_ =	strace $0x9000004E  }
0xb6: {  	_ =	sfence  }
0xb7: {  	s30 =	sld [smem:$0x0];
	_ =	sdelay $0x2  }
0xb8: {  	s31 =	sshll.u32 s1, $0xD;
	s1 =	sshrl.u32 s1, $0x2  }
0xb9: {  	s3 =	sand.u32 $0x4000, s31;
	s1 =	sadd.s32 s1, s30  }
0xba: {  	s0 =	sor.u32 s3, s0;
	s1 =	sshll.u32 s1, $0x11  }
0xbb: {  	s0 =	sor.u32 s1, s0  }
0xbc: {  	s0 =	sadd.s32 $0x8F2B, s0  }
0xbd: {  	[sflag:s0] =	ssyncadd.remote.s32 $0x1  }
0xbe: {  	_ =	sfence.sel $0xFFFF  }
0xbf: {  	[dreg:$0x0] =	wrdreg $0xFFFFFFFF;
	(pc) =	sbr.abs _section_cstart, $3  }
0xc0: {  	[dreg:$0x1] =	wrdreg $0xFFFFFFFF  }
0xc1: {  	_ =	task.clear_ibuf [dreg:s6], $0x2FFFF;
	_ =	strace $0x9FFFFFFF  }
0xc2: {  	(tm) =	ssettm $0x7FFFFFFF  }
0xc3: {  	_ =	shalt  }
tec
execute0_lowered:
.L_overlay_start_1:
0x0: {  	(tag) =	ssettag $0x1  }
0x1: {  	s0 =	rddreg [dreg:$0x0]  }
0x2: {  	s1 =	rddreg [dreg:$0x1]  }
0x3: {  	s2 =	simm.s32 $0x0;
	s8 =	stileid.u32;
	s4 =	srdreg.scid  }
0x4: {  	s28 =	simm.s32 $0x1A080;
	s29 =	simm.s32 $0x1;
	s30 =	simm.s32 $0x2  }
0x5: {  	s31 =	simm.s32 $0x14C00;
	[smem:$0x7FF] =	sst s2;
	s3 =	sadd.s32 $0x96A00, s0  }
0x6: {  	s7 =	smul.u32 $0x2700, s8;
	s9 =	sand.u32 $0x1, s4;
	s4 =	sadd.s32 $0x51800, s0  }
0x7: {  	s11 =	smul.u32 $0x4E000, s8;
	s5 =	sadd.s32 $0x8CA00, s0;
	s6 =	sadd.s32 $0x82A00, s0  }
0x8: {  	s22 =	sadd.s32 $0xBDA00, s0;
	s24 =	sadd.s32 $0xE4C00, s0;
	s25 =	sadd.s32 $0x78800, s0  }
0x9: {  	p1 =	sne.s32 s8, $0x0;
	_ =	strace $0x8000004D;
	[dreg:$0x5] =	wrdreg s22  }
0xa: {  	s18 =	sshll.u32 s8, $0x6;
	p2 =	seq.s32 s8, $0x0;
	[dreg:$0x7] =	wrdreg s24  }
0xb: {  	s10 =	ssub.s32 $0x2, s9;
	p0 =	seq.s32 s9, $0x1;
	[dreg:$0x9] =	wrdreg s25  }
0xc: {  	s24 =	simm.s32 $0x14C80;
	s25 =	simm.s32 $0x7D;
	s12 =	sshrl.u32 s10, $0x1  }
0xd: {  	s13 =	sadd.s32 s7, s0;
	s19 =	sshrl.u32 s11, $0x2;
	s21 =	sadd.s32 s3, s7  }
0xe: {  	s11 =	sadd.s32 $0x138000, s1;
	s7 =	sadd.s32 s4, s7;
	s0 =	sadd.s32 $0x10BD00, s0  }
0xf: {  	s14 =	ssub.s32 s10, s12;
	s20 =	sadd.s32 s19, s1;
	[dreg:$0x3] =	wrdreg s21  }
0x10: {  	s10 =	smul.u32 $0x5000, s8;
	s23 =	sadd.s32 $0xBDC00, s13;
	[dreg:$0x8] =	wrdreg s7  }
.Ltmp0:
0x11: {  	s26 =	sadd.s32 $0xE4D00, s13;
	[dreg:$0xb] =	wrdreg s0;
	(pc) =	sbr.rel .LBB2_1-.Ltmp0, $4  }
0x12: {  	s7 =	sor.u32 $0x1C03, s18;
	s21 =	simm.s32 $0x3;
	[dreg:$0x4] =	wrdreg s11  }
0x13: {  	s22 =	sshrl.u32 @!p1 s11, $0x3;
	s0 =	simm.s32 $0x15F80;
	[dreg:$0x6] =	wrdreg s23  }
0x14: {  	s8 =	simm.s32 $0x16000;
	[dreg:$0xa] =	wrdreg s26;
	s17 =	smax.u32 s14, $0x1  }
0x15: {  	s20 =	sshrl.u32 s20, $0x3;
	s23 =	simm.s32 $0x13880;
	s26 =	simm.s32 $0x16080  }
.LBB2_12:
0x16: {  	s11 =	rddreg [dreg:$0x4]  }
0x17: {  	s11 =	sshrl.u32 s11, $0x3  }
0x18: {  	[hbm:s9], [sflag:s19] =	dma.local [spmem:s11], $0x100  }
0x19: {  	_ =	swait.ge [sflag:s21], $0x100  }
0x1a: {  	[sflag:s21] =	ssyncset.done $0x0  }
0x1b: {  	[sflag:s21] =	ssyncadd.s32 $0xFFFFFF00  }
.LBB2_13:
0x1c: {  	s2 =	sadd.s32 $0x1, s2  }
0x1d: {  	p3 =	sne.s32 s2, s17  }
.Ltmp1:
0x1e: {  	_ = 	snop;
	(pc) =	sbr.rel @!p3 .LBB2_14-.Ltmp1, $1  }
0x1f: {  	_ =	sdelay $0x3  }
.LBB2_1:
.Ltmp2:
0x20: {  	(pc) =	sbr.rel @!p0 .LBB2_2-.Ltmp2, $1  }
0x21: {  	_ =	sdelay $0x3  }
0x22: {  	s9 =	rddreg [dreg:$0x8]  }
0x23: {  	[spmem:s20], [sflag:s7] =	dma.local [hbm:s9], $0x2700  }
0x24: {  	_ =	swait.ge [sflag:s21], $0x2700  }
0x25: {  	[sflag:s21] =	ssyncset.done $0x0  }
0x26: {  	s9 =	rddreg [dreg:$0x9];
	[sflag:s21] =	ssyncadd.s32 $0xFFFFD900  }
0x27: {  	[spmem:s22], [sflag:s7] =	dma.local @!p1 [hbm:s9], $0x100  }
0x28: {  	s9 =	simm.s32 @!p1 $0x3  }
0x29: {  	_ =	swait.ge @!p1 [sflag:s9], $0x100  }
0x2a: {  	[sflag:s9] =	ssyncset.done @!p1 $0x0  }
0x2b: {  	[sflag:s9] =	ssyncadd.s32 @!p1 $0xFFFFFF00  }
0x2c: {  	s11 =	simm.s32 $0x0;
	s9 =	simm.s32 $0x0;
	[bflag:$0x0] =	sbarrier.arrive $0xFFFF  }
.LBB2_8:
0x2d: {  	s12 =	smul.u32 $0x1400, s11;
	_ =	sdelay $0x1  }
0x2e: {  	s12 =	sadd.s32 s10, s12  }
0x2f: {  	s12 =	sshrl.u32 s12, $0x3  }
0x30: {  	s13 =	sadd.s32 s5, s12  }
0x31: {  	[tilespmem:s23], [sflag:$0x3] =	stream.linear.gather [hbm4b:s13+s9], $0x1400, $0x38;
	[tilespmem:$0x1E080] =	vst v63  }
0x32: {  	_ =	swait.ge [sflag:s21], $0x1400  }
0x33: {  	[sflag:s21] =	ssyncset.done $0x0  }
0x34: {  	s12 =	sadd.s32 s6, s12;
	[sflag:s21] =	ssyncadd.s32 $0xFFFFEC00  }
0x35: {  	[tilespmem:s24], [sflag:$0x3] =	stream.linear.gather [hbm4b:s12+s9], $0x1400, $0x38;
	[tilespmem:$0x1E080] =	vst v63  }
0x36: {  	_ =	swait.ge [sflag:s21], $0x1400  }
0x37: {  	[sflag:s21] =	ssyncset.done $0x0  }
0x38: {  	[sflag:s21] =	ssyncadd.s32 $0xFFFFEC00  }
0x39: {  	[tilespmem:s26], [sflag:$0x1] =	stream.indirect.gather [hbm4b:s4+s25], $0x80, s23, s25, $0xb8;
	[tilespmem:$0x1E080] =	vst v63  }
0x3a: {  	s14 =	simm.s32 $0x13900  }
0x3b: {  	[tilespmem:s28], [sflag:$0x2] =	stream.indirect.gather [hbm4b:s4+s25], $0x80, s14, s25, $0xb8;
	[tilespmem:$0x1E080] =	vst v63  }
0x3c: {  	_ =	swait.ge [sflag:s29], $0x3E80  }
0x3d: {  	[sflag:s29] =	ssyncset.done $0x0  }
0x3e: {  	s15 =	simm.s32 $0x14C80;
	[sflag:s29] =	ssyncadd.s32 $0xFFFFC180  }
0x3f: {  	[spmem:s1] =	stream.indirect.scatter.add.f32 [tilespmem:s26], [sflag:$0x3], $0x80, s15, s25, $0xb8;
	[tilespmem:$0x1E080] =	vst v63  }
0x40: {  	_ =	swait.ge [sflag:s21], $0x3E80  }
0x41: {  	[sflag:s21] =	ssyncset.done $0x0  }
0x42: {  	s16 =	simm.s32 $0x13980;
	[sflag:s21] =	ssyncadd.s32 $0xFFFFC180  }
0x43: {  	[tilespmem:s26], [sflag:$0x1] =	stream.indirect.gather [hbm4b:s4+s25], $0x80, s16, s25, $0xb8;
	[tilespmem:$0x1E080] =	vst v63  }
0x44: {  	_ =	swait.ge [sflag:s30], $0x3E80  }
0x45: {  	[sflag:s30] =	ssyncset.done $0x0  }
0x46: {  	s19 =	simm.s32 $0x14D00;
	[sflag:s30] =	ssyncadd.s32 $0xFFFFC180  }
0x47: {  	[spmem:s1] =	stream.indirect.scatter.add.f32 [tilespmem:s28], [sflag:$0x3], $0x80, s19, s25, $0xb8;
	[tilespmem:$0x1E080] =	vst v63  }
0x48: {  	_ =	swait.ge [sflag:s21], $0x3E80  }
0x49: {  	s13 =	simm.s32 $0x100;
	s14 =	simm.s32 $0x800;
	[sflag:s21] =	ssyncset.done $0x0  }
.LBB2_9:
0x4a: {  	s12 =	sadd.s32 $0x13900, s13  }
0x4b: {  	[sflag:s21] =	ssyncadd.s32 $0xFFFFC180;
	s15 =	smov.u32 s14;
	s16 =	sadd.s32 $0x400, s14  }
0x4c: {  	[tilespmem:s28], [sflag:$0x2] =	stream.indirect.gather [hbm4b:s4+s25], $0x80, s12, s25, $0xb8;
	[tilespmem:$0x1E080] =	vst v63  }
0x4d: {  	p3 =	sne.s32 s14, $0x4800;
	_ =	swait.ge [sflag:s29], $0x3E80  }
0x4e: {  	[sflag:s29] =	ssyncset.done $0x0  }
0x4f: {  	s12 =	sadd.s32 $0x14C80, s13;
	[sflag:s29] =	ssyncadd.s32 $0xFFFFC180  }
0x50: {  	[spmem:s1] =	stream.indirect.scatter.add.f32 [tilespmem:s26], [sflag:$0x3], $0x80, s12, s25, $0xb8;
	[tilespmem:$0x1E080] =	vst v63  }
0x51: {  	_ =	swait.ge [sflag:s21], $0x3E80  }
0x52: {  	[sflag:s21] =	ssyncset.done $0x0  }
0x53: {  	s12 =	sadd.s32 $0x13980, s13;
	[sflag:s21] =	ssyncadd.s32 $0xFFFFC180  }
0x54: {  	[tilespmem:s26], [sflag:$0x1] =	stream.indirect.gather [hbm4b:s4+s25], $0x80, s12, s25, $0xb8;
	[tilespmem:$0x1E080] =	vst v63  }
0x55: {  	_ =	swait.ge [sflag:s30], $0x3E80  }
.Ltmp3:
0x56: {  	[sflag:s30] =	ssyncset.done $0x0;
	(pc) =	sbr.rel @p3 .LBB2_9-.Ltmp3, $4  }
0x57: {  	s12 =	sadd.s32 $0x14D00, s13;
	[sflag:s30] =	ssyncadd.s32 $0xFFFFC180  }
0x58: {  	[spmem:s1] =	stream.indirect.scatter.add.f32 [tilespmem:s28], [sflag:$0x3], $0x80, s12, s25, $0xb8;
	[tilespmem:$0x1E080] =	vst v63  }
0x59: {  	_ =	swait.ge [sflag:s21], $0x3E80  }
0x5a: {  	s14 =	smov.u32 s16;
	s13 =	sshra.s32 s15, $0x2;
	[sflag:s21] =	ssyncset.done $0x0  }
0x5b: {  	s12 =	sadd.s32 $0x13900, s13;
	[sflag:s21] =	ssyncadd.s32 $0xFFFFC180  }
0x5c: {  	[tilespmem:s28], [sflag:$0x2] =	stream.indirect.gather [hbm4b:s4+s25], $0x80, s12, s25, $0xb8;
	[tilespmem:$0x1E080] =	vst v63  }
0x5d: {  	_ =	swait.ge [sflag:s29], $0x3E80  }
0x5e: {  	[sflag:s29] =	ssyncset.done $0x0  }
0x5f: {  	s15 =	sadd.s32 $0x14C80, s13;
	[sflag:s29] =	ssyncadd.s32 $0xFFFFC180  }
0x60: {  	[spmem:s1] =	stream.indirect.scatter.add.f32 [tilespmem:s26], [sflag:$0x3], $0x80, s15, s25, $0xb8;
	[tilespmem:$0x1E080] =	vst v63  }
0x61: {  	_ =	swait.ge [sflag:s21], $0x3E80  }
0x62: {  	[sflag:s21] =	ssyncset.done $0x0  }
0x63: {  	s16 =	sadd.s32 $0x13980, s13;
	[sflag:s21] =	ssyncadd.s32 $0xFFFFC180  }
0x64: {  	[tilespmem:s26], [sflag:$0x1] =	stream.indirect.gather [hbm4b:s4+s25], $0x80, s16, s25, $0xb8;
	[tilespmem:$0x1E080] =	vst v63  }
0x65: {  	_ =	swait.ge [sflag:s30], $0x3E80  }
0x66: {  	[sflag:s30] =	ssyncset.done $0x0  }
0x67: {  	s19 =	sadd.s32 $0x14D00, s13;
	[sflag:s30] =	ssyncadd.s32 $0xFFFFC180  }
0x68: {  	[spmem:s1] =	stream.indirect.scatter.add.f32 [tilespmem:s28], [sflag:$0x3], $0x80, s19, s25, $0xb8;
	[tilespmem:$0x1E080] =	vst v63  }
0x69: {  	_ =	swait.ge [sflag:s21], $0x3E80  }
0x6a: {  	[sflag:s21] =	ssyncset.done $0x0  }
0x6b: {  	[sflag:s21] =	ssyncadd.s32 $0xFFFFC180  }
0x6c: {  	[tilespmem:s28], [sflag:$0x2] =	stream.indirect.gather [hbm4b:s4+s25], $0x80, s31, s25, $0xb8;
	[tilespmem:$0x1E080] =	vst v63  }
0x6d: {  	_ =	swait.ge [sflag:s29], $0x3E80  }
0x6e: {  	[sflag:s29] =	ssyncset.done $0x0  }
0x6f: {  	[sflag:s29] =	ssyncadd.s32 $0xFFFFC180  }
0x70: {  	[spmem:s1] =	stream.indirect.scatter.add.f32 [tilespmem:s26], [sflag:$0x3], $0x80, s0, s25, $0xb8;
	[tilespmem:$0x1E080] =	vst v63  }
0x71: {  	_ =	swait.ge [sflag:s21], $0x3E80  }
0x72: {  	[sflag:s21] =	ssyncset.done $0x0  }
0x73: {  	[sflag:s21] =	ssyncadd.s32 $0xFFFFC180  }
0x74: {  	s11 =	sadd.s32 $0x1, s11;
	_ =	swait.ge [sflag:s30], $0x3E80  }
0x75: {  	p3 =	sne.s32 s11, $0x4;
	[sflag:s30] =	ssyncset.done $0x0  }
.Ltmp4:
0x76: {  	[sflag:s30] =	ssyncadd.s32 $0xFFFFC180;
	(pc) =	sbr.rel @p3 .LBB2_8-.Ltmp4, $4  }
0x77: {  	[spmem:s1] =	stream.indirect.scatter.add.f32 [tilespmem:s28], [sflag:$0x3], $0x80, s8, s25, $0xb8;
	[tilespmem:$0x1E080] =	vst v63  }
0x78: {  	_ =	swait.ge [sflag:s21], $0x3E80  }
0x79: {  	[sflag:s21] =	ssyncset.done $0x0  }
0x7a: {  	[sflag:s21] =	ssyncadd.s32 $0xFFFFC180  }
0x7b: {  	[bflag:$0x0] =	sbarrier.arrive $0xFFFF  }
0x7c: {  	s9 =	rddreg [dreg:$0xa]  }
0x7d: {  	[hbm:s9], [sflag:s7] =	dma.local [spmem:s20], $0x2700  }
.Ltmp5:
0x7e: {  	_ = 	snop;
	(pc) =	sbr.rel @p1 .LBB2_13-.Ltmp5, $4  }
.Ltmp6:
0x7f: {  	_ = 	snop;
	(pc) =	sbr.rel @!p1 .LBB2_12-.Ltmp6, $4  }
0x80: {  	_ =	swait.ge [sflag:s21], $0x2700  }
0x81: {  	[sflag:s21] =	ssyncset.done $0x0  }
0x82: {  	s19 =	smov.u32 s7;
	s9 =	rddreg [dreg:$0xb];
	[sflag:s21] =	ssyncadd.s32 $0xFFFFD900  }
0x83: {  	_ = 	snop  }
.LBB2_2:
0x84: {  	s19 =	sor.u32 $0x1C03, s18;
	s9 =	rddreg [dreg:$0x3]  }
0x85: {  	[spmem:s20], [sflag:s19] =	dma.local [hbm:s9], $0x2700  }
0x86: {  	_ =	swait.ge [sflag:s21], $0x2700  }
0x87: {  	[sflag:s21] =	ssyncset.done $0x0  }
0x88: {  	s9 =	rddreg [dreg:$0x5];
	[sflag:s21] =	ssyncadd.s32 $0xFFFFD900  }
0x89: {  	[spmem:s22], [sflag:s19] =	dma.local @!p1 [hbm:s9], $0x100  }
0x8a: {  	s9 =	simm.s32 @!p1 $0x3  }
0x8b: {  	_ =	swait.ge @!p1 [sflag:s9], $0x100  }
0x8c: {  	[sflag:s9] =	ssyncset.done @!p1 $0x0  }
0x8d: {  	[sflag:s9] =	ssyncadd.s32 @!p1 $0xFFFFFF00  }
0x8e: {  	s11 =	simm.s32 $0x0;
	s9 =	simm.s32 $0x0;
	[bflag:$0x0] =	sbarrier.arrive $0xFFFF  }
.LBB2_3:
0x8f: {  	s13 =	smul.u32 $0x1400, s11;
	_ =	sdelay $0x1  }
0x90: {  	s13 =	sadd.s32 s10, s13  }
0x91: {  	s13 =	sshrl.u32 s13, $0x3  }
0x92: {  	s14 =	sadd.s32 s5, s13  }
0x93: {  	[tilespmem:s23], [sflag:$0x3] =	stream.linear.gather [hbm4b:s14+s9], $0x1400, $0x38;
	[tilespmem:$0x1E080] =	vst v63  }
0x94: {  	_ =	swait.ge [sflag:s21], $0x1400  }
0x95: {  	[sflag:s21] =	ssyncset.done $0x0  }
0x96: {  	s13 =	sadd.s32 s6, s13;
	[sflag:s21] =	ssyncadd.s32 $0xFFFFEC00  }
0x97: {  	[tilespmem:s24], [sflag:$0x3] =	stream.linear.gather [hbm4b:s13+s9], $0x1400, $0x38;
	[tilespmem:$0x1E080] =	vst v63  }
0x98: {  	_ =	swait.ge [sflag:s21], $0x1400  }
0x99: {  	[sflag:s21] =	ssyncset.done $0x0  }
0x9a: {  	[sflag:s21] =	ssyncadd.s32 $0xFFFFEC00  }
0x9b: {  	[tilespmem:s26], [sflag:$0x1] =	stream.indirect.gather [hbm4b:s3+s25], $0x80, s23, s25, $0xb8;
	[tilespmem:$0x1E080] =	vst v63  }
0x9c: {  	s12 =	simm.s32 $0x13900  }
0x9d: {  	[tilespmem:s28], [sflag:$0x2] =	stream.indirect.gather [hbm4b:s3+s25], $0x80, s12, s25, $0xb8;
	[tilespmem:$0x1E080] =	vst v63  }
0x9e: {  	_ =	swait.ge [sflag:s29], $0x3E80  }
0x9f: {  	[sflag:s29] =	ssyncset.done $0x0  }
0xa0: {  	s14 =	simm.s32 $0x14C80;
	[sflag:s29] =	ssyncadd.s32 $0xFFFFC180  }
0xa1: {  	[spmem:s1] =	stream.indirect.scatter.add.f32 [tilespmem:s26], [sflag:$0x3], $0x80, s14, s25, $0xb8;
	[tilespmem:$0x1E080] =	vst v63  }
0xa2: {  	_ =	swait.ge [sflag:s21], $0x3E80  }
0xa3: {  	[sflag:s21] =	ssyncset.done $0x0  }
0xa4: {  	s15 =	simm.s32 $0x13980;
	[sflag:s21] =	ssyncadd.s32 $0xFFFFC180  }
0xa5: {  	[tilespmem:s26], [sflag:$0x1] =	stream.indirect.gather [hbm4b:s3+s25], $0x80, s15, s25, $0xb8;
	[tilespmem:$0x1E080] =	vst v63  }
0xa6: {  	_ =	swait.ge [sflag:s30], $0x3E80  }
0xa7: {  	[sflag:s30] =	ssyncset.done $0x0  }
0xa8: {  	s16 =	simm.s32 $0x14D00;
	[sflag:s30] =	ssyncadd.s32 $0xFFFFC180  }
0xa9: {  	[spmem:s1] =	stream.indirect.scatter.add.f32 [tilespmem:s28], [sflag:$0x3], $0x80, s16, s25, $0xb8;
	[tilespmem:$0x1E080] =	vst v63  }
0xaa: {  	_ =	swait.ge [sflag:s21], $0x3E80  }
0xab: {  	s13 =	simm.s32 $0x100;
	s14 =	simm.s32 $0x800;
	[sflag:s21] =	ssyncset.done $0x0  }
.LBB2_4:
0xac: {  	s15 =	sadd.s32 $0x13900, s13  }
0xad: {  	[sflag:s21] =	ssyncadd.s32 $0xFFFFC180;
	s12 =	smov.u32 s14;
	s16 =	sadd.s32 $0x400, s14  }
0xae: {  	[tilespmem:s28], [sflag:$0x2] =	stream.indirect.gather [hbm4b:s3+s25], $0x80, s15, s25, $0xb8;
	[tilespmem:$0x1E080] =	vst v63  }
0xaf: {  	p3 =	sne.s32 s14, $0x4800;
	_ =	swait.ge [sflag:s29], $0x3E80  }
0xb0: {  	[sflag:s29] =	ssyncset.done $0x0  }
0xb1: {  	s14 =	sadd.s32 $0x14C80, s13;
	[sflag:s29] =	ssyncadd.s32 $0xFFFFC180  }
0xb2: {  	[spmem:s1] =	stream.indirect.scatter.add.f32 [tilespmem:s26], [sflag:$0x3], $0x80, s14, s25, $0xb8;
	[tilespmem:$0x1E080] =	vst v63  }
0xb3: {  	_ =	swait.ge [sflag:s21], $0x3E80  }
0xb4: {  	[sflag:s21] =	ssyncset.done $0x0  }
0xb5: {  	s14 =	sadd.s32 $0x13980, s13;
	[sflag:s21] =	ssyncadd.s32 $0xFFFFC180  }
0xb6: {  	[tilespmem:s26], [sflag:$0x1] =	stream.indirect.gather [hbm4b:s3+s25], $0x80, s14, s25, $0xb8;
	[tilespmem:$0x1E080] =	vst v63  }
0xb7: {  	_ =	swait.ge [sflag:s30], $0x3E80  }
.Ltmp7:
0xb8: {  	[sflag:s30] =	ssyncset.done $0x0;
	(pc) =	sbr.rel @p3 .LBB2_4-.Ltmp7, $4  }
0xb9: {  	s13 =	sadd.s32 $0x14D00, s13;
	[sflag:s30] =	ssyncadd.s32 $0xFFFFC180  }
0xba: {  	[spmem:s1] =	stream.indirect.scatter.add.f32 [tilespmem:s28], [sflag:$0x3], $0x80, s13, s25, $0xb8;
	[tilespmem:$0x1E080] =	vst v63  }
0xbb: {  	_ =	swait.ge [sflag:s21], $0x3E80  }
0xbc: {  	s14 =	smov.u32 s16;
	s13 =	sshra.s32 s12, $0x2;
	[sflag:s21] =	ssyncset.done $0x0  }
0xbd: {  	s12 =	sadd.s32 $0x13900, s13;
	[sflag:s21] =	ssyncadd.s32 $0xFFFFC180  }
0xbe: {  	[tilespmem:s28], [sflag:$0x2] =	stream.indirect.gather [hbm4b:s3+s25], $0x80, s12, s25, $0xb8;
	[tilespmem:$0x1E080] =	vst v63  }
0xbf: {  	_ =	swait.ge [sflag:s29], $0x3E80  }
0xc0: {  	[sflag:s29] =	ssyncset.done $0x0  }
0xc1: {  	s14 =	sadd.s32 $0x14C80, s13;
	[sflag:s29] =	ssyncadd.s32 $0xFFFFC180  }
0xc2: {  	[spmem:s1] =	stream.indirect.scatter.add.f32 [tilespmem:s26], [sflag:$0x3], $0x80, s14, s25, $0xb8;
	[tilespmem:$0x1E080] =	vst v63  }
0xc3: {  	_ =	swait.ge [sflag:s21], $0x3E80  }
0xc4: {  	[sflag:s21] =	ssyncset.done $0x0  }
0xc5: {  	s15 =	sadd.s32 $0x13980, s13;
	[sflag:s21] =	ssyncadd.s32 $0xFFFFC180  }
0xc6: {  	[tilespmem:s26], [sflag:$0x1] =	stream.indirect.gather [hbm4b:s3+s25], $0x80, s15, s25, $0xb8;
	[tilespmem:$0x1E080] =	vst v63  }
0xc7: {  	_ =	swait.ge [sflag:s30], $0x3E80  }
0xc8: {  	[sflag:s30] =	ssyncset.done $0x0  }
0xc9: {  	s16 =	sadd.s32 $0x14D00, s13;
	[sflag:s30] =	ssyncadd.s32 $0xFFFFC180  }
0xca: {  	[spmem:s1] =	stream.indirect.scatter.add.f32 [tilespmem:s28], [sflag:$0x3], $0x80, s16, s25, $0xb8;
	[tilespmem:$0x1E080] =	vst v63  }
0xcb: {  	_ =	swait.ge [sflag:s21], $0x3E80  }
0xcc: {  	[sflag:s21] =	ssyncset.done $0x0  }
0xcd: {  	[sflag:s21] =	ssyncadd.s32 $0xFFFFC180  }
0xce: {  	[tilespmem:s28], [sflag:$0x2] =	stream.indirect.gather [hbm4b:s3+s25], $0x80, s31, s25, $0xb8;
	[tilespmem:$0x1E080] =	vst v63  }
0xcf: {  	_ =	swait.ge [sflag:s29], $0x3E80  }
0xd0: {  	[sflag:s29] =	ssyncset.done $0x0  }
0xd1: {  	[sflag:s29] =	ssyncadd.s32 $0xFFFFC180  }
0xd2: {  	[spmem:s1] =	stream.indirect.scatter.add.f32 [tilespmem:s26], [sflag:$0x3], $0x80, s0, s25, $0xb8;
	[tilespmem:$0x1E080] =	vst v63  }
0xd3: {  	_ =	swait.ge [sflag:s21], $0x3E80  }
0xd4: {  	[sflag:s21] =	ssyncset.done $0x0  }
0xd5: {  	[sflag:s21] =	ssyncadd.s32 $0xFFFFC180  }
0xd6: {  	s11 =	sadd.s32 $0x1, s11;
	_ =	swait.ge [sflag:s30], $0x3E80  }
0xd7: {  	p3 =	sne.s32 s11, $0x4;
	[sflag:s30] =	ssyncset.done $0x0  }
.Ltmp8:
0xd8: {  	[sflag:s30] =	ssyncadd.s32 $0xFFFFC180;
	(pc) =	sbr.rel @p3 .LBB2_3-.Ltmp8, $4  }
0xd9: {  	[spmem:s1] =	stream.indirect.scatter.add.f32 [tilespmem:s28], [sflag:$0x3], $0x80, s8, s25, $0xb8;
	[tilespmem:$0x1E080] =	vst v63  }
0xda: {  	_ =	swait.ge [sflag:s21], $0x3E80  }
0xdb: {  	[sflag:s21] =	ssyncset.done $0x0  }
0xdc: {  	[sflag:s21] =	ssyncadd.s32 $0xFFFFC180  }
0xdd: {  	[bflag:$0x0] =	sbarrier.arrive $0xFFFF  }
0xde: {  	s9 =	rddreg [dreg:$0x6]  }
0xdf: {  	[hbm:s9], [sflag:s19] =	dma.local [spmem:s20], $0x2700  }
.Ltmp9:
0xe0: {  	_ = 	snop;
	(pc) =	sbr.rel @!p2 .LBB2_13-.Ltmp9, $4  }
.Ltmp10:
0xe1: {  	_ = 	snop;
	(pc) =	sbr.rel @p2 .LBB2_12-.Ltmp10, $4  }
0xe2: {  	_ =	swait.ge [sflag:s21], $0x2700  }
0xe3: {  	[sflag:s21] =	ssyncset.done $0x0  }
0xe4: {  	s9 =	rddreg [dreg:$0x7];
	[sflag:s21] =	ssyncadd.s32 $0xFFFFD900  }
0xe5: {  	_ = 	snop  }
.LBB2_14:
0xe6: {  	_ =	sfence.sel $0x180000  }
0xe7: {  	[bflag:$0x0] =	sbarrier.arrive $0xFFFF  }
0xe8: {  	_ =	strace $0x9000004D  }
0xe9: {  	[bflag:$0x2] =	sbarrier.arrive $0xFFFF  }
0xea: {  	s0 =	rddreg [dreg:$0x2]  }
0xeb: {  	s0 =	sadd.s32 @!p1 $0x100000, s0  }
0xec: {  	[sflag:s0] =	ssyncadd.tile.s32 @!p1 $0x1;
	_ =	shalt  }
.Lfunc_end2:
_tile_overlayer_lowered:
.L_overlay_start_2:
0xed: {  	(tag) =	ssettag $0x2  }
0xee: {  	s0 =	rddreg [dreg:$0x0];
	s2 =	stileid.u32  }
0xef: {  	s1 =	rddreg [dreg:$0x1];
	p0 =	sne.s32 s2, $0x0  }
0xf0: {  	s3 =	rddreg [dreg:$0x2];
	[bflag:$0x3] =	sbarrier.arrive $0xFFFF;
	s2 =	simm.s32 @!p0 $0x1C03  }
0xf1: {  	[timem:s3], [sflag:s2] =	dma.local @!p0 [hbm:s0], s1  }
0xf2: {  	s0 =	simm.s32 @!p0 $0x3  }
0xf3: {  	_ =	swait.ge @!p0 [sflag:s0], s1  }
0xf4: {  	s1 =	ssub.s32 @!p0 $0x0, s1;
	[sflag:s0] =	ssyncset.done @!p0 $0x0  }
0xf5: {  	[sflag:s0] =	ssyncadd.s32 @!p0 s1  }
0xf6: {  	[bflag:$0x3] =	sbarrier.arrive $0xFFFF  }
0xf7: {  	_ =	shalt  }

// kernel: kernel.20.cloned.1.call-start
scs
__scs_entry_jumppad:
0x0: {  	(pc) =	sbr.rel $0x88, $3  }
0x1: {  	(tag) =	ssettag $0x0;
	lr =	simm.s32 $0x1  }
0x2: {  	[smem:$0x3F93] =	sst lr;
	_ =	strace $0xD0000000  }
0x3: {  	_ = 	snop  }
0x4: {  	_ = 	snop  }
0x5: {  	_ = 	snop  }
0x6: {  	_ = 	snop  }
0x7: {  	_ = 	snop  }
__scs_overlays_trampoline_lowered:
0x8: {  	[smem:$0x3FA2] =	sst s0  }
0x9: {  	[smem:$0x3FA3] =	sst s1  }
0xa: {  	[smem:$0x3FA4] =	sst s2  }
0xb: {  	[smem:$0x3FA5] =	sst s3  }
0xc: {  	[smem:$0x3FA6] =	sst s4  }
0xd: {  	[smem:$0x3FA7] =	sst s5  }
0xe: {  	[smem:$0x3FA8] =	sst s6  }
0xf: {  	[smem:$0x3FA9] =	sst s7  }
0x10: {  	[smem:$0x3FAA] =	sst s8  }
0x11: {  	[smem:$0x3FAB] =	sst s9;
	s0 =	simm.s32 @!p0 $0x0  }
0x12: {  	s1 =	sld [smem:$0x3F91];
	s0 =	simm.s32 @p0 $0x1  }
0x13: {  	[smem:$0x3FAC] =	sst s0;
	s0 =	simm.s32 @!p1 $0x0  }
0x14: {  	s2 =	sld [smem:$0x3F90];
	s0 =	simm.s32 @p1 $0x1  }
0x15: {  	[smem:$0x3FAD] =	sst s0;
	s0 =	simm.s32 @!p2 $0x0  }
0x16: {  	s3 =	sld [smem:$0x3FDB];
	s0 =	simm.s32 @p2 $0x1  }
0x17: {  	s4 =	simm.s32 $0x1BF5;
	[smem:$0x3FAF] =	sst s0  }
0x18: {  	s0 =	sld [smem:$0x3F92];
	_ =	swait.ge [sflag:s4], $0x0  }
0x19: {  	s7 =	sld [smem:$0x3F93]  }
0x1a: {  	s8 =	sadd.s32 $0xFFFFE003, lr  }
0x1b: {  	s9 =	sadd.s32 $0xFFFFFEF7, lr;
	s5 =	simm.s32 $0xFFFFFFFF;
	p2 =	slt.u32 s8, $0xFFFFF086  }
0x1c: {  	p1 =	slt.u32 s9, $0xF7A;
	s5 =	simm.s32 @!p2 $0x0  }
0x1d: {  	s5 =	simm.s32 @p1 $0x1;
	p0 =	seq.s32 s7, s2  }
0x1e: {  	s7 =	smul.u32 @!p0 $0xF7A, s2;
	p2 =	seq.s32 @!p0 s5, $0x0  }
0x1f: {  	s9 =	smul.u32 $0xF7A, s1;
	s8 =	simm.s32 @!p0 $0x1BF5;
	p2 =	por !p2, p0  }
0x20: {  	[sflag:s8] =	ssyncset.s32 @!p0 $0xFFFFF086;
	s6 =	sadd.s32 @!p0 s3, s7;
	s7 =	simm.s32 @!p0 $0x108  }
0x21: {  	s3 =	sadd.s32 s3, s9;
	s6 =	sadd.s32 @!p0 $0x88, s6;
	s7 =	simm.s32 @p2 $0x1082  }
0x22: {  	[simem:s7], [sflag:s8] =	dma.local @!p0 [hbm:s6], $0xF7A  }
0x23: {  	s9 =	sor.u32 $0xD0000000, s2;
	s6 =	simm.s32 $0x108;
	_ =	swait.ge @!p0 [sflag:s8], $0x0  }
0x24: {  	s3 =	sadd.s32 $0x88, s3;
	s6 =	simm.s32 @!p1 $0x1082;
	[sflag:s4] =	ssyncset.s32 $0xFFFFF086  }
0x25: {  	[simem:s6], [sflag:s4] =	dma.local [hbm:s3], $0xF7A  }
0x26: {  	[smem:$0x3F93] =	sst s1;
	(tag) =	ssettag s2;
	_ =	strace s9  }
0x27: {  	s1 =	sld [smem:$0x3FA3]  }
0x28: {  	s2 =	sld [smem:$0x3FA4]  }
0x29: {  	s4 =	sld [smem:$0x3FA6]  }
0x2a: {  	p0 =	seq.s32 s5, $0x0;
	s5 =	sld [smem:$0x3FA7]  }
0x2b: {  	s6 =	sld [smem:$0x3FA8]  }
0x2c: {  	s7 =	sld [smem:$0x3FA9]  }
0x2d: {  	s3 =	simm.s32 $0x108;
	s8 =	sld [smem:$0x3FAA]  }
0x2e: {  	s3 =	simm.s32 @!p0 $0x1082;
	s9 =	sld [smem:$0x3FAB]  }
0x2f: {  	lr =	sadd.s32 s0, s3;
	s0 =	sld [smem:$0x3FA2]  }
0x30: {  	s3 =	sld [smem:$0x3FA5]  }
0x31: {  	[smem:$0x3FAE] =	sst s10  }
0x32: {  	s10 =	sld [smem:$0x3FAC];
	_ =	sdelay $0x3  }
0x33: {  	p0 =	seq.s32 s10, $0x1;
	s10 =	sld [smem:$0x3FAE];
	_ =	sdelay $0x3  }
0x34: {  	[smem:$0x3FAE] =	sst s10  }
0x35: {  	s10 =	sld [smem:$0x3FAD];
	_ =	sdelay $0x3  }
0x36: {  	p1 =	seq.s32 s10, $0x1;
	s10 =	sld [smem:$0x3FAE];
	_ =	sdelay $0x3  }
0x37: {  	[smem:$0x3FAE] =	sst s10  }
0x38: {  	s10 =	sld [smem:$0x3FAF]  }
0x39: {  	_ = 	snop;
	(pc) =	sbr.ind lr, $3  }
0x3a: {  	_ = 	snop  }
0x3b: {  	_ = 	snop  }
0x3c: {  	p2 =	seq.s32 s10, $0x1;
	s10 =	sld [smem:$0x3FAE]  }
0x3d: {  	_ =	shalt  }
0x3e: {  	_ =	shalt  }
0x3f: {  	_ =	shalt  }
0x40: {  	_ =	shalt  }
0x41: {  	_ =	shalt  }
0x42: {  	_ =	shalt  }
0x43: {  	_ =	shalt  }
0x44: {  	_ =	shalt  }
0x45: {  	_ =	shalt  }
0x46: {  	_ =	shalt  }
0x47: {  	_ =	shalt  }
0x48: {  	_ =	shalt  }
0x49: {  	_ =	shalt  }
0x4a: {  	_ =	shalt  }
0x4b: {  	_ =	shalt  }
0x4c: {  	_ =	shalt  }
0x4d: {  	_ =	shalt  }
0x4e: {  	_ =	shalt  }
0x4f: {  	_ =	shalt  }
0x50: {  	_ =	shalt  }
0x51: {  	_ =	shalt  }
0x52: {  	_ =	shalt  }
0x53: {  	_ =	shalt  }
0x54: {  	_ =	shalt  }
0x55: {  	_ =	shalt  }
0x56: {  	_ =	shalt  }
0x57: {  	_ =	shalt  }
0x58: {  	_ =	shalt  }
0x59: {  	_ =	shalt  }
0x5a: {  	_ =	shalt  }
0x5b: {  	_ =	shalt  }
0x5c: {  	_ =	shalt  }
0x5d: {  	_ =	shalt  }
0x5e: {  	_ =	shalt  }
0x5f: {  	_ =	shalt  }
0x60: {  	_ =	shalt  }
0x61: {  	_ =	shalt  }
0x62: {  	_ =	shalt  }
0x63: {  	_ =	shalt  }
0x64: {  	_ =	shalt  }
0x65: {  	_ =	shalt  }
0x66: {  	_ =	shalt  }
0x67: {  	_ =	shalt  }
0x68: {  	_ =	shalt  }
0x69: {  	_ =	shalt  }
0x6a: {  	_ =	shalt  }
0x6b: {  	_ =	shalt  }
0x6c: {  	_ =	shalt  }
0x6d: {  	_ =	shalt  }
0x6e: {  	_ =	shalt  }
0x6f: {  	_ =	shalt  }
0x70: {  	_ =	shalt  }
0x71: {  	_ =	shalt  }
0x72: {  	_ =	shalt  }
0x73: {  	_ =	shalt  }
0x74: {  	_ =	shalt  }
0x75: {  	_ =	shalt  }
0x76: {  	_ =	shalt  }
0x77: {  	_ =	shalt  }
0x78: {  	_ =	shalt  }
0x79: {  	_ =	shalt  }
0x7a: {  	_ =	shalt  }
0x7b: {  	_ =	shalt  }
0x7c: {  	_ =	shalt  }
0x7d: {  	_ =	shalt  }
0x7e: {  	_ =	shalt  }
0x7f: {  	_ =	shalt  }
0x80: {  	_ =	shalt  }
0x81: {  	_ =	shalt  }
0x82: {  	_ =	shalt  }
0x83: {  	_ =	shalt  }
0x84: {  	_ =	shalt  }
0x85: {  	_ =	shalt  }
0x86: {  	_ =	shalt  }
0x87: {  	_ =	shalt  }
.Lfunc_end0:
.L_simem_size_0:
called_computation.3_lowered:
.L_overlay_start_0:
0x88: {  	s2 =	sld [smem:$0x3FD9]  }
0x89: {  	s3 =	sld [smem:$0x3FFE];
	_ =	sdelay $0x1  }
0x8a: {  	s1 =	srdreg.scid  }
0x8b: {  	s0 =	sand.u32 $0x1, s1  }
0x8c: {  	s17 =	sshll.u32 s0, $0xA;
	s2 =	sadd.s32 s3, s2  }
0x8d: {  	s2 =	sadd.s32 s2, s17  }
0x8e: {  	[smem:$0x3FBA] =	sst s2  }
0x8f: {  	_ = 	snop  }
0x90: {  	s2 =	sld [smem:$0x3FD0];
	(tm) =	ssettm $0x1  }
0x91: {  	s18 =	sld [smem:$0x3FFB];
	_ =	sdelay $0x3  }
0x92: {  	_ =	strace s18  }
0x93: {  	s3 =	sld [smem:$0x3FFC];
	_ =	sdelay $0x3  }
0x94: {  	_ =	strace s3  }
0x95: {  	s3 =	sld [smem:$0x3FFD];
	_ =	sdelay $0x3  }
0x96: {  	_ =	strace s3  }
0x97: {  	_ =	strace $0x8FFFFFFF  }
0x98: {  	s19 =	sld [smem:$0x3FDB];
	_ =	sdelay $0x1  }
0x99: {  	s4 =	simm.s32 $_scs_section_size  }
0x9a: {  	s5 =	simm.s32 $_size__tile_overlayer_lowered;
	s6 =	simm.s32 $_tile_overlayer_lowered  }
0x9b: {  	s22 =	simm.s32 $0x1BFF;
	s21 =	sshll.u32 s6, $0x1;
	s3 =	sadd.s32 s4, s19  }
0x9c: {  	s7 =	simm.s32 $0x0;
	s20 =	sshll.u32 s5, $0x1;
	s5 =	sadd.s32 s21, s3  }
0x9d: {  	[timem:s7], [sflag:s22] =	dma.local [hbm:s5], s20  }
0x9e: {  	_ =	swait.ge [sflag:s22], s20  }
0x9f: {  	s4 =	ssub.s32 $0x0, s20;
	[sflag:s22] =	ssyncset.done $0x0  }
0xa0: {  	[sflag:s22] =	ssyncadd.s32 s4;
	_ =	sdelay $0x1  }
0xa1: {  	s23 =	simm.s32 $0x1B8B  }
0xa2: {  	_ =	swait.ge [sflag:s23], $0x1  }
0xa3: {  	[sflag:s23] =	ssyncset.done $0x0  }
0xa4: {  	s25 =	simm.s32 $0x1B8E;
	s24 =	sld [smem:$0x3FFE];
	[sflag:s23] =	ssyncadd.s32 $0xFFFFFFFF  }
0xa5: {  	s26 =	simm.s32 $execute0_lowered;
	[smem:$0x3FD2] =	sst s25  }
0xa6: {  	s5 =	sshll.u32 s26, $0x1;
	_ =	strace $0x8000004F;
	[dreg:$0x1] =	wrdreg $0xFFFFFFFF  }
0xa7: {  	s28 =	simm.s32 $_size_execute0_lowered;
	s3 =	sadd.s32 s3, s5;
	[dreg:$0x0] =	wrdreg $0x0  }
0xa8: {  	s5 =	sshll.u32 s28, $0x1;
	[dreg:$0x2] =	wrdreg s3  }
0xa9: {  	[dreg:$0x3] =	wrdreg s5  }
0xaa: {  	[dreg:$0x4] =	wrdreg $0xC0  }
0xab: {  	_ =	task [dreg:s7], $0x5FFFF  }
0xac: {  	[dreg:$0x1] =	wrdreg $0xFFFFFFFF  }
0xad: {  	[dreg:$0x0] =	wrdreg $0x60  }
0xae: {  	[dreg:$0x2] =	wrdreg s24  }
0xaf: {  	[dreg:$0x3] =	wrdreg s2  }
0xb0: {  	[dreg:$0x4] =	wrdreg $0x9  }
0xb1: {  	_ =	task.clear_ibuf [dreg:s7], $0x5FFFF;
	_ =	strace $0x9000004F  }
0xb2: {  	s29 =	simm.s32 $0x9;
	_ =	strace $0x80000051  }
0xb3: {  	_ =	swait.ge [sflag:s29], $0x1  }
0xb4: {  	[sflag:s29] =	ssyncadd.s32 $0xFFFFFFFF  }
0xb5: {  	_ =	strace $0x90000051  }
0xb6: {  	_ =	sfence  }
0xb7: {  	s30 =	sld [smem:$0x0];
	_ =	sdelay $0x2  }
0xb8: {  	s31 =	sshll.u32 s1, $0xD;
	s1 =	sshrl.u32 s1, $0x2  }
0xb9: {  	s3 =	sand.u32 $0x4000, s31;
	s1 =	sadd.s32 s1, s30  }
0xba: {  	s0 =	sor.u32 s3, s0;
	s1 =	sshll.u32 s1, $0x11  }
0xbb: {  	s0 =	sor.u32 s1, s0  }
0xbc: {  	s0 =	sadd.s32 $0x8F2B, s0  }
0xbd: {  	[sflag:s0] =	ssyncadd.remote.s32 $0x1  }
0xbe: {  	_ =	sfence.sel $0xFFFF  }
0xbf: {  	[dreg:$0x0] =	wrdreg $0xFFFFFFFF;
	(pc) =	sbr.abs _section_cstart, $3  }
0xc0: {  	[dreg:$0x1] =	wrdreg $0xFFFFFFFF  }
0xc1: {  	_ =	task.clear_ibuf [dreg:s7], $0x2FFFF;
	_ =	strace $0x9FFFFFFF  }
0xc2: {  	(tm) =	ssettm $0x7FFFFFFF  }
0xc3: {  	_ =	shalt  }
tec
execute0_lowered:
.L_overlay_start_1:
0x0: {  	(tag) =	ssettag $0x1  }
0x1: {  	s5 =	rddreg [dreg:$0x0]  }
0x2: {  	s8 =	rddreg [dreg:$0x1]  }
0x3: {  	s0 =	rddreg [dreg:$0x2];
	s1 =	simm.s32 $0x0;
	s4 =	srdreg.scid  }
0x4: {  	s2 =	stileid.u32;
	s13 =	simm.s32 $0x5;
	s14 =	simm.s32 $0x1000  }
0x5: {  	s15 =	simm.s32 $0x80;
	s16 =	simm.s32 $0x2000;
	s17 =	simm.s32 $0xA000  }
0x6: {  	s18 =	simm.s32 $0x6000;
	s19 =	simm.s32 $0xE000;
	s20 =	simm.s32 $0x1  }
0x7: {  	s21 =	simm.s32 $0x2;
	s22 =	simm.s32 $0x3;
	s23 =	simm.s32 $0x4  }
0x8: {  	s24 =	simm.s32 $0x0;
	[smem:$0x7FF] =	sst s1;
	s3 =	sadd.s32 $0x2A800, s5  }
0x9: {  	s10 =	sand.u32 $0x1, s4;
	s4 =	sadd.s32 $0x3600, s5;
	s9 =	sshll.u32 s2, $0x9  }
0xa: {  	s31 =	sshll.u32 s2, $0x10;
	_ =	strace $0x80000050;
	s6 =	ssub.s32 $0x2, s10  }
.Ltmp0:
0xb: {  	s7 =	sadd.s32 s9, s5;
	s11 =	sshrl.u32 s6, $0x1;
	(pc) =	sbr.rel .LBB2_1-.Ltmp0, $4  }
0xc: {  	s30 =	sshll.u32 s10, $0x10;
	s12 =	ssub.s32 s6, s11;
	s6 =	sshll.u32 s2, $0xC  }
0xd: {  	s5 =	sadd.s32 $0x7AA00, s5;
	s8 =	sadd.s32 s8, s9;
	s9 =	sor.u32 s6, s30  }
0xe: {  	p0 =	seq.s32 s10, $0x1;
	s7 =	sadd.s32 $0x78A00, s7;
	s11 =	sshll.u32 s9, $0x4  }
0xf: {  	s10 =	sadd.s32 s5, s31;
	s12 =	smax.u32 s12, $0x1;
	s11 =	sadd.s32 s5, s11  }
.LBB2_14:
0x10: {  	s24 =	sadd.s32 $0x1, s24  }
0x11: {  	p1 =	sne.s32 s24, s12  }
.Ltmp1:
0x12: {  	_ = 	snop;
	(pc) =	sbr.rel @!p1 .LBB2_15-.Ltmp1, $1  }
0x13: {  	_ =	sdelay $0x3  }
.LBB2_1:
0x14: {  	[tilespmem:s1], [sflag:$0x5] =	stream.linear.gather [hbm4b:s7+s1], $0x1000, $0x38;
	[tilespmem:$0x12000] =	vst v63  }
0x15: {  	_ =	swait.ge [sflag:s13], $0x1000  }
0x16: {  	[sflag:s13] =	ssyncset.done $0x0  }
.Ltmp2:
0x17: {  	[sflag:s13] =	ssyncadd.s32 $0xFFFFF000;
	(pc) =	sbr.rel @!p0 .LBB2_2-.Ltmp2, $4  }
0x18: {  	[tilespmem:s14], [sflag:$0x5] =	stream.linear.gather [hbm4b:s8+s1], $0x1000, $0x38;
	[tilespmem:$0x12000] =	vst v63  }
0x19: {  	_ =	swait.ge [sflag:s13], $0x1000  }
0x1a: {  	[sflag:s13] =	ssyncset.done $0x0  }
0x1b: {  	s25 =	simm.s32 $0x0;
	[sflag:s13] =	ssyncadd.s32 $0xFFFFF000  }
0x1c: {  	[tilespmem:s16], [sflag:$0x1] =	stream.indirect.gather [hbm4b:s4+s15], $0x80, s25, s15, $0xb8;
	[tilespmem:$0x12000] =	vst v63  }
0x1d: {  	_ = 	snop  }
0x1e: {  	[tilespmem:s17], [sflag:$0x2] =	stream.indirect.gather [hbm4b:s4+s15], $0x80, s14, s15, $0xb8;
	[tilespmem:$0x12000] =	vst v63  }
.LBB2_9:
0x1f: {  	s28 =	sshll.u32 s25, $0x8  }
0x20: {  	s26 =	sor.u32 $0x80, s28  }
0x21: {  	[tilespmem:s18], [sflag:$0x3] =	stream.indirect.gather [hbm4b:s4+s15], $0x80, s26, s15, $0xb8;
	[tilespmem:$0x12000] =	vst v63  }
0x22: {  	s29 =	sadd.s32 $0x1080, s28  }
0x23: {  	[tilespmem:s19], [sflag:$0x4] =	stream.indirect.gather [hbm4b:s4+s15], $0x80, s29, s15, $0xb8;
	[tilespmem:$0x12000] =	vst v63  }
0x24: {  	_ =	swait.ge [sflag:s20], $0x4000  }
0x25: {  	[sflag:s20] =	ssyncset.done $0x0  }
0x26: {  	[sflag:s20] =	ssyncadd.s32 $0xFFFFC000  }
0x27: {  	_ =	swait.ge [sflag:s21], $0x4000  }
0x28: {  	[sflag:s21] =	ssyncset.done $0x0  }
0x29: {  	s29 =	simm.s32 $0x0;
	[sflag:s21] =	ssyncadd.s32 $0xFFFFC000  }
0x2a: {  	v7 =	vld [tilespmem:s29+$0xA000]  }
0x2b: {  	v11 =	vld [tilespmem:s29+$0xA010]  }
0x2c: {  	v5 =	vld [tilespmem:s29+$0xA020]  }
0x2d: {  	v4 =	vld [tilespmem:s29+$0xA030]  }
0x2e: {  	v3 =	vld [tilespmem:s29+$0xA040]  }
0x2f: {  	v2 =	vld [tilespmem:s29+$0xA050]  }
0x30: {  	v1 =	vld [tilespmem:s29+$0xA060]  }
0x31: {  	v0 =	vld [tilespmem:s29+$0xA070]  }
0x32: {  	v12 =	vld [tilespmem:s29+$0x2000]  }
0x33: {  	v13 =	vld [tilespmem:s29+$0x2010]  }
0x34: {  	v10 =	vld [tilespmem:s29+$0x2020]  }
0x35: {  	v9 =	vld [tilespmem:s29+$0x2030]  }
0x36: {  	v8 =	vld [tilespmem:s29+$0x2040]  }
0x37: {  	v6 =	vld [tilespmem:s29+$0x2050];
	v12 =	vmul.f32 v7, v12  }
0x38: {  	s30 =	simm.s32 $0x200;
	v11 =	vmul.f32 v11, v13;
	v7 =	vld [tilespmem:s29+$0x2060]  }
.LBB2_10:
0x39: {  	s31 =	sshra.s32 s30, $0x2;
	p1 =	sne.s32 s30, $0xFE00;
	[tilespmem:s29+$0x2000] =	vst v12;
	v5 =	vmul.f32 v5, v10;
	v10 =	vld [tilespmem:s29+$0x2070]  }
0x3a: {  	v12 =	vld [tilespmem:s31+$0xA000];
	[tilespmem:s29+$0x2010] =	vst v11;
	v4 =	vmul.f32 v4, v9  }
0x3b: {  	v11 =	vld [tilespmem:s31+$0xA010];
	[tilespmem:s29+$0x2020] =	vst v5;
	v3 =	vmul.f32 v3, v8  }
0x3c: {  	v5 =	vld [tilespmem:s31+$0xA020];
	[tilespmem:s29+$0x2030] =	vst v4;
	v2 =	vmul.f32 v2, v6  }
0x3d: {  	v4 =	vld [tilespmem:s31+$0xA030];
	[tilespmem:s29+$0x2040] =	vst v3;
	v1 =	vmul.f32 v1, v7  }
0x3e: {  	v3 =	vld [tilespmem:s31+$0xA040];
	[tilespmem:s29+$0x2050] =	vst v2;
	v0 =	vmul.f32 v0, v10  }
0x3f: {  	v2 =	vld [tilespmem:s31+$0xA050];
	[tilespmem:s29+$0x2060] =	vst v1  }
0x40: {  	v1 =	vld [tilespmem:s31+$0xA060];
	[tilespmem:s29+$0x2070] =	vst v0;
	s29 =	smov.u32 s31  }
0x41: {  	v0 =	vld [tilespmem:s29+$0xA070]  }
0x42: {  	v6 =	vld [tilespmem:s29+$0x2000]  }
0x43: {  	v7 =	vld [tilespmem:s29+$0x2010]  }
.Ltmp3:
0x44: {  	v10 =	vld [tilespmem:s29+$0x2020];
	(pc) =	sbr.rel @p1 .LBB2_10-.Ltmp3, $4  }
0x45: {  	v9 =	vld [tilespmem:s29+$0x2030]  }
0x46: {  	v8 =	vld [tilespmem:s29+$0x2040]  }
0x47: {  	v12 =	vmul.f32 v12, v6;
	v6 =	vld [tilespmem:s29+$0x2050]  }
0x48: {  	s30 =	sadd.s32 $0x200, s30;
	v11 =	vmul.f32 v11, v7;
	v7 =	vld [tilespmem:s29+$0x2060]  }
0x49: {  	[tilespmem:s29+$0x2000] =	vst v12;
	v5 =	vmul.f32 v5, v10;
	v10 =	vld [tilespmem:s29+$0x2070]  }
0x4a: {  	[tilespmem:s29+$0x2010] =	vst v11;
	v4 =	vmul.f32 v4, v9  }
0x4b: {  	[tilespmem:s29+$0x2020] =	vst v5;
	v3 =	vmul.f32 v3, v8  }
0x4c: {  	[tilespmem:s29+$0x2030] =	vst v4;
	v2 =	vmul.f32 v2, v6  }
0x4d: {  	[tilespmem:s29+$0x2040] =	vst v3;
	v1 =	vmul.f32 v1, v7  }
0x4e: {  	[tilespmem:s29+$0x2050] =	vst v2;
	v0 =	vmul.f32 v0, v10  }
0x4f: {  	s30 =	sshll.u32 s25, $0xC;
	[tilespmem:s29+$0x2060] =	vst v1  }
0x50: {  	[tilespmem:s29+$0x2070] =	vst v0;
	s29 =	sadd.s32 s30, s11  }
0x51: {  	[hbm4b:s29+s1] =	stream.linear.scatter [tilespmem:s16], [sflag:$0x5], $0x4000, $0x38;
	[tilespmem:$0x12000] =	vst v63  }
0x52: {  	p1 =	seq.s32 s25, $0xF;
	_ =	swait.ge [sflag:s13], $0x4000  }
0x53: {  	s31 =	simm.s32 @!p1 $0x2000;
	[sflag:s13] =	ssyncset.done $0x0  }
0x54: {  	s30 =	simm.s32 @!p1 $0x80;
	s29 =	sadd.s32 @!p1 $0x100, s28;
	[sflag:s13] =	ssyncadd.s32 $0xFFFFC000  }
0x55: {  	[tilespmem:s31], [sflag:$0x1] =	stream.indirect.gather @!p1 [hbm4b:s4+s30], $0x80, s29, s30, $0xb8;
	[tilespmem:$0x12000] =	vst v63  }
0x56: {  	s28 =	sadd.s32 @!p1 $0x1100, s28;
	s29 =	simm.s32 @!p1 $0xA000  }
0x57: {  	[tilespmem:s29], [sflag:$0x2] =	stream.indirect.gather @!p1 [hbm4b:s4+s30], $0x80, s28, s30, $0xb8;
	[tilespmem:$0x12000] =	vst v63  }
0x58: {  	_ =	swait.ge [sflag:s22], $0x4000  }
0x59: {  	[sflag:s22] =	ssyncset.done $0x0  }
0x5a: {  	[sflag:s22] =	ssyncadd.s32 $0xFFFFC000  }
0x5b: {  	_ =	swait.ge [sflag:s23], $0x4000  }
0x5c: {  	[sflag:s23] =	ssyncset.done $0x0  }
0x5d: {  	s28 =	simm.s32 $0x0;
	[sflag:s23] =	ssyncadd.s32 $0xFFFFC000  }
0x5e: {  	v7 =	vld [tilespmem:s28+$0xE000]  }
0x5f: {  	v11 =	vld [tilespmem:s28+$0xE010]  }
0x60: {  	v5 =	vld [tilespmem:s28+$0xE020]  }
0x61: {  	v4 =	vld [tilespmem:s28+$0xE030]  }
0x62: {  	v3 =	vld [tilespmem:s28+$0xE040]  }
0x63: {  	v2 =	vld [tilespmem:s28+$0xE050]  }
0x64: {  	v1 =	vld [tilespmem:s28+$0xE060]  }
0x65: {  	v0 =	vld [tilespmem:s28+$0xE070]  }
0x66: {  	v12 =	vld [tilespmem:s28+$0x6000]  }
0x67: {  	v13 =	vld [tilespmem:s28+$0x6010]  }
0x68: {  	v10 =	vld [tilespmem:s28+$0x6020]  }
0x69: {  	v9 =	vld [tilespmem:s28+$0x6030]  }
0x6a: {  	v8 =	vld [tilespmem:s28+$0x6040]  }
0x6b: {  	v6 =	vld [tilespmem:s28+$0x6050];
	v12 =	vmul.f32 v7, v12  }
0x6c: {  	s29 =	simm.s32 $0x200;
	v11 =	vmul.f32 v11, v13;
	v7 =	vld [tilespmem:s28+$0x6060]  }
.LBB2_12:
0x6d: {  	s30 =	sshra.s32 s29, $0x2;
	p1 =	sne.s32 s29, $0xFE00;
	[tilespmem:s28+$0x6000] =	vst v12;
	v5 =	vmul.f32 v5, v10;
	v10 =	vld [tilespmem:s28+$0x6070]  }
0x6e: {  	v12 =	vld [tilespmem:s30+$0xE000];
	[tilespmem:s28+$0x6010] =	vst v11;
	v4 =	vmul.f32 v4, v9  }
0x6f: {  	v11 =	vld [tilespmem:s30+$0xE010];
	[tilespmem:s28+$0x6020] =	vst v5;
	v3 =	vmul.f32 v3, v8  }
0x70: {  	v5 =	vld [tilespmem:s30+$0xE020];
	[tilespmem:s28+$0x6030] =	vst v4;
	v2 =	vmul.f32 v2, v6  }
0x71: {  	v4 =	vld [tilespmem:s30+$0xE030];
	[tilespmem:s28+$0x6040] =	vst v3;
	v1 =	vmul.f32 v1, v7  }
0x72: {  	v3 =	vld [tilespmem:s30+$0xE040];
	[tilespmem:s28+$0x6050] =	vst v2;
	v0 =	vmul.f32 v0, v10  }
0x73: {  	v2 =	vld [tilespmem:s30+$0xE050];
	[tilespmem:s28+$0x6060] =	vst v1  }
0x74: {  	v1 =	vld [tilespmem:s30+$0xE060];
	[tilespmem:s28+$0x6070] =	vst v0;
	s28 =	smov.u32 s30  }
0x75: {  	v0 =	vld [tilespmem:s28+$0xE070]  }
0x76: {  	v6 =	vld [tilespmem:s28+$0x6000]  }
0x77: {  	v7 =	vld [tilespmem:s28+$0x6010]  }
.Ltmp4:
0x78: {  	v10 =	vld [tilespmem:s28+$0x6020];
	(pc) =	sbr.rel @p1 .LBB2_12-.Ltmp4, $4  }
0x79: {  	v9 =	vld [tilespmem:s28+$0x6030]  }
0x7a: {  	v8 =	vld [tilespmem:s28+$0x6040]  }
0x7b: {  	v12 =	vmul.f32 v12, v6;
	v6 =	vld [tilespmem:s28+$0x6050]  }
0x7c: {  	s29 =	sadd.s32 $0x200, s29;
	v11 =	vmul.f32 v11, v7;
	v7 =	vld [tilespmem:s28+$0x6060]  }
0x7d: {  	[tilespmem:s28+$0x6000] =	vst v12;
	v5 =	vmul.f32 v5, v10;
	v63 =	vld [tilespmem:s28+$0x6070]  }
0x7e: {  	[tilespmem:s28+$0x6010] =	vst v11;
	v4 =	vmul.f32 v4, v9  }
0x7f: {  	[tilespmem:s28+$0x6020] =	vst v5;
	v3 =	vmul.f32 v3, v8  }
0x80: {  	[tilespmem:s28+$0x6030] =	vst v4;
	v2 =	vmul.f32 v2, v6  }
0x81: {  	[tilespmem:s28+$0x6040] =	vst v3;
	v1 =	vmul.f32 v1, v7  }
0x82: {  	s26 =	sadd.s32 s9, s26;
	[tilespmem:s28+$0x6050] =	vst v2;
	v0 =	vmul.f32 v0, v63  }
0x83: {  	s25 =	sadd.s32 $0x1, s25;
	s26 =	sshll.u32 s26, $0x4;
	[tilespmem:s28+$0x6060] =	vst v1  }
0x84: {  	p1 =	sne.s32 s25, $0x10;
	s26 =	sadd.s32 s5, s26;
	[tilespmem:s28+$0x6070] =	vst v0  }
0x85: {  	[hbm4b:s26+s1] =	stream.linear.scatter [tilespmem:s18], [sflag:$0x5], $0x4000, $0x38;
	[tilespmem:$0x12000] =	vst v63  }
.Ltmp5:
0x86: {  	_ = 	snop;
	(pc) =	sbr.rel @p1 .LBB2_9-.Ltmp5, $4  }
.Ltmp6:
0x87: {  	_ = 	snop;
	(pc) =	sbr.rel @!p1 .LBB2_14-.Ltmp6, $4  }
0x88: {  	_ =	swait.ge [sflag:s13], $0x4000  }
0x89: {  	[sflag:s13] =	ssyncset.done $0x0  }
0x8a: {  	[sflag:s13] =	ssyncadd.s32 $0xFFFFC000  }
0x8b: {  	_ = 	snop  }
.LBB2_2:
0x8c: {  	[tilespmem:s16], [sflag:$0x1] =	stream.indirect.gather [hbm4b:s3+s15], $0x80, s25, s15, $0xb8;
	[tilespmem:$0x12000] =	vst v63  }
0x8d: {  	_ = 	snop  }
0x8e: {  	[tilespmem:s17], [sflag:$0x2] =	stream.indirect.gather [hbm4b:s3+s15], $0x80, s14, s15, $0xb8;
	[tilespmem:$0x12000] =	vst v63  }
.LBB2_3:
0x8f: {  	s28 =	sshll.u32 s25, $0x8  }
0x90: {  	s26 =	sor.u32 $0x80, s28  }
0x91: {  	[tilespmem:s18], [sflag:$0x3] =	stream.indirect.gather [hbm4b:s3+s15], $0x80, s26, s15, $0xb8;
	[tilespmem:$0x12000] =	vst v63  }
0x92: {  	s29 =	sadd.s32 $0x1080, s28  }
0x93: {  	[tilespmem:s19], [sflag:$0x4] =	stream.indirect.gather [hbm4b:s3+s15], $0x80, s29, s15, $0xb8;
	[tilespmem:$0x12000] =	vst v63  }
0x94: {  	_ =	swait.ge [sflag:s20], $0x4000  }
0x95: {  	[sflag:s20] =	ssyncset.done $0x0  }
0x96: {  	[sflag:s20] =	ssyncadd.s32 $0xFFFFC000  }
0x97: {  	_ =	swait.ge [sflag:s21], $0x4000  }
0x98: {  	[sflag:s21] =	ssyncset.done $0x0  }
0x99: {  	s29 =	simm.s32 $0x0;
	[sflag:s21] =	ssyncadd.s32 $0xFFFFC000  }
0x9a: {  	v7 =	vld [tilespmem:s29+$0xA000]  }
0x9b: {  	v11 =	vld [tilespmem:s29+$0xA010]  }
0x9c: {  	v5 =	vld [tilespmem:s29+$0xA020]  }
0x9d: {  	v4 =	vld [tilespmem:s29+$0xA030]  }
0x9e: {  	v3 =	vld [tilespmem:s29+$0xA040]  }
0x9f: {  	v2 =	vld [tilespmem:s29+$0xA050]  }
0xa0: {  	v1 =	vld [tilespmem:s29+$0xA060]  }
0xa1: {  	v0 =	vld [tilespmem:s29+$0xA070]  }
0xa2: {  	v12 =	vld [tilespmem:s29+$0x2000]  }
0xa3: {  	v13 =	vld [tilespmem:s29+$0x2010]  }
0xa4: {  	v10 =	vld [tilespmem:s29+$0x2020]  }
0xa5: {  	v9 =	vld [tilespmem:s29+$0x2030]  }
0xa6: {  	v8 =	vld [tilespmem:s29+$0x2040]  }
0xa7: {  	v6 =	vld [tilespmem:s29+$0x2050];
	v12 =	vmul.f32 v7, v12  }
0xa8: {  	s30 =	simm.s32 $0x200;
	v11 =	vmul.f32 v11, v13;
	v7 =	vld [tilespmem:s29+$0x2060]  }
.LBB2_4:
0xa9: {  	s31 =	sshra.s32 s30, $0x2;
	p1 =	sne.s32 s30, $0xFE00;
	[tilespmem:s29+$0x2000] =	vst v12;
	v5 =	vmul.f32 v5, v10;
	v10 =	vld [tilespmem:s29+$0x2070]  }
0xaa: {  	v12 =	vld [tilespmem:s31+$0xA000];
	[tilespmem:s29+$0x2010] =	vst v11;
	v4 =	vmul.f32 v4, v9  }
0xab: {  	v11 =	vld [tilespmem:s31+$0xA010];
	[tilespmem:s29+$0x2020] =	vst v5;
	v3 =	vmul.f32 v3, v8  }
0xac: {  	v5 =	vld [tilespmem:s31+$0xA020];
	[tilespmem:s29+$0x2030] =	vst v4;
	v2 =	vmul.f32 v2, v6  }
0xad: {  	v4 =	vld [tilespmem:s31+$0xA030];
	[tilespmem:s29+$0x2040] =	vst v3;
	v1 =	vmul.f32 v1, v7  }
0xae: {  	v3 =	vld [tilespmem:s31+$0xA040];
	[tilespmem:s29+$0x2050] =	vst v2;
	v0 =	vmul.f32 v0, v10  }
0xaf: {  	v2 =	vld [tilespmem:s31+$0xA050];
	[tilespmem:s29+$0x2060] =	vst v1  }
0xb0: {  	v1 =	vld [tilespmem:s31+$0xA060];
	[tilespmem:s29+$0x2070] =	vst v0;
	s29 =	smov.u32 s31  }
0xb1: {  	v0 =	vld [tilespmem:s29+$0xA070]  }
0xb2: {  	v6 =	vld [tilespmem:s29+$0x2000]  }
0xb3: {  	v7 =	vld [tilespmem:s29+$0x2010]  }
.Ltmp7:
0xb4: {  	v10 =	vld [tilespmem:s29+$0x2020];
	(pc) =	sbr.rel @p1 .LBB2_4-.Ltmp7, $4  }
0xb5: {  	v9 =	vld [tilespmem:s29+$0x2030]  }
0xb6: {  	v8 =	vld [tilespmem:s29+$0x2040]  }
0xb7: {  	v12 =	vmul.f32 v12, v6;
	v6 =	vld [tilespmem:s29+$0x2050]  }
0xb8: {  	s30 =	sadd.s32 $0x200, s30;
	v11 =	vmul.f32 v11, v7;
	v7 =	vld [tilespmem:s29+$0x2060]  }
0xb9: {  	[tilespmem:s29+$0x2000] =	vst v12;
	v5 =	vmul.f32 v5, v10;
	v10 =	vld [tilespmem:s29+$0x2070]  }
0xba: {  	[tilespmem:s29+$0x2010] =	vst v11;
	v4 =	vmul.f32 v4, v9  }
0xbb: {  	[tilespmem:s29+$0x2020] =	vst v5;
	v3 =	vmul.f32 v3, v8  }
0xbc: {  	[tilespmem:s29+$0x2030] =	vst v4;
	v2 =	vmul.f32 v2, v6  }
0xbd: {  	[tilespmem:s29+$0x2040] =	vst v3;
	v1 =	vmul.f32 v1, v7  }
0xbe: {  	[tilespmem:s29+$0x2050] =	vst v2;
	v0 =	vmul.f32 v0, v10  }
0xbf: {  	s30 =	sshll.u32 s25, $0xC;
	[tilespmem:s29+$0x2060] =	vst v1  }
0xc0: {  	[tilespmem:s29+$0x2070] =	vst v0;
	s29 =	sadd.s32 s30, s10  }
0xc1: {  	[hbm4b:s29+s1] =	stream.linear.scatter [tilespmem:s16], [sflag:$0x5], $0x4000, $0x38;
	[tilespmem:$0x12000] =	vst v63  }
0xc2: {  	p1 =	seq.s32 s25, $0xF;
	_ =	swait.ge [sflag:s13], $0x4000  }
0xc3: {  	s31 =	simm.s32 @!p1 $0x2000;
	[sflag:s13] =	ssyncset.done $0x0  }
0xc4: {  	s30 =	simm.s32 @!p1 $0x80;
	s29 =	sadd.s32 @!p1 $0x100, s28;
	[sflag:s13] =	ssyncadd.s32 $0xFFFFC000  }
0xc5: {  	[tilespmem:s31], [sflag:$0x1] =	stream.indirect.gather @!p1 [hbm4b:s3+s30], $0x80, s29, s30, $0xb8;
	[tilespmem:$0x12000] =	vst v63  }
0xc6: {  	s28 =	sadd.s32 @!p1 $0x1100, s28;
	s29 =	simm.s32 @!p1 $0xA000  }
0xc7: {  	[tilespmem:s29], [sflag:$0x2] =	stream.indirect.gather @!p1 [hbm4b:s3+s30], $0x80, s28, s30, $0xb8;
	[tilespmem:$0x12000] =	vst v63  }
0xc8: {  	_ =	swait.ge [sflag:s22], $0x4000  }
0xc9: {  	[sflag:s22] =	ssyncset.done $0x0  }
0xca: {  	[sflag:s22] =	ssyncadd.s32 $0xFFFFC000  }
0xcb: {  	_ =	swait.ge [sflag:s23], $0x4000  }
0xcc: {  	[sflag:s23] =	ssyncset.done $0x0  }
0xcd: {  	s28 =	simm.s32 $0x0;
	[sflag:s23] =	ssyncadd.s32 $0xFFFFC000  }
0xce: {  	v7 =	vld [tilespmem:s28+$0xE000]  }
0xcf: {  	v11 =	vld [tilespmem:s28+$0xE010]  }
0xd0: {  	v5 =	vld [tilespmem:s28+$0xE020]  }
0xd1: {  	v4 =	vld [tilespmem:s28+$0xE030]  }
0xd2: {  	v3 =	vld [tilespmem:s28+$0xE040]  }
0xd3: {  	v2 =	vld [tilespmem:s28+$0xE050]  }
0xd4: {  	v1 =	vld [tilespmem:s28+$0xE060]  }
0xd5: {  	v0 =	vld [tilespmem:s28+$0xE070]  }
0xd6: {  	v12 =	vld [tilespmem:s28+$0x6000]  }
0xd7: {  	v13 =	vld [tilespmem:s28+$0x6010]  }
0xd8: {  	v10 =	vld [tilespmem:s28+$0x6020]  }
0xd9: {  	v9 =	vld [tilespmem:s28+$0x6030]  }
0xda: {  	v8 =	vld [tilespmem:s28+$0x6040]  }
0xdb: {  	v6 =	vld [tilespmem:s28+$0x6050];
	v12 =	vmul.f32 v7, v12  }
0xdc: {  	s29 =	simm.s32 $0x200;
	v11 =	vmul.f32 v11, v13;
	v7 =	vld [tilespmem:s28+$0x6060]  }
.LBB2_6:
0xdd: {  	s30 =	sshra.s32 s29, $0x2;
	p1 =	sne.s32 s29, $0xFE00;
	[tilespmem:s28+$0x6000] =	vst v12;
	v5 =	vmul.f32 v5, v10;
	v10 =	vld [tilespmem:s28+$0x6070]  }
0xde: {  	v12 =	vld [tilespmem:s30+$0xE000];
	[tilespmem:s28+$0x6010] =	vst v11;
	v4 =	vmul.f32 v4, v9  }
0xdf: {  	v11 =	vld [tilespmem:s30+$0xE010];
	[tilespmem:s28+$0x6020] =	vst v5;
	v3 =	vmul.f32 v3, v8  }
0xe0: {  	v5 =	vld [tilespmem:s30+$0xE020];
	[tilespmem:s28+$0x6030] =	vst v4;
	v2 =	vmul.f32 v2, v6  }
0xe1: {  	v4 =	vld [tilespmem:s30+$0xE030];
	[tilespmem:s28+$0x6040] =	vst v3;
	v1 =	vmul.f32 v1, v7  }
0xe2: {  	v3 =	vld [tilespmem:s30+$0xE040];
	[tilespmem:s28+$0x6050] =	vst v2;
	v0 =	vmul.f32 v0, v10  }
0xe3: {  	v2 =	vld [tilespmem:s30+$0xE050];
	[tilespmem:s28+$0x6060] =	vst v1  }
0xe4: {  	v1 =	vld [tilespmem:s30+$0xE060];
	[tilespmem:s28+$0x6070] =	vst v0;
	s28 =	smov.u32 s30  }
0xe5: {  	v0 =	vld [tilespmem:s28+$0xE070]  }
0xe6: {  	v6 =	vld [tilespmem:s28+$0x6000]  }
0xe7: {  	v7 =	vld [tilespmem:s28+$0x6010]  }
.Ltmp8:
0xe8: {  	v10 =	vld [tilespmem:s28+$0x6020];
	(pc) =	sbr.rel @p1 .LBB2_6-.Ltmp8, $4  }
0xe9: {  	v9 =	vld [tilespmem:s28+$0x6030]  }
0xea: {  	v8 =	vld [tilespmem:s28+$0x6040]  }
0xeb: {  	v12 =	vmul.f32 v12, v6;
	v6 =	vld [tilespmem:s28+$0x6050]  }
0xec: {  	s29 =	sadd.s32 $0x200, s29;
	v11 =	vmul.f32 v11, v7;
	v7 =	vld [tilespmem:s28+$0x6060]  }
0xed: {  	[tilespmem:s28+$0x6000] =	vst v12;
	v5 =	vmul.f32 v5, v10;
	v63 =	vld [tilespmem:s28+$0x6070]  }
0xee: {  	[tilespmem:s28+$0x6010] =	vst v11;
	v4 =	vmul.f32 v4, v9  }
0xef: {  	[tilespmem:s28+$0x6020] =	vst v5;
	v3 =	vmul.f32 v3, v8  }
0xf0: {  	[tilespmem:s28+$0x6030] =	vst v4;
	v2 =	vmul.f32 v2, v6  }
0xf1: {  	[tilespmem:s28+$0x6040] =	vst v3;
	v1 =	vmul.f32 v1, v7  }
0xf2: {  	s26 =	sadd.s32 s6, s26;
	[tilespmem:s28+$0x6050] =	vst v2;
	v0 =	vmul.f32 v0, v63  }
0xf3: {  	s25 =	sadd.s32 $0x1, s25;
	s26 =	sshll.u32 s26, $0x4;
	[tilespmem:s28+$0x6060] =	vst v1  }
0xf4: {  	p1 =	seq.s32 s25, $0x10;
	s26 =	sadd.s32 s5, s26;
	[tilespmem:s28+$0x6070] =	vst v0  }
0xf5: {  	[hbm4b:s26+s1] =	stream.linear.scatter [tilespmem:s18], [sflag:$0x5], $0x4000, $0x38;
	[tilespmem:$0x12000] =	vst v63  }
.Ltmp9:
0xf6: {  	_ = 	snop;
	(pc) =	sbr.rel @!p1 .LBB2_3-.Ltmp9, $4  }
.Ltmp10:
0xf7: {  	_ = 	snop;
	(pc) =	sbr.rel @p1 .LBB2_14-.Ltmp10, $4  }
0xf8: {  	_ =	swait.ge [sflag:s13], $0x4000  }
0xf9: {  	[sflag:s13] =	ssyncset.done $0x0  }
0xfa: {  	[sflag:s13] =	ssyncadd.s32 $0xFFFFC000  }
0xfb: {  	_ = 	snop  }
.LBB2_15:
0xfc: {  	_ =	sfence.sel $0x180000  }
0xfd: {  	[bflag:$0x0] =	sbarrier.arrive $0xFFFF  }
0xfe: {  	p0 =	sne.s32 s2, $0x0;
	_ =	strace $0x90000050  }
0xff: {  	s0 =	sadd.s32 @!p0 $0x100000, s0;
	[bflag:$0x2] =	sbarrier.arrive $0xFFFF  }
0x100: {  	[sflag:s0] =	ssyncadd.tile.s32 @!p0 $0x1;
	_ =	shalt  }
.Lfunc_end2:
_tile_overlayer_lowered:
.L_overlay_start_2:
0x101: {  	(tag) =	ssettag $0x2  }
0x102: {  	s0 =	rddreg [dreg:$0x0];
	s2 =	stileid.u32  }
0x103: {  	s1 =	rddreg [dreg:$0x1];
	p0 =	sne.s32 s2, $0x0  }
0x104: {  	s3 =	rddreg [dreg:$0x2];
	[bflag:$0x3] =	sbarrier.arrive $0xFFFF;
	s2 =	simm.s32 @!p0 $0x1C05  }
0x105: {  	[timem:s3], [sflag:s2] =	dma.local @!p0 [hbm:s0], s1  }
0x106: {  	s0 =	simm.s32 @!p0 $0x5  }
0x107: {  	_ =	swait.ge @!p0 [sflag:s0], s1  }
0x108: {  	s1 =	ssub.s32 @!p0 $0x0, s1;
	[sflag:s0] =	ssyncset.done @!p0 $0x0  }
0x109: {  	[sflag:s0] =	ssyncadd.s32 @!p0 s1  }
0x10a: {  	[bflag:$0x3] =	sbarrier.arrive $0xFFFF  }
0x10b: {  	_ =	shalt  }

</sc_bundles>
